<compile_context>
chip_gen: v7x
topology: tpu7x:2x2x1
jax: 0.10.2.dev20260603
libtpu: 0.0.44.dev20260713+nightly
codegen_flags: <defaults>
</compile_context>

<pallas_src>
import functools

import jax
import jax.numpy as jnp
from jax import lax
from jax.experimental import pallas as pl
from jax.experimental.pallas import tpu as pltpu
from jax.experimental.pallas import tpu_sc as plsc

N = 100000
E = 1600000
D = 4
BIG = 32
HID = 2
G = 128

NPAD = 102400
EPAD = 1638400
W = 128
TILE_E = 1024
TILE_N = 1024
NSUB = 16
STRIPE = NPAD // NSUB

_SC_MESH = functools.partial(
    plsc.VectorSubcoreMesh, core_axis_name="c", subcore_axis_name="s")


def _stats_body(x_ref, o_ref):
    @pl.when(pl.program_id(0) == 0)
    def _():
        o_ref[...] = jnp.zeros_like(o_ref)

    xb = x_ref[...]
    o_ref[:, 0:1] += jnp.sum(xb, axis=1, keepdims=True)
    o_ref[:, 1:2] += jnp.sum(xb * xb, axis=1, keepdims=True)


def _stats(xT):
    return pl.pallas_call(
        _stats_body,
        grid=(NPAD // TILE_N,),
        in_specs=[pl.BlockSpec((D, TILE_N), lambda i: (0, i))],
        out_specs=pl.BlockSpec((D, 2), lambda i: (0, 0)),
        out_shape=jax.ShapeDtypeStruct((D, 2), jnp.float32),
    )(xT)


def _sc_gather(tables, dstw, srcw, kw):
    nt = len(tables)

    @functools.partial(
        pl.kernel,
        out_type=jax.ShapeDtypeStruct((2 * nt, EPAD), jnp.float32),
        mesh=_SC_MESH(),
        scratch_types=[pltpu.VMEM_SHARED((NPAD,), jnp.float32)
                       for _ in range(nt)]
        + [pltpu.VMEM((STRIPE,), jnp.float32)],
    )
    def k(*refs):
        t_hbm = refs[:nt]
        di_hbm = refs[nt]
        si_hbm = refs[nt + 1]
        o_hbm = refs[nt + 2]
        stab = refs[nt + 3:2 * nt + 3]
        vbuf = refs[-1]

        sid = lax.axis_index("s")
        sl = pl.ds(sid * STRIPE, STRIPE)
        for c in range(nt):
            pltpu.sync_copy(t_hbm[c].at[sl], vbuf)
            pltpu.sync_copy(vbuf, stab[c].at[sl])
        plsc.subcore_barrier()

        def body(*bufs):
            di = bufs[:kw]
            si = bufs[kw:2 * kw]
            ov = bufs[2 * kw:]
            for j in range(kw):
                for c in range(nt):
                    pltpu.sync_copy(stab[c].at[di[j].at[0]], ov[j].at[c])
                    pltpu.sync_copy(stab[c].at[si[j].at[0]], ov[j].at[nt + c])

        idx_spec = lambda j: pl.BlockSpec(
            (1, W), lambda i, j=j: (i * kw + j, 0))
        out_spec = lambda j: pl.BlockSpec(
            (2 * nt, W), lambda i, j=j: (0, i * kw + j))
        pltpu.emit_pipeline(
            body,
            grid=(EPAD // (kw * W),),
            in_specs=[idx_spec(j) for j in range(kw)] * 2,
            out_specs=[out_spec(j) for j in range(kw)],
            core_axis_name=("c", "s"),
            dimension_semantics=(pltpu.PARALLEL,),
        )(*([di_hbm] * kw), *([si_hbm] * kw), *([o_hbm] * kw))

    return k(*tables, dstw, srcw)


def _sc_scatter(m, dstw, npl, kw):

    @functools.partial(
        pl.kernel,
        out_type=jax.ShapeDtypeStruct((2 * npl * NPAD,), jnp.float32),
        mesh=_SC_MESH(),
        scratch_types=[pltpu.VMEM_SHARED((NPAD,), jnp.float32)
                       for _ in range(npl)]
        + [pltpu.VMEM((STRIPE,), jnp.float32)],
    )
    def k(m_hbm, di_hbm, o_hbm, *scr):
        acc = scr[:npl]
        vbuf = scr[-1]
        cid = lax.axis_index("c")
        sid = lax.axis_index("s")
        sl = pl.ds(sid * STRIPE, STRIPE)

        @pl.loop(0, STRIPE, step=16)
        def _(i):
            vbuf[pl.ds(i, 16)] = jnp.zeros((16,), jnp.float32)

        for c in range(npl):
            pltpu.sync_copy(vbuf, acc[c].at[sl])
        plsc.subcore_barrier()

        def body(*bufs):
            mv = bufs[:kw]
            di = bufs[kw:]
            for j in range(kw):
                for c in range(npl):
                    pltpu.sync_copy(mv[j].at[c], acc[c].at[di[j].at[0]],
                                    add=True)

        m_spec = lambda j: pl.BlockSpec(
            (npl, W), lambda i, j=j: (0, i * kw + j))
        idx_spec = lambda j: pl.BlockSpec(
            (1, W), lambda i, j=j: (i * kw + j, 0))
        pltpu.emit_pipeline(
            body,
            grid=(EPAD // (kw * W),),
            in_specs=[m_spec(j) for j in range(kw)]
            + [idx_spec(j) for j in range(kw)],
            out_specs=[],
            core_axis_name=("c", "s"),
            dimension_semantics=(pltpu.PARALLEL,),
        )(*([m_hbm] * kw), *([di_hbm] * kw))
        plsc.subcore_barrier()
        for c in range(npl):
            pltpu.sync_copy(acc[c].at[sl], vbuf)
            pltpu.sync_copy(
                vbuf,
                o_hbm.at[pl.ds((cid * npl + c) * NPAD + sid * STRIPE,
                               STRIPE)])

    return k(m, dstw).reshape(2, npl, NPAD)


def _mlp_body(ni, final_relu, x_ref, waT_ref, wbT_ref, c1_ref,
              w2T_ref, b2_ref, w3T_ref, b3_ref, o_ref):
    x = x_ref[...]
    waT = waT_ref[...]
    wbT = wbT_ref[...]
    acc = None
    for c in range(ni):
        t = (waT[:, c:c + 1] * x[c:c + 1, :]
             + wbT[:, c:c + 1] * x[ni + c:ni + c + 1, :])
        acc = t if acc is None else acc + t
    h = jnp.maximum(acc + c1_ref[...], 0.0)
    h = jnp.maximum(
        jnp.dot(w2T_ref[...], h, precision="highest") + b2_ref[...], 0.0)
    h = jnp.dot(w3T_ref[...], h, precision="highest") + b3_ref[...]
    if final_relu:
        h = jnp.maximum(h, 0.0)
    o_ref[...] = h


def _edge_mlp(xe, waT, wbT, c1, w2T, b2, w3T, b3, final_relu):
    ni = waT.shape[1]
    no = w3T.shape[0]
    full = lambda r, c: pl.BlockSpec((r, c), lambda i: (0, 0))
    return pl.pallas_call(
        functools.partial(_mlp_body, ni, final_relu),
        grid=(EPAD // TILE_E,),
        in_specs=[pl.BlockSpec((2 * ni, TILE_E), lambda i: (0, i)),
                  full(BIG, ni), full(BIG, ni), full(BIG, 1),
                  full(BIG, BIG), full(BIG, 1),
                  full(no, BIG), full(no, 1)],
        out_specs=pl.BlockSpec((no, TILE_E), lambda i: (0, i)),
        out_shape=jax.ShapeDtypeStruct((no, EPAD), jnp.float32),
    )(xe, waT, wbT, c1, w2T, b2, w3T, b3)


def _combine_body(p_ref, h_ref, cnt_ref):
    p = p_ref[...]
    s = p[0] + p[1]
    cnt = s[2:3, :]
    denom = jnp.maximum(cnt, 1.0)
    h_ref[...] = s[0:2, :] / denom
    cnt_ref[...] = cnt


def _combine(penc):
    return pl.pallas_call(
        _combine_body,
        grid=(NPAD // TILE_N,),
        in_specs=[pl.BlockSpec((2, 3, TILE_N), lambda i: (0, 0, i))],
        out_specs=(pl.BlockSpec((2, TILE_N), lambda i: (0, i)),
                   pl.BlockSpec((1, TILE_N), lambda i: (0, i))),
        out_shape=(jax.ShapeDtypeStruct((2, NPAD), jnp.float32),
                   jax.ShapeDtypeStruct((1, NPAD), jnp.float32)),
    )(penc)


def _final_body(p_ref, cnt_ref, x_ref, b_ref, out_ref, emd_ref,
                acc_sum, acc_cnt):
    i = pl.program_id(0)

    @pl.when(i == 0)
    def _():
        acc_sum[...] = jnp.zeros_like(acc_sum)
        acc_cnt[...] = jnp.zeros_like(acc_cnt)

    p = p_ref[...]
    s = p[0] + p[1]
    denom = jnp.maximum(cnt_ref[...], 1.0)
    out = s / denom
    out_ref[...] = out
    d = out - x_ref[...]
    diff = jnp.sum(d * d, axis=0, keepdims=True)
    onehot = (lax.broadcasted_iota(jnp.int32, (G, 1), 0) ==
              b_ref[...]).astype(jnp.float32)
    acc_sum[...] += jnp.sum(onehot * diff, axis=1, keepdims=True)
    acc_cnt[...] += jnp.sum(onehot, axis=1, keepdims=True)

    @pl.when(i == pl.num_programs(0) - 1)
    def _():
        emd_ref[...] = acc_sum[...] / jnp.maximum(acc_cnt[...], 1.0)


def _final(pdec, cnt, xT, batch2):
    return pl.pallas_call(
        _final_body,
        grid=(NPAD // TILE_N,),
        in_specs=[pl.BlockSpec((2, D, TILE_N), lambda i: (0, 0, i)),
                  pl.BlockSpec((1, TILE_N), lambda i: (0, i)),
                  pl.BlockSpec((D, TILE_N), lambda i: (0, i)),
                  pl.BlockSpec((1, TILE_N), lambda i: (0, i))],
        out_specs=(pl.BlockSpec((D, TILE_N), lambda i: (0, i)),
                   pl.BlockSpec((G, 1), lambda i: (0, 0))),
        out_shape=(jax.ShapeDtypeStruct((D, NPAD), jnp.float32),
                   jax.ShapeDtypeStruct((G, 1), jnp.float32)),
        scratch_shapes=[pltpu.VMEM((G, 1), jnp.float32),
                        pltpu.VMEM((G, 1), jnp.float32)],
    )(pdec, cnt, xT, batch2)


def kernel(x, edge_index, batch, bn_gamma, bn_beta,
           enc_w1, enc_b1, enc_w2, enc_b2, enc_w3, enc_b3,
           dec_w1, dec_b1, dec_w2, dec_b2, dec_w3, dec_b3):
    f32 = jnp.float32
    xT = jnp.pad(x.T, ((0, 0), (0, NPAD - N)))
    ei = jnp.pad(edge_index.astype(jnp.int32), ((0, 0), (0, EPAD - E)),
                 constant_values=NPAD - 1)
    srcw = ei[0].reshape(EPAD // W, W)
    dstw = ei[1].reshape(EPAD // W, W)
    batch2 = jnp.pad(batch.astype(jnp.int32), (0, NPAD - N),
                     constant_values=-1).reshape(1, NPAD)

    st = _stats(xT)
    mean = st[:, 0] / N
    var = st[:, 1] / N - mean * mean
    scale = bn_gamma / jnp.sqrt(var + 1e-5)
    shift = bn_beta - mean * scale

    e_waT = (scale[:, None] * (enc_w1[:D] - enc_w1[D:])).T
    e_wbT = (scale[:, None] * enc_w1[D:]).T
    e_c1 = (enc_b1 + shift @ enc_w1[:D]).reshape(BIG, 1)
    e_w3T = jnp.concatenate([enc_w3.T, jnp.zeros((1, BIG), f32)])
    e_b3 = jnp.concatenate([enc_b3, jnp.ones((1,), f32)]).reshape(3, 1)

    d_waT = (dec_w1[:HID] - dec_w1[HID:]).T
    d_wbT = dec_w1[HID:].T
    d_c1 = dec_b1.reshape(BIG, 1)

    xe = _sc_gather([xT[0], xT[1], xT[2], xT[3]], dstw, srcw, 1)
    m1 = _edge_mlp(xe, e_waT, e_wbT, e_c1, enc_w2.T,
                   enc_b2.reshape(BIG, 1), e_w3T, e_b3, final_relu=True)
    penc = _sc_scatter(m1, dstw, 3, 1)
    h2d, cnt = _combine(penc)

    xd = _sc_gather([h2d[0], h2d[1]], dstw, srcw, 1)
    m2 = _edge_mlp(xd, d_waT, d_wbT, d_c1, dec_w2.T,
                   dec_b2.reshape(BIG, 1), dec_w3.T,
                   dec_b3.reshape(D, 1), final_relu=False)
    pdec = _sc_scatter(m2, dstw, 4, 1)

    outT, emd = _final(pdec, cnt, xT, batch2)
    return outT[:, :N].T, emd.reshape(G)

# --- scband reference (transcript-rebuilt; emitter-appended) ---
"""Pipeline reference for scband-edge-net-emd-8177617731795 (READ-ONLY COPY).

The authoritative reference and input builder live on the scoring server;
editing this copy changes nothing except your own understanding.
"""

import jax, jax.numpy as jnp
import numpy as np

N = 100000
E = 1600000
D = 4
BIG = 32
HID = 2
G = 128


def _lin_init(k, fi, fo):
    w = jax.random.normal(k, (fi, fo), dtype=jnp.float32) * (1.0 / np.sqrt(fi))
    b = jnp.zeros((fo,), dtype=jnp.float32)
    return w, b


def setup_inputs(seed: int = 0):
    key = jax.random.key(seed)
    ks = jax.random.split(key, 10)
    x = jax.random.normal(ks[0], (N, D), dtype=jnp.float32)
    edge_index = jax.random.randint(ks[1], (2, E), 0, N)
    batch = jnp.sort(jax.random.randint(ks[2], (N,), 0, G))
    bn_gamma = jnp.ones((D,), dtype=jnp.float32)
    bn_beta = jnp.zeros((D,), dtype=jnp.float32)
    enc_w1, enc_b1 = _lin_init(ks[3], 2 * D, BIG)
    enc_w2, enc_b2 = _lin_init(ks[4], BIG, BIG)
    enc_w3, enc_b3 = _lin_init(ks[5], BIG, HID)
    dec_w1, dec_b1 = _lin_init(ks[6], 2 * HID, BIG)
    dec_w2, dec_b2 = _lin_init(ks[7], BIG, BIG)
    dec_w3, dec_b3 = _lin_init(ks[8], BIG, D)
    return {"x": x, "edge_index": edge_index, "batch": batch,
            "bn_gamma": bn_gamma, "bn_beta": bn_beta,
            "enc_w1": enc_w1, "enc_b1": enc_b1, "enc_w2": enc_w2, "enc_b2": enc_b2,
            "enc_w3": enc_w3, "enc_b3": enc_b3,
            "dec_w1": dec_w1, "dec_b1": dec_b1, "dec_w2": dec_w2, "dec_b2": dec_b2,
            "dec_w3": dec_w3, "dec_b3": dec_b3}


def _mlp3(h, w1, b1, w2, b2, w3, b3, final_relu):
    h = jax.nn.relu(h @ w1 + b1)
    h = jax.nn.relu(h @ w2 + b2)
    h = h @ w3 + b3
    if final_relu:
        h = jax.nn.relu(h)
    return h


def _edge_conv(x, src, dst, params, final_relu):
    # PyG EdgeConv: message = nn([x_i, x_j - x_i]), aggregated (mean) at dst
    x_i = x[dst]
    x_j = x[src]
    m = _mlp3(jnp.concatenate([x_i, x_j - x_i], axis=-1), *params, final_relu)
    s = jax.ops.segment_sum(m, dst, num_segments=N)
    cnt = jax.ops.segment_sum(jnp.ones((dst.shape[0],), dtype=m.dtype), dst, num_segments=N)
    return s / jnp.maximum(cnt, 1.0)[:, None]


def reference(x, edge_index, batch, bn_gamma, bn_beta,
              enc_w1, enc_b1, enc_w2, enc_b2, enc_w3, enc_b3,
              dec_w1, dec_b1, dec_w2, dec_b2, dec_w3, dec_b3):
    # BatchNorm1d (training mode: biased batch statistics)
    mean = jnp.mean(x, axis=0)
    var = jnp.var(x, axis=0)
    xn = (x - mean) / jnp.sqrt(var + 1e-5) * bn_gamma + bn_beta
    src = edge_index[0]
    dst = edge_index[1]
    h = _edge_conv(xn, src, dst, (enc_w1, enc_b1, enc_w2, enc_b2, enc_w3, enc_b3), True)
    out = _edge_conv(h, src, dst, (dec_w1, dec_b1, dec_w2, dec_b2, dec_w3, dec_b3), False)
    # Frozen EMD network surrogate: per-graph mean squared discrepancy between
    # reconstruction and original point cloud (EMD-like per-graph scalar)
    diff = jnp.sum((out - x) ** 2, axis=-1)
    cnt_g = jax.ops.segment_sum(jnp.ones((N,), dtype=jnp.float32), batch, num_segments=G)
    emd = jax.ops.segment_sum(diff, batch, num_segments=G) / jnp.maximum(cnt_g, 1.0)
    return (out, emd)

if __name__ == "__main__":
    import jax
    _d = setup_inputs()
    print(jax.jit(kernel)(*tuple(_d.values())))

</pallas_src>

<mosaic_0001>
#map = affine_map<(d0, d1) -> (0)>
#map1 = affine_map<(d0, d1) -> (0, 0)>
module attributes {stable_mosaic.version = 14 : i64} {
  func.func @k(%arg0: i32, %arg1: i32, %arg2: memref<102400xf32, #tpu.memory_space<hbm>>, %arg3: memref<102400xf32, #tpu.memory_space<hbm>>, %arg4: memref<12800x128xi32, #tpu.memory_space<hbm>>, %arg5: memref<12800x128xi32, #tpu.memory_space<hbm>>, %arg6: memref<4x1638400xf32, #tpu.memory_space<hbm>>, %arg7: memref<102400xf32, #tpu.memory_space<vmem_shared>>, %arg8: memref<102400xf32, #tpu.memory_space<vmem_shared>>, %arg9: memref<6400xf32, #tpu.memory_space<vmem>>) attributes {dimension_semantics = [#tpu.dimension_semantics<core_parallel>, #tpu.dimension_semantics<subcore_parallel>], iteration_bounds = array<i64: 2, 16>, scalar_prefetch = 0 : i64, scratch_operands = 3 : i64, tpu.core_type = #tpu.core_type<sc_vector_subcore>, window_params = [{transform_indices = #map}, {transform_indices = #map}, {transform_indices = #map1}, {transform_indices = #map1}, {transform_indices = #map1}]} {
    %mul3A = arith.constant 6400 : i32
    %mul3A_0 = arith.muli %arg1, %mul3A : i32
    "tpu.region"() ({
      %run_scoped3A = tpu.sem_alloc : memref<!tpu.dma_semaphore, #tpu.memory_space<semaphore_mem>>
      %dma_start3A = tpu.memref_slice %arg2[%mul3A_0] : memref<102400xf32, #tpu.memory_space<hbm>> -> memref<6400xf32, #tpu.memory_space<hbm>>
      %dma_start3A_9 = tpu.memref_slice %arg2[%mul3A_0] : memref<102400xf32, #tpu.memory_space<hbm>> -> memref<6400xf32, #tpu.memory_space<hbm>>
      tpu.enqueue_dma source(%dma_start3A_9 : memref<6400xf32, #tpu.memory_space<hbm>>) target(%arg9 : memref<6400xf32, #tpu.memory_space<vmem>>) target_semaphore(%run_scoped3A : memref<!tpu.dma_semaphore, #tpu.memory_space<semaphore_mem>>)
      %dma_wait3A = tpu.memref_slice %arg2[%mul3A_0] : memref<102400xf32, #tpu.memory_space<hbm>> -> memref<6400xf32, #tpu.memory_space<hbm>>
      %dma_wait3A_10 = tpu.memref_slice %arg2[%mul3A_0] : memref<102400xf32, #tpu.memory_space<hbm>> -> memref<6400xf32, #tpu.memory_space<hbm>>
      tpu.wait_dma2 semaphore(%run_scoped3A : memref<!tpu.dma_semaphore, #tpu.memory_space<semaphore_mem>>) src(%dma_wait3A_10 : memref<6400xf32, #tpu.memory_space<hbm>>) dst(%arg9 : memref<6400xf32, #tpu.memory_space<vmem>>)
      tpu.yield
    }) : () -> ()
    "tpu.region"() ({
      %run_scoped3A = tpu.sem_alloc : memref<!tpu.dma_semaphore, #tpu.memory_space<semaphore_mem>>
      %dma_start3A = tpu.memref_slice %arg7[%mul3A_0] : memref<102400xf32, #tpu.memory_space<vmem_shared>> -> memref<6400xf32, #tpu.memory_space<vmem_shared>>
      %dma_start3A_9 = tpu.memref_slice %arg7[%mul3A_0] : memref<102400xf32, #tpu.memory_space<vmem_shared>> -> memref<6400xf32, #tpu.memory_space<vmem_shared>>
      tpu.enqueue_dma source(%arg9 : memref<6400xf32, #tpu.memory_space<vmem>>) target(%dma_start3A_9 : memref<6400xf32, #tpu.memory_space<vmem_shared>>) target_semaphore(%run_scoped3A : memref<!tpu.dma_semaphore, #tpu.memory_space<semaphore_mem>>)
      %dma_wait3A = tpu.memref_slice %arg7[%mul3A_0] : memref<102400xf32, #tpu.memory_space<vmem_shared>> -> memref<6400xf32, #tpu.memory_space<vmem_shared>>
      %dma_wait3A_10 = tpu.memref_slice %arg7[%mul3A_0] : memref<102400xf32, #tpu.memory_space<vmem_shared>> -> memref<6400xf32, #tpu.memory_space<vmem_shared>>
      tpu.wait_dma2 semaphore(%run_scoped3A : memref<!tpu.dma_semaphore, #tpu.memory_space<semaphore_mem>>) src(%arg9 : memref<6400xf32, #tpu.memory_space<vmem>>) dst(%dma_wait3A_10 : memref<6400xf32, #tpu.memory_space<vmem_shared>>)
      tpu.yield
    }) : () -> ()
    "tpu.region"() ({
      %run_scoped3A = tpu.sem_alloc : memref<!tpu.dma_semaphore, #tpu.memory_space<semaphore_mem>>
      %dma_start3A = tpu.memref_slice %arg3[%mul3A_0] : memref<102400xf32, #tpu.memory_space<hbm>> -> memref<6400xf32, #tpu.memory_space<hbm>>
      %dma_start3A_9 = tpu.memref_slice %arg3[%mul3A_0] : memref<102400xf32, #tpu.memory_space<hbm>> -> memref<6400xf32, #tpu.memory_space<hbm>>
      tpu.enqueue_dma source(%dma_start3A_9 : memref<6400xf32, #tpu.memory_space<hbm>>) target(%arg9 : memref<6400xf32, #tpu.memory_space<vmem>>) target_semaphore(%run_scoped3A : memref<!tpu.dma_semaphore, #tpu.memory_space<semaphore_mem>>)
      %dma_wait3A = tpu.memref_slice %arg3[%mul3A_0] : memref<102400xf32, #tpu.memory_space<hbm>> -> memref<6400xf32, #tpu.memory_space<hbm>>
      %dma_wait3A_10 = tpu.memref_slice %arg3[%mul3A_0] : memref<102400xf32, #tpu.memory_space<hbm>> -> memref<6400xf32, #tpu.memory_space<hbm>>
      tpu.wait_dma2 semaphore(%run_scoped3A : memref<!tpu.dma_semaphore, #tpu.memory_space<semaphore_mem>>) src(%dma_wait3A_10 : memref<6400xf32, #tpu.memory_space<hbm>>) dst(%arg9 : memref<6400xf32, #tpu.memory_space<vmem>>)
      tpu.yield
    }) : () -> ()
    "tpu.region"() ({
      %run_scoped3A = tpu.sem_alloc : memref<!tpu.dma_semaphore, #tpu.memory_space<semaphore_mem>>
      %dma_start3A = tpu.memref_slice %arg8[%mul3A_0] : memref<102400xf32, #tpu.memory_space<vmem_shared>> -> memref<6400xf32, #tpu.memory_space<vmem_shared>>
      %dma_start3A_9 = tpu.memref_slice %arg8[%mul3A_0] : memref<102400xf32, #tpu.memory_space<vmem_shared>> -> memref<6400xf32, #tpu.memory_space<vmem_shared>>
      tpu.enqueue_dma source(%arg9 : memref<6400xf32, #tpu.memory_space<vmem>>) target(%dma_start3A_9 : memref<6400xf32, #tpu.memory_space<vmem_shared>>) target_semaphore(%run_scoped3A : memref<!tpu.dma_semaphore, #tpu.memory_space<semaphore_mem>>)
      %dma_wait3A = tpu.memref_slice %arg8[%mul3A_0] : memref<102400xf32, #tpu.memory_space<vmem_shared>> -> memref<6400xf32, #tpu.memory_space<vmem_shared>>
      %dma_wait3A_10 = tpu.memref_slice %arg8[%mul3A_0] : memref<102400xf32, #tpu.memory_space<vmem_shared>> -> memref<6400xf32, #tpu.memory_space<vmem_shared>>
      tpu.wait_dma2 semaphore(%run_scoped3A : memref<!tpu.dma_semaphore, #tpu.memory_space<semaphore_mem>>) src(%arg9 : memref<6400xf32, #tpu.memory_space<vmem>>) dst(%dma_wait3A_10 : memref<6400xf32, #tpu.memory_space<vmem_shared>>)
      tpu.yield
    }) : () -> ()
    %barrier3A = arith.constant 0 : index
    tpu.barrier barrier_id(%barrier3A)
    %mul3A_1 = arith.constant 1 : i32
    %mul3A_2 = arith.muli %arg1, %mul3A_1 : i32
    %add3A = arith.constant 0 : i32
    %add3A_3 = arith.addi %add3A, %mul3A_2 : i32
    %mul3A_4 = arith.constant 16 : i32
    %mul3A_5 = arith.muli %arg0, %mul3A_4 : i32
    %add3A_6 = arith.addi %add3A_3, %mul3A_5 : i32
    %mul3A_7 = arith.constant 400 : i32
    %mul3A_8 = arith.muli %add3A_6, %mul3A_7 : i32
    "tpu.region"() ({
      %run_scoped3A = memref.alloca() : memref<2x1x128xi32, #tpu.memory_space<vmem>>
      %run_scoped3A_9 = tpu.sem_alloc : memref<2x!tpu.dma_semaphore, #tpu.memory_space<semaphore_mem>>
      %run_scoped3A_10 = memref.alloca() : memref<2x1x128xi32, #tpu.memory_space<vmem>>
      %run_scoped3A_11 = tpu.sem_alloc : memref<2x!tpu.dma_semaphore, #tpu.memory_space<semaphore_mem>>
      %run_scoped3A_12 = memref.alloca() : memref<2x4x128xf32, #tpu.memory_space<vmem>>
      %run_scoped3A_13 = tpu.sem_alloc : memref<2x!tpu.dma_semaphore, #tpu.memory_space<semaphore_mem>>
      %add3A_14 = arith.constant 0 : i32
      %add3A_15 = arith.addi %add3A_14, %mul3A_8 : i32
      %select_n3A = arith.constant true
      %select_n3A_16 = arith.constant 0 : i32
      %select_n3A_17 = arith.constant -1 : i32
      %select_n3A_18 = arith.select %select_n3A, %select_n3A_17, %select_n3A_16 : i32
      %eq3A = arith.constant -1 : i32
      %eq3A_19 = arith.cmpi eq, %select_n3A_18, %eq3A : i32
      %select_n3A_20 = arith.constant 399 : i32
      %select_n3A_21 = arith.select %eq3A_19, %select_n3A_20, %select_n3A_18 : i32
      %add3A_22 = arith.addi %select_n3A_21, %mul3A_8 : i32
      %select_n3A_23 = arith.constant true
      %select_n3A_24 = arith.constant 0 : i32
      %select_n3A_25 = arith.constant 1 : i32
      %select_n3A_26 = arith.select %select_n3A_23, %select_n3A_25, %select_n3A_24 : i32
      %eq3A_27 = arith.constant 400 : i32
      %eq3A_28 = arith.cmpi eq, %select_n3A_26, %eq3A_27 : i32
      %select_n3A_29 = arith.constant 0 : i32
      %select_n3A_30 = arith.select %eq3A_28, %select_n3A_29, %select_n3A_26 : i32
      %add3A_31 = arith.addi %select_n3A_30, %mul3A_8 : i32
      %add3A_32 = arith.constant 1 : i32
      %add3A_33 = arith.addi %select_n3A_30, %add3A_32 : i32
      %select_n3A_34 = arith.constant true
      %select_n3A_35 = arith.select %select_n3A_34, %add3A_33, %select_n3A_30 : i32
      %eq3A_36 = arith.constant 400 : i32
      %eq3A_37 = arith.cmpi eq, %select_n3A_35, %eq3A_36 : i32
      %select_n3A_38 = arith.constant 0 : i32
      %select_n3A_39 = arith.select %eq3A_37, %select_n3A_38, %select_n3A_35 : i32
      %add3A_40 = arith.addi %select_n3A_39, %mul3A_8 : i32
      "tpu.trace_start"() <{level = 10 : i32, message = "ep_initialize_0"}> : () -> ()
      %rem3A = arith.constant 0 : i32
      %rem3A_41 = arith.constant 2 : i32
      %rem3A_42 = arith.remui %rem3A, %rem3A_41 : i32
      %mul3A_43 = arith.constant 1 : i32
      %mul3A_44 = arith.muli %add3A_15, %mul3A_43 : i32
      %add3A_45 = arith.constant 0 : i32
      %add3A_46 = arith.addi %mul3A_44, %add3A_45 : i32
      %mul3A_47 = arith.constant 1 : i32
      %mul3A_48 = arith.muli %mul3A_47, %add3A_46 : i32
      %dma_start3A = arith.constant 0 : i32
      %dma_start3A_49 = arith.constant 0 : i32
      %dma_start3A_50 = tpu.memref_slice %run_scoped3A[%rem3A_42, %dma_start3A, %dma_start3A_49] : memref<2x1x128xi32, #tpu.memory_space<vmem>> -> memref<1x1x128xi32, #tpu.memory_space<vmem>>
      %dma_start3A_51 = tpu.memref_squeeze %dma_start3A_50 : memref<1x1x128xi32, #tpu.memory_space<vmem>> -> memref<1x128xi32, #tpu.memory_space<vmem>>
      %dma_start3A_52 = arith.constant 0 : i32
      %dma_start3A_53 = tpu.memref_slice %arg4[%mul3A_48, %dma_start3A_52] : memref<12800x128xi32, #tpu.memory_space<hbm>> -> memref<1x128xi32, #tpu.memory_space<hbm>>
      %dma_start3A_54 = tpu.memref_slice %run_scoped3A_9[%rem3A_42] : memref<2x!tpu.dma_semaphore, #tpu.memory_space<semaphore_mem>> -> memref<1x!tpu.dma_semaphore, #tpu.memory_space<semaphore_mem>>
      %dma_start3A_55 = tpu.memref_squeeze %dma_start3A_54 : memref<1x!tpu.dma_semaphore, #tpu.memory_space<semaphore_mem>> -> memref<!tpu.dma_semaphore, #tpu.memory_space<semaphore_mem>>
      %dma_start3A_56 = arith.constant 0 : i32
      %dma_start3A_57 = arith.constant 0 : i32
      %dma_start3A_58 = tpu.memref_slice %run_scoped3A[%rem3A_42, %dma_start3A_56, %dma_start3A_57] : memref<2x1x128xi32, #tpu.memory_space<vmem>> -> memref<1x1x128xi32, #tpu.memory_space<vmem>>
      %dma_start3A_59 = tpu.memref_squeeze %dma_start3A_58 : memref<1x1x128xi32, #tpu.memory_space<vmem>> -> memref<1x128xi32, #tpu.memory_space<vmem>>
      %dma_start3A_60 = arith.constant 0 : i32
      %dma_start3A_61 = tpu.memref_slice %arg4[%mul3A_48, %dma_start3A_60] : memref<12800x128xi32, #tpu.memory_space<hbm>> -> memref<1x128xi32, #tpu.memory_space<hbm>>
      tpu.enqueue_dma source(%dma_start3A_61 : memref<1x128xi32, #tpu.memory_space<hbm>>) target(%dma_start3A_59 : memref<1x128xi32, #tpu.memory_space<vmem>>) target_semaphore(%dma_start3A_55 : memref<!tpu.dma_semaphore, #tpu.memory_space<semaphore_mem>>)
      %add3A_62 = arith.constant 0 : i32
      %add3A_63 = arith.constant 1 : i32
      %add3A_64 = arith.addi %add3A_62, %add3A_63 : i32
      %select_n3A_65 = arith.constant true
      %select_n3A_66 = arith.constant 0 : i32
      %select_n3A_67 = arith.select %select_n3A_65, %add3A_64, %select_n3A_66 : i32
      %rem3A_68 = arith.constant 0 : i32
      %rem3A_69 = arith.constant 2 : i32
      %rem3A_70 = arith.remui %rem3A_68, %rem3A_69 : i32
      %mul3A_71 = arith.constant 1 : i32
      %mul3A_72 = arith.muli %add3A_15, %mul3A_71 : i32
      %add3A_73 = arith.constant 0 : i32
      %add3A_74 = arith.addi %mul3A_72, %add3A_73 : i32
      %mul3A_75 = arith.constant 1 : i32
      %mul3A_76 = arith.muli %mul3A_75, %add3A_74 : i32
      %dma_start3A_77 = arith.constant 0 : i32
      %dma_start3A_78 = arith.constant 0 : i32
      %dma_start3A_79 = tpu.memref_slice %run_scoped3A_10[%rem3A_70, %dma_start3A_77, %dma_start3A_78] : memref<2x1x128xi32, #tpu.memory_space<vmem>> -> memref<1x1x128xi32, #tpu.memory_space<vmem>>
      %dma_start3A_80 = tpu.memref_squeeze %dma_start3A_79 : memref<1x1x128xi32, #tpu.memory_space<vmem>> -> memref<1x128xi32, #tpu.memory_space<vmem>>
      %dma_start3A_81 = arith.constant 0 : i32
      %dma_start3A_82 = tpu.memref_slice %arg5[%mul3A_76, %dma_start3A_81] : memref<12800x128xi32, #tpu.memory_space<hbm>> -> memref<1x128xi32, #tpu.memory_space<hbm>>
      %dma_start3A_83 = tpu.memref_slice %run_scoped3A_11[%rem3A_70] : memref<2x!tpu.dma_semaphore, #tpu.memory_space<semaphore_mem>> -> memref<1x!tpu.dma_semaphore, #tpu.memory_space<semaphore_mem>>
      %dma_start3A_84 = tpu.memref_squeeze %dma_start3A_83 : memref<1x!tpu.dma_semaphore, #tpu.memory_space<semaphore_mem>> -> memref<!tpu.dma_semaphore, #tpu.memory_space<semaphore_mem>>
      %dma_start3A_85 = arith.constant 0 : i32
      %dma_start3A_86 = arith.constant 0 : i32
      %dma_start3A_87 = tpu.memref_slice %run_scoped3A_10[%rem3A_70, %dma_start3A_85, %dma_start3A_86] : memref<2x1x128xi32, #tpu.memory_space<vmem>> -> memref<1x1x128xi32, #tpu.memory_space<vmem>>
      %dma_start3A_88 = tpu.memref_squeeze %dma_start3A_87 : memref<1x1x128xi32, #tpu.memory_space<vmem>> -> memref<1x128xi32, #tpu.memory_space<vmem>>
      %dma_start3A_89 = arith.constant 0 : i32
      %dma_start3A_90 = tpu.memref_slice %arg5[%mul3A_76, %dma_start3A_89] : memref<12800x128xi32, #tpu.memory_space<hbm>> -> memref<1x128xi32, #tpu.memory_space<hbm>>
      tpu.enqueue_dma source(%dma_start3A_90 : memref<1x128xi32, #tpu.memory_space<hbm>>) target(%dma_start3A_88 : memref<1x128xi32, #tpu.memory_space<vmem>>) target_semaphore(%dma_start3A_84 : memref<!tpu.dma_semaphore, #tpu.memory_space<semaphore_mem>>)
      %add3A_91 = arith.constant 0 : i32
      %add3A_92 = arith.constant 1 : i32
      %add3A_93 = arith.addi %add3A_91, %add3A_92 : i32
      %select_n3A_94 = arith.constant true
      %select_n3A_95 = arith.constant 0 : i32
      %select_n3A_96 = arith.select %select_n3A_94, %add3A_93, %select_n3A_95 : i32
      "tpu.trace_stop"() : () -> ()
      %scan3A = arith.constant 0 : i32
      %scan3A_97 = arith.constant 0 : i32
      %scan3A_98 = arith.constant 0 : i32
      %scan3A_99 = arith.constant 0 : i32
      %scan3A_100 = arith.constant 0 : i32
      %scan3A_101 = arith.constant 0 : i32
      %scan3A_102 = arith.constant 400 : i32
      %scan3A_103 = arith.addi %scan3A_101, %scan3A_102 : i32
      %scan3A_104 = arith.constant 1 : i32
      %scan3A_105:7 = scf.for %scan3A_163 = %scan3A_101 to %scan3A_103 step %scan3A_104 iter_args(%scan3A_164 = %select_n3A_67, %scan3A_165 = %scan3A, %scan3A_166 = %select_n3A_96, %scan3A_167 = %scan3A_97, %scan3A_168 = %scan3A_98, %scan3A_169 = %scan3A_99, %scan3A_170 = %scan3A_100) -> (i32, i32, i32, i32, i32, i32, i32)  : i32 {
        %eq3A_171 = arith.constant 0 : i32
        %eq3A_172 = arith.cmpi eq, %scan3A_163, %eq3A_171 : i32
        %eq3A_173 = arith.constant 399 : i32
        %eq3A_174 = arith.cmpi eq, %scan3A_163, %eq3A_173 : i32
        %add3A_175 = arith.addi %scan3A_170, %mul3A_8 : i32
        %sub3A_176 = arith.constant 1 : i32
        %sub3A_177 = arith.subi %scan3A_170, %sub3A_176 : i32
        %select_n3A_178 = arith.constant true
        %select_n3A_179 = arith.select %select_n3A_178, %sub3A_177, %scan3A_170 : i32
        %eq3A_180 = arith.constant -1 : i32
        %eq3A_181 = arith.cmpi eq, %select_n3A_179, %eq3A_180 : i32
        %select_n3A_182 = arith.constant 399 : i32
        %select_n3A_183 = arith.select %eq3A_181, %select_n3A_182, %select_n3A_179 : i32
        %add3A_184 = arith.addi %select_n3A_183, %mul3A_8 : i32
        %add3A_185 = arith.constant 1 : i32
        %add3A_186 = arith.addi %scan3A_170, %add3A_185 : i32
        %select_n3A_187 = arith.constant true
        %select_n3A_188 = arith.select %select_n3A_187, %add3A_186, %scan3A_170 : i32
        %eq3A_189 = arith.constant 400 : i32
        %eq3A_190 = arith.cmpi eq, %select_n3A_188, %eq3A_189 : i32
        %select_n3A_191 = arith.constant 0 : i32
        %select_n3A_192 = arith.select %eq3A_190, %select_n3A_191, %select_n3A_188 : i32
        %add3A_193 = arith.addi %select_n3A_192, %mul3A_8 : i32
        %add3A_194 = arith.constant 1 : i32
        %add3A_195 = arith.addi %select_n3A_192, %add3A_194 : i32
        %select_n3A_196 = arith.constant true
        %select_n3A_197 = arith.select %select_n3A_196, %add3A_195, %select_n3A_192 : i32
        %eq3A_198 = arith.constant 400 : i32
        %eq3A_199 = arith.cmpi eq, %select_n3A_197, %eq3A_198 : i32
        %select_n3A_200 = arith.constant 0 : i32
        %select_n3A_201 = arith.select %eq3A_199, %select_n3A_200, %select_n3A_197 : i32
        %add3A_202 = arith.addi %select_n3A_201, %mul3A_8 : i32
        %mul3A_203 = arith.constant 1 : i32
        %mul3A_204 = arith.muli %add3A_175, %mul3A_203 : i32
        %add3A_205 = arith.constant 0 : i32
        %add3A_206 = arith.addi %mul3A_204, %add3A_205 : i32
        %mul3A_207 = arith.constant 1 : i32
        %mul3A_208 = arith.muli %add3A_193, %mul3A_207 : i32
        %add3A_209 = arith.constant 0 : i32
        %add3A_210 = arith.addi %mul3A_208, %add3A_209 : i32
        %ne3A = arith.cmpi ne, %add3A_206, %add3A_210 : i32
        %or3A = arith.constant false
        %or3A_211 = arith.ori %or3A, %ne3A : i1
        %or3A_212 = arith.constant false
        %or3A_213 = arith.ori %or3A_211, %or3A_212 : i1
        %ge3A = arith.constant 399 : i32
        %ge3A_214 = arith.cmpi sge, %scan3A_163, %ge3A : i32
        %not3A = arith.constant true
        %not3A_215 = arith.xori %ge3A_214, %not3A : i1
        %and3A = arith.andi %or3A_213, %not3A_215 : i1
        %convert_element_type3A = arith.extui %and3A : i1 to i32
        %cond3A = arith.constant 0 : i32
        %cond3A_216 = arith.cmpi ne, %convert_element_type3A, %cond3A : i32
        scf.if %cond3A_216 {
          "tpu.trace_start"() <{level = 10 : i32, message = "ep_copy_in"}> : () -> ()
          %rem3A_491 = arith.constant 2 : i32
          %rem3A_492 = arith.remui %scan3A_164, %rem3A_491 : i32
          %mul3A_493 = arith.constant 1 : i32
          %mul3A_494 = arith.muli %add3A_193, %mul3A_493 : i32
          %add3A_495 = arith.constant 0 : i32
          %add3A_496 = arith.addi %mul3A_494, %add3A_495 : i32
          %mul3A_497 = arith.constant 1 : i32
          %mul3A_498 = arith.muli %mul3A_497, %add3A_496 : i32
          %dma_start3A_499 = arith.constant 0 : i32
          %dma_start3A_500 = arith.constant 0 : i32
          %dma_start3A_501 = tpu.memref_slice %run_scoped3A[%rem3A_492, %dma_start3A_499, %dma_start3A_500] : memref<2x1x128xi32, #tpu.memory_space<vmem>> -> memref<1x1x128xi32, #tpu.memory_space<vmem>>
          %dma_start3A_502 = tpu.memref_squeeze %dma_start3A_501 : memref<1x1x128xi32, #tpu.memory_space<vmem>> -> memref<1x128xi32, #tpu.memory_space<vmem>>
          %dma_start3A_503 = arith.constant 0 : i32
          %dma_start3A_504 = tpu.memref_slice %arg4[%mul3A_498, %dma_start3A_503] : memref<12800x128xi32, #tpu.memory_space<hbm>> -> memref<1x128xi32, #tpu.memory_space<hbm>>
          %dma_start3A_505 = tpu.memref_slice %run_scoped3A_9[%rem3A_492] : memref<2x!tpu.dma_semaphore, #tpu.memory_space<semaphore_mem>> -> memref<1x!tpu.dma_semaphore, #tpu.memory_space<semaphore_mem>>
          %dma_start3A_506 = tpu.memref_squeeze %dma_start3A_505 : memref<1x!tpu.dma_semaphore, #tpu.memory_space<semaphore_mem>> -> memref<!tpu.dma_semaphore, #tpu.memory_space<semaphore_mem>>
          %dma_start3A_507 = arith.constant 0 : i32
          %dma_start3A_508 = arith.constant 0 : i32
          %dma_start3A_509 = tpu.memref_slice %run_scoped3A[%rem3A_492, %dma_start3A_507, %dma_start3A_508] : memref<2x1x128xi32, #tpu.memory_space<vmem>> -> memref<1x1x128xi32, #tpu.memory_space<vmem>>
          %dma_start3A_510 = tpu.memref_squeeze %dma_start3A_509 : memref<1x1x128xi32, #tpu.memory_space<vmem>> -> memref<1x128xi32, #tpu.memory_space<vmem>>
          %dma_start3A_511 = arith.constant 0 : i32
          %dma_start3A_512 = tpu.memref_slice %arg4[%mul3A_498, %dma_start3A_511] : memref<12800x128xi32, #tpu.memory_space<hbm>> -> memref<1x128xi32, #tpu.memory_space<hbm>>
          tpu.enqueue_dma source(%dma_start3A_512 : memref<1x128xi32, #tpu.memory_space<hbm>>) target(%dma_start3A_510 : memref<1x128xi32, #tpu.memory_space<vmem>>) target_semaphore(%dma_start3A_506 : memref<!tpu.dma_semaphore, #tpu.memory_space<semaphore_mem>>)
          "tpu.trace_stop"() : () -> ()
        } else {
        }
        %and3A_217 = arith.constant true
        %and3A_218 = arith.andi %and3A, %and3A_217 : i1
        %add3A_219 = arith.constant 1 : i32
        %add3A_220 = arith.addi %scan3A_164, %add3A_219 : i32
        %select_n3A_221 = arith.select %and3A_218, %add3A_220, %scan3A_164 : i32
        %mul3A_222 = arith.constant 1 : i32
        %mul3A_223 = arith.muli %add3A_175, %mul3A_222 : i32
        %add3A_224 = arith.constant 0 : i32
        %add3A_225 = arith.addi %mul3A_223, %add3A_224 : i32
        %mul3A_226 = arith.constant 1 : i32
        %mul3A_227 = arith.muli %add3A_193, %mul3A_226 : i32
        %add3A_228 = arith.constant 0 : i32
        %add3A_229 = arith.addi %mul3A_227, %add3A_228 : i32
        %ne3A_230 = arith.cmpi ne, %add3A_225, %add3A_229 : i32
        %or3A_231 = arith.constant false
        %or3A_232 = arith.ori %or3A_231, %ne3A_230 : i1
        %or3A_233 = arith.constant false
        %or3A_234 = arith.ori %or3A_232, %or3A_233 : i1
        %ge3A_235 = arith.constant 399 : i32
        %ge3A_236 = arith.cmpi sge, %scan3A_163, %ge3A_235 : i32
        %not3A_237 = arith.constant true
        %not3A_238 = arith.xori %ge3A_236, %not3A_237 : i1
        %and3A_239 = arith.andi %or3A_234, %not3A_238 : i1
        %convert_element_type3A_240 = arith.extui %and3A_239 : i1 to i32
        %cond3A_241 = arith.constant 0 : i32
        %cond3A_242 = arith.cmpi ne, %convert_element_type3A_240, %cond3A_241 : i32
        scf.if %cond3A_242 {
          "tpu.trace_start"() <{level = 10 : i32, message = "ep_copy_in"}> : () -> ()
          %rem3A_491 = arith.constant 2 : i32
          %rem3A_492 = arith.remui %scan3A_166, %rem3A_491 : i32
          %mul3A_493 = arith.constant 1 : i32
          %mul3A_494 = arith.muli %add3A_193, %mul3A_493 : i32
          %add3A_495 = arith.constant 0 : i32
          %add3A_496 = arith.addi %mul3A_494, %add3A_495 : i32
          %mul3A_497 = arith.constant 1 : i32
          %mul3A_498 = arith.muli %mul3A_497, %add3A_496 : i32
          %dma_start3A_499 = arith.constant 0 : i32
          %dma_start3A_500 = arith.constant 0 : i32
          %dma_start3A_501 = tpu.memref_slice %run_scoped3A_10[%rem3A_492, %dma_start3A_499, %dma_start3A_500] : memref<2x1x128xi32, #tpu.memory_space<vmem>> -> memref<1x1x128xi32, #tpu.memory_space<vmem>>
          %dma_start3A_502 = tpu.memref_squeeze %dma_start3A_501 : memref<1x1x128xi32, #tpu.memory_space<vmem>> -> memref<1x128xi32, #tpu.memory_space<vmem>>
          %dma_start3A_503 = arith.constant 0 : i32
          %dma_start3A_504 = tpu.memref_slice %arg5[%mul3A_498, %dma_start3A_503] : memref<12800x128xi32, #tpu.memory_space<hbm>> -> memref<1x128xi32, #tpu.memory_space<hbm>>
          %dma_start3A_505 = tpu.memref_slice %run_scoped3A_11[%rem3A_492] : memref<2x!tpu.dma_semaphore, #tpu.memory_space<semaphore_mem>> -> memref<1x!tpu.dma_semaphore, #tpu.memory_space<semaphore_mem>>
          %dma_start3A_506 = tpu.memref_squeeze %dma_start3A_505 : memref<1x!tpu.dma_semaphore, #tpu.memory_space<semaphore_mem>> -> memref<!tpu.dma_semaphore, #tpu.memory_space<semaphore_mem>>
          %dma_start3A_507 = arith.constant 0 : i32
          %dma_start3A_508 = arith.constant 0 : i32
          %dma_start3A_509 = tpu.memref_slice %run_scoped3A_10[%rem3A_492, %dma_start3A_507, %dma_start3A_508] : memref<2x1x128xi32, #tpu.memory_space<vmem>> -> memref<1x1x128xi32, #tpu.memory_space<vmem>>
          %dma_start3A_510 = tpu.memref_squeeze %dma_start3A_509 : memref<1x1x128xi32, #tpu.memory_space<vmem>> -> memref<1x128xi32, #tpu.memory_space<vmem>>
          %dma_start3A_511 = arith.constant 0 : i32
          %dma_start3A_512 = tpu.memref_slice %arg5[%mul3A_498, %dma_start3A_511] : memref<12800x128xi32, #tpu.memory_space<hbm>> -> memref<1x128xi32, #tpu.memory_space<hbm>>
          tpu.enqueue_dma source(%dma_start3A_512 : memref<1x128xi32, #tpu.memory_space<hbm>>) target(%dma_start3A_510 : memref<1x128xi32, #tpu.memory_space<vmem>>) target_semaphore(%dma_start3A_506 : memref<!tpu.dma_semaphore, #tpu.memory_space<semaphore_mem>>)
          "tpu.trace_stop"() : () -> ()
        } else {
        }
        %and3A_243 = arith.constant true
        %and3A_244 = arith.andi %and3A_239, %and3A_243 : i1
        %add3A_245 = arith.constant 1 : i32
        %add3A_246 = arith.addi %scan3A_166, %add3A_245 : i32
        %select_n3A_247 = arith.select %and3A_244, %add3A_246, %scan3A_166 : i32
        %mul3A_248 = arith.constant 1 : i32
        %mul3A_249 = arith.muli %add3A_175, %mul3A_248 : i32
        %add3A_250 = arith.constant 0 : i32
        %add3A_251 = arith.addi %mul3A_249, %add3A_250 : i32
        %mul3A_252 = arith.constant 1 : i32
        %mul3A_253 = arith.muli %add3A_193, %mul3A_252 : i32
        %add3A_254 = arith.constant 0 : i32
        %add3A_255 = arith.addi %mul3A_253, %add3A_254 : i32
        %ne3A_256 = arith.cmpi ne, %add3A_251, %add3A_255 : i32
        %or3A_257 = arith.constant false
        %or3A_258 = arith.ori %or3A_257, %ne3A_256 : i1
        %ge3A_259 = arith.constant 399 : i32
        %ge3A_260 = arith.cmpi sge, %scan3A_163, %ge3A_259 : i32
        %not3A_261 = arith.constant true
        %not3A_262 = arith.xori %ge3A_260, %not3A_261 : i1
        %and3A_263 = arith.andi %or3A_258, %not3A_262 : i1
        %mul3A_264 = arith.constant 1 : i32
        %mul3A_265 = arith.muli %add3A_175, %mul3A_264 : i32
        %add3A_266 = arith.constant 0 : i32
        %add3A_267 = arith.addi %mul3A_265, %add3A_266 : i32
        %mul3A_268 = arith.constant 1 : i32
        %mul3A_269 = arith.muli %add3A_184, %mul3A_268 : i32
        %add3A_270 = arith.constant 0 : i32
        %add3A_271 = arith.addi %mul3A_269, %add3A_270 : i32
        %ne3A_272 = arith.cmpi ne, %add3A_267, %add3A_271 : i32
        %or3A_273 = arith.constant false
        %or3A_274 = arith.ori %or3A_273, %ne3A_272 : i1
        %or3A_275 = arith.constant false
        %or3A_276 = arith.ori %or3A_274, %or3A_275 : i1
        %or3A_277 = arith.ori %or3A_276, %eq3A_172 : i1
        %convert_element_type3A_278 = arith.extui %or3A_277 : i1 to i32
        %cond3A_279 = arith.constant 0 : i32
        %cond3A_280 = arith.cmpi ne, %convert_element_type3A_278, %cond3A_279 : i32
        scf.if %cond3A_280 {
          "tpu.trace_start"() <{level = 10 : i32, message = "ep_wait_in"}> : () -> ()
          %mul3A_491 = arith.constant 1 : i32
          %mul3A_492 = arith.muli %add3A_175, %mul3A_491 : i32
          %add3A_493 = arith.constant 0 : i32
          %add3A_494 = arith.addi %mul3A_492, %add3A_493 : i32
          %mul3A_495 = arith.constant 1 : i32
          %mul3A_496 = arith.muli %mul3A_495, %add3A_494 : i32
          %rem3A_497 = arith.constant 2 : i32
          %rem3A_498 = arith.remui %scan3A_165, %rem3A_497 : i32
          %dma_wait3A_499 = arith.constant 0 : i32
          %dma_wait3A_500 = arith.constant 0 : i32
          %dma_wait3A_501 = tpu.memref_slice %run_scoped3A[%rem3A_498, %dma_wait3A_499, %dma_wait3A_500] : memref<2x1x128xi32, #tpu.memory_space<vmem>> -> memref<1x1x128xi32, #tpu.memory_space<vmem>>
          %dma_wait3A_502 = tpu.memref_squeeze %dma_wait3A_501 : memref<1x1x128xi32, #tpu.memory_space<vmem>> -> memref<1x128xi32, #tpu.memory_space<vmem>>
          %dma_wait3A_503 = arith.constant 0 : i32
          %dma_wait3A_504 = tpu.memref_slice %arg4[%mul3A_496, %dma_wait3A_503] : memref<12800x128xi32, #tpu.memory_space<hbm>> -> memref<1x128xi32, #tpu.memory_space<hbm>>
          %dma_wait3A_505 = tpu.memref_slice %run_scoped3A_9[%rem3A_498] : memref<2x!tpu.dma_semaphore, #tpu.memory_space<semaphore_mem>> -> memref<1x!tpu.dma_semaphore, #tpu.memory_space<semaphore_mem>>
          %dma_wait3A_506 = tpu.memref_squeeze %dma_wait3A_505 : memref<1x!tpu.dma_semaphore, #tpu.memory_space<semaphore_mem>> -> memref<!tpu.dma_semaphore, #tpu.memory_space<semaphore_mem>>
          %dma_wait3A_507 = arith.constant 0 : i32
          %dma_wait3A_508 = arith.constant 0 : i32
          %dma_wait3A_509 = tpu.memref_slice %run_scoped3A[%rem3A_498, %dma_wait3A_507, %dma_wait3A_508] : memref<2x1x128xi32, #tpu.memory_space<vmem>> -> memref<1x1x128xi32, #tpu.memory_space<vmem>>
          %dma_wait3A_510 = tpu.memref_squeeze %dma_wait3A_509 : memref<1x1x128xi32, #tpu.memory_space<vmem>> -> memref<1x128xi32, #tpu.memory_space<vmem>>
          %dma_wait3A_511 = arith.constant 0 : i32
          %dma_wait3A_512 = tpu.memref_slice %arg4[%mul3A_496, %dma_wait3A_511] : memref<12800x128xi32, #tpu.memory_space<hbm>> -> memref<1x128xi32, #tpu.memory_space<hbm>>
          tpu.wait_dma2 semaphore(%dma_wait3A_506 : memref<!tpu.dma_semaphore, #tpu.memory_space<semaphore_mem>>) src(%dma_wait3A_512 : memref<1x128xi32, #tpu.memory_space<hbm>>) dst(%dma_wait3A_510 : memref<1x128xi32, #tpu.memory_space<vmem>>)
          "tpu.trace_stop"() : () -> ()
        } else {
        }
        %mul3A_281 = arith.constant 1 : i32
        %mul3A_282 = arith.muli %add3A_175, %mul3A_281 : i32
        %add3A_283 = arith.constant 0 : i32
        %add3A_284 = arith.addi %mul3A_282, %add3A_283 : i32
        %mul3A_285 = arith.constant 1 : i32
        %mul3A_286 = arith.muli %add3A_184, %mul3A_285 : i32
        %add3A_287 = arith.constant 0 : i32
        %add3A_288 = arith.addi %mul3A_286, %add3A_287 : i32
        %ne3A_289 = arith.cmpi ne, %add3A_284, %add3A_288 : i32
        %or3A_290 = arith.constant false
        %or3A_291 = arith.ori %or3A_290, %ne3A_289 : i1
        %or3A_292 = arith.constant false
        %or3A_293 = arith.ori %or3A_291, %or3A_292 : i1
        %or3A_294 = arith.ori %or3A_293, %eq3A_172 : i1
        %convert_element_type3A_295 = arith.extui %or3A_294 : i1 to i32
        %cond3A_296 = arith.constant 0 : i32
        %cond3A_297 = arith.cmpi ne, %convert_element_type3A_295, %cond3A_296 : i32
        scf.if %cond3A_297 {
          "tpu.trace_start"() <{level = 10 : i32, message = "ep_wait_in"}> : () -> ()
          %mul3A_491 = arith.constant 1 : i32
          %mul3A_492 = arith.muli %add3A_175, %mul3A_491 : i32
          %add3A_493 = arith.constant 0 : i32
          %add3A_494 = arith.addi %mul3A_492, %add3A_493 : i32
          %mul3A_495 = arith.constant 1 : i32
          %mul3A_496 = arith.muli %mul3A_495, %add3A_494 : i32
          %rem3A_497 = arith.constant 2 : i32
          %rem3A_498 = arith.remui %scan3A_167, %rem3A_497 : i32
          %dma_wait3A_499 = arith.constant 0 : i32
          %dma_wait3A_500 = arith.constant 0 : i32
          %dma_wait3A_501 = tpu.memref_slice %run_scoped3A_10[%rem3A_498, %dma_wait3A_499, %dma_wait3A_500] : memref<2x1x128xi32, #tpu.memory_space<vmem>> -> memref<1x1x128xi32, #tpu.memory_space<vmem>>
          %dma_wait3A_502 = tpu.memref_squeeze %dma_wait3A_501 : memref<1x1x128xi32, #tpu.memory_space<vmem>> -> memref<1x128xi32, #tpu.memory_space<vmem>>
          %dma_wait3A_503 = arith.constant 0 : i32
          %dma_wait3A_504 = tpu.memref_slice %arg5[%mul3A_496, %dma_wait3A_503] : memref<12800x128xi32, #tpu.memory_space<hbm>> -> memref<1x128xi32, #tpu.memory_space<hbm>>
          %dma_wait3A_505 = tpu.memref_slice %run_scoped3A_11[%rem3A_498] : memref<2x!tpu.dma_semaphore, #tpu.memory_space<semaphore_mem>> -> memref<1x!tpu.dma_semaphore, #tpu.memory_space<semaphore_mem>>
          %dma_wait3A_506 = tpu.memref_squeeze %dma_wait3A_505 : memref<1x!tpu.dma_semaphore, #tpu.memory_space<semaphore_mem>> -> memref<!tpu.dma_semaphore, #tpu.memory_space<semaphore_mem>>
          %dma_wait3A_507 = arith.constant 0 : i32
          %dma_wait3A_508 = arith.constant 0 : i32
          %dma_wait3A_509 = tpu.memref_slice %run_scoped3A_10[%rem3A_498, %dma_wait3A_507, %dma_wait3A_508] : memref<2x1x128xi32, #tpu.memory_space<vmem>> -> memref<1x1x128xi32, #tpu.memory_space<vmem>>
          %dma_wait3A_510 = tpu.memref_squeeze %dma_wait3A_509 : memref<1x1x128xi32, #tpu.memory_space<vmem>> -> memref<1x128xi32, #tpu.memory_space<vmem>>
          %dma_wait3A_511 = arith.constant 0 : i32
          %dma_wait3A_512 = tpu.memref_slice %arg5[%mul3A_496, %dma_wait3A_511] : memref<12800x128xi32, #tpu.memory_space<hbm>> -> memref<1x128xi32, #tpu.memory_space<hbm>>
          tpu.wait_dma2 semaphore(%dma_wait3A_506 : memref<!tpu.dma_semaphore, #tpu.memory_space<semaphore_mem>>) src(%dma_wait3A_512 : memref<1x128xi32, #tpu.memory_space<hbm>>) dst(%dma_wait3A_510 : memref<1x128xi32, #tpu.memory_space<vmem>>)
          "tpu.trace_stop"() : () -> ()
        } else {
        }
        %mul3A_298 = arith.constant 1 : i32
        %mul3A_299 = arith.muli %add3A_175, %mul3A_298 : i32
        %add3A_300 = arith.constant 0 : i32
        %add3A_301 = arith.addi %mul3A_299, %add3A_300 : i32
        %mul3A_302 = arith.constant 1 : i32
        %mul3A_303 = arith.muli %add3A_184, %mul3A_302 : i32
        %add3A_304 = arith.constant 0 : i32
        %add3A_305 = arith.addi %mul3A_303, %add3A_304 : i32
        %ne3A_306 = arith.cmpi ne, %add3A_301, %add3A_305 : i32
        %or3A_307 = arith.constant false
        %or3A_308 = arith.ori %or3A_307, %ne3A_306 : i1
        %or3A_309 = arith.ori %or3A_308, %eq3A_172 : i1
        %convert_element_type3A_310 = arith.extui %or3A_309 : i1 to i32
        %cond3A_311 = arith.constant 0 : i32
        %cond3A_312 = arith.cmpi ne, %convert_element_type3A_310, %cond3A_311 : i32
        scf.if %cond3A_312 {
        } else {
        }
        %rem3A_313 = arith.constant 2 : i32
        %rem3A_314 = arith.remui %scan3A_165, %rem3A_313 : i32
        %rem3A_315 = arith.constant 2 : i32
        %rem3A_316 = arith.remui %scan3A_167, %rem3A_315 : i32
        %rem3A_317 = arith.constant 2 : i32
        %rem3A_318 = arith.remui %scan3A_168, %rem3A_317 : i32
        %run_scoped3A_319 = arith.constant 0 : i32
        %run_scoped3A_320 = arith.constant 0 : i32
        "tpu.trace_start"() <{level = 10 : i32, message = "ep_run_kernel"}> : () -> ()
        "tpu.region"() ({
          %run_scoped3A_491 = tpu.sem_alloc : memref<!tpu.dma_semaphore, #tpu.memory_space<semaphore_mem>>
          %dma_start3A_492 = arith.constant 0 : i32
          %dma_start3A_493 = arith.constant 0 : i32
          %dma_start3A_494 = tpu.memref_slice %run_scoped3A_12[%rem3A_318, %dma_start3A_492, %dma_start3A_493] : memref<2x4x128xf32, #tpu.memory_space<vmem>> -> memref<1x4x128xf32, #tpu.memory_space<vmem>>
          %dma_start3A_495 = tpu.memref_squeeze %dma_start3A_494 : memref<1x4x128xf32, #tpu.memory_space<vmem>> -> memref<4x128xf32, #tpu.memory_space<vmem>>
          %dma_start3A_496 = arith.constant 0 : i32
          %dma_start3A_497 = tpu.memref_slice %dma_start3A_495[%run_scoped3A_320, %dma_start3A_496] : memref<4x128xf32, #tpu.memory_space<vmem>> -> memref<1x128xf32, #tpu.memory_space<vmem>>
          %dma_start3A_498 = tpu.memref_squeeze %dma_start3A_497 : memref<1x128xf32, #tpu.memory_space<vmem>> -> memref<128xf32, #tpu.memory_space<vmem>>
          %dma_start3A_499 = arith.constant 0 : i32
          %dma_start3A_500 = arith.constant 0 : i32
          %dma_start3A_501 = tpu.memref_slice %run_scoped3A[%rem3A_314, %dma_start3A_499, %dma_start3A_500] : memref<2x1x128xi32, #tpu.memory_space<vmem>> -> memref<1x1x128xi32, #tpu.memory_space<vmem>>
          %dma_start3A_502 = tpu.memref_squeeze %dma_start3A_501 : memref<1x1x128xi32, #tpu.memory_space<vmem>> -> memref<1x128xi32, #tpu.memory_space<vmem>>
          %dma_start3A_503 = arith.constant 0 : i32
          %dma_start3A_504 = tpu.memref_slice %dma_start3A_502[%run_scoped3A_319, %dma_start3A_503] : memref<1x128xi32, #tpu.memory_space<vmem>> -> memref<1x128xi32, #tpu.memory_space<vmem>>
          %dma_start3A_505 = tpu.memref_squeeze %dma_start3A_504 : memref<1x128xi32, #tpu.memory_space<vmem>> -> memref<128xi32, #tpu.memory_space<vmem>>
          %dma_start3A_506 = arith.constant 0 : i32
          %dma_start3A_507 = tpu.memref_slice %arg7[%dma_start3A_506] : memref<102400xf32, #tpu.memory_space<vmem_shared>> -> memref<102400xf32, #tpu.memory_space<vmem_shared>>
          tpu.enqueue_indirect_dma source(%dma_start3A_507 : memref<102400xf32, #tpu.memory_space<vmem_shared>>) target(%dma_start3A_498 : memref<128xf32, #tpu.memory_space<vmem>>) offsets(%dma_start3A_505 : memref<128xi32, #tpu.memory_space<vmem>>) semaphore(%run_scoped3A_491 : memref<!tpu.dma_semaphore, #tpu.memory_space<semaphore_mem>>)
          %dma_wait3A_508 = arith.constant 0 : i32
          %dma_wait3A_509 = arith.constant 0 : i32
          %dma_wait3A_510 = tpu.memref_slice %run_scoped3A_12[%rem3A_318, %dma_wait3A_508, %dma_wait3A_509] : memref<2x4x128xf32, #tpu.memory_space<vmem>> -> memref<1x4x128xf32, #tpu.memory_space<vmem>>
          %dma_wait3A_511 = tpu.memref_squeeze %dma_wait3A_510 : memref<1x4x128xf32, #tpu.memory_space<vmem>> -> memref<4x128xf32, #tpu.memory_space<vmem>>
          %dma_wait3A_512 = arith.constant 0 : i32
          %dma_wait3A_513 = tpu.memref_slice %dma_wait3A_511[%run_scoped3A_320, %dma_wait3A_512] : memref<4x128xf32, #tpu.memory_space<vmem>> -> memref<1x128xf32, #tpu.memory_space<vmem>>
          %dma_wait3A_514 = tpu.memref_squeeze %dma_wait3A_513 : memref<1x128xf32, #tpu.memory_space<vmem>> -> memref<128xf32, #tpu.memory_space<vmem>>
          %dma_wait3A_515 = arith.constant 0 : i32
          %dma_wait3A_516 = arith.constant 0 : i32
          %dma_wait3A_517 = tpu.memref_slice %run_scoped3A[%rem3A_314, %dma_wait3A_515, %dma_wait3A_516] : memref<2x1x128xi32, #tpu.memory_space<vmem>> -> memref<1x1x128xi32, #tpu.memory_space<vmem>>
          %dma_wait3A_518 = tpu.memref_squeeze %dma_wait3A_517 : memref<1x1x128xi32, #tpu.memory_space<vmem>> -> memref<1x128xi32, #tpu.memory_space<vmem>>
          %dma_wait3A_519 = arith.constant 0 : i32
          %dma_wait3A_520 = tpu.memref_slice %dma_wait3A_518[%run_scoped3A_319, %dma_wait3A_519] : memref<1x128xi32, #tpu.memory_space<vmem>> -> memref<1x128xi32, #tpu.memory_space<vmem>>
          %dma_wait3A_521 = tpu.memref_squeeze %dma_wait3A_520 : memref<1x128xi32, #tpu.memory_space<vmem>> -> memref<128xi32, #tpu.memory_space<vmem>>
          %dma_wait3A_522 = arith.constant 0 : i32
          %dma_wait3A_523 = tpu.memref_slice %arg7[%dma_wait3A_522] : memref<102400xf32, #tpu.memory_space<vmem_shared>> -> memref<102400xf32, #tpu.memory_space<vmem_shared>>
          tpu.wait_indirect_dma semaphore(%run_scoped3A_491 : memref<!tpu.dma_semaphore, #tpu.memory_space<semaphore_mem>>) src(%dma_wait3A_523 : memref<102400xf32, #tpu.memory_space<vmem_shared>>) dst(%dma_wait3A_514 : memref<128xf32, #tpu.memory_space<vmem>>)
          tpu.yield
        }) : () -> ()
        %run_scoped3A_321 = arith.constant 0 : i32
        %run_scoped3A_322 = arith.constant 2 : i32
        "tpu.region"() ({
          %run_scoped3A_491 = tpu.sem_alloc : memref<!tpu.dma_semaphore, #tpu.memory_space<semaphore_mem>>
          %dma_start3A_492 = arith.constant 0 : i32
          %dma_start3A_493 = arith.constant 0 : i32
          %dma_start3A_494 = tpu.memref_slice %run_scoped3A_12[%rem3A_318, %dma_start3A_492, %dma_start3A_493] : memref<2x4x128xf32, #tpu.memory_space<vmem>> -> memref<1x4x128xf32, #tpu.memory_space<vmem>>
          %dma_start3A_495 = tpu.memref_squeeze %dma_start3A_494 : memref<1x4x128xf32, #tpu.memory_space<vmem>> -> memref<4x128xf32, #tpu.memory_space<vmem>>
          %dma_start3A_496 = arith.constant 0 : i32
          %dma_start3A_497 = tpu.memref_slice %dma_start3A_495[%run_scoped3A_322, %dma_start3A_496] : memref<4x128xf32, #tpu.memory_space<vmem>> -> memref<1x128xf32, #tpu.memory_space<vmem>>
          %dma_start3A_498 = tpu.memref_squeeze %dma_start3A_497 : memref<1x128xf32, #tpu.memory_space<vmem>> -> memref<128xf32, #tpu.memory_space<vmem>>
          %dma_start3A_499 = arith.constant 0 : i32
          %dma_start3A_500 = arith.constant 0 : i32
          %dma_start3A_501 = tpu.memref_slice %run_scoped3A_10[%rem3A_316, %dma_start3A_499, %dma_start3A_500] : memref<2x1x128xi32, #tpu.memory_space<vmem>> -> memref<1x1x128xi32, #tpu.memory_space<vmem>>
          %dma_start3A_502 = tpu.memref_squeeze %dma_start3A_501 : memref<1x1x128xi32, #tpu.memory_space<vmem>> -> memref<1x128xi32, #tpu.memory_space<vmem>>
          %dma_start3A_503 = arith.constant 0 : i32
          %dma_start3A_504 = tpu.memref_slice %dma_start3A_502[%run_scoped3A_321, %dma_start3A_503] : memref<1x128xi32, #tpu.memory_space<vmem>> -> memref<1x128xi32, #tpu.memory_space<vmem>>
          %dma_start3A_505 = tpu.memref_squeeze %dma_start3A_504 : memref<1x128xi32, #tpu.memory_space<vmem>> -> memref<128xi32, #tpu.memory_space<vmem>>
          %dma_start3A_506 = arith.constant 0 : i32
          %dma_start3A_507 = tpu.memref_slice %arg7[%dma_start3A_506] : memref<102400xf32, #tpu.memory_space<vmem_shared>> -> memref<102400xf32, #tpu.memory_space<vmem_shared>>
          tpu.enqueue_indirect_dma source(%dma_start3A_507 : memref<102400xf32, #tpu.memory_space<vmem_shared>>) target(%dma_start3A_498 : memref<128xf32, #tpu.memory_space<vmem>>) offsets(%dma_start3A_505 : memref<128xi32, #tpu.memory_space<vmem>>) semaphore(%run_scoped3A_491 : memref<!tpu.dma_semaphore, #tpu.memory_space<semaphore_mem>>)
          %dma_wait3A_508 = arith.constant 0 : i32
          %dma_wait3A_509 = arith.constant 0 : i32
          %dma_wait3A_510 = tpu.memref_slice %run_scoped3A_12[%rem3A_318, %dma_wait3A_508, %dma_wait3A_509] : memref<2x4x128xf32, #tpu.memory_space<vmem>> -> memref<1x4x128xf32, #tpu.memory_space<vmem>>
          %dma_wait3A_511 = tpu.memref_squeeze %dma_wait3A_510 : memref<1x4x128xf32, #tpu.memory_space<vmem>> -> memref<4x128xf32, #tpu.memory_space<vmem>>
          %dma_wait3A_512 = arith.constant 0 : i32
          %dma_wait3A_513 = tpu.memref_slice %dma_wait3A_511[%run_scoped3A_322, %dma_wait3A_512] : memref<4x128xf32, #tpu.memory_space<vmem>> -> memref<1x128xf32, #tpu.memory_space<vmem>>
          %dma_wait3A_514 = tpu.memref_squeeze %dma_wait3A_513 : memref<1x128xf32, #tpu.memory_space<vmem>> -> memref<128xf32, #tpu.memory_space<vmem>>
          %dma_wait3A_515 = arith.constant 0 : i32
          %dma_wait3A_516 = arith.constant 0 : i32
          %dma_wait3A_517 = tpu.memref_slice %run_scoped3A_10[%rem3A_316, %dma_wait3A_515, %dma_wait3A_516] : memref<2x1x128xi32, #tpu.memory_space<vmem>> -> memref<1x1x128xi32, #tpu.memory_space<vmem>>
          %dma_wait3A_518 = tpu.memref_squeeze %dma_wait3A_517 : memref<1x1x128xi32, #tpu.memory_space<vmem>> -> memref<1x128xi32, #tpu.memory_space<vmem>>
          %dma_wait3A_519 = arith.constant 0 : i32
          %dma_wait3A_520 = tpu.memref_slice %dma_wait3A_518[%run_scoped3A_321, %dma_wait3A_519] : memref<1x128xi32, #tpu.memory_space<vmem>> -> memref<1x128xi32, #tpu.memory_space<vmem>>
          %dma_wait3A_521 = tpu.memref_squeeze %dma_wait3A_520 : memref<1x128xi32, #tpu.memory_space<vmem>> -> memref<128xi32, #tpu.memory_space<vmem>>
          %dma_wait3A_522 = arith.constant 0 : i32
          %dma_wait3A_523 = tpu.memref_slice %arg7[%dma_wait3A_522] : memref<102400xf32, #tpu.memory_space<vmem_shared>> -> memref<102400xf32, #tpu.memory_space<vmem_shared>>
          tpu.wait_indirect_dma semaphore(%run_scoped3A_491 : memref<!tpu.dma_semaphore, #tpu.memory_space<semaphore_mem>>) src(%dma_wait3A_523 : memref<102400xf32, #tpu.memory_space<vmem_shared>>) dst(%dma_wait3A_514 : memref<128xf32, #tpu.memory_space<vmem>>)
          tpu.yield
        }) : () -> ()
        %run_scoped3A_323 = arith.constant 0 : i32
        %run_scoped3A_324 = arith.constant 1 : i32
        "tpu.region"() ({
          %run_scoped3A_491 = tpu.sem_alloc : memref<!tpu.dma_semaphore, #tpu.memory_space<semaphore_mem>>
          %dma_start3A_492 = arith.constant 0 : i32
          %dma_start3A_493 = arith.constant 0 : i32
          %dma_start3A_494 = tpu.memref_slice %run_scoped3A_12[%rem3A_318, %dma_start3A_492, %dma_start3A_493] : memref<2x4x128xf32, #tpu.memory_space<vmem>> -> memref<1x4x128xf32, #tpu.memory_space<vmem>>
          %dma_start3A_495 = tpu.memref_squeeze %dma_start3A_494 : memref<1x4x128xf32, #tpu.memory_space<vmem>> -> memref<4x128xf32, #tpu.memory_space<vmem>>
          %dma_start3A_496 = arith.constant 0 : i32
          %dma_start3A_497 = tpu.memref_slice %dma_start3A_495[%run_scoped3A_324, %dma_start3A_496] : memref<4x128xf32, #tpu.memory_space<vmem>> -> memref<1x128xf32, #tpu.memory_space<vmem>>
          %dma_start3A_498 = tpu.memref_squeeze %dma_start3A_497 : memref<1x128xf32, #tpu.memory_space<vmem>> -> memref<128xf32, #tpu.memory_space<vmem>>
          %dma_start3A_499 = arith.constant 0 : i32
          %dma_start3A_500 = arith.constant 0 : i32
          %dma_start3A_501 = tpu.memref_slice %run_scoped3A[%rem3A_314, %dma_start3A_499, %dma_start3A_500] : memref<2x1x128xi32, #tpu.memory_space<vmem>> -> memref<1x1x128xi32, #tpu.memory_space<vmem>>
          %dma_start3A_502 = tpu.memref_squeeze %dma_start3A_501 : memref<1x1x128xi32, #tpu.memory_space<vmem>> -> memref<1x128xi32, #tpu.memory_space<vmem>>
          %dma_start3A_503 = arith.constant 0 : i32
          %dma_start3A_504 = tpu.memref_slice %dma_start3A_502[%run_scoped3A_323, %dma_start3A_503] : memref<1x128xi32, #tpu.memory_space<vmem>> -> memref<1x128xi32, #tpu.memory_space<vmem>>
          %dma_start3A_505 = tpu.memref_squeeze %dma_start3A_504 : memref<1x128xi32, #tpu.memory_space<vmem>> -> memref<128xi32, #tpu.memory_space<vmem>>
          %dma_start3A_506 = arith.constant 0 : i32
          %dma_start3A_507 = tpu.memref_slice %arg8[%dma_start3A_506] : memref<102400xf32, #tpu.memory_space<vmem_shared>> -> memref<102400xf32, #tpu.memory_space<vmem_shared>>
          tpu.enqueue_indirect_dma source(%dma_start3A_507 : memref<102400xf32, #tpu.memory_space<vmem_shared>>) target(%dma_start3A_498 : memref<128xf32, #tpu.memory_space<vmem>>) offsets(%dma_start3A_505 : memref<128xi32, #tpu.memory_space<vmem>>) semaphore(%run_scoped3A_491 : memref<!tpu.dma_semaphore, #tpu.memory_space<semaphore_mem>>)
          %dma_wait3A_508 = arith.constant 0 : i32
          %dma_wait3A_509 = arith.constant 0 : i32
          %dma_wait3A_510 = tpu.memref_slice %run_scoped3A_12[%rem3A_318, %dma_wait3A_508, %dma_wait3A_509] : memref<2x4x128xf32, #tpu.memory_space<vmem>> -> memref<1x4x128xf32, #tpu.memory_space<vmem>>
          %dma_wait3A_511 = tpu.memref_squeeze %dma_wait3A_510 : memref<1x4x128xf32, #tpu.memory_space<vmem>> -> memref<4x128xf32, #tpu.memory_space<vmem>>
          %dma_wait3A_512 = arith.constant 0 : i32
          %dma_wait3A_513 = tpu.memref_slice %dma_wait3A_511[%run_scoped3A_324, %dma_wait3A_512] : memref<4x128xf32, #tpu.memory_space<vmem>> -> memref<1x128xf32, #tpu.memory_space<vmem>>
          %dma_wait3A_514 = tpu.memref_squeeze %dma_wait3A_513 : memref<1x128xf32, #tpu.memory_space<vmem>> -> memref<128xf32, #tpu.memory_space<vmem>>
          %dma_wait3A_515 = arith.constant 0 : i32
          %dma_wait3A_516 = arith.constant 0 : i32
          %dma_wait3A_517 = tpu.memref_slice %run_scoped3A[%rem3A_314, %dma_wait3A_515, %dma_wait3A_516] : memref<2x1x128xi32, #tpu.memory_space<vmem>> -> memref<1x1x128xi32, #tpu.memory_space<vmem>>
          %dma_wait3A_518 = tpu.memref_squeeze %dma_wait3A_517 : memref<1x1x128xi32, #tpu.memory_space<vmem>> -> memref<1x128xi32, #tpu.memory_space<vmem>>
          %dma_wait3A_519 = arith.constant 0 : i32
          %dma_wait3A_520 = tpu.memref_slice %dma_wait3A_518[%run_scoped3A_323, %dma_wait3A_519] : memref<1x128xi32, #tpu.memory_space<vmem>> -> memref<1x128xi32, #tpu.memory_space<vmem>>
          %dma_wait3A_521 = tpu.memref_squeeze %dma_wait3A_520 : memref<1x128xi32, #tpu.memory_space<vmem>> -> memref<128xi32, #tpu.memory_space<vmem>>
          %dma_wait3A_522 = arith.constant 0 : i32
          %dma_wait3A_523 = tpu.memref_slice %arg8[%dma_wait3A_522] : memref<102400xf32, #tpu.memory_space<vmem_shared>> -> memref<102400xf32, #tpu.memory_space<vmem_shared>>
          tpu.wait_indirect_dma semaphore(%run_scoped3A_491 : memref<!tpu.dma_semaphore, #tpu.memory_space<semaphore_mem>>) src(%dma_wait3A_523 : memref<102400xf32, #tpu.memory_space<vmem_shared>>) dst(%dma_wait3A_514 : memref<128xf32, #tpu.memory_space<vmem>>)
          tpu.yield
        }) : () -> ()
        %run_scoped3A_325 = arith.constant 0 : i32
        %run_scoped3A_326 = arith.constant 3 : i32
        "tpu.region"() ({
          %run_scoped3A_491 = tpu.sem_alloc : memref<!tpu.dma_semaphore, #tpu.memory_space<semaphore_mem>>
          %dma_start3A_492 = arith.constant 0 : i32
          %dma_start3A_493 = arith.constant 0 : i32
          %dma_start3A_494 = tpu.memref_slice %run_scoped3A_12[%rem3A_318, %dma_start3A_492, %dma_start3A_493] : memref<2x4x128xf32, #tpu.memory_space<vmem>> -> memref<1x4x128xf32, #tpu.memory_space<vmem>>
          %dma_start3A_495 = tpu.memref_squeeze %dma_start3A_494 : memref<1x4x128xf32, #tpu.memory_space<vmem>> -> memref<4x128xf32, #tpu.memory_space<vmem>>
          %dma_start3A_496 = arith.constant 0 : i32
          %dma_start3A_497 = tpu.memref_slice %dma_start3A_495[%run_scoped3A_326, %dma_start3A_496] : memref<4x128xf32, #tpu.memory_space<vmem>> -> memref<1x128xf32, #tpu.memory_space<vmem>>
          %dma_start3A_498 = tpu.memref_squeeze %dma_start3A_497 : memref<1x128xf32, #tpu.memory_space<vmem>> -> memref<128xf32, #tpu.memory_space<vmem>>
          %dma_start3A_499 = arith.constant 0 : i32
          %dma_start3A_500 = arith.constant 0 : i32
          %dma_start3A_501 = tpu.memref_slice %run_scoped3A_10[%rem3A_316, %dma_start3A_499, %dma_start3A_500] : memref<2x1x128xi32, #tpu.memory_space<vmem>> -> memref<1x1x128xi32, #tpu.memory_space<vmem>>
          %dma_start3A_502 = tpu.memref_squeeze %dma_start3A_501 : memref<1x1x128xi32, #tpu.memory_space<vmem>> -> memref<1x128xi32, #tpu.memory_space<vmem>>
          %dma_start3A_503 = arith.constant 0 : i32
          %dma_start3A_504 = tpu.memref_slice %dma_start3A_502[%run_scoped3A_325, %dma_start3A_503] : memref<1x128xi32, #tpu.memory_space<vmem>> -> memref<1x128xi32, #tpu.memory_space<vmem>>
          %dma_start3A_505 = tpu.memref_squeeze %dma_start3A_504 : memref<1x128xi32, #tpu.memory_space<vmem>> -> memref<128xi32, #tpu.memory_space<vmem>>
          %dma_start3A_506 = arith.constant 0 : i32
          %dma_start3A_507 = tpu.memref_slice %arg8[%dma_start3A_506] : memref<102400xf32, #tpu.memory_space<vmem_shared>> -> memref<102400xf32, #tpu.memory_space<vmem_shared>>
          tpu.enqueue_indirect_dma source(%dma_start3A_507 : memref<102400xf32, #tpu.memory_space<vmem_shared>>) target(%dma_start3A_498 : memref<128xf32, #tpu.memory_space<vmem>>) offsets(%dma_start3A_505 : memref<128xi32, #tpu.memory_space<vmem>>) semaphore(%run_scoped3A_491 : memref<!tpu.dma_semaphore, #tpu.memory_space<semaphore_mem>>)
          %dma_wait3A_508 = arith.constant 0 : i32
          %dma_wait3A_509 = arith.constant 0 : i32
          %dma_wait3A_510 = tpu.memref_slice %run_scoped3A_12[%rem3A_318, %dma_wait3A_508, %dma_wait3A_509] : memref<2x4x128xf32, #tpu.memory_space<vmem>> -> memref<1x4x128xf32, #tpu.memory_space<vmem>>
          %dma_wait3A_511 = tpu.memref_squeeze %dma_wait3A_510 : memref<1x4x128xf32, #tpu.memory_space<vmem>> -> memref<4x128xf32, #tpu.memory_space<vmem>>
          %dma_wait3A_512 = arith.constant 0 : i32
          %dma_wait3A_513 = tpu.memref_slice %dma_wait3A_511[%run_scoped3A_326, %dma_wait3A_512] : memref<4x128xf32, #tpu.memory_space<vmem>> -> memref<1x128xf32, #tpu.memory_space<vmem>>
          %dma_wait3A_514 = tpu.memref_squeeze %dma_wait3A_513 : memref<1x128xf32, #tpu.memory_space<vmem>> -> memref<128xf32, #tpu.memory_space<vmem>>
          %dma_wait3A_515 = arith.constant 0 : i32
          %dma_wait3A_516 = arith.constant 0 : i32
          %dma_wait3A_517 = tpu.memref_slice %run_scoped3A_10[%rem3A_316, %dma_wait3A_515, %dma_wait3A_516] : memref<2x1x128xi32, #tpu.memory_space<vmem>> -> memref<1x1x128xi32, #tpu.memory_space<vmem>>
          %dma_wait3A_518 = tpu.memref_squeeze %dma_wait3A_517 : memref<1x1x128xi32, #tpu.memory_space<vmem>> -> memref<1x128xi32, #tpu.memory_space<vmem>>
          %dma_wait3A_519 = arith.constant 0 : i32
          %dma_wait3A_520 = tpu.memref_slice %dma_wait3A_518[%run_scoped3A_325, %dma_wait3A_519] : memref<1x128xi32, #tpu.memory_space<vmem>> -> memref<1x128xi32, #tpu.memory_space<vmem>>
          %dma_wait3A_521 = tpu.memref_squeeze %dma_wait3A_520 : memref<1x128xi32, #tpu.memory_space<vmem>> -> memref<128xi32, #tpu.memory_space<vmem>>
          %dma_wait3A_522 = arith.constant 0 : i32
          %dma_wait3A_523 = tpu.memref_slice %arg8[%dma_wait3A_522] : memref<102400xf32, #tpu.memory_space<vmem_shared>> -> memref<102400xf32, #tpu.memory_space<vmem_shared>>
          tpu.wait_indirect_dma semaphore(%run_scoped3A_491 : memref<!tpu.dma_semaphore, #tpu.memory_space<semaphore_mem>>) src(%dma_wait3A_523 : memref<102400xf32, #tpu.memory_space<vmem_shared>>) dst(%dma_wait3A_514 : memref<128xf32, #tpu.memory_space<vmem>>)
          tpu.yield
        }) : () -> ()
        "tpu.trace_stop"() : () -> ()
        %mul3A_327 = arith.constant 1 : i32
        %mul3A_328 = arith.muli %add3A_175, %mul3A_327 : i32
        %add3A_329 = arith.constant 0 : i32
        %add3A_330 = arith.addi %mul3A_328, %add3A_329 : i32
        %mul3A_331 = arith.constant 1 : i32
        %mul3A_332 = arith.muli %add3A_193, %mul3A_331 : i32
        %add3A_333 = arith.constant 0 : i32
        %add3A_334 = arith.addi %mul3A_332, %add3A_333 : i32
        %ne3A_335 = arith.cmpi ne, %add3A_330, %add3A_334 : i32
        %or3A_336 = arith.constant false
        %or3A_337 = arith.ori %or3A_336, %ne3A_335 : i1
        %or3A_338 = arith.constant false
        %or3A_339 = arith.ori %or3A_337, %or3A_338 : i1
        %or3A_340 = arith.ori %or3A_339, %eq3A_174 : i1
        %convert_element_type3A_341 = arith.extui %or3A_340 : i1 to i32
        %cond3A_342 = arith.constant 0 : i32
        %cond3A_343 = arith.cmpi ne, %convert_element_type3A_341, %cond3A_342 : i32
        scf.if %cond3A_343 {
        } else {
        }
        %and3A_344 = arith.constant false
        %and3A_345 = arith.andi %or3A_340, %and3A_344 : i1
        %mul3A_346 = arith.constant 1 : i32
        %mul3A_347 = arith.muli %add3A_175, %mul3A_346 : i32
        %add3A_348 = arith.constant 0 : i32
        %add3A_349 = arith.addi %mul3A_347, %add3A_348 : i32
        %mul3A_350 = arith.constant 1 : i32
        %mul3A_351 = arith.muli %add3A_193, %mul3A_350 : i32
        %add3A_352 = arith.constant 0 : i32
        %add3A_353 = arith.addi %mul3A_351, %add3A_352 : i32
        %ne3A_354 = arith.cmpi ne, %add3A_349, %add3A_353 : i32
        %or3A_355 = arith.constant false
        %or3A_356 = arith.ori %or3A_355, %ne3A_354 : i1
        %or3A_357 = arith.constant false
        %or3A_358 = arith.ori %or3A_356, %or3A_357 : i1
        %or3A_359 = arith.ori %or3A_358, %eq3A_174 : i1
        %convert_element_type3A_360 = arith.extui %or3A_359 : i1 to i32
        %cond3A_361 = arith.constant 0 : i32
        %cond3A_362 = arith.cmpi ne, %convert_element_type3A_360, %cond3A_361 : i32
        scf.if %cond3A_362 {
        } else {
        }
        %and3A_363 = arith.constant false
        %and3A_364 = arith.andi %or3A_359, %and3A_363 : i1
        %mul3A_365 = arith.constant 1 : i32
        %mul3A_366 = arith.muli %add3A_175, %mul3A_365 : i32
        %add3A_367 = arith.constant 0 : i32
        %add3A_368 = arith.addi %mul3A_366, %add3A_367 : i32
        %mul3A_369 = arith.constant 1 : i32
        %mul3A_370 = arith.muli %add3A_193, %mul3A_369 : i32
        %add3A_371 = arith.constant 0 : i32
        %add3A_372 = arith.addi %mul3A_370, %add3A_371 : i32
        %ne3A_373 = arith.cmpi ne, %add3A_368, %add3A_372 : i32
        %or3A_374 = arith.constant false
        %or3A_375 = arith.ori %or3A_374, %ne3A_373 : i1
        %or3A_376 = arith.ori %or3A_375, %eq3A_174 : i1
        %convert_element_type3A_377 = arith.extui %or3A_376 : i1 to i32
        %cond3A_378 = arith.constant 0 : i32
        %cond3A_379 = arith.cmpi ne, %convert_element_type3A_377, %cond3A_378 : i32
        scf.if %cond3A_379 {
          "tpu.trace_start"() <{level = 10 : i32, message = "ep_copy_out"}> : () -> ()
          %rem3A_491 = arith.constant 2 : i32
          %rem3A_492 = arith.remui %scan3A_168, %rem3A_491 : i32
          %mul3A_493 = arith.constant 1 : i32
          %mul3A_494 = arith.muli %add3A_175, %mul3A_493 : i32
          %add3A_495 = arith.constant 0 : i32
          %add3A_496 = arith.addi %mul3A_494, %add3A_495 : i32
          %mul3A_497 = arith.constant 128 : i32
          %mul3A_498 = arith.muli %mul3A_497, %add3A_496 : i32
          %dma_start3A_499 = arith.constant 0 : i32
          %dma_start3A_500 = arith.constant 0 : i32
          %dma_start3A_501 = tpu.memref_slice %run_scoped3A_12[%rem3A_492, %dma_start3A_499, %dma_start3A_500] : memref<2x4x128xf32, #tpu.memory_space<vmem>> -> memref<1x4x128xf32, #tpu.memory_space<vmem>>
          %dma_start3A_502 = tpu.memref_squeeze %dma_start3A_501 : memref<1x4x128xf32, #tpu.memory_space<vmem>> -> memref<4x128xf32, #tpu.memory_space<vmem>>
          %dma_start3A_503 = arith.constant 0 : i32
          %dma_start3A_504 = tpu.memref_slice %arg6[%dma_start3A_503, %mul3A_498] : memref<4x1638400xf32, #tpu.memory_space<hbm>> -> memref<4x128xf32, #tpu.memory_space<hbm>>
          %dma_start3A_505 = tpu.memref_slice %run_scoped3A_13[%rem3A_492] : memref<2x!tpu.dma_semaphore, #tpu.memory_space<semaphore_mem>> -> memref<1x!tpu.dma_semaphore, #tpu.memory_space<semaphore_mem>>
          %dma_start3A_506 = tpu.memref_squeeze %dma_start3A_505 : memref<1x!tpu.dma_semaphore, #tpu.memory_space<semaphore_mem>> -> memref<!tpu.dma_semaphore, #tpu.memory_space<semaphore_mem>>
          %dma_start3A_507 = arith.constant 0 : i32
          %dma_start3A_508 = tpu.memref_slice %arg6[%dma_start3A_507, %mul3A_498] : memref<4x1638400xf32, #tpu.memory_space<hbm>> -> memref<4x128xf32, #tpu.memory_space<hbm>>
          %dma_start3A_509 = arith.constant 0 : i32
          %dma_start3A_510 = arith.constant 0 : i32
          %dma_start3A_511 = tpu.memref_slice %run_scoped3A_12[%rem3A_492, %dma_start3A_509, %dma_start3A_510] : memref<2x4x128xf32, #tpu.memory_space<vmem>> -> memref<1x4x128xf32, #tpu.memory_space<vmem>>
          %dma_start3A_512 = tpu.memref_squeeze %dma_start3A_511 : memref<1x4x128xf32, #tpu.memory_space<vmem>> -> memref<4x128xf32, #tpu.memory_space<vmem>>
          tpu.enqueue_dma source(%dma_start3A_512 : memref<4x128xf32, #tpu.memory_space<vmem>>) target(%dma_start3A_508 : memref<4x128xf32, #tpu.memory_space<hbm>>) target_semaphore(%dma_start3A_506 : memref<!tpu.dma_semaphore, #tpu.memory_space<semaphore_mem>>)
          "tpu.trace_stop"() : () -> ()
        } else {
        }
        %and3A_380 = arith.constant true
        %and3A_381 = arith.andi %or3A_376, %and3A_380 : i1
        %add3A_382 = arith.constant 1 : i32
        %add3A_383 = arith.addi %scan3A_168, %add3A_382 : i32
        %select_n3A_384 = arith.select %and3A_381, %add3A_383, %scan3A_168 : i32
        %mul3A_385 = arith.constant 1 : i32
        %mul3A_386 = arith.muli %add3A_175, %mul3A_385 : i32
        %add3A_387 = arith.constant 0 : i32
        %add3A_388 = arith.addi %mul3A_386, %add3A_387 : i32
        %mul3A_389 = arith.constant 1 : i32
        %mul3A_390 = arith.muli %add3A_184, %mul3A_389 : i32
        %add3A_391 = arith.constant 0 : i32
        %add3A_392 = arith.addi %mul3A_390, %add3A_391 : i32
        %ne3A_393 = arith.cmpi ne, %add3A_388, %add3A_392 : i32
        %or3A_394 = arith.constant false
        %or3A_395 = arith.ori %or3A_394, %ne3A_393 : i1
        %or3A_396 = arith.constant false
        %or3A_397 = arith.ori %or3A_395, %or3A_396 : i1
        %not3A_398 = arith.constant true
        %not3A_399 = arith.xori %eq3A_172, %not3A_398 : i1
        %and3A_400 = arith.andi %or3A_397, %not3A_399 : i1
        %convert_element_type3A_401 = arith.extui %and3A_400 : i1 to i32
        %cond3A_402 = arith.constant 0 : i32
        %cond3A_403 = arith.cmpi ne, %convert_element_type3A_401, %cond3A_402 : i32
        scf.if %cond3A_403 {
        } else {
        }
        %and3A_404 = arith.constant false
        %and3A_405 = arith.andi %and3A_400, %and3A_404 : i1
        %mul3A_406 = arith.constant 1 : i32
        %mul3A_407 = arith.muli %add3A_175, %mul3A_406 : i32
        %add3A_408 = arith.constant 0 : i32
        %add3A_409 = arith.addi %mul3A_407, %add3A_408 : i32
        %mul3A_410 = arith.constant 1 : i32
        %mul3A_411 = arith.muli %add3A_184, %mul3A_410 : i32
        %add3A_412 = arith.constant 0 : i32
        %add3A_413 = arith.addi %mul3A_411, %add3A_412 : i32
        %ne3A_414 = arith.cmpi ne, %add3A_409, %add3A_413 : i32
        %or3A_415 = arith.constant false
        %or3A_416 = arith.ori %or3A_415, %ne3A_414 : i1
        %or3A_417 = arith.constant false
        %or3A_418 = arith.ori %or3A_416, %or3A_417 : i1
        %not3A_419 = arith.constant true
        %not3A_420 = arith.xori %eq3A_172, %not3A_419 : i1
        %and3A_421 = arith.andi %or3A_418, %not3A_420 : i1
        %convert_element_type3A_422 = arith.extui %and3A_421 : i1 to i32
        %cond3A_423 = arith.constant 0 : i32
        %cond3A_424 = arith.cmpi ne, %convert_element_type3A_422, %cond3A_423 : i32
        scf.if %cond3A_424 {
        } else {
        }
        %and3A_425 = arith.constant false
        %and3A_426 = arith.andi %and3A_421, %and3A_425 : i1
        %mul3A_427 = arith.constant 1 : i32
        %mul3A_428 = arith.muli %add3A_175, %mul3A_427 : i32
        %add3A_429 = arith.constant 0 : i32
        %add3A_430 = arith.addi %mul3A_428, %add3A_429 : i32
        %mul3A_431 = arith.constant 1 : i32
        %mul3A_432 = arith.muli %add3A_184, %mul3A_431 : i32
        %add3A_433 = arith.constant 0 : i32
        %add3A_434 = arith.addi %mul3A_432, %add3A_433 : i32
        %ne3A_435 = arith.cmpi ne, %add3A_430, %add3A_434 : i32
        %or3A_436 = arith.constant false
        %or3A_437 = arith.ori %or3A_436, %ne3A_435 : i1
        %not3A_438 = arith.constant true
        %not3A_439 = arith.xori %eq3A_172, %not3A_438 : i1
        %and3A_440 = arith.andi %or3A_437, %not3A_439 : i1
        %convert_element_type3A_441 = arith.extui %and3A_440 : i1 to i32
        %cond3A_442 = arith.constant 0 : i32
        %cond3A_443 = arith.cmpi ne, %convert_element_type3A_441, %cond3A_442 : i32
        scf.if %cond3A_443 {
          "tpu.trace_start"() <{level = 10 : i32, message = "ep_wait_out"}> : () -> ()
          %rem3A_491 = arith.constant 2 : i32
          %rem3A_492 = arith.remui %scan3A_169, %rem3A_491 : i32
          %mul3A_493 = arith.constant 1 : i32
          %mul3A_494 = arith.muli %add3A_184, %mul3A_493 : i32
          %add3A_495 = arith.constant 0 : i32
          %add3A_496 = arith.addi %mul3A_494, %add3A_495 : i32
          %mul3A_497 = arith.constant 128 : i32
          %mul3A_498 = arith.muli %mul3A_497, %add3A_496 : i32
          %dma_wait3A_499 = arith.constant 0 : i32
          %dma_wait3A_500 = arith.constant 0 : i32
          %dma_wait3A_501 = tpu.memref_slice %run_scoped3A_12[%rem3A_492, %dma_wait3A_499, %dma_wait3A_500] : memref<2x4x128xf32, #tpu.memory_space<vmem>> -> memref<1x4x128xf32, #tpu.memory_space<vmem>>
          %dma_wait3A_502 = tpu.memref_squeeze %dma_wait3A_501 : memref<1x4x128xf32, #tpu.memory_space<vmem>> -> memref<4x128xf32, #tpu.memory_space<vmem>>
          %dma_wait3A_503 = arith.constant 0 : i32
          %dma_wait3A_504 = tpu.memref_slice %arg6[%dma_wait3A_503, %mul3A_498] : memref<4x1638400xf32, #tpu.memory_space<hbm>> -> memref<4x128xf32, #tpu.memory_space<hbm>>
          %dma_wait3A_505 = tpu.memref_slice %run_scoped3A_13[%rem3A_492] : memref<2x!tpu.dma_semaphore, #tpu.memory_space<semaphore_mem>> -> memref<1x!tpu.dma_semaphore, #tpu.memory_space<semaphore_mem>>
          %dma_wait3A_506 = tpu.memref_squeeze %dma_wait3A_505 : memref<1x!tpu.dma_semaphore, #tpu.memory_space<semaphore_mem>> -> memref<!tpu.dma_semaphore, #tpu.memory_space<semaphore_mem>>
          %dma_wait3A_507 = arith.constant 0 : i32
          %dma_wait3A_508 = tpu.memref_slice %arg6[%dma_wait3A_507, %mul3A_498] : memref<4x1638400xf32, #tpu.memory_space<hbm>> -> memref<4x128xf32, #tpu.memory_space<hbm>>
          %dma_wait3A_509 = arith.constant 0 : i32
          %dma_wait3A_510 = arith.constant 0 : i32
          %dma_wait3A_511 = tpu.memref_slice %run_scoped3A_12[%rem3A_492, %dma_wait3A_509, %dma_wait3A_510] : memref<2x4x128xf32, #tpu.memory_space<vmem>> -> memref<1x4x128xf32, #tpu.memory_space<vmem>>
          %dma_wait3A_512 = tpu.memref_squeeze %dma_wait3A_511 : memref<1x4x128xf32, #tpu.memory_space<vmem>> -> memref<4x128xf32, #tpu.memory_space<vmem>>
          tpu.wait_dma2 semaphore(%dma_wait3A_506 : memref<!tpu.dma_semaphore, #tpu.memory_space<semaphore_mem>>) src(%dma_wait3A_512 : memref<4x128xf32, #tpu.memory_space<vmem>>) dst(%dma_wait3A_508 : memref<4x128xf32, #tpu.memory_space<hbm>>)
          "tpu.trace_stop"() : () -> ()
        } else {
        }
        %and3A_444 = arith.constant true
        %and3A_445 = arith.andi %and3A_440, %and3A_444 : i1
        %add3A_446 = arith.constant 1 : i32
        %add3A_447 = arith.addi %scan3A_169, %add3A_446 : i32
        %select_n3A_448 = arith.select %and3A_445, %add3A_447, %scan3A_169 : i32
        %mul3A_449 = arith.constant 1 : i32
        %mul3A_450 = arith.muli %add3A_175, %mul3A_449 : i32
        %add3A_451 = arith.constant 0 : i32
        %add3A_452 = arith.addi %mul3A_450, %add3A_451 : i32
        %mul3A_453 = arith.constant 1 : i32
        %mul3A_454 = arith.muli %add3A_193, %mul3A_453 : i32
        %add3A_455 = arith.constant 0 : i32
        %add3A_456 = arith.addi %mul3A_454, %add3A_455 : i32
        %ne3A_457 = arith.cmpi ne, %add3A_452, %add3A_456 : i32
        %or3A_458 = arith.constant false
        %or3A_459 = arith.ori %or3A_458, %ne3A_457 : i1
        %or3A_460 = arith.constant false
        %or3A_461 = arith.ori %or3A_459, %or3A_460 : i1
        %or3A_462 = arith.ori %or3A_461, %eq3A_174 : i1
        %add3A_463 = arith.constant 1 : i32
        %add3A_464 = arith.addi %scan3A_165, %add3A_463 : i32
        %select_n3A_465 = arith.select %or3A_462, %add3A_464, %scan3A_165 : i32
        %mul3A_466 = arith.constant 1 : i32
        %mul3A_467 = arith.muli %add3A_175, %mul3A_466 : i32
        %add3A_468 = arith.constant 0 : i32
        %add3A_469 = arith.addi %mul3A_467, %add3A_468 : i32
        %mul3A_470 = arith.constant 1 : i32
        %mul3A_471 = arith.muli %add3A_193, %mul3A_470 : i32
        %add3A_472 = arith.constant 0 : i32
        %add3A_473 = arith.addi %mul3A_471, %add3A_472 : i32
        %ne3A_474 = arith.cmpi ne, %add3A_469, %add3A_473 : i32
        %or3A_475 = arith.constant false
        %or3A_476 = arith.ori %or3A_475, %ne3A_474 : i1
        %or3A_477 = arith.constant false
        %or3A_478 = arith.ori %or3A_476, %or3A_477 : i1
        %or3A_479 = arith.ori %or3A_478, %eq3A_174 : i1
        %add3A_480 = arith.constant 1 : i32
        %add3A_481 = arith.addi %scan3A_167, %add3A_480 : i32
        %select_n3A_482 = arith.select %or3A_479, %add3A_481, %scan3A_167 : i32
        %add3A_483 = arith.constant 1 : i32
        %add3A_484 = arith.addi %scan3A_170, %add3A_483 : i32
        %select_n3A_485 = arith.constant true
        %select_n3A_486 = arith.select %select_n3A_485, %add3A_484, %scan3A_170 : i32
        %eq3A_487 = arith.constant 400 : i32
        %eq3A_488 = arith.cmpi eq, %select_n3A_486, %eq3A_487 : i32
        %select_n3A_489 = arith.constant 0 : i32
        %select_n3A_490 = arith.select %eq3A_488, %select_n3A_489, %select_n3A_486 : i32
        scf.yield %select_n3A_221, %select_n3A_465, %select_n3A_247, %select_n3A_482, %select_n3A_384, %select_n3A_448, %select_n3A_490 : i32, i32, i32, i32, i32, i32, i32
      }
      %scan3A_106 = arith.constant 400 : i32
      %sub3A = arith.constant 1 : i32
      %sub3A_107 = arith.subi %scan3A_105#6, %sub3A : i32
      %select_n3A_108 = arith.constant true
      %select_n3A_109 = arith.select %select_n3A_108, %sub3A_107, %scan3A_105#6 : i32
      %eq3A_110 = arith.constant -1 : i32
      %eq3A_111 = arith.cmpi eq, %select_n3A_109, %eq3A_110 : i32
      %select_n3A_112 = arith.constant 399 : i32
      %select_n3A_113 = arith.select %eq3A_111, %select_n3A_112, %select_n3A_109 : i32
      %add3A_114 = arith.addi %select_n3A_113, %mul3A_8 : i32
      %sub3A_115 = arith.constant 1 : i32
      %sub3A_116 = arith.subi %select_n3A_113, %sub3A_115 : i32
      %select_n3A_117 = arith.constant true
      %select_n3A_118 = arith.select %select_n3A_117, %sub3A_116, %select_n3A_113 : i32
      %eq3A_119 = arith.constant -1 : i32
      %eq3A_120 = arith.cmpi eq, %select_n3A_118, %eq3A_119 : i32
      %select_n3A_121 = arith.constant 399 : i32
      %select_n3A_122 = arith.select %eq3A_120, %select_n3A_121, %select_n3A_118 : i32
      %add3A_123 = arith.addi %select_n3A_122, %mul3A_8 : i32
      %add3A_124 = arith.constant 1 : i32
      %add3A_125 = arith.addi %select_n3A_113, %add3A_124 : i32
      %select_n3A_126 = arith.constant true
      %select_n3A_127 = arith.select %select_n3A_126, %add3A_125, %select_n3A_113 : i32
      %eq3A_128 = arith.constant 400 : i32
      %eq3A_129 = arith.cmpi eq, %select_n3A_127, %eq3A_128 : i32
      %select_n3A_130 = arith.constant 0 : i32
      %select_n3A_131 = arith.select %eq3A_129, %select_n3A_130, %select_n3A_127 : i32
      %add3A_132 = arith.addi %select_n3A_131, %mul3A_8 : i32
      %add3A_133 = arith.constant 1 : i32
      %add3A_134 = arith.addi %select_n3A_131, %add3A_133 : i32
      %select_n3A_135 = arith.constant true
      %select_n3A_136 = arith.select %select_n3A_135, %add3A_134, %select_n3A_131 : i32
      %eq3A_137 = arith.constant 400 : i32
      %eq3A_138 = arith.cmpi eq, %select_n3A_136, %eq3A_137 : i32
      %select_n3A_139 = arith.constant 0 : i32
      %select_n3A_140 = arith.select %eq3A_138, %select_n3A_139, %select_n3A_136 : i32
      %add3A_141 = arith.addi %select_n3A_140, %mul3A_8 : i32
      "tpu.trace_start"() <{level = 10 : i32, message = "ep_finalize"}> : () -> ()
      %rem3A_142 = arith.constant 2 : i32
      %rem3A_143 = arith.remui %scan3A_105#5, %rem3A_142 : i32
      %mul3A_144 = arith.constant 1 : i32
      %mul3A_145 = arith.muli %add3A_114, %mul3A_144 : i32
      %add3A_146 = arith.constant 0 : i32
      %add3A_147 = arith.addi %mul3A_145, %add3A_146 : i32
      %mul3A_148 = arith.constant 128 : i32
      %mul3A_149 = arith.muli %mul3A_148, %add3A_147 : i32
      %dma_wait3A = arith.constant 0 : i32
      %dma_wait3A_150 = arith.constant 0 : i32
      %dma_wait3A_151 = tpu.memref_slice %run_scoped3A_12[%rem3A_143, %dma_wait3A, %dma_wait3A_150] : memref<2x4x128xf32, #tpu.memory_space<vmem>> -> memref<1x4x128xf32, #tpu.memory_space<vmem>>
      %dma_wait3A_152 = tpu.memref_squeeze %dma_wait3A_151 : memref<1x4x128xf32, #tpu.memory_space<vmem>> -> memref<4x128xf32, #tpu.memory_space<vmem>>
      %dma_wait3A_153 = arith.constant 0 : i32
      %dma_wait3A_154 = tpu.memref_slice %arg6[%dma_wait3A_153, %mul3A_149] : memref<4x1638400xf32, #tpu.memory_space<hbm>> -> memref<4x128xf32, #tpu.memory_space<hbm>>
      %dma_wait3A_155 = tpu.memref_slice %run_scoped3A_13[%rem3A_143] : memref<2x!tpu.dma_semaphore, #tpu.memory_space<semaphore_mem>> -> memref<1x!tpu.dma_semaphore, #tpu.memory_space<semaphore_mem>>
      %dma_wait3A_156 = tpu.memref_squeeze %dma_wait3A_155 : memref<1x!tpu.dma_semaphore, #tpu.memory_space<semaphore_mem>> -> memref<!tpu.dma_semaphore, #tpu.memory_space<semaphore_mem>>
      %dma_wait3A_157 = arith.constant 0 : i32
      %dma_wait3A_158 = tpu.memref_slice %arg6[%dma_wait3A_157, %mul3A_149] : memref<4x1638400xf32, #tpu.memory_space<hbm>> -> memref<4x128xf32, #tpu.memory_space<hbm>>
      %dma_wait3A_159 = arith.constant 0 : i32
      %dma_wait3A_160 = arith.constant 0 : i32
      %dma_wait3A_161 = tpu.memref_slice %run_scoped3A_12[%rem3A_143, %dma_wait3A_159, %dma_wait3A_160] : memref<2x4x128xf32, #tpu.memory_space<vmem>> -> memref<1x4x128xf32, #tpu.memory_space<vmem>>
      %dma_wait3A_162 = tpu.memref_squeeze %dma_wait3A_161 : memref<1x4x128xf32, #tpu.memory_space<vmem>> -> memref<4x128xf32, #tpu.memory_space<vmem>>
      tpu.wait_dma2 semaphore(%dma_wait3A_156 : memref<!tpu.dma_semaphore, #tpu.memory_space<semaphore_mem>>) src(%dma_wait3A_162 : memref<4x128xf32, #tpu.memory_space<vmem>>) dst(%dma_wait3A_158 : memref<4x128xf32, #tpu.memory_space<hbm>>)
      "tpu.trace_stop"() : () -> ()
      tpu.yield
    }) : () -> ()
    return
  }
}

#map = affine_map<(d0, d1) -> (0)>
#map1 = affine_map<(d0, d1) -> (0, 0)>
module attributes {stable_mosaic.version = 14 : i64} {
  func.func @k(%arg0: i32, %arg1: i32, %arg2: memref<102400xf32, #tpu.memory_space<hbm>>, %arg3: memref<102400xf32, #tpu.memory_space<hbm>>, %arg4: memref<102400xf32, #tpu.memory_space<hbm>>, %arg5: memref<102400xf32, #tpu.memory_space<hbm>>, %arg6: memref<12800x128xi32, #tpu.memory_space<hbm>>, %arg7: memref<12800x128xi32, #tpu.memory_space<hbm>>, %arg8: memref<8x1638400xf32, #tpu.memory_space<hbm>>, %arg9: memref<102400xf32, #tpu.memory_space<vmem_shared>>, %arg10: memref<102400xf32, #tpu.memory_space<vmem_shared>>, %arg11: memref<102400xf32, #tpu.memory_space<vmem_shared>>, %arg12: memref<102400xf32, #tpu.memory_space<vmem_shared>>, %arg13: memref<6400xf32, #tpu.memory_space<vmem>>) attributes {dimension_semantics = [#tpu.dimension_semantics<core_parallel>, #tpu.dimension_semantics<subcore_parallel>], iteration_bounds = array<i64: 2, 16>, scalar_prefetch = 0 : i64, scratch_operands = 5 : i64, tpu.core_type = #tpu.core_type<sc_vector_subcore>, window_params = [{transform_indices = #map}, {transform_indices = #map}, {transform_indices = #map}, {transform_indices = #map}, {transform_indices = #map1}, {transform_indices = #map1}, {transform_indices = #map1}]} {
    %mul3A = arith.constant 6400 : i32
    %mul3A_0 = arith.muli %arg1, %mul3A : i32
    "tpu.region"() ({
      %run_scoped3A = tpu.sem_alloc : memref<!tpu.dma_semaphore, #tpu.memory_space<semaphore_mem>>
      %dma_start3A = tpu.memref_slice %arg2[%mul3A_0] : memref<102400xf32, #tpu.memory_space<hbm>> -> memref<6400xf32, #tpu.memory_space<hbm>>
      %dma_start3A_9 = tpu.memref_slice %arg2[%mul3A_0] : memref<102400xf32, #tpu.memory_space<hbm>> -> memref<6400xf32, #tpu.memory_space<hbm>>
      tpu.enqueue_dma source(%dma_start3A_9 : memref<6400xf32, #tpu.memory_space<hbm>>) target(%arg13 : memref<6400xf32, #tpu.memory_space<vmem>>) target_semaphore(%run_scoped3A : memref<!tpu.dma_semaphore, #tpu.memory_space<semaphore_mem>>)
      %dma_wait3A = tpu.memref_slice %arg2[%mul3A_0] : memref<102400xf32, #tpu.memory_space<hbm>> -> memref<6400xf32, #tpu.memory_space<hbm>>
      %dma_wait3A_10 = tpu.memref_slice %arg2[%mul3A_0] : memref<102400xf32, #tpu.memory_space<hbm>> -> memref<6400xf32, #tpu.memory_space<hbm>>
      tpu.wait_dma2 semaphore(%run_scoped3A : memref<!tpu.dma_semaphore, #tpu.memory_space<semaphore_mem>>) src(%dma_wait3A_10 : memref<6400xf32, #tpu.memory_space<hbm>>) dst(%arg13 : memref<6400xf32, #tpu.memory_space<vmem>>)
      tpu.yield
    }) : () -> ()
    "tpu.region"() ({
      %run_scoped3A = tpu.sem_alloc : memref<!tpu.dma_semaphore, #tpu.memory_space<semaphore_mem>>
      %dma_start3A = tpu.memref_slice %arg9[%mul3A_0] : memref<102400xf32, #tpu.memory_space<vmem_shared>> -> memref<6400xf32, #tpu.memory_space<vmem_shared>>
      %dma_start3A_9 = tpu.memref_slice %arg9[%mul3A_0] : memref<102400xf32, #tpu.memory_space<vmem_shared>> -> memref<6400xf32, #tpu.memory_space<vmem_shared>>
      tpu.enqueue_dma source(%arg13 : memref<6400xf32, #tpu.memory_space<vmem>>) target(%dma_start3A_9 : memref<6400xf32, #tpu.memory_space<vmem_shared>>) target_semaphore(%run_scoped3A : memref<!tpu.dma_semaphore, #tpu.memory_space<semaphore_mem>>)
      %dma_wait3A = tpu.memref_slice %arg9[%mul3A_0] : memref<102400xf32, #tpu.memory_space<vmem_shared>> -> memref<6400xf32, #tpu.memory_space<vmem_shared>>
      %dma_wait3A_10 = tpu.memref_slice %arg9[%mul3A_0] : memref<102400xf32, #tpu.memory_space<vmem_shared>> -> memref<6400xf32, #tpu.memory_space<vmem_shared>>
      tpu.wait_dma2 semaphore(%run_scoped3A : memref<!tpu.dma_semaphore, #tpu.memory_space<semaphore_mem>>) src(%arg13 : memref<6400xf32, #tpu.memory_space<vmem>>) dst(%dma_wait3A_10 : memref<6400xf32, #tpu.memory_space<vmem_shared>>)
      tpu.yield
    }) : () -> ()
    "tpu.region"() ({
      %run_scoped3A = tpu.sem_alloc : memref<!tpu.dma_semaphore, #tpu.memory_space<semaphore_mem>>
      %dma_start3A = tpu.memref_slice %arg3[%mul3A_0] : memref<102400xf32, #tpu.memory_space<hbm>> -> memref<6400xf32, #tpu.memory_space<hbm>>
      %dma_start3A_9 = tpu.memref_slice %arg3[%mul3A_0] : memref<102400xf32, #tpu.memory_space<hbm>> -> memref<6400xf32, #tpu.memory_space<hbm>>
      tpu.enqueue_dma source(%dma_start3A_9 : memref<6400xf32, #tpu.memory_space<hbm>>) target(%arg13 : memref<6400xf32, #tpu.memory_space<vmem>>) target_semaphore(%run_scoped3A : memref<!tpu.dma_semaphore, #tpu.memory_space<semaphore_mem>>)
      %dma_wait3A = tpu.memref_slice %arg3[%mul3A_0] : memref<102400xf32, #tpu.memory_space<hbm>> -> memref<6400xf32, #tpu.memory_space<hbm>>
      %dma_wait3A_10 = tpu.memref_slice %arg3[%mul3A_0] : memref<102400xf32, #tpu.memory_space<hbm>> -> memref<6400xf32, #tpu.memory_space<hbm>>
      tpu.wait_dma2 semaphore(%run_scoped3A : memref<!tpu.dma_semaphore, #tpu.memory_space<semaphore_mem>>) src(%dma_wait3A_10 : memref<6400xf32, #tpu.memory_space<hbm>>) dst(%arg13 : memref<6400xf32, #tpu.memory_space<vmem>>)
      tpu.yield
    }) : () -> ()
    "tpu.region"() ({
      %run_scoped3A = tpu.sem_alloc : memref<!tpu.dma_semaphore, #tpu.memory_space<semaphore_mem>>
      %dma_start3A = tpu.memref_slice %arg10[%mul3A_0] : memref<102400xf32, #tpu.memory_space<vmem_shared>> -> memref<6400xf32, #tpu.memory_space<vmem_shared>>
      %dma_start3A_9 = tpu.memref_slice %arg10[%mul3A_0] : memref<102400xf32, #tpu.memory_space<vmem_shared>> -> memref<6400xf32, #tpu.memory_space<vmem_shared>>
      tpu.enqueue_dma source(%arg13 : memref<6400xf32, #tpu.memory_space<vmem>>) target(%dma_start3A_9 : memref<6400xf32, #tpu.memory_space<vmem_shared>>) target_semaphore(%run_scoped3A : memref<!tpu.dma_semaphore, #tpu.memory_space<semaphore_mem>>)
      %dma_wait3A = tpu.memref_slice %arg10[%mul3A_0] : memref<102400xf32, #tpu.memory_space<vmem_shared>> -> memref<6400xf32, #tpu.memory_space<vmem_shared>>
      %dma_wait3A_10 = tpu.memref_slice %arg10[%mul3A_0] : memref<102400xf32, #tpu.memory_space<vmem_shared>> -> memref<6400xf32, #tpu.memory_space<vmem_shared>>
      tpu.wait_dma2 semaphore(%run_scoped3A : memref<!tpu.dma_semaphore, #tpu.memory_space<semaphore_mem>>) src(%arg13 : memref<6400xf32, #tpu.memory_space<vmem>>) dst(%dma_wait3A_10 : memref<6400xf32, #tpu.memory_space<vmem_shared>>)
      tpu.yield
    }) : () -> ()
    "tpu.region"() ({
      %run_scoped3A = tpu.sem_alloc : memref<!tpu.dma_semaphore, #tpu.memory_space<semaphore_mem>>
      %dma_start3A = tpu.memref_slice %arg4[%mul3A_0] : memref<102400xf32, #tpu.memory_space<hbm>> -> memref<6400xf32, #tpu.memory_space<hbm>>
      %dma_start3A_9 = tpu.memref_slice %arg4[%mul3A_0] : memref<102400xf32, #tpu.memory_space<hbm>> -> memref<6400xf32, #tpu.memory_space<hbm>>
      tpu.enqueue_dma source(%dma_start3A_9 : memref<6400xf32, #tpu.memory_space<hbm>>) target(%arg13 : memref<6400xf32, #tpu.memory_space<vmem>>) target_semaphore(%run_scoped3A : memref<!tpu.dma_semaphore, #tpu.memory_space<semaphore_mem>>)
      %dma_wait3A = tpu.memref_slice %arg4[%mul3A_0] : memref<102400xf32, #tpu.memory_space<hbm>> -> memref<6400xf32, #tpu.memory_space<hbm>>
      %dma_wait3A_10 = tpu.memref_slice %arg4[%mul3A_0] : memref<102400xf32, #tpu.memory_space<hbm>> -> memref<6400xf32, #tpu.memory_space<hbm>>
      tpu.wait_dma2 semaphore(%run_scoped3A : memref<!tpu.dma_semaphore, #tpu.memory_space<semaphore_mem>>) src(%dma_wait3A_10 : memref<6400xf32, #tpu.memory_space<hbm>>) dst(%arg13 : memref<6400xf32, #tpu.memory_space<vmem>>)
      tpu.yield
    }) : () -> ()
    "tpu.region"() ({
      %run_scoped3A = tpu.sem_alloc : memref<!tpu.dma_semaphore, #tpu.memory_space<semaphore_mem>>
      %dma_start3A = tpu.memref_slice %arg11[%mul3A_0] : memref<102400xf32, #tpu.memory_space<vmem_shared>> -> memref<6400xf32, #tpu.memory_space<vmem_shared>>
      %dma_start3A_9 = tpu.memref_slice %arg11[%mul3A_0] : memref<102400xf32, #tpu.memory_space<vmem_shared>> -> memref<6400xf32, #tpu.memory_space<vmem_shared>>
      tpu.enqueue_dma source(%arg13 : memref<6400xf32, #tpu.memory_space<vmem>>) target(%dma_start3A_9 : memref<6400xf32, #tpu.memory_space<vmem_shared>>) target_semaphore(%run_scoped3A : memref<!tpu.dma_semaphore, #tpu.memory_space<semaphore_mem>>)
      %dma_wait3A = tpu.memref_slice %arg11[%mul3A_0] : memref<102400xf32, #tpu.memory_space<vmem_shared>> -> memref<6400xf32, #tpu.memory_space<vmem_shared>>
      %dma_wait3A_10 = tpu.memref_slice %arg11[%mul3A_0] : memref<102400xf32, #tpu.memory_space<vmem_shared>> -> memref<6400xf32, #tpu.memory_space<vmem_shared>>
      tpu.wait_dma2 semaphore(%run_scoped3A : memref<!tpu.dma_semaphore, #tpu.memory_space<semaphore_mem>>) src(%arg13 : memref<6400xf32, #tpu.memory_space<vmem>>) dst(%dma_wait3A_10 : memref<6400xf32, #tpu.memory_space<vmem_shared>>)
      tpu.yield
    }) : () -> ()
    "tpu.region"() ({
      %run_scoped3A = tpu.sem_alloc : memref<!tpu.dma_semaphore, #tpu.memory_space<semaphore_mem>>
      %dma_start3A = tpu.memref_slice %arg5[%mul3A_0] : memref<102400xf32, #tpu.memory_space<hbm>> -> memref<6400xf32, #tpu.memory_space<hbm>>
      %dma_start3A_9 = tpu.memref_slice %arg5[%mul3A_0] : memref<102400xf32, #tpu.memory_space<hbm>> -> memref<6400xf32, #tpu.memory_space<hbm>>
      tpu.enqueue_dma source(%dma_start3A_9 : memref<6400xf32, #tpu.memory_space<hbm>>) target(%arg13 : memref<6400xf32, #tpu.memory_space<vmem>>) target_semaphore(%run_scoped3A : memref<!tpu.dma_semaphore, #tpu.memory_space<semaphore_mem>>)
      %dma_wait3A = tpu.memref_slice %arg5[%mul3A_0] : memref<102400xf32, #tpu.memory_space<hbm>> -> memref<6400xf32, #tpu.memory_space<hbm>>
      %dma_wait3A_10 = tpu.memref_slice %arg5[%mul3A_0] : memref<102400xf32, #tpu.memory_space<hbm>> -> memref<6400xf32, #tpu.memory_space<hbm>>
      tpu.wait_dma2 semaphore(%run_scoped3A : memref<!tpu.dma_semaphore, #tpu.memory_space<semaphore_mem>>) src(%dma_wait3A_10 : memref<6400xf32, #tpu.memory_space<hbm>>) dst(%arg13 : memref<6400xf32, #tpu.memory_space<vmem>>)
      tpu.yield
    }) : () -> ()
    "tpu.region"() ({
      %run_scoped3A = tpu.sem_alloc : memref<!tpu.dma_semaphore, #tpu.memory_space<semaphore_mem>>
      %dma_start3A = tpu.memref_slice %arg12[%mul3A_0] : memref<102400xf32, #tpu.memory_space<vmem_shared>> -> memref<6400xf32, #tpu.memory_space<vmem_shared>>
      %dma_start3A_9 = tpu.memref_slice %arg12[%mul3A_0] : memref<102400xf32, #tpu.memory_space<vmem_shared>> -> memref<6400xf32, #tpu.memory_space<vmem_shared>>
      tpu.enqueue_dma source(%arg13 : memref<6400xf32, #tpu.memory_space<vmem>>) target(%dma_start3A_9 : memref<6400xf32, #tpu.memory_space<vmem_shared>>) target_semaphore(%run_scoped3A : memref<!tpu.dma_semaphore, #tpu.memory_space<semaphore_mem>>)
      %dma_wait3A = tpu.memref_slice %arg12[%mul3A_0] : memref<102400xf32, #tpu.memory_space<vmem_shared>> -> memref<6400xf32, #tpu.memory_space<vmem_shared>>
      %dma_wait3A_10 = tpu.memref_slice %arg12[%mul3A_0] : memref<102400xf32, #tpu.memory_space<vmem_shared>> -> memref<6400xf32, #tpu.memory_space<vmem_shared>>
      tpu.wait_dma2 semaphore(%run_scoped3A : memref<!tpu.dma_semaphore, #tpu.memory_space<semaphore_mem>>) src(%arg13 : memref<6400xf32, #tpu.memory_space<vmem>>) dst(%dma_wait3A_10 : memref<6400xf32, #tpu.memory_space<vmem_shared>>)
      tpu.yield
    }) : () -> ()
    %barrier3A = arith.constant 0 : index
    tpu.barrier barrier_id(%barrier3A)
    %mul3A_1 = arith.constant 1 : i32
    %mul3A_2 = arith.muli %arg1, %mul3A_1 : i32
    %add3A = arith.constant 0 : i32
    %add3A_3 = arith.addi %add3A, %mul3A_2 : i32
    %mul3A_4 = arith.constant 16 : i32
    %mul3A_5 = arith.muli %arg0, %mul3A_4 : i32
    %add3A_6 = arith.addi %add3A_3, %mul3A_5 : i32
    %mul3A_7 = arith.constant 400 : i32
    %mul3A_8 = arith.muli %add3A_6, %mul3A_7 : i32
    "tpu.region"() ({
      %run_scoped3A = memref.alloca() : memref<2x1x128xi32, #tpu.memory_space<vmem>>
      %run_scoped3A_9 = tpu.sem_alloc : memref<2x!tpu.dma_semaphore, #tpu.memory_space<semaphore_mem>>
      %run_scoped3A_10 = memref.alloca() : memref<2x1x128xi32, #tpu.memory_space<vmem>>
      %run_scoped3A_11 = tpu.sem_alloc : memref<2x!tpu.dma_semaphore, #tpu.memory_space<semaphore_mem>>
      %run_scoped3A_12 = memref.alloca() : memref<2x8x128xf32, #tpu.memory_space<vmem>>
      %run_scoped3A_13 = tpu.sem_alloc : memref<2x!tpu.dma_semaphore, #tpu.memory_space<semaphore_mem>>
      %add3A_14 = arith.constant 0 : i32
      %add3A_15 = arith.addi %add3A_14, %mul3A_8 : i32
      %select_n3A = arith.constant true
      %select_n3A_16 = arith.constant 0 : i32
      %select_n3A_17 = arith.constant -1 : i32
      %select_n3A_18 = arith.select %select_n3A, %select_n3A_17, %select_n3A_16 : i32
      %eq3A = arith.constant -1 : i32
      %eq3A_19 = arith.cmpi eq, %select_n3A_18, %eq3A : i32
      %select_n3A_20 = arith.constant 399 : i32
      %select_n3A_21 = arith.select %eq3A_19, %select_n3A_20, %select_n3A_18 : i32
      %add3A_22 = arith.addi %select_n3A_21, %mul3A_8 : i32
      %select_n3A_23 = arith.constant true
      %select_n3A_24 = arith.constant 0 : i32
      %select_n3A_25 = arith.constant 1 : i32
      %select_n3A_26 = arith.select %select_n3A_23, %select_n3A_25, %select_n3A_24 : i32
      %eq3A_27 = arith.constant 400 : i32
      %eq3A_28 = arith.cmpi eq, %select_n3A_26, %eq3A_27 : i32
      %select_n3A_29 = arith.constant 0 : i32
      %select_n3A_30 = arith.select %eq3A_28, %select_n3A_29, %select_n3A_26 : i32
      %add3A_31 = arith.addi %select_n3A_30, %mul3A_8 : i32
      %add3A_32 = arith.constant 1 : i32
      %add3A_33 = arith.addi %select_n3A_30, %add3A_32 : i32
      %select_n3A_34 = arith.constant true
      %select_n3A_35 = arith.select %select_n3A_34, %add3A_33, %select_n3A_30 : i32
      %eq3A_36 = arith.constant 400 : i32
      %eq3A_37 = arith.cmpi eq, %select_n3A_35, %eq3A_36 : i32
      %select_n3A_38 = arith.constant 0 : i32
      %select_n3A_39 = arith.select %eq3A_37, %select_n3A_38, %select_n3A_35 : i32
      %add3A_40 = arith.addi %select_n3A_39, %mul3A_8 : i32
      "tpu.trace_start"() <{level = 10 : i32, message = "ep_initialize_0"}> : () -> ()
      %rem3A = arith.constant 0 : i32
      %rem3A_41 = arith.constant 2 : i32
      %rem3A_42 = arith.remui %rem3A, %rem3A_41 : i32
      %mul3A_43 = arith.constant 1 : i32
      %mul3A_44 = arith.muli %add3A_15, %mul3A_43 : i32
      %add3A_45 = arith.constant 0 : i32
      %add3A_46 = arith.addi %mul3A_44, %add3A_45 : i32
      %mul3A_47 = arith.constant 1 : i32
      %mul3A_48 = arith.muli %mul3A_47, %add3A_46 : i32
      %dma_start3A = arith.constant 0 : i32
      %dma_start3A_49 = arith.constant 0 : i32
      %dma_start3A_50 = tpu.memref_slice %run_scoped3A[%rem3A_42, %dma_start3A, %dma_start3A_49] : memref<2x1x128xi32, #tpu.memory_space<vmem>> -> memref<1x1x128xi32, #tpu.memory_space<vmem>>
      %dma_start3A_51 = tpu.memref_squeeze %dma_start3A_50 : memref<1x1x128xi32, #tpu.memory_space<vmem>> -> memref<1x128xi32, #tpu.memory_space<vmem>>
      %dma_start3A_52 = arith.constant 0 : i32
      %dma_start3A_53 = tpu.memref_slice %arg6[%mul3A_48, %dma_start3A_52] : memref<12800x128xi32, #tpu.memory_space<hbm>> -> memref<1x128xi32, #tpu.memory_space<hbm>>
      %dma_start3A_54 = tpu.memref_slice %run_scoped3A_9[%rem3A_42] : memref<2x!tpu.dma_semaphore, #tpu.memory_space<semaphore_mem>> -> memref<1x!tpu.dma_semaphore, #tpu.memory_space<semaphore_mem>>
      %dma_start3A_55 = tpu.memref_squeeze %dma_start3A_54 : memref<1x!tpu.dma_semaphore, #tpu.memory_space<semaphore_mem>> -> memref<!tpu.dma_semaphore, #tpu.memory_space<semaphore_mem>>
      %dma_start3A_56 = arith.constant 0 : i32
      %dma_start3A_57 = arith.constant 0 : i32
      %dma_start3A_58 = tpu.memref_slice %run_scoped3A[%rem3A_42, %dma_start3A_56, %dma_start3A_57] : memref<2x1x128xi32, #tpu.memory_space<vmem>> -> memref<1x1x128xi32, #tpu.memory_space<vmem>>
      %dma_start3A_59 = tpu.memref_squeeze %dma_start3A_58 : memref<1x1x128xi32, #tpu.memory_space<vmem>> -> memref<1x128xi32, #tpu.memory_space<vmem>>
      %dma_start3A_60 = arith.constant 0 : i32
      %dma_start3A_61 = tpu.memref_slice %arg6[%mul3A_48, %dma_start3A_60] : memref<12800x128xi32, #tpu.memory_space<hbm>> -> memref<1x128xi32, #tpu.memory_space<hbm>>
      tpu.enqueue_dma source(%dma_start3A_61 : memref<1x128xi32, #tpu.memory_space<hbm>>) target(%dma_start3A_59 : memref<1x128xi32, #tpu.memory_space<vmem>>) target_semaphore(%dma_start3A_55 : memref<!tpu.dma_semaphore, #tpu.memory_space<semaphore_mem>>)
      %add3A_62 = arith.constant 0 : i32
      %add3A_63 = arith.constant 1 : i32
      %add3A_64 = arith.addi %add3A_62, %add3A_63 : i32
      %select_n3A_65 = arith.constant true
      %select_n3A_66 = arith.constant 0 : i32
      %select_n3A_67 = arith.select %select_n3A_65, %add3A_64, %select_n3A_66 : i32
      %rem3A_68 = arith.constant 0 : i32
      %rem3A_69 = arith.constant 2 : i32
      %rem3A_70 = arith.remui %rem3A_68, %rem3A_69 : i32
      %mul3A_71 = arith.constant 1 : i32
      %mul3A_72 = arith.muli %add3A_15, %mul3A_71 : i32
      %add3A_73 = arith.constant 0 : i32
      %add3A_74 = arith.addi %mul3A_72, %add3A_73 : i32
      %mul3A_75 = arith.constant 1 : i32
      %mul3A_76 = arith.muli %mul3A_75, %add3A_74 : i32
      %dma_start3A_77 = arith.constant 0 : i32
      %dma_start3A_78 = arith.constant 0 : i32
      %dma_start3A_79 = tpu.memref_slice %run_scoped3A_10[%rem3A_70, %dma_start3A_77, %dma_start3A_78] : memref<2x1x128xi32, #tpu.memory_space<vmem>> -> memref<1x1x128xi32, #tpu.memory_space<vmem>>
      %dma_start3A_80 = tpu.memref_squeeze %dma_start3A_79 : memref<1x1x128xi32, #tpu.memory_space<vmem>> -> memref<1x128xi32, #tpu.memory_space<vmem>>
      %dma_start3A_81 = arith.constant 0 : i32
      %dma_start3A_82 = tpu.memref_slice %arg7[%mul3A_76, %dma_start3A_81] : memref<12800x128xi32, #tpu.memory_space<hbm>> -> memref<1x128xi32, #tpu.memory_space<hbm>>
      %dma_start3A_83 = tpu.memref_slice %run_scoped3A_11[%rem3A_70] : memref<2x!tpu.dma_semaphore, #tpu.memory_space<semaphore_mem>> -> memref<1x!tpu.dma_semaphore, #tpu.memory_space<semaphore_mem>>
      %dma_start3A_84 = tpu.memref_squeeze %dma_start3A_83 : memref<1x!tpu.dma_semaphore, #tpu.memory_space<semaphore_mem>> -> memref<!tpu.dma_semaphore, #tpu.memory_space<semaphore_mem>>
      %dma_start3A_85 = arith.constant 0 : i32
      %dma_start3A_86 = arith.constant 0 : i32
      %dma_start3A_87 = tpu.memref_slice %run_scoped3A_10[%rem3A_70, %dma_start3A_85, %dma_start3A_86] : memref<2x1x128xi32, #tpu.memory_space<vmem>> -> memref<1x1x128xi32, #tpu.memory_space<vmem>>
      %dma_start3A_88 = tpu.memref_squeeze %dma_start3A_87 : memref<1x1x128xi32, #tpu.memory_space<vmem>> -> memref<1x128xi32, #tpu.memory_space<vmem>>
      %dma_start3A_89 = arith.constant 0 : i32
      %dma_start3A_90 = tpu.memref_slice %arg7[%mul3A_76, %dma_start3A_89] : memref<12800x128xi32, #tpu.memory_space<hbm>> -> memref<1x128xi32, #tpu.memory_space<hbm>>
      tpu.enqueue_dma source(%dma_start3A_90 : memref<1x128xi32, #tpu.memory_space<hbm>>) target(%dma_start3A_88 : memref<1x128xi32, #tpu.memory_space<vmem>>) target_semaphore(%dma_start3A_84 : memref<!tpu.dma_semaphore, #tpu.memory_space<semaphore_mem>>)
      %add3A_91 = arith.constant 0 : i32
      %add3A_92 = arith.constant 1 : i32
      %add3A_93 = arith.addi %add3A_91, %add3A_92 : i32
      %select_n3A_94 = arith.constant true
      %select_n3A_95 = arith.constant 0 : i32
      %select_n3A_96 = arith.select %select_n3A_94, %add3A_93, %select_n3A_95 : i32
      "tpu.trace_stop"() : () -> ()
      %scan3A = arith.constant 0 : i32
      %scan3A_97 = arith.constant 0 : i32
      %scan3A_98 = arith.constant 0 : i32
      %scan3A_99 = arith.constant 0 : i32
      %scan3A_100 = arith.constant 0 : i32
      %scan3A_101 = arith.constant 0 : i32
      %scan3A_102 = arith.constant 400 : i32
      %scan3A_103 = arith.addi %scan3A_101, %scan3A_102 : i32
      %scan3A_104 = arith.constant 1 : i32
      %scan3A_105:7 = scf.for %scan3A_163 = %scan3A_101 to %scan3A_103 step %scan3A_104 iter_args(%scan3A_164 = %select_n3A_67, %scan3A_165 = %scan3A, %scan3A_166 = %select_n3A_96, %scan3A_167 = %scan3A_97, %scan3A_168 = %scan3A_98, %scan3A_169 = %scan3A_99, %scan3A_170 = %scan3A_100) -> (i32, i32, i32, i32, i32, i32, i32)  : i32 {
        %eq3A_171 = arith.constant 0 : i32
        %eq3A_172 = arith.cmpi eq, %scan3A_163, %eq3A_171 : i32
        %eq3A_173 = arith.constant 399 : i32
        %eq3A_174 = arith.cmpi eq, %scan3A_163, %eq3A_173 : i32
        %add3A_175 = arith.addi %scan3A_170, %mul3A_8 : i32
        %sub3A_176 = arith.constant 1 : i32
        %sub3A_177 = arith.subi %scan3A_170, %sub3A_176 : i32
        %select_n3A_178 = arith.constant true
        %select_n3A_179 = arith.select %select_n3A_178, %sub3A_177, %scan3A_170 : i32
        %eq3A_180 = arith.constant -1 : i32
        %eq3A_181 = arith.cmpi eq, %select_n3A_179, %eq3A_180 : i32
        %select_n3A_182 = arith.constant 399 : i32
        %select_n3A_183 = arith.select %eq3A_181, %select_n3A_182, %select_n3A_179 : i32
        %add3A_184 = arith.addi %select_n3A_183, %mul3A_8 : i32
        %add3A_185 = arith.constant 1 : i32
        %add3A_186 = arith.addi %scan3A_170, %add3A_185 : i32
        %select_n3A_187 = arith.constant true
        %select_n3A_188 = arith.select %select_n3A_187, %add3A_186, %scan3A_170 : i32
        %eq3A_189 = arith.constant 400 : i32
        %eq3A_190 = arith.cmpi eq, %select_n3A_188, %eq3A_189 : i32
        %select_n3A_191 = arith.constant 0 : i32
        %select_n3A_192 = arith.select %eq3A_190, %select_n3A_191, %select_n3A_188 : i32
        %add3A_193 = arith.addi %select_n3A_192, %mul3A_8 : i32
        %add3A_194 = arith.constant 1 : i32
        %add3A_195 = arith.addi %select_n3A_192, %add3A_194 : i32
        %select_n3A_196 = arith.constant true
        %select_n3A_197 = arith.select %select_n3A_196, %add3A_195, %select_n3A_192 : i32
        %eq3A_198 = arith.constant 400 : i32
        %eq3A_199 = arith.cmpi eq, %select_n3A_197, %eq3A_198 : i32
        %select_n3A_200 = arith.constant 0 : i32
        %select_n3A_201 = arith.select %eq3A_199, %select_n3A_200, %select_n3A_197 : i32
        %add3A_202 = arith.addi %select_n3A_201, %mul3A_8 : i32
        %mul3A_203 = arith.constant 1 : i32
        %mul3A_204 = arith.muli %add3A_175, %mul3A_203 : i32
        %add3A_205 = arith.constant 0 : i32
        %add3A_206 = arith.addi %mul3A_204, %add3A_205 : i32
        %mul3A_207 = arith.constant 1 : i32
        %mul3A_208 = arith.muli %add3A_193, %mul3A_207 : i32
        %add3A_209 = arith.constant 0 : i32
        %add3A_210 = arith.addi %mul3A_208, %add3A_209 : i32
        %ne3A = arith.cmpi ne, %add3A_206, %add3A_210 : i32
        %or3A = arith.constant false
        %or3A_211 = arith.ori %or3A, %ne3A : i1
        %or3A_212 = arith.constant false
        %or3A_213 = arith.ori %or3A_211, %or3A_212 : i1
        %ge3A = arith.constant 399 : i32
        %ge3A_214 = arith.cmpi sge, %scan3A_163, %ge3A : i32
        %not3A = arith.constant true
        %not3A_215 = arith.xori %ge3A_214, %not3A : i1
        %and3A = arith.andi %or3A_213, %not3A_215 : i1
        %convert_element_type3A = arith.extui %and3A : i1 to i32
        %cond3A = arith.constant 0 : i32
        %cond3A_216 = arith.cmpi ne, %convert_element_type3A, %cond3A : i32
        scf.if %cond3A_216 {
          "tpu.trace_start"() <{level = 10 : i32, message = "ep_copy_in"}> : () -> ()
          %rem3A_499 = arith.constant 2 : i32
          %rem3A_500 = arith.remui %scan3A_164, %rem3A_499 : i32
          %mul3A_501 = arith.constant 1 : i32
          %mul3A_502 = arith.muli %add3A_193, %mul3A_501 : i32
          %add3A_503 = arith.constant 0 : i32
          %add3A_504 = arith.addi %mul3A_502, %add3A_503 : i32
          %mul3A_505 = arith.constant 1 : i32
          %mul3A_506 = arith.muli %mul3A_505, %add3A_504 : i32
          %dma_start3A_507 = arith.constant 0 : i32
          %dma_start3A_508 = arith.constant 0 : i32
          %dma_start3A_509 = tpu.memref_slice %run_scoped3A[%rem3A_500, %dma_start3A_507, %dma_start3A_508] : memref<2x1x128xi32, #tpu.memory_space<vmem>> -> memref<1x1x128xi32, #tpu.memory_space<vmem>>
          %dma_start3A_510 = tpu.memref_squeeze %dma_start3A_509 : memref<1x1x128xi32, #tpu.memory_space<vmem>> -> memref<1x128xi32, #tpu.memory_space<vmem>>
          %dma_start3A_511 = arith.constant 0 : i32
          %dma_start3A_512 = tpu.memref_slice %arg6[%mul3A_506, %dma_start3A_511] : memref<12800x128xi32, #tpu.memory_space<hbm>> -> memref<1x128xi32, #tpu.memory_space<hbm>>
          %dma_start3A_513 = tpu.memref_slice %run_scoped3A_9[%rem3A_500] : memref<2x!tpu.dma_semaphore, #tpu.memory_space<semaphore_mem>> -> memref<1x!tpu.dma_semaphore, #tpu.memory_space<semaphore_mem>>
          %dma_start3A_514 = tpu.memref_squeeze %dma_start3A_513 : memref<1x!tpu.dma_semaphore, #tpu.memory_space<semaphore_mem>> -> memref<!tpu.dma_semaphore, #tpu.memory_space<semaphore_mem>>
          %dma_start3A_515 = arith.constant 0 : i32
          %dma_start3A_516 = arith.constant 0 : i32
          %dma_start3A_517 = tpu.memref_slice %run_scoped3A[%rem3A_500, %dma_start3A_515, %dma_start3A_516] : memref<2x1x128xi32, #tpu.memory_space<vmem>> -> memref<1x1x128xi32, #tpu.memory_space<vmem>>
          %dma_start3A_518 = tpu.memref_squeeze %dma_start3A_517 : memref<1x1x128xi32, #tpu.memory_space<vmem>> -> memref<1x128xi32, #tpu.memory_space<vmem>>
          %dma_start3A_519 = arith.constant 0 : i32
          %dma_start3A_520 = tpu.memref_slice %arg6[%mul3A_506, %dma_start3A_519] : memref<12800x128xi32, #tpu.memory_space<hbm>> -> memref<1x128xi32, #tpu.memory_space<hbm>>
          tpu.enqueue_dma source(%dma_start3A_520 : memref<1x128xi32, #tpu.memory_space<hbm>>) target(%dma_start3A_518 : memref<1x128xi32, #tpu.memory_space<vmem>>) target_semaphore(%dma_start3A_514 : memref<!tpu.dma_semaphore, #tpu.memory_space<semaphore_mem>>)
          "tpu.trace_stop"() : () -> ()
        } else {
        }
        %and3A_217 = arith.constant true
        %and3A_218 = arith.andi %and3A, %and3A_217 : i1
        %add3A_219 = arith.constant 1 : i32
        %add3A_220 = arith.addi %scan3A_164, %add3A_219 : i32
        %select_n3A_221 = arith.select %and3A_218, %add3A_220, %scan3A_164 : i32
        %mul3A_222 = arith.constant 1 : i32
        %mul3A_223 = arith.muli %add3A_175, %mul3A_222 : i32
        %add3A_224 = arith.constant 0 : i32
        %add3A_225 = arith.addi %mul3A_223, %add3A_224 : i32
        %mul3A_226 = arith.constant 1 : i32
        %mul3A_227 = arith.muli %add3A_193, %mul3A_226 : i32
        %add3A_228 = arith.constant 0 : i32
        %add3A_229 = arith.addi %mul3A_227, %add3A_228 : i32
        %ne3A_230 = arith.cmpi ne, %add3A_225, %add3A_229 : i32
        %or3A_231 = arith.constant false
        %or3A_232 = arith.ori %or3A_231, %ne3A_230 : i1
        %or3A_233 = arith.constant false
        %or3A_234 = arith.ori %or3A_232, %or3A_233 : i1
        %ge3A_235 = arith.constant 399 : i32
        %ge3A_236 = arith.cmpi sge, %scan3A_163, %ge3A_235 : i32
        %not3A_237 = arith.constant true
        %not3A_238 = arith.xori %ge3A_236, %not3A_237 : i1
        %and3A_239 = arith.andi %or3A_234, %not3A_238 : i1
        %convert_element_type3A_240 = arith.extui %and3A_239 : i1 to i32
        %cond3A_241 = arith.constant 0 : i32
        %cond3A_242 = arith.cmpi ne, %convert_element_type3A_240, %cond3A_241 : i32
        scf.if %cond3A_242 {
          "tpu.trace_start"() <{level = 10 : i32, message = "ep_copy_in"}> : () -> ()
          %rem3A_499 = arith.constant 2 : i32
          %rem3A_500 = arith.remui %scan3A_166, %rem3A_499 : i32
          %mul3A_501 = arith.constant 1 : i32
          %mul3A_502 = arith.muli %add3A_193, %mul3A_501 : i32
          %add3A_503 = arith.constant 0 : i32
          %add3A_504 = arith.addi %mul3A_502, %add3A_503 : i32
          %mul3A_505 = arith.constant 1 : i32
          %mul3A_506 = arith.muli %mul3A_505, %add3A_504 : i32
          %dma_start3A_507 = arith.constant 0 : i32
          %dma_start3A_508 = arith.constant 0 : i32
          %dma_start3A_509 = tpu.memref_slice %run_scoped3A_10[%rem3A_500, %dma_start3A_507, %dma_start3A_508] : memref<2x1x128xi32, #tpu.memory_space<vmem>> -> memref<1x1x128xi32, #tpu.memory_space<vmem>>
          %dma_start3A_510 = tpu.memref_squeeze %dma_start3A_509 : memref<1x1x128xi32, #tpu.memory_space<vmem>> -> memref<1x128xi32, #tpu.memory_space<vmem>>
          %dma_start3A_511 = arith.constant 0 : i32
          %dma_start3A_512 = tpu.memref_slice %arg7[%mul3A_506, %dma_start3A_511] : memref<12800x128xi32, #tpu.memory_space<hbm>> -> memref<1x128xi32, #tpu.memory_space<hbm>>
          %dma_start3A_513 = tpu.memref_slice %run_scoped3A_11[%rem3A_500] : memref<2x!tpu.dma_semaphore, #tpu.memory_space<semaphore_mem>> -> memref<1x!tpu.dma_semaphore, #tpu.memory_space<semaphore_mem>>
          %dma_start3A_514 = tpu.memref_squeeze %dma_start3A_513 : memref<1x!tpu.dma_semaphore, #tpu.memory_space<semaphore_mem>> -> memref<!tpu.dma_semaphore, #tpu.memory_space<semaphore_mem>>
          %dma_start3A_515 = arith.constant 0 : i32
          %dma_start3A_516 = arith.constant 0 : i32
          %dma_start3A_517 = tpu.memref_slice %run_scoped3A_10[%rem3A_500, %dma_start3A_515, %dma_start3A_516] : memref<2x1x128xi32, #tpu.memory_space<vmem>> -> memref<1x1x128xi32, #tpu.memory_space<vmem>>
          %dma_start3A_518 = tpu.memref_squeeze %dma_start3A_517 : memref<1x1x128xi32, #tpu.memory_space<vmem>> -> memref<1x128xi32, #tpu.memory_space<vmem>>
          %dma_start3A_519 = arith.constant 0 : i32
          %dma_start3A_520 = tpu.memref_slice %arg7[%mul3A_506, %dma_start3A_519] : memref<12800x128xi32, #tpu.memory_space<hbm>> -> memref<1x128xi32, #tpu.memory_space<hbm>>
          tpu.enqueue_dma source(%dma_start3A_520 : memref<1x128xi32, #tpu.memory_space<hbm>>) target(%dma_start3A_518 : memref<1x128xi32, #tpu.memory_space<vmem>>) target_semaphore(%dma_start3A_514 : memref<!tpu.dma_semaphore, #tpu.memory_space<semaphore_mem>>)
          "tpu.trace_stop"() : () -> ()
        } else {
        }
        %and3A_243 = arith.constant true
        %and3A_244 = arith.andi %and3A_239, %and3A_243 : i1
        %add3A_245 = arith.constant 1 : i32
        %add3A_246 = arith.addi %scan3A_166, %add3A_245 : i32
        %select_n3A_247 = arith.select %and3A_244, %add3A_246, %scan3A_166 : i32
        %mul3A_248 = arith.constant 1 : i32
        %mul3A_249 = arith.muli %add3A_175, %mul3A_248 : i32
        %add3A_250 = arith.constant 0 : i32
        %add3A_251 = arith.addi %mul3A_249, %add3A_250 : i32
        %mul3A_252 = arith.constant 1 : i32
        %mul3A_253 = arith.muli %add3A_193, %mul3A_252 : i32
        %add3A_254 = arith.constant 0 : i32
        %add3A_255 = arith.addi %mul3A_253, %add3A_254 : i32
        %ne3A_256 = arith.cmpi ne, %add3A_251, %add3A_255 : i32
        %or3A_257 = arith.constant false
        %or3A_258 = arith.ori %or3A_257, %ne3A_256 : i1
        %ge3A_259 = arith.constant 399 : i32
        %ge3A_260 = arith.cmpi sge, %scan3A_163, %ge3A_259 : i32
        %not3A_261 = arith.constant true
        %not3A_262 = arith.xori %ge3A_260, %not3A_261 : i1
        %and3A_263 = arith.andi %or3A_258, %not3A_262 : i1
        %mul3A_264 = arith.constant 1 : i32
        %mul3A_265 = arith.muli %add3A_175, %mul3A_264 : i32
        %add3A_266 = arith.constant 0 : i32
        %add3A_267 = arith.addi %mul3A_265, %add3A_266 : i32
        %mul3A_268 = arith.constant 1 : i32
        %mul3A_269 = arith.muli %add3A_184, %mul3A_268 : i32
        %add3A_270 = arith.constant 0 : i32
        %add3A_271 = arith.addi %mul3A_269, %add3A_270 : i32
        %ne3A_272 = arith.cmpi ne, %add3A_267, %add3A_271 : i32
        %or3A_273 = arith.constant false
        %or3A_274 = arith.ori %or3A_273, %ne3A_272 : i1
        %or3A_275 = arith.constant false
        %or3A_276 = arith.ori %or3A_274, %or3A_275 : i1
        %or3A_277 = arith.ori %or3A_276, %eq3A_172 : i1
        %convert_element_type3A_278 = arith.extui %or3A_277 : i1 to i32
        %cond3A_279 = arith.constant 0 : i32
        %cond3A_280 = arith.cmpi ne, %convert_element_type3A_278, %cond3A_279 : i32
        scf.if %cond3A_280 {
          "tpu.trace_start"() <{level = 10 : i32, message = "ep_wait_in"}> : () -> ()
          %mul3A_499 = arith.constant 1 : i32
          %mul3A_500 = arith.muli %add3A_175, %mul3A_499 : i32
          %add3A_501 = arith.constant 0 : i32
          %add3A_502 = arith.addi %mul3A_500, %add3A_501 : i32
          %mul3A_503 = arith.constant 1 : i32
          %mul3A_504 = arith.muli %mul3A_503, %add3A_502 : i32
          %rem3A_505 = arith.constant 2 : i32
          %rem3A_506 = arith.remui %scan3A_165, %rem3A_505 : i32
          %dma_wait3A_507 = arith.constant 0 : i32
          %dma_wait3A_508 = arith.constant 0 : i32
          %dma_wait3A_509 = tpu.memref_slice %run_scoped3A[%rem3A_506, %dma_wait3A_507, %dma_wait3A_508] : memref<2x1x128xi32, #tpu.memory_space<vmem>> -> memref<1x1x128xi32, #tpu.memory_space<vmem>>
          %dma_wait3A_510 = tpu.memref_squeeze %dma_wait3A_509 : memref<1x1x128xi32, #tpu.memory_space<vmem>> -> memref<1x128xi32, #tpu.memory_space<vmem>>
          %dma_wait3A_511 = arith.constant 0 : i32
          %dma_wait3A_512 = tpu.memref_slice %arg6[%mul3A_504, %dma_wait3A_511] : memref<12800x128xi32, #tpu.memory_space<hbm>> -> memref<1x128xi32, #tpu.memory_space<hbm>>
          %dma_wait3A_513 = tpu.memref_slice %run_scoped3A_9[%rem3A_506] : memref<2x!tpu.dma_semaphore, #tpu.memory_space<semaphore_mem>> -> memref<1x!tpu.dma_semaphore, #tpu.memory_space<semaphore_mem>>
          %dma_wait3A_514 = tpu.memref_squeeze %dma_wait3A_513 : memref<1x!tpu.dma_semaphore, #tpu.memory_space<semaphore_mem>> -> memref<!tpu.dma_semaphore, #tpu.memory_space<semaphore_mem>>
          %dma_wait3A_515 = arith.constant 0 : i32
          %dma_wait3A_516 = arith.constant 0 : i32
          %dma_wait3A_517 = tpu.memref_slice %run_scoped3A[%rem3A_506, %dma_wait3A_515, %dma_wait3A_516] : memref<2x1x128xi32, #tpu.memory_space<vmem>> -> memref<1x1x128xi32, #tpu.memory_space<vmem>>
          %dma_wait3A_518 = tpu.memref_squeeze %dma_wait3A_517 : memref<1x1x128xi32, #tpu.memory_space<vmem>> -> memref<1x128xi32, #tpu.memory_space<vmem>>
          %dma_wait3A_519 = arith.constant 0 : i32
          %dma_wait3A_520 = tpu.memref_slice %arg6[%mul3A_504, %dma_wait3A_519] : memref<12800x128xi32, #tpu.memory_space<hbm>> -> memref<1x128xi32, #tpu.memory_space<hbm>>
          tpu.wait_dma2 semaphore(%dma_wait3A_514 : memref<!tpu.dma_semaphore, #tpu.memory_space<semaphore_mem>>) src(%dma_wait3A_520 : memref<1x128xi32, #tpu.memory_space<hbm>>) dst(%dma_wait3A_518 : memref<1x128xi32, #tpu.memory_space<vmem>>)
          "tpu.trace_stop"() : () -> ()
        } else {
        }
        %mul3A_281 = arith.constant 1 : i32
        %mul3A_282 = arith.muli %add3A_175, %mul3A_281 : i32
        %add3A_283 = arith.constant 0 : i32
        %add3A_284 = arith.addi %mul3A_282, %add3A_283 : i32
        %mul3A_285 = arith.constant 1 : i32
        %mul3A_286 = arith.muli %add3A_184, %mul3A_285 : i32
        %add3A_287 = arith.constant 0 : i32
        %add3A_288 = arith.addi %mul3A_286, %add3A_287 : i32
        %ne3A_289 = arith.cmpi ne, %add3A_284, %add3A_288 : i32
        %or3A_290 = arith.constant false
        %or3A_291 = arith.ori %or3A_290, %ne3A_289 : i1
        %or3A_292 = arith.constant false
        %or3A_293 = arith.ori %or3A_291, %or3A_292 : i1
        %or3A_294 = arith.ori %or3A_293, %eq3A_172 : i1
        %convert_element_type3A_295 = arith.extui %or3A_294 : i1 to i32
        %cond3A_296 = arith.constant 0 : i32
        %cond3A_297 = arith.cmpi ne, %convert_element_type3A_295, %cond3A_296 : i32
        scf.if %cond3A_297 {
          "tpu.trace_start"() <{level = 10 : i32, message = "ep_wait_in"}> : () -> ()
          %mul3A_499 = arith.constant 1 : i32
          %mul3A_500 = arith.muli %add3A_175, %mul3A_499 : i32
          %add3A_501 = arith.constant 0 : i32
          %add3A_502 = arith.addi %mul3A_500, %add3A_501 : i32
          %mul3A_503 = arith.constant 1 : i32
          %mul3A_504 = arith.muli %mul3A_503, %add3A_502 : i32
          %rem3A_505 = arith.constant 2 : i32
          %rem3A_506 = arith.remui %scan3A_167, %rem3A_505 : i32
          %dma_wait3A_507 = arith.constant 0 : i32
          %dma_wait3A_508 = arith.constant 0 : i32
          %dma_wait3A_509 = tpu.memref_slice %run_scoped3A_10[%rem3A_506, %dma_wait3A_507, %dma_wait3A_508] : memref<2x1x128xi32, #tpu.memory_space<vmem>> -> memref<1x1x128xi32, #tpu.memory_space<vmem>>
          %dma_wait3A_510 = tpu.memref_squeeze %dma_wait3A_509 : memref<1x1x128xi32, #tpu.memory_space<vmem>> -> memref<1x128xi32, #tpu.memory_space<vmem>>
          %dma_wait3A_511 = arith.constant 0 : i32
          %dma_wait3A_512 = tpu.memref_slice %arg7[%mul3A_504, %dma_wait3A_511] : memref<12800x128xi32, #tpu.memory_space<hbm>> -> memref<1x128xi32, #tpu.memory_space<hbm>>
          %dma_wait3A_513 = tpu.memref_slice %run_scoped3A_11[%rem3A_506] : memref<2x!tpu.dma_semaphore, #tpu.memory_space<semaphore_mem>> -> memref<1x!tpu.dma_semaphore, #tpu.memory_space<semaphore_mem>>
          %dma_wait3A_514 = tpu.memref_squeeze %dma_wait3A_513 : memref<1x!tpu.dma_semaphore, #tpu.memory_space<semaphore_mem>> -> memref<!tpu.dma_semaphore, #tpu.memory_space<semaphore_mem>>
          %dma_wait3A_515 = arith.constant 0 : i32
          %dma_wait3A_516 = arith.constant 0 : i32
          %dma_wait3A_517 = tpu.memref_slice %run_scoped3A_10[%rem3A_506, %dma_wait3A_515, %dma_wait3A_516] : memref<2x1x128xi32, #tpu.memory_space<vmem>> -> memref<1x1x128xi32, #tpu.memory_space<vmem>>
          %dma_wait3A_518 = tpu.memref_squeeze %dma_wait3A_517 : memref<1x1x128xi32, #tpu.memory_space<vmem>> -> memref<1x128xi32, #tpu.memory_space<vmem>>
          %dma_wait3A_519 = arith.constant 0 : i32
          %dma_wait3A_520 = tpu.memref_slice %arg7[%mul3A_504, %dma_wait3A_519] : memref<12800x128xi32, #tpu.memory_space<hbm>> -> memref<1x128xi32, #tpu.memory_space<hbm>>
          tpu.wait_dma2 semaphore(%dma_wait3A_514 : memref<!tpu.dma_semaphore, #tpu.memory_space<semaphore_mem>>) src(%dma_wait3A_520 : memref<1x128xi32, #tpu.memory_space<hbm>>) dst(%dma_wait3A_518 : memref<1x128xi32, #tpu.memory_space<vmem>>)
          "tpu.trace_stop"() : () -> ()
        } else {
        }
        %mul3A_298 = arith.constant 1 : i32
        %mul3A_299 = arith.muli %add3A_175, %mul3A_298 : i32
        %add3A_300 = arith.constant 0 : i32
        %add3A_301 = arith.addi %mul3A_299, %add3A_300 : i32
        %mul3A_302 = arith.constant 1 : i32
        %mul3A_303 = arith.muli %add3A_184, %mul3A_302 : i32
        %add3A_304 = arith.constant 0 : i32
        %add3A_305 = arith.addi %mul3A_303, %add3A_304 : i32
        %ne3A_306 = arith.cmpi ne, %add3A_301, %add3A_305 : i32
        %or3A_307 = arith.constant false
        %or3A_308 = arith.ori %or3A_307, %ne3A_306 : i1
        %or3A_309 = arith.ori %or3A_308, %eq3A_172 : i1
        %convert_element_type3A_310 = arith.extui %or3A_309 : i1 to i32
        %cond3A_311 = arith.constant 0 : i32
        %cond3A_312 = arith.cmpi ne, %convert_element_type3A_310, %cond3A_311 : i32
        scf.if %cond3A_312 {
        } else {
        }
        %rem3A_313 = arith.constant 2 : i32
        %rem3A_314 = arith.remui %scan3A_165, %rem3A_313 : i32
        %rem3A_315 = arith.constant 2 : i32
        %rem3A_316 = arith.remui %scan3A_167, %rem3A_315 : i32
        %rem3A_317 = arith.constant 2 : i32
        %rem3A_318 = arith.remui %scan3A_168, %rem3A_317 : i32
        %run_scoped3A_319 = arith.constant 0 : i32
        %run_scoped3A_320 = arith.constant 0 : i32
        "tpu.trace_start"() <{level = 10 : i32, message = "ep_run_kernel"}> : () -> ()
        "tpu.region"() ({
          %run_scoped3A_499 = tpu.sem_alloc : memref<!tpu.dma_semaphore, #tpu.memory_space<semaphore_mem>>
          %dma_start3A_500 = arith.constant 0 : i32
          %dma_start3A_501 = arith.constant 0 : i32
          %dma_start3A_502 = tpu.memref_slice %run_scoped3A_12[%rem3A_318, %dma_start3A_500, %dma_start3A_501] : memref<2x8x128xf32, #tpu.memory_space<vmem>> -> memref<1x8x128xf32, #tpu.memory_space<vmem>>
          %dma_start3A_503 = tpu.memref_squeeze %dma_start3A_502 : memref<1x8x128xf32, #tpu.memory_space<vmem>> -> memref<8x128xf32, #tpu.memory_space<vmem>>
          %dma_start3A_504 = arith.constant 0 : i32
          %dma_start3A_505 = tpu.memref_slice %dma_start3A_503[%run_scoped3A_320, %dma_start3A_504] : memref<8x128xf32, #tpu.memory_space<vmem>> -> memref<1x128xf32, #tpu.memory_space<vmem>>
          %dma_start3A_506 = tpu.memref_squeeze %dma_start3A_505 : memref<1x128xf32, #tpu.memory_space<vmem>> -> memref<128xf32, #tpu.memory_space<vmem>>
          %dma_start3A_507 = arith.constant 0 : i32
          %dma_start3A_508 = arith.constant 0 : i32
          %dma_start3A_509 = tpu.memref_slice %run_scoped3A[%rem3A_314, %dma_start3A_507, %dma_start3A_508] : memref<2x1x128xi32, #tpu.memory_space<vmem>> -> memref<1x1x128xi32, #tpu.memory_space<vmem>>
          %dma_start3A_510 = tpu.memref_squeeze %dma_start3A_509 : memref<1x1x128xi32, #tpu.memory_space<vmem>> -> memref<1x128xi32, #tpu.memory_space<vmem>>
          %dma_start3A_511 = arith.constant 0 : i32
          %dma_start3A_512 = tpu.memref_slice %dma_start3A_510[%run_scoped3A_319, %dma_start3A_511] : memref<1x128xi32, #tpu.memory_space<vmem>> -> memref<1x128xi32, #tpu.memory_space<vmem>>
          %dma_start3A_513 = tpu.memref_squeeze %dma_start3A_512 : memref<1x128xi32, #tpu.memory_space<vmem>> -> memref<128xi32, #tpu.memory_space<vmem>>
          %dma_start3A_514 = arith.constant 0 : i32
          %dma_start3A_515 = tpu.memref_slice %arg9[%dma_start3A_514] : memref<102400xf32, #tpu.memory_space<vmem_shared>> -> memref<102400xf32, #tpu.memory_space<vmem_shared>>
          tpu.enqueue_indirect_dma source(%dma_start3A_515 : memref<102400xf32, #tpu.memory_space<vmem_shared>>) target(%dma_start3A_506 : memref<128xf32, #tpu.memory_space<vmem>>) offsets(%dma_start3A_513 : memref<128xi32, #tpu.memory_space<vmem>>) semaphore(%run_scoped3A_499 : memref<!tpu.dma_semaphore, #tpu.memory_space<semaphore_mem>>)
          %dma_wait3A_516 = arith.constant 0 : i32
          %dma_wait3A_517 = arith.constant 0 : i32
          %dma_wait3A_518 = tpu.memref_slice %run_scoped3A_12[%rem3A_318, %dma_wait3A_516, %dma_wait3A_517] : memref<2x8x128xf32, #tpu.memory_space<vmem>> -> memref<1x8x128xf32, #tpu.memory_space<vmem>>
          %dma_wait3A_519 = tpu.memref_squeeze %dma_wait3A_518 : memref<1x8x128xf32, #tpu.memory_space<vmem>> -> memref<8x128xf32, #tpu.memory_space<vmem>>
          %dma_wait3A_520 = arith.constant 0 : i32
          %dma_wait3A_521 = tpu.memref_slice %dma_wait3A_519[%run_scoped3A_320, %dma_wait3A_520] : memref<8x128xf32, #tpu.memory_space<vmem>> -> memref<1x128xf32, #tpu.memory_space<vmem>>
          %dma_wait3A_522 = tpu.memref_squeeze %dma_wait3A_521 : memref<1x128xf32, #tpu.memory_space<vmem>> -> memref<128xf32, #tpu.memory_space<vmem>>
          %dma_wait3A_523 = arith.constant 0 : i32
          %dma_wait3A_524 = arith.constant 0 : i32
          %dma_wait3A_525 = tpu.memref_slice %run_scoped3A[%rem3A_314, %dma_wait3A_523, %dma_wait3A_524] : memref<2x1x128xi32, #tpu.memory_space<vmem>> -> memref<1x1x128xi32, #tpu.memory_space<vmem>>
          %dma_wait3A_526 = tpu.memref_squeeze %dma_wait3A_525 : memref<1x1x128xi32, #tpu.memory_space<vmem>> -> memref<1x128xi32, #tpu.memory_space<vmem>>
          %dma_wait3A_527 = arith.constant 0 : i32
          %dma_wait3A_528 = tpu.memref_slice %dma_wait3A_526[%run_scoped3A_319, %dma_wait3A_527] : memref<1x128xi32, #tpu.memory_space<vmem>> -> memref<1x128xi32, #tpu.memory_space<vmem>>
          %dma_wait3A_529 = tpu.memref_squeeze %dma_wait3A_528 : memref<1x128xi32, #tpu.memory_space<vmem>> -> memref<128xi32, #tpu.memory_space<vmem>>
          %dma_wait3A_530 = arith.constant 0 : i32
          %dma_wait3A_531 = tpu.memref_slice %arg9[%dma_wait3A_530] : memref<102400xf32, #tpu.memory_space<vmem_shared>> -> memref<102400xf32, #tpu.memory_space<vmem_shared>>
          tpu.wait_indirect_dma semaphore(%run_scoped3A_499 : memref<!tpu.dma_semaphore, #tpu.memory_space<semaphore_mem>>) src(%dma_wait3A_531 : memref<102400xf32, #tpu.memory_space<vmem_shared>>) dst(%dma_wait3A_522 : memref<128xf32, #tpu.memory_space<vmem>>)
          tpu.yield
        }) : () -> ()
        %run_scoped3A_321 = arith.constant 0 : i32
        %run_scoped3A_322 = arith.constant 4 : i32
        "tpu.region"() ({
          %run_scoped3A_499 = tpu.sem_alloc : memref<!tpu.dma_semaphore, #tpu.memory_space<semaphore_mem>>
          %dma_start3A_500 = arith.constant 0 : i32
          %dma_start3A_501 = arith.constant 0 : i32
          %dma_start3A_502 = tpu.memref_slice %run_scoped3A_12[%rem3A_318, %dma_start3A_500, %dma_start3A_501] : memref<2x8x128xf32, #tpu.memory_space<vmem>> -> memref<1x8x128xf32, #tpu.memory_space<vmem>>
          %dma_start3A_503 = tpu.memref_squeeze %dma_start3A_502 : memref<1x8x128xf32, #tpu.memory_space<vmem>> -> memref<8x128xf32, #tpu.memory_space<vmem>>
          %dma_start3A_504 = arith.constant 0 : i32
          %dma_start3A_505 = tpu.memref_slice %dma_start3A_503[%run_scoped3A_322, %dma_start3A_504] : memref<8x128xf32, #tpu.memory_space<vmem>> -> memref<1x128xf32, #tpu.memory_space<vmem>>
          %dma_start3A_506 = tpu.memref_squeeze %dma_start3A_505 : memref<1x128xf32, #tpu.memory_space<vmem>> -> memref<128xf32, #tpu.memory_space<vmem>>
          %dma_start3A_507 = arith.constant 0 : i32
          %dma_start3A_508 = arith.constant 0 : i32
          %dma_start3A_509 = tpu.memref_slice %run_scoped3A_10[%rem3A_316, %dma_start3A_507, %dma_start3A_508] : memref<2x1x128xi32, #tpu.memory_space<vmem>> -> memref<1x1x128xi32, #tpu.memory_space<vmem>>
          %dma_start3A_510 = tpu.memref_squeeze %dma_start3A_509 : memref<1x1x128xi32, #tpu.memory_space<vmem>> -> memref<1x128xi32, #tpu.memory_space<vmem>>
          %dma_start3A_511 = arith.constant 0 : i32
          %dma_start3A_512 = tpu.memref_slice %dma_start3A_510[%run_scoped3A_321, %dma_start3A_511] : memref<1x128xi32, #tpu.memory_space<vmem>> -> memref<1x128xi32, #tpu.memory_space<vmem>>
          %dma_start3A_513 = tpu.memref_squeeze %dma_start3A_512 : memref<1x128xi32, #tpu.memory_space<vmem>> -> memref<128xi32, #tpu.memory_space<vmem>>
          %dma_start3A_514 = arith.constant 0 : i32
          %dma_start3A_515 = tpu.memref_slice %arg9[%dma_start3A_514] : memref<102400xf32, #tpu.memory_space<vmem_shared>> -> memref<102400xf32, #tpu.memory_space<vmem_shared>>
          tpu.enqueue_indirect_dma source(%dma_start3A_515 : memref<102400xf32, #tpu.memory_space<vmem_shared>>) target(%dma_start3A_506 : memref<128xf32, #tpu.memory_space<vmem>>) offsets(%dma_start3A_513 : memref<128xi32, #tpu.memory_space<vmem>>) semaphore(%run_scoped3A_499 : memref<!tpu.dma_semaphore, #tpu.memory_space<semaphore_mem>>)
          %dma_wait3A_516 = arith.constant 0 : i32
          %dma_wait3A_517 = arith.constant 0 : i32
          %dma_wait3A_518 = tpu.memref_slice %run_scoped3A_12[%rem3A_318, %dma_wait3A_516, %dma_wait3A_517] : memref<2x8x128xf32, #tpu.memory_space<vmem>> -> memref<1x8x128xf32, #tpu.memory_space<vmem>>
          %dma_wait3A_519 = tpu.memref_squeeze %dma_wait3A_518 : memref<1x8x128xf32, #tpu.memory_space<vmem>> -> memref<8x128xf32, #tpu.memory_space<vmem>>
          %dma_wait3A_520 = arith.constant 0 : i32
          %dma_wait3A_521 = tpu.memref_slice %dma_wait3A_519[%run_scoped3A_322, %dma_wait3A_520] : memref<8x128xf32, #tpu.memory_space<vmem>> -> memref<1x128xf32, #tpu.memory_space<vmem>>
          %dma_wait3A_522 = tpu.memref_squeeze %dma_wait3A_521 : memref<1x128xf32, #tpu.memory_space<vmem>> -> memref<128xf32, #tpu.memory_space<vmem>>
          %dma_wait3A_523 = arith.constant 0 : i32
          %dma_wait3A_524 = arith.constant 0 : i32
          %dma_wait3A_525 = tpu.memref_slice %run_scoped3A_10[%rem3A_316, %dma_wait3A_523, %dma_wait3A_524] : memref<2x1x128xi32, #tpu.memory_space<vmem>> -> memref<1x1x128xi32, #tpu.memory_space<vmem>>
          %dma_wait3A_526 = tpu.memref_squeeze %dma_wait3A_525 : memref<1x1x128xi32, #tpu.memory_space<vmem>> -> memref<1x128xi32, #tpu.memory_space<vmem>>
          %dma_wait3A_527 = arith.constant 0 : i32
          %dma_wait3A_528 = tpu.memref_slice %dma_wait3A_526[%run_scoped3A_321, %dma_wait3A_527] : memref<1x128xi32, #tpu.memory_space<vmem>> -> memref<1x128xi32, #tpu.memory_space<vmem>>
          %dma_wait3A_529 = tpu.memref_squeeze %dma_wait3A_528 : memref<1x128xi32, #tpu.memory_space<vmem>> -> memref<128xi32, #tpu.memory_space<vmem>>
          %dma_wait3A_530 = arith.constant 0 : i32
          %dma_wait3A_531 = tpu.memref_slice %arg9[%dma_wait3A_530] : memref<102400xf32, #tpu.memory_space<vmem_shared>> -> memref<102400xf32, #tpu.memory_space<vmem_shared>>
          tpu.wait_indirect_dma semaphore(%run_scoped3A_499 : memref<!tpu.dma_semaphore, #tpu.memory_space<semaphore_mem>>) src(%dma_wait3A_531 : memref<102400xf32, #tpu.memory_space<vmem_shared>>) dst(%dma_wait3A_522 : memref<128xf32, #tpu.memory_space<vmem>>)
          tpu.yield
        }) : () -> ()
        %run_scoped3A_323 = arith.constant 0 : i32
        %run_scoped3A_324 = arith.constant 1 : i32
        "tpu.region"() ({
          %run_scoped3A_499 = tpu.sem_alloc : memref<!tpu.dma_semaphore, #tpu.memory_space<semaphore_mem>>
          %dma_start3A_500 = arith.constant 0 : i32
          %dma_start3A_501 = arith.constant 0 : i32
          %dma_start3A_502 = tpu.memref_slice %run_scoped3A_12[%rem3A_318, %dma_start3A_500, %dma_start3A_501] : memref<2x8x128xf32, #tpu.memory_space<vmem>> -> memref<1x8x128xf32, #tpu.memory_space<vmem>>
          %dma_start3A_503 = tpu.memref_squeeze %dma_start3A_502 : memref<1x8x128xf32, #tpu.memory_space<vmem>> -> memref<8x128xf32, #tpu.memory_space<vmem>>
          %dma_start3A_504 = arith.constant 0 : i32
          %dma_start3A_505 = tpu.memref_slice %dma_start3A_503[%run_scoped3A_324, %dma_start3A_504] : memref<8x128xf32, #tpu.memory_space<vmem>> -> memref<1x128xf32, #tpu.memory_space<vmem>>
          %dma_start3A_506 = tpu.memref_squeeze %dma_start3A_505 : memref<1x128xf32, #tpu.memory_space<vmem>> -> memref<128xf32, #tpu.memory_space<vmem>>
          %dma_start3A_507 = arith.constant 0 : i32
          %dma_start3A_508 = arith.constant 0 : i32
          %dma_start3A_509 = tpu.memref_slice %run_scoped3A[%rem3A_314, %dma_start3A_507, %dma_start3A_508] : memref<2x1x128xi32, #tpu.memory_space<vmem>> -> memref<1x1x128xi32, #tpu.memory_space<vmem>>
          %dma_start3A_510 = tpu.memref_squeeze %dma_start3A_509 : memref<1x1x128xi32, #tpu.memory_space<vmem>> -> memref<1x128xi32, #tpu.memory_space<vmem>>
          %dma_start3A_511 = arith.constant 0 : i32
          %dma_start3A_512 = tpu.memref_slice %dma_start3A_510[%run_scoped3A_323, %dma_start3A_511] : memref<1x128xi32, #tpu.memory_space<vmem>> -> memref<1x128xi32, #tpu.memory_space<vmem>>
          %dma_start3A_513 = tpu.memref_squeeze %dma_start3A_512 : memref<1x128xi32, #tpu.memory_space<vmem>> -> memref<128xi32, #tpu.memory_space<vmem>>
          %dma_start3A_514 = arith.constant 0 : i32
          %dma_start3A_515 = tpu.memref_slice %arg10[%dma_start3A_514] : memref<102400xf32, #tpu.memory_space<vmem_shared>> -> memref<102400xf32, #tpu.memory_space<vmem_shared>>
          tpu.enqueue_indirect_dma source(%dma_start3A_515 : memref<102400xf32, #tpu.memory_space<vmem_shared>>) target(%dma_start3A_506 : memref<128xf32, #tpu.memory_space<vmem>>) offsets(%dma_start3A_513 : memref<128xi32, #tpu.memory_space<vmem>>) semaphore(%run_scoped3A_499 : memref<!tpu.dma_semaphore, #tpu.memory_space<semaphore_mem>>)
          %dma_wait3A_516 = arith.constant 0 : i32
          %dma_wait3A_517 = arith.constant 0 : i32
          %dma_wait3A_518 = tpu.memref_slice %run_scoped3A_12[%rem3A_318, %dma_wait3A_516, %dma_wait3A_517] : memref<2x8x128xf32, #tpu.memory_space<vmem>> -> memref<1x8x128xf32, #tpu.memory_space<vmem>>
          %dma_wait3A_519 = tpu.memref_squeeze %dma_wait3A_518 : memref<1x8x128xf32, #tpu.memory_space<vmem>> -> memref<8x128xf32, #tpu.memory_space<vmem>>
          %dma_wait3A_520 = arith.constant 0 : i32
          %dma_wait3A_521 = tpu.memref_slice %dma_wait3A_519[%run_scoped3A_324, %dma_wait3A_520] : memref<8x128xf32, #tpu.memory_space<vmem>> -> memref<1x128xf32, #tpu.memory_space<vmem>>
          %dma_wait3A_522 = tpu.memref_squeeze %dma_wait3A_521 : memref<1x128xf32, #tpu.memory_space<vmem>> -> memref<128xf32, #tpu.memory_space<vmem>>
          %dma_wait3A_523 = arith.constant 0 : i32
          %dma_wait3A_524 = arith.constant 0 : i32
          %dma_wait3A_525 = tpu.memref_slice %run_scoped3A[%rem3A_314, %dma_wait3A_523, %dma_wait3A_524] : memref<2x1x128xi32, #tpu.memory_space<vmem>> -> memref<1x1x128xi32, #tpu.memory_space<vmem>>
          %dma_wait3A_526 = tpu.memref_squeeze %dma_wait3A_525 : memref<1x1x128xi32, #tpu.memory_space<vmem>> -> memref<1x128xi32, #tpu.memory_space<vmem>>
          %dma_wait3A_527 = arith.constant 0 : i32
          %dma_wait3A_528 = tpu.memref_slice %dma_wait3A_526[%run_scoped3A_323, %dma_wait3A_527] : memref<1x128xi32, #tpu.memory_space<vmem>> -> memref<1x128xi32, #tpu.memory_space<vmem>>
          %dma_wait3A_529 = tpu.memref_squeeze %dma_wait3A_528 : memref<1x128xi32, #tpu.memory_space<vmem>> -> memref<128xi32, #tpu.memory_space<vmem>>
          %dma_wait3A_530 = arith.constant 0 : i32
          %dma_wait3A_531 = tpu.memref_slice %arg10[%dma_wait3A_530] : memref<102400xf32, #tpu.memory_space<vmem_shared>> -> memref<102400xf32, #tpu.memory_space<vmem_shared>>
          tpu.wait_indirect_dma semaphore(%run_scoped3A_499 : memref<!tpu.dma_semaphore, #tpu.memory_space<semaphore_mem>>) src(%dma_wait3A_531 : memref<102400xf32, #tpu.memory_space<vmem_shared>>) dst(%dma_wait3A_522 : memref<128xf32, #tpu.memory_space<vmem>>)
          tpu.yield
        }) : () -> ()
        %run_scoped3A_325 = arith.constant 0 : i32
        %run_scoped3A_326 = arith.constant 5 : i32
        "tpu.region"() ({
          %run_scoped3A_499 = tpu.sem_alloc : memref<!tpu.dma_semaphore, #tpu.memory_space<semaphore_mem>>
          %dma_start3A_500 = arith.constant 0 : i32
          %dma_start3A_501 = arith.constant 0 : i32
          %dma_start3A_502 = tpu.memref_slice %run_scoped3A_12[%rem3A_318, %dma_start3A_500, %dma_start3A_501] : memref<2x8x128xf32, #tpu.memory_space<vmem>> -> memref<1x8x128xf32, #tpu.memory_space<vmem>>
          %dma_start3A_503 = tpu.memref_squeeze %dma_start3A_502 : memref<1x8x128xf32, #tpu.memory_space<vmem>> -> memref<8x128xf32, #tpu.memory_space<vmem>>
          %dma_start3A_504 = arith.constant 0 : i32
          %dma_start3A_505 = tpu.memref_slice %dma_start3A_503[%run_scoped3A_326, %dma_start3A_504] : memref<8x128xf32, #tpu.memory_space<vmem>> -> memref<1x128xf32, #tpu.memory_space<vmem>>
          %dma_start3A_506 = tpu.memref_squeeze %dma_start3A_505 : memref<1x128xf32, #tpu.memory_space<vmem>> -> memref<128xf32, #tpu.memory_space<vmem>>
          %dma_start3A_507 = arith.constant 0 : i32
          %dma_start3A_508 = arith.constant 0 : i32
          %dma_start3A_509 = tpu.memref_slice %run_scoped3A_10[%rem3A_316, %dma_start3A_507, %dma_start3A_508] : memref<2x1x128xi32, #tpu.memory_space<vmem>> -> memref<1x1x128xi32, #tpu.memory_space<vmem>>
          %dma_start3A_510 = tpu.memref_squeeze %dma_start3A_509 : memref<1x1x128xi32, #tpu.memory_space<vmem>> -> memref<1x128xi32, #tpu.memory_space<vmem>>
          %dma_start3A_511 = arith.constant 0 : i32
          %dma_start3A_512 = tpu.memref_slice %dma_start3A_510[%run_scoped3A_325, %dma_start3A_511] : memref<1x128xi32, #tpu.memory_space<vmem>> -> memref<1x128xi32, #tpu.memory_space<vmem>>
          %dma_start3A_513 = tpu.memref_squeeze %dma_start3A_512 : memref<1x128xi32, #tpu.memory_space<vmem>> -> memref<128xi32, #tpu.memory_space<vmem>>
          %dma_start3A_514 = arith.constant 0 : i32
          %dma_start3A_515 = tpu.memref_slice %arg10[%dma_start3A_514] : memref<102400xf32, #tpu.memory_space<vmem_shared>> -> memref<102400xf32, #tpu.memory_space<vmem_shared>>
          tpu.enqueue_indirect_dma source(%dma_start3A_515 : memref<102400xf32, #tpu.memory_space<vmem_shared>>) target(%dma_start3A_506 : memref<128xf32, #tpu.memory_space<vmem>>) offsets(%dma_start3A_513 : memref<128xi32, #tpu.memory_space<vmem>>) semaphore(%run_scoped3A_499 : memref<!tpu.dma_semaphore, #tpu.memory_space<semaphore_mem>>)
          %dma_wait3A_516 = arith.constant 0 : i32
          %dma_wait3A_517 = arith.constant 0 : i32
          %dma_wait3A_518 = tpu.memref_slice %run_scoped3A_12[%rem3A_318, %dma_wait3A_516, %dma_wait3A_517] : memref<2x8x128xf32, #tpu.memory_space<vmem>> -> memref<1x8x128xf32, #tpu.memory_space<vmem>>
          %dma_wait3A_519 = tpu.memref_squeeze %dma_wait3A_518 : memref<1x8x128xf32, #tpu.memory_space<vmem>> -> memref<8x128xf32, #tpu.memory_space<vmem>>
          %dma_wait3A_520 = arith.constant 0 : i32
          %dma_wait3A_521 = tpu.memref_slice %dma_wait3A_519[%run_scoped3A_326, %dma_wait3A_520] : memref<8x128xf32, #tpu.memory_space<vmem>> -> memref<1x128xf32, #tpu.memory_space<vmem>>
          %dma_wait3A_522 = tpu.memref_squeeze %dma_wait3A_521 : memref<1x128xf32, #tpu.memory_space<vmem>> -> memref<128xf32, #tpu.memory_space<vmem>>
          %dma_wait3A_523 = arith.constant 0 : i32
          %dma_wait3A_524 = arith.constant 0 : i32
          %dma_wait3A_525 = tpu.memref_slice %run_scoped3A_10[%rem3A_316, %dma_wait3A_523, %dma_wait3A_524] : memref<2x1x128xi32, #tpu.memory_space<vmem>> -> memref<1x1x128xi32, #tpu.memory_space<vmem>>
          %dma_wait3A_526 = tpu.memref_squeeze %dma_wait3A_525 : memref<1x1x128xi32, #tpu.memory_space<vmem>> -> memref<1x128xi32, #tpu.memory_space<vmem>>
          %dma_wait3A_527 = arith.constant 0 : i32
          %dma_wait3A_528 = tpu.memref_slice %dma_wait3A_526[%run_scoped3A_325, %dma_wait3A_527] : memref<1x128xi32, #tpu.memory_space<vmem>> -> memref<1x128xi32, #tpu.memory_space<vmem>>
          %dma_wait3A_529 = tpu.memref_squeeze %dma_wait3A_528 : memref<1x128xi32, #tpu.memory_space<vmem>> -> memref<128xi32, #tpu.memory_space<vmem>>
          %dma_wait3A_530 = arith.constant 0 : i32
          %dma_wait3A_531 = tpu.memref_slice %arg10[%dma_wait3A_530] : memref<102400xf32, #tpu.memory_space<vmem_shared>> -> memref<102400xf32, #tpu.memory_space<vmem_shared>>
          tpu.wait_indirect_dma semaphore(%run_scoped3A_499 : memref<!tpu.dma_semaphore, #tpu.memory_space<semaphore_mem>>) src(%dma_wait3A_531 : memref<102400xf32, #tpu.memory_space<vmem_shared>>) dst(%dma_wait3A_522 : memref<128xf32, #tpu.memory_space<vmem>>)
          tpu.yield
        }) : () -> ()
        %run_scoped3A_327 = arith.constant 0 : i32
        %run_scoped3A_328 = arith.constant 2 : i32
        "tpu.region"() ({
          %run_scoped3A_499 = tpu.sem_alloc : memref<!tpu.dma_semaphore, #tpu.memory_space<semaphore_mem>>
          %dma_start3A_500 = arith.constant 0 : i32
          %dma_start3A_501 = arith.constant 0 : i32
          %dma_start3A_502 = tpu.memref_slice %run_scoped3A_12[%rem3A_318, %dma_start3A_500, %dma_start3A_501] : memref<2x8x128xf32, #tpu.memory_space<vmem>> -> memref<1x8x128xf32, #tpu.memory_space<vmem>>
          %dma_start3A_503 = tpu.memref_squeeze %dma_start3A_502 : memref<1x8x128xf32, #tpu.memory_space<vmem>> -> memref<8x128xf32, #tpu.memory_space<vmem>>
          %dma_start3A_504 = arith.constant 0 : i32
          %dma_start3A_505 = tpu.memref_slice %dma_start3A_503[%run_scoped3A_328, %dma_start3A_504] : memref<8x128xf32, #tpu.memory_space<vmem>> -> memref<1x128xf32, #tpu.memory_space<vmem>>
          %dma_start3A_506 = tpu.memref_squeeze %dma_start3A_505 : memref<1x128xf32, #tpu.memory_space<vmem>> -> memref<128xf32, #tpu.memory_space<vmem>>
          %dma_start3A_507 = arith.constant 0 : i32
          %dma_start3A_508 = arith.constant 0 : i32
          %dma_start3A_509 = tpu.memref_slice %run_scoped3A[%rem3A_314, %dma_start3A_507, %dma_start3A_508] : memref<2x1x128xi32, #tpu.memory_space<vmem>> -> memref<1x1x128xi32, #tpu.memory_space<vmem>>
          %dma_start3A_510 = tpu.memref_squeeze %dma_start3A_509 : memref<1x1x128xi32, #tpu.memory_space<vmem>> -> memref<1x128xi32, #tpu.memory_space<vmem>>
          %dma_start3A_511 = arith.constant 0 : i32
          %dma_start3A_512 = tpu.memref_slice %dma_start3A_510[%run_scoped3A_327, %dma_start3A_511] : memref<1x128xi32, #tpu.memory_space<vmem>> -> memref<1x128xi32, #tpu.memory_space<vmem>>
          %dma_start3A_513 = tpu.memref_squeeze %dma_start3A_512 : memref<1x128xi32, #tpu.memory_space<vmem>> -> memref<128xi32, #tpu.memory_space<vmem>>
          %dma_start3A_514 = arith.constant 0 : i32
          %dma_start3A_515 = tpu.memref_slice %arg11[%dma_start3A_514] : memref<102400xf32, #tpu.memory_space<vmem_shared>> -> memref<102400xf32, #tpu.memory_space<vmem_shared>>
          tpu.enqueue_indirect_dma source(%dma_start3A_515 : memref<102400xf32, #tpu.memory_space<vmem_shared>>) target(%dma_start3A_506 : memref<128xf32, #tpu.memory_space<vmem>>) offsets(%dma_start3A_513 : memref<128xi32, #tpu.memory_space<vmem>>) semaphore(%run_scoped3A_499 : memref<!tpu.dma_semaphore, #tpu.memory_space<semaphore_mem>>)
          %dma_wait3A_516 = arith.constant 0 : i32
          %dma_wait3A_517 = arith.constant 0 : i32
          %dma_wait3A_518 = tpu.memref_slice %run_scoped3A_12[%rem3A_318, %dma_wait3A_516, %dma_wait3A_517] : memref<2x8x128xf32, #tpu.memory_space<vmem>> -> memref<1x8x128xf32, #tpu.memory_space<vmem>>
          %dma_wait3A_519 = tpu.memref_squeeze %dma_wait3A_518 : memref<1x8x128xf32, #tpu.memory_space<vmem>> -> memref<8x128xf32, #tpu.memory_space<vmem>>
          %dma_wait3A_520 = arith.constant 0 : i32
          %dma_wait3A_521 = tpu.memref_slice %dma_wait3A_519[%run_scoped3A_328, %dma_wait3A_520] : memref<8x128xf32, #tpu.memory_space<vmem>> -> memref<1x128xf32, #tpu.memory_space<vmem>>
          %dma_wait3A_522 = tpu.memref_squeeze %dma_wait3A_521 : memref<1x128xf32, #tpu.memory_space<vmem>> -> memref<128xf32, #tpu.memory_space<vmem>>
          %dma_wait3A_523 = arith.constant 0 : i32
          %dma_wait3A_524 = arith.constant 0 : i32
          %dma_wait3A_525 = tpu.memref_slice %run_scoped3A[%rem3A_314, %dma_wait3A_523, %dma_wait3A_524] : memref<2x1x128xi32, #tpu.memory_space<vmem>> -> memref<1x1x128xi32, #tpu.memory_space<vmem>>
          %dma_wait3A_526 = tpu.memref_squeeze %dma_wait3A_525 : memref<1x1x128xi32, #tpu.memory_space<vmem>> -> memref<1x128xi32, #tpu.memory_space<vmem>>
          %dma_wait3A_527 = arith.constant 0 : i32
          %dma_wait3A_528 = tpu.memref_slice %dma_wait3A_526[%run_scoped3A_327, %dma_wait3A_527] : memref<1x128xi32, #tpu.memory_space<vmem>> -> memref<1x128xi32, #tpu.memory_space<vmem>>
          %dma_wait3A_529 = tpu.memref_squeeze %dma_wait3A_528 : memref<1x128xi32, #tpu.memory_space<vmem>> -> memref<128xi32, #tpu.memory_space<vmem>>
          %dma_wait3A_530 = arith.constant 0 : i32
          %dma_wait3A_531 = tpu.memref_slice %arg11[%dma_wait3A_530] : memref<102400xf32, #tpu.memory_space<vmem_shared>> -> memref<102400xf32, #tpu.memory_space<vmem_shared>>
          tpu.wait_indirect_dma semaphore(%run_scoped3A_499 : memref<!tpu.dma_semaphore, #tpu.memory_space<semaphore_mem>>) src(%dma_wait3A_531 : memref<102400xf32, #tpu.memory_space<vmem_shared>>) dst(%dma_wait3A_522 : memref<128xf32, #tpu.memory_space<vmem>>)
          tpu.yield
        }) : () -> ()
        %run_scoped3A_329 = arith.constant 0 : i32
        %run_scoped3A_330 = arith.constant 6 : i32
        "tpu.region"() ({
          %run_scoped3A_499 = tpu.sem_alloc : memref<!tpu.dma_semaphore, #tpu.memory_space<semaphore_mem>>
          %dma_start3A_500 = arith.constant 0 : i32
          %dma_start3A_501 = arith.constant 0 : i32
          %dma_start3A_502 = tpu.memref_slice %run_scoped3A_12[%rem3A_318, %dma_start3A_500, %dma_start3A_501] : memref<2x8x128xf32, #tpu.memory_space<vmem>> -> memref<1x8x128xf32, #tpu.memory_space<vmem>>
          %dma_start3A_503 = tpu.memref_squeeze %dma_start3A_502 : memref<1x8x128xf32, #tpu.memory_space<vmem>> -> memref<8x128xf32, #tpu.memory_space<vmem>>
          %dma_start3A_504 = arith.constant 0 : i32
          %dma_start3A_505 = tpu.memref_slice %dma_start3A_503[%run_scoped3A_330, %dma_start3A_504] : memref<8x128xf32, #tpu.memory_space<vmem>> -> memref<1x128xf32, #tpu.memory_space<vmem>>
          %dma_start3A_506 = tpu.memref_squeeze %dma_start3A_505 : memref<1x128xf32, #tpu.memory_space<vmem>> -> memref<128xf32, #tpu.memory_space<vmem>>
          %dma_start3A_507 = arith.constant 0 : i32
          %dma_start3A_508 = arith.constant 0 : i32
          %dma_start3A_509 = tpu.memref_slice %run_scoped3A_10[%rem3A_316, %dma_start3A_507, %dma_start3A_508] : memref<2x1x128xi32, #tpu.memory_space<vmem>> -> memref<1x1x128xi32, #tpu.memory_space<vmem>>
          %dma_start3A_510 = tpu.memref_squeeze %dma_start3A_509 : memref<1x1x128xi32, #tpu.memory_space<vmem>> -> memref<1x128xi32, #tpu.memory_space<vmem>>
          %dma_start3A_511 = arith.constant 0 : i32
          %dma_start3A_512 = tpu.memref_slice %dma_start3A_510[%run_scoped3A_329, %dma_start3A_511] : memref<1x128xi32, #tpu.memory_space<vmem>> -> memref<1x128xi32, #tpu.memory_space<vmem>>
          %dma_start3A_513 = tpu.memref_squeeze %dma_start3A_512 : memref<1x128xi32, #tpu.memory_space<vmem>> -> memref<128xi32, #tpu.memory_space<vmem>>
          %dma_start3A_514 = arith.constant 0 : i32
          %dma_start3A_515 = tpu.memref_slice %arg11[%dma_start3A_514] : memref<102400xf32, #tpu.memory_space<vmem_shared>> -> memref<102400xf32, #tpu.memory_space<vmem_shared>>
          tpu.enqueue_indirect_dma source(%dma_start3A_515 : memref<102400xf32, #tpu.memory_space<vmem_shared>>) target(%dma_start3A_506 : memref<128xf32, #tpu.memory_space<vmem>>) offsets(%dma_start3A_513 : memref<128xi32, #tpu.memory_space<vmem>>) semaphore(%run_scoped3A_499 : memref<!tpu.dma_semaphore, #tpu.memory_space<semaphore_mem>>)
          %dma_wait3A_516 = arith.constant 0 : i32
          %dma_wait3A_517 = arith.constant 0 : i32
          %dma_wait3A_518 = tpu.memref_slice %run_scoped3A_12[%rem3A_318, %dma_wait3A_516, %dma_wait3A_517] : memref<2x8x128xf32, #tpu.memory_space<vmem>> -> memref<1x8x128xf32, #tpu.memory_space<vmem>>
          %dma_wait3A_519 = tpu.memref_squeeze %dma_wait3A_518 : memref<1x8x128xf32, #tpu.memory_space<vmem>> -> memref<8x128xf32, #tpu.memory_space<vmem>>
          %dma_wait3A_520 = arith.constant 0 : i32
          %dma_wait3A_521 = tpu.memref_slice %dma_wait3A_519[%run_scoped3A_330, %dma_wait3A_520] : memref<8x128xf32, #tpu.memory_space<vmem>> -> memref<1x128xf32, #tpu.memory_space<vmem>>
          %dma_wait3A_522 = tpu.memref_squeeze %dma_wait3A_521 : memref<1x128xf32, #tpu.memory_space<vmem>> -> memref<128xf32, #tpu.memory_space<vmem>>
          %dma_wait3A_523 = arith.constant 0 : i32
          %dma_wait3A_524 = arith.constant 0 : i32
          %dma_wait3A_525 = tpu.memref_slice %run_scoped3A_10[%rem3A_316, %dma_wait3A_523, %dma_wait3A_524] : memref<2x1x128xi32, #tpu.memory_space<vmem>> -> memref<1x1x128xi32, #tpu.memory_space<vmem>>
          %dma_wait3A_526 = tpu.memref_squeeze %dma_wait3A_525 : memref<1x1x128xi32, #tpu.memory_space<vmem>> -> memref<1x128xi32, #tpu.memory_space<vmem>>
          %dma_wait3A_527 = arith.constant 0 : i32
          %dma_wait3A_528 = tpu.memref_slice %dma_wait3A_526[%run_scoped3A_329, %dma_wait3A_527] : memref<1x128xi32, #tpu.memory_space<vmem>> -> memref<1x128xi32, #tpu.memory_space<vmem>>
          %dma_wait3A_529 = tpu.memref_squeeze %dma_wait3A_528 : memref<1x128xi32, #tpu.memory_space<vmem>> -> memref<128xi32, #tpu.memory_space<vmem>>
          %dma_wait3A_530 = arith.constant 0 : i32
          %dma_wait3A_531 = tpu.memref_slice %arg11[%dma_wait3A_530] : memref<102400xf32, #tpu.memory_space<vmem_shared>> -> memref<102400xf32, #tpu.memory_space<vmem_shared>>
          tpu.wait_indirect_dma semaphore(%run_scoped3A_499 : memref<!tpu.dma_semaphore, #tpu.memory_space<semaphore_mem>>) src(%dma_wait3A_531 : memref<102400xf32, #tpu.memory_space<vmem_shared>>) dst(%dma_wait3A_522 : memref<128xf32, #tpu.memory_space<vmem>>)
          tpu.yield
        }) : () -> ()
        %run_scoped3A_331 = arith.constant 0 : i32
        %run_scoped3A_332 = arith.constant 3 : i32
        "tpu.region"() ({
          %run_scoped3A_499 = tpu.sem_alloc : memref<!tpu.dma_semaphore, #tpu.memory_space<semaphore_mem>>
          %dma_start3A_500 = arith.constant 0 : i32
          %dma_start3A_501 = arith.constant 0 : i32
          %dma_start3A_502 = tpu.memref_slice %run_scoped3A_12[%rem3A_318, %dma_start3A_500, %dma_start3A_501] : memref<2x8x128xf32, #tpu.memory_space<vmem>> -> memref<1x8x128xf32, #tpu.memory_space<vmem>>
          %dma_start3A_503 = tpu.memref_squeeze %dma_start3A_502 : memref<1x8x128xf32, #tpu.memory_space<vmem>> -> memref<8x128xf32, #tpu.memory_space<vmem>>
          %dma_start3A_504 = arith.constant 0 : i32
          %dma_start3A_505 = tpu.memref_slice %dma_start3A_503[%run_scoped3A_332, %dma_start3A_504] : memref<8x128xf32, #tpu.memory_space<vmem>> -> memref<1x128xf32, #tpu.memory_space<vmem>>
          %dma_start3A_506 = tpu.memref_squeeze %dma_start3A_505 : memref<1x128xf32, #tpu.memory_space<vmem>> -> memref<128xf32, #tpu.memory_space<vmem>>
          %dma_start3A_507 = arith.constant 0 : i32
          %dma_start3A_508 = arith.constant 0 : i32
          %dma_start3A_509 = tpu.memref_slice %run_scoped3A[%rem3A_314, %dma_start3A_507, %dma_start3A_508] : memref<2x1x128xi32, #tpu.memory_space<vmem>> -> memref<1x1x128xi32, #tpu.memory_space<vmem>>
          %dma_start3A_510 = tpu.memref_squeeze %dma_start3A_509 : memref<1x1x128xi32, #tpu.memory_space<vmem>> -> memref<1x128xi32, #tpu.memory_space<vmem>>
          %dma_start3A_511 = arith.constant 0 : i32
          %dma_start3A_512 = tpu.memref_slice %dma_start3A_510[%run_scoped3A_331, %dma_start3A_511] : memref<1x128xi32, #tpu.memory_space<vmem>> -> memref<1x128xi32, #tpu.memory_space<vmem>>
          %dma_start3A_513 = tpu.memref_squeeze %dma_start3A_512 : memref<1x128xi32, #tpu.memory_space<vmem>> -> memref<128xi32, #tpu.memory_space<vmem>>
          %dma_start3A_514 = arith.constant 0 : i32
          %dma_start3A_515 = tpu.memref_slice %arg12[%dma_start3A_514] : memref<102400xf32, #tpu.memory_space<vmem_shared>> -> memref<102400xf32, #tpu.memory_space<vmem_shared>>
          tpu.enqueue_indirect_dma source(%dma_start3A_515 : memref<102400xf32, #tpu.memory_space<vmem_shared>>) target(%dma_start3A_506 : memref<128xf32, #tpu.memory_space<vmem>>) offsets(%dma_start3A_513 : memref<128xi32, #tpu.memory_space<vmem>>) semaphore(%run_scoped3A_499 : memref<!tpu.dma_semaphore, #tpu.memory_space<semaphore_mem>>)
          %dma_wait3A_516 = arith.constant 0 : i32
          %dma_wait3A_517 = arith.constant 0 : i32
          %dma_wait3A_518 = tpu.memref_slice %run_scoped3A_12[%rem3A_318, %dma_wait3A_516, %dma_wait3A_517] : memref<2x8x128xf32, #tpu.memory_space<vmem>> -> memref<1x8x128xf32, #tpu.memory_space<vmem>>
          %dma_wait3A_519 = tpu.memref_squeeze %dma_wait3A_518 : memref<1x8x128xf32, #tpu.memory_space<vmem>> -> memref<8x128xf32, #tpu.memory_space<vmem>>
          %dma_wait3A_520 = arith.constant 0 : i32
          %dma_wait3A_521 = tpu.memref_slice %dma_wait3A_519[%run_scoped3A_332, %dma_wait3A_520] : memref<8x128xf32, #tpu.memory_space<vmem>> -> memref<1x128xf32, #tpu.memory_space<vmem>>
          %dma_wait3A_522 = tpu.memref_squeeze %dma_wait3A_521 : memref<1x128xf32, #tpu.memory_space<vmem>> -> memref<128xf32, #tpu.memory_space<vmem>>
          %dma_wait3A_523 = arith.constant 0 : i32
          %dma_wait3A_524 = arith.constant 0 : i32
          %dma_wait3A_525 = tpu.memref_slice %run_scoped3A[%rem3A_314, %dma_wait3A_523, %dma_wait3A_524] : memref<2x1x128xi32, #tpu.memory_space<vmem>> -> memref<1x1x128xi32, #tpu.memory_space<vmem>>
          %dma_wait3A_526 = tpu.memref_squeeze %dma_wait3A_525 : memref<1x1x128xi32, #tpu.memory_space<vmem>> -> memref<1x128xi32, #tpu.memory_space<vmem>>
          %dma_wait3A_527 = arith.constant 0 : i32
          %dma_wait3A_528 = tpu.memref_slice %dma_wait3A_526[%run_scoped3A_331, %dma_wait3A_527] : memref<1x128xi32, #tpu.memory_space<vmem>> -> memref<1x128xi32, #tpu.memory_space<vmem>>
          %dma_wait3A_529 = tpu.memref_squeeze %dma_wait3A_528 : memref<1x128xi32, #tpu.memory_space<vmem>> -> memref<128xi32, #tpu.memory_space<vmem>>
          %dma_wait3A_530 = arith.constant 0 : i32
          %dma_wait3A_531 = tpu.memref_slice %arg12[%dma_wait3A_530] : memref<102400xf32, #tpu.memory_space<vmem_shared>> -> memref<102400xf32, #tpu.memory_space<vmem_shared>>
          tpu.wait_indirect_dma semaphore(%run_scoped3A_499 : memref<!tpu.dma_semaphore, #tpu.memory_space<semaphore_mem>>) src(%dma_wait3A_531 : memref<102400xf32, #tpu.memory_space<vmem_shared>>) dst(%dma_wait3A_522 : memref<128xf32, #tpu.memory_space<vmem>>)
          tpu.yield
        }) : () -> ()
        %run_scoped3A_333 = arith.constant 0 : i32
        %run_scoped3A_334 = arith.constant 7 : i32
        "tpu.region"() ({
          %run_scoped3A_499 = tpu.sem_alloc : memref<!tpu.dma_semaphore, #tpu.memory_space<semaphore_mem>>
          %dma_start3A_500 = arith.constant 0 : i32
          %dma_start3A_501 = arith.constant 0 : i32
          %dma_start3A_502 = tpu.memref_slice %run_scoped3A_12[%rem3A_318, %dma_start3A_500, %dma_start3A_501] : memref<2x8x128xf32, #tpu.memory_space<vmem>> -> memref<1x8x128xf32, #tpu.memory_space<vmem>>
          %dma_start3A_503 = tpu.memref_squeeze %dma_start3A_502 : memref<1x8x128xf32, #tpu.memory_space<vmem>> -> memref<8x128xf32, #tpu.memory_space<vmem>>
          %dma_start3A_504 = arith.constant 0 : i32
          %dma_start3A_505 = tpu.memref_slice %dma_start3A_503[%run_scoped3A_334, %dma_start3A_504] : memref<8x128xf32, #tpu.memory_space<vmem>> -> memref<1x128xf32, #tpu.memory_space<vmem>>
          %dma_start3A_506 = tpu.memref_squeeze %dma_start3A_505 : memref<1x128xf32, #tpu.memory_space<vmem>> -> memref<128xf32, #tpu.memory_space<vmem>>
          %dma_start3A_507 = arith.constant 0 : i32
          %dma_start3A_508 = arith.constant 0 : i32
          %dma_start3A_509 = tpu.memref_slice %run_scoped3A_10[%rem3A_316, %dma_start3A_507, %dma_start3A_508] : memref<2x1x128xi32, #tpu.memory_space<vmem>> -> memref<1x1x128xi32, #tpu.memory_space<vmem>>
          %dma_start3A_510 = tpu.memref_squeeze %dma_start3A_509 : memref<1x1x128xi32, #tpu.memory_space<vmem>> -> memref<1x128xi32, #tpu.memory_space<vmem>>
          %dma_start3A_511 = arith.constant 0 : i32
          %dma_start3A_512 = tpu.memref_slice %dma_start3A_510[%run_scoped3A_333, %dma_start3A_511] : memref<1x128xi32, #tpu.memory_space<vmem>> -> memref<1x128xi32, #tpu.memory_space<vmem>>
          %dma_start3A_513 = tpu.memref_squeeze %dma_start3A_512 : memref<1x128xi32, #tpu.memory_space<vmem>> -> memref<128xi32, #tpu.memory_space<vmem>>
          %dma_start3A_514 = arith.constant 0 : i32
          %dma_start3A_515 = tpu.memref_slice %arg12[%dma_start3A_514] : memref<102400xf32, #tpu.memory_space<vmem_shared>> -> memref<102400xf32, #tpu.memory_space<vmem_shared>>
          tpu.enqueue_indirect_dma source(%dma_start3A_515 : memref<102400xf32, #tpu.memory_space<vmem_shared>>) target(%dma_start3A_506 : memref<128xf32, #tpu.memory_space<vmem>>) offsets(%dma_start3A_513 : memref<128xi32, #tpu.memory_space<vmem>>) semaphore(%run_scoped3A_499 : memref<!tpu.dma_semaphore, #tpu.memory_space<semaphore_mem>>)
          %dma_wait3A_516 = arith.constant 0 : i32
          %dma_wait3A_517 = arith.constant 0 : i32
          %dma_wait3A_518 = tpu.memref_slice %run_scoped3A_12[%rem3A_318, %dma_wait3A_516, %dma_wait3A_517] : memref<2x8x128xf32, #tpu.memory_space<vmem>> -> memref<1x8x128xf32, #tpu.memory_space<vmem>>
          %dma_wait3A_519 = tpu.memref_squeeze %dma_wait3A_518 : memref<1x8x128xf32, #tpu.memory_space<vmem>> -> memref<8x128xf32, #tpu.memory_space<vmem>>
          %dma_wait3A_520 = arith.constant 0 : i32
          %dma_wait3A_521 = tpu.memref_slice %dma_wait3A_519[%run_scoped3A_334, %dma_wait3A_520] : memref<8x128xf32, #tpu.memory_space<vmem>> -> memref<1x128xf32, #tpu.memory_space<vmem>>
          %dma_wait3A_522 = tpu.memref_squeeze %dma_wait3A_521 : memref<1x128xf32, #tpu.memory_space<vmem>> -> memref<128xf32, #tpu.memory_space<vmem>>
          %dma_wait3A_523 = arith.constant 0 : i32
          %dma_wait3A_524 = arith.constant 0 : i32
          %dma_wait3A_525 = tpu.memref_slice %run_scoped3A_10[%rem3A_316, %dma_wait3A_523, %dma_wait3A_524] : memref<2x1x128xi32, #tpu.memory_space<vmem>> -> memref<1x1x128xi32, #tpu.memory_space<vmem>>
          %dma_wait3A_526 = tpu.memref_squeeze %dma_wait3A_525 : memref<1x1x128xi32, #tpu.memory_space<vmem>> -> memref<1x128xi32, #tpu.memory_space<vmem>>
          %dma_wait3A_527 = arith.constant 0 : i32
          %dma_wait3A_528 = tpu.memref_slice %dma_wait3A_526[%run_scoped3A_333, %dma_wait3A_527] : memref<1x128xi32, #tpu.memory_space<vmem>> -> memref<1x128xi32, #tpu.memory_space<vmem>>
          %dma_wait3A_529 = tpu.memref_squeeze %dma_wait3A_528 : memref<1x128xi32, #tpu.memory_space<vmem>> -> memref<128xi32, #tpu.memory_space<vmem>>
          %dma_wait3A_530 = arith.constant 0 : i32
          %dma_wait3A_531 = tpu.memref_slice %arg12[%dma_wait3A_530] : memref<102400xf32, #tpu.memory_space<vmem_shared>> -> memref<102400xf32, #tpu.memory_space<vmem_shared>>
          tpu.wait_indirect_dma semaphore(%run_scoped3A_499 : memref<!tpu.dma_semaphore, #tpu.memory_space<semaphore_mem>>) src(%dma_wait3A_531 : memref<102400xf32, #tpu.memory_space<vmem_shared>>) dst(%dma_wait3A_522 : memref<128xf32, #tpu.memory_space<vmem>>)
          tpu.yield
        }) : () -> ()
        "tpu.trace_stop"() : () -> ()
        %mul3A_335 = arith.constant 1 : i32
        %mul3A_336 = arith.muli %add3A_175, %mul3A_335 : i32
        %add3A_337 = arith.constant 0 : i32
        %add3A_338 = arith.addi %mul3A_336, %add3A_337 : i32
        %mul3A_339 = arith.constant 1 : i32
        %mul3A_340 = arith.muli %add3A_193, %mul3A_339 : i32
        %add3A_341 = arith.constant 0 : i32
        %add3A_342 = arith.addi %mul3A_340, %add3A_341 : i32
        %ne3A_343 = arith.cmpi ne, %add3A_338, %add3A_342 : i32
        %or3A_344 = arith.constant false
        %or3A_345 = arith.ori %or3A_344, %ne3A_343 : i1
        %or3A_346 = arith.constant false
        %or3A_347 = arith.ori %or3A_345, %or3A_346 : i1
        %or3A_348 = arith.ori %or3A_347, %eq3A_174 : i1
        %convert_element_type3A_349 = arith.extui %or3A_348 : i1 to i32
        %cond3A_350 = arith.constant 0 : i32
        %cond3A_351 = arith.cmpi ne, %convert_element_type3A_349, %cond3A_350 : i32
        scf.if %cond3A_351 {
        } else {
        }
        %and3A_352 = arith.constant false
        %and3A_353 = arith.andi %or3A_348, %and3A_352 : i1
        %mul3A_354 = arith.constant 1 : i32
        %mul3A_355 = arith.muli %add3A_175, %mul3A_354 : i32
        %add3A_356 = arith.constant 0 : i32
        %add3A_357 = arith.addi %mul3A_355, %add3A_356 : i32
        %mul3A_358 = arith.constant 1 : i32
        %mul3A_359 = arith.muli %add3A_193, %mul3A_358 : i32
        %add3A_360 = arith.constant 0 : i32
        %add3A_361 = arith.addi %mul3A_359, %add3A_360 : i32
        %ne3A_362 = arith.cmpi ne, %add3A_357, %add3A_361 : i32
        %or3A_363 = arith.constant false
        %or3A_364 = arith.ori %or3A_363, %ne3A_362 : i1
        %or3A_365 = arith.constant false
        %or3A_366 = arith.ori %or3A_364, %or3A_365 : i1
        %or3A_367 = arith.ori %or3A_366, %eq3A_174 : i1
        %convert_element_type3A_368 = arith.extui %or3A_367 : i1 to i32
        %cond3A_369 = arith.constant 0 : i32
        %cond3A_370 = arith.cmpi ne, %convert_element_type3A_368, %cond3A_369 : i32
        scf.if %cond3A_370 {
        } else {
        }
        %and3A_371 = arith.constant false
        %and3A_372 = arith.andi %or3A_367, %and3A_371 : i1
        %mul3A_373 = arith.constant 1 : i32
        %mul3A_374 = arith.muli %add3A_175, %mul3A_373 : i32
        %add3A_375 = arith.constant 0 : i32
        %add3A_376 = arith.addi %mul3A_374, %add3A_375 : i32
        %mul3A_377 = arith.constant 1 : i32
        %mul3A_378 = arith.muli %add3A_193, %mul3A_377 : i32
        %add3A_379 = arith.constant 0 : i32
        %add3A_380 = arith.addi %mul3A_378, %add3A_379 : i32
        %ne3A_381 = arith.cmpi ne, %add3A_376, %add3A_380 : i32
        %or3A_382 = arith.constant false
        %or3A_383 = arith.ori %or3A_382, %ne3A_381 : i1
        %or3A_384 = arith.ori %or3A_383, %eq3A_174 : i1
        %convert_element_type3A_385 = arith.extui %or3A_384 : i1 to i32
        %cond3A_386 = arith.constant 0 : i32
        %cond3A_387 = arith.cmpi ne, %convert_element_type3A_385, %cond3A_386 : i32
        scf.if %cond3A_387 {
          "tpu.trace_start"() <{level = 10 : i32, message = "ep_copy_out"}> : () -> ()
          %rem3A_499 = arith.constant 2 : i32
          %rem3A_500 = arith.remui %scan3A_168, %rem3A_499 : i32
          %mul3A_501 = arith.constant 1 : i32
          %mul3A_502 = arith.muli %add3A_175, %mul3A_501 : i32
          %add3A_503 = arith.constant 0 : i32
          %add3A_504 = arith.addi %mul3A_502, %add3A_503 : i32
          %mul3A_505 = arith.constant 128 : i32
          %mul3A_506 = arith.muli %mul3A_505, %add3A_504 : i32
          %dma_start3A_507 = arith.constant 0 : i32
          %dma_start3A_508 = arith.constant 0 : i32
          %dma_start3A_509 = tpu.memref_slice %run_scoped3A_12[%rem3A_500, %dma_start3A_507, %dma_start3A_508] : memref<2x8x128xf32, #tpu.memory_space<vmem>> -> memref<1x8x128xf32, #tpu.memory_space<vmem>>
          %dma_start3A_510 = tpu.memref_squeeze %dma_start3A_509 : memref<1x8x128xf32, #tpu.memory_space<vmem>> -> memref<8x128xf32, #tpu.memory_space<vmem>>
          %dma_start3A_511 = arith.constant 0 : i32
          %dma_start3A_512 = tpu.memref_slice %arg8[%dma_start3A_511, %mul3A_506] : memref<8x1638400xf32, #tpu.memory_space<hbm>> -> memref<8x128xf32, #tpu.memory_space<hbm>>
          %dma_start3A_513 = tpu.memref_slice %run_scoped3A_13[%rem3A_500] : memref<2x!tpu.dma_semaphore, #tpu.memory_space<semaphore_mem>> -> memref<1x!tpu.dma_semaphore, #tpu.memory_space<semaphore_mem>>
          %dma_start3A_514 = tpu.memref_squeeze %dma_start3A_513 : memref<1x!tpu.dma_semaphore, #tpu.memory_space<semaphore_mem>> -> memref<!tpu.dma_semaphore, #tpu.memory_space<semaphore_mem>>
          %dma_start3A_515 = arith.constant 0 : i32
          %dma_start3A_516 = tpu.memref_slice %arg8[%dma_start3A_515, %mul3A_506] : memref<8x1638400xf32, #tpu.memory_space<hbm>> -> memref<8x128xf32, #tpu.memory_space<hbm>>
          %dma_start3A_517 = arith.constant 0 : i32
          %dma_start3A_518 = arith.constant 0 : i32
          %dma_start3A_519 = tpu.memref_slice %run_scoped3A_12[%rem3A_500, %dma_start3A_517, %dma_start3A_518] : memref<2x8x128xf32, #tpu.memory_space<vmem>> -> memref<1x8x128xf32, #tpu.memory_space<vmem>>
          %dma_start3A_520 = tpu.memref_squeeze %dma_start3A_519 : memref<1x8x128xf32, #tpu.memory_space<vmem>> -> memref<8x128xf32, #tpu.memory_space<vmem>>
          tpu.enqueue_dma source(%dma_start3A_520 : memref<8x128xf32, #tpu.memory_space<vmem>>) target(%dma_start3A_516 : memref<8x128xf32, #tpu.memory_space<hbm>>) target_semaphore(%dma_start3A_514 : memref<!tpu.dma_semaphore, #tpu.memory_space<semaphore_mem>>)
          "tpu.trace_stop"() : () -> ()
        } else {
        }
        %and3A_388 = arith.constant true
        %and3A_389 = arith.andi %or3A_384, %and3A_388 : i1
        %add3A_390 = arith.constant 1 : i32
        %add3A_391 = arith.addi %scan3A_168, %add3A_390 : i32
        %select_n3A_392 = arith.select %and3A_389, %add3A_391, %scan3A_168 : i32
        %mul3A_393 = arith.constant 1 : i32
        %mul3A_394 = arith.muli %add3A_175, %mul3A_393 : i32
        %add3A_395 = arith.constant 0 : i32
        %add3A_396 = arith.addi %mul3A_394, %add3A_395 : i32
        %mul3A_397 = arith.constant 1 : i32
        %mul3A_398 = arith.muli %add3A_184, %mul3A_397 : i32
        %add3A_399 = arith.constant 0 : i32
        %add3A_400 = arith.addi %mul3A_398, %add3A_399 : i32
        %ne3A_401 = arith.cmpi ne, %add3A_396, %add3A_400 : i32
        %or3A_402 = arith.constant false
        %or3A_403 = arith.ori %or3A_402, %ne3A_401 : i1
        %or3A_404 = arith.constant false
        %or3A_405 = arith.ori %or3A_403, %or3A_404 : i1
        %not3A_406 = arith.constant true
        %not3A_407 = arith.xori %eq3A_172, %not3A_406 : i1
        %and3A_408 = arith.andi %or3A_405, %not3A_407 : i1
        %convert_element_type3A_409 = arith.extui %and3A_408 : i1 to i32
        %cond3A_410 = arith.constant 0 : i32
        %cond3A_411 = arith.cmpi ne, %convert_element_type3A_409, %cond3A_410 : i32
        scf.if %cond3A_411 {
        } else {
        }
        %and3A_412 = arith.constant false
        %and3A_413 = arith.andi %and3A_408, %and3A_412 : i1
        %mul3A_414 = arith.constant 1 : i32
        %mul3A_415 = arith.muli %add3A_175, %mul3A_414 : i32
        %add3A_416 = arith.constant 0 : i32
        %add3A_417 = arith.addi %mul3A_415, %add3A_416 : i32
        %mul3A_418 = arith.constant 1 : i32
        %mul3A_419 = arith.muli %add3A_184, %mul3A_418 : i32
        %add3A_420 = arith.constant 0 : i32
        %add3A_421 = arith.addi %mul3A_419, %add3A_420 : i32
        %ne3A_422 = arith.cmpi ne, %add3A_417, %add3A_421 : i32
        %or3A_423 = arith.constant false
        %or3A_424 = arith.ori %or3A_423, %ne3A_422 : i1
        %or3A_425 = arith.constant false
        %or3A_426 = arith.ori %or3A_424, %or3A_425 : i1
        %not3A_427 = arith.constant true
        %not3A_428 = arith.xori %eq3A_172, %not3A_427 : i1
        %and3A_429 = arith.andi %or3A_426, %not3A_428 : i1
        %convert_element_type3A_430 = arith.extui %and3A_429 : i1 to i32
        %cond3A_431 = arith.constant 0 : i32
        %cond3A_432 = arith.cmpi ne, %convert_element_type3A_430, %cond3A_431 : i32
        scf.if %cond3A_432 {
        } else {
        }
        %and3A_433 = arith.constant false
        %and3A_434 = arith.andi %and3A_429, %and3A_433 : i1
        %mul3A_435 = arith.constant 1 : i32
        %mul3A_436 = arith.muli %add3A_175, %mul3A_435 : i32
        %add3A_437 = arith.constant 0 : i32
        %add3A_438 = arith.addi %mul3A_436, %add3A_437 : i32
        %mul3A_439 = arith.constant 1 : i32
        %mul3A_440 = arith.muli %add3A_184, %mul3A_439 : i32
        %add3A_441 = arith.constant 0 : i32
        %add3A_442 = arith.addi %mul3A_440, %add3A_441 : i32
        %ne3A_443 = arith.cmpi ne, %add3A_438, %add3A_442 : i32
        %or3A_444 = arith.constant false
        %or3A_445 = arith.ori %or3A_444, %ne3A_443 : i1
        %not3A_446 = arith.constant true
        %not3A_447 = arith.xori %eq3A_172, %not3A_446 : i1
        %and3A_448 = arith.andi %or3A_445, %not3A_447 : i1
        %convert_element_type3A_449 = arith.extui %and3A_448 : i1 to i32
        %cond3A_450 = arith.constant 0 : i32
        %cond3A_451 = arith.cmpi ne, %convert_element_type3A_449, %cond3A_450 : i32
        scf.if %cond3A_451 {
          "tpu.trace_start"() <{level = 10 : i32, message = "ep_wait_out"}> : () -> ()
          %rem3A_499 = arith.constant 2 : i32
          %rem3A_500 = arith.remui %scan3A_169, %rem3A_499 : i32
          %mul3A_501 = arith.constant 1 : i32
          %mul3A_502 = arith.muli %add3A_184, %mul3A_501 : i32
          %add3A_503 = arith.constant 0 : i32
          %add3A_504 = arith.addi %mul3A_502, %add3A_503 : i32
          %mul3A_505 = arith.constant 128 : i32
          %mul3A_506 = arith.muli %mul3A_505, %add3A_504 : i32
          %dma_wait3A_507 = arith.constant 0 : i32
          %dma_wait3A_508 = arith.constant 0 : i32
          %dma_wait3A_509 = tpu.memref_slice %run_scoped3A_12[%rem3A_500, %dma_wait3A_507, %dma_wait3A_508] : memref<2x8x128xf32, #tpu.memory_space<vmem>> -> memref<1x8x128xf32, #tpu.memory_space<vmem>>
          %dma_wait3A_510 = tpu.memref_squeeze %dma_wait3A_509 : memref<1x8x128xf32, #tpu.memory_space<vmem>> -> memref<8x128xf32, #tpu.memory_space<vmem>>
          %dma_wait3A_511 = arith.constant 0 : i32
          %dma_wait3A_512 = tpu.memref_slice %arg8[%dma_wait3A_511, %mul3A_506] : memref<8x1638400xf32, #tpu.memory_space<hbm>> -> memref<8x128xf32, #tpu.memory_space<hbm>>
          %dma_wait3A_513 = tpu.memref_slice %run_scoped3A_13[%rem3A_500] : memref<2x!tpu.dma_semaphore, #tpu.memory_space<semaphore_mem>> -> memref<1x!tpu.dma_semaphore, #tpu.memory_space<semaphore_mem>>
          %dma_wait3A_514 = tpu.memref_squeeze %dma_wait3A_513 : memref<1x!tpu.dma_semaphore, #tpu.memory_space<semaphore_mem>> -> memref<!tpu.dma_semaphore, #tpu.memory_space<semaphore_mem>>
          %dma_wait3A_515 = arith.constant 0 : i32
          %dma_wait3A_516 = tpu.memref_slice %arg8[%dma_wait3A_515, %mul3A_506] : memref<8x1638400xf32, #tpu.memory_space<hbm>> -> memref<8x128xf32, #tpu.memory_space<hbm>>
          %dma_wait3A_517 = arith.constant 0 : i32
          %dma_wait3A_518 = arith.constant 0 : i32
          %dma_wait3A_519 = tpu.memref_slice %run_scoped3A_12[%rem3A_500, %dma_wait3A_517, %dma_wait3A_518] : memref<2x8x128xf32, #tpu.memory_space<vmem>> -> memref<1x8x128xf32, #tpu.memory_space<vmem>>
          %dma_wait3A_520 = tpu.memref_squeeze %dma_wait3A_519 : memref<1x8x128xf32, #tpu.memory_space<vmem>> -> memref<8x128xf32, #tpu.memory_space<vmem>>
          tpu.wait_dma2 semaphore(%dma_wait3A_514 : memref<!tpu.dma_semaphore, #tpu.memory_space<semaphore_mem>>) src(%dma_wait3A_520 : memref<8x128xf32, #tpu.memory_space<vmem>>) dst(%dma_wait3A_516 : memref<8x128xf32, #tpu.memory_space<hbm>>)
          "tpu.trace_stop"() : () -> ()
        } else {
        }
        %and3A_452 = arith.constant true
        %and3A_453 = arith.andi %and3A_448, %and3A_452 : i1
        %add3A_454 = arith.constant 1 : i32
        %add3A_455 = arith.addi %scan3A_169, %add3A_454 : i32
        %select_n3A_456 = arith.select %and3A_453, %add3A_455, %scan3A_169 : i32
        %mul3A_457 = arith.constant 1 : i32
        %mul3A_458 = arith.muli %add3A_175, %mul3A_457 : i32
        %add3A_459 = arith.constant 0 : i32
        %add3A_460 = arith.addi %mul3A_458, %add3A_459 : i32
        %mul3A_461 = arith.constant 1 : i32
        %mul3A_462 = arith.muli %add3A_193, %mul3A_461 : i32
        %add3A_463 = arith.constant 0 : i32
        %add3A_464 = arith.addi %mul3A_462, %add3A_463 : i32
        %ne3A_465 = arith.cmpi ne, %add3A_460, %add3A_464 : i32
        %or3A_466 = arith.constant false
        %or3A_467 = arith.ori %or3A_466, %ne3A_465 : i1
        %or3A_468 = arith.constant false
        %or3A_469 = arith.ori %or3A_467, %or3A_468 : i1
        %or3A_470 = arith.ori %or3A_469, %eq3A_174 : i1
        %add3A_471 = arith.constant 1 : i32
        %add3A_472 = arith.addi %scan3A_165, %add3A_471 : i32
        %select_n3A_473 = arith.select %or3A_470, %add3A_472, %scan3A_165 : i32
        %mul3A_474 = arith.constant 1 : i32
        %mul3A_475 = arith.muli %add3A_175, %mul3A_474 : i32
        %add3A_476 = arith.constant 0 : i32
        %add3A_477 = arith.addi %mul3A_475, %add3A_476 : i32
        %mul3A_478 = arith.constant 1 : i32
        %mul3A_479 = arith.muli %add3A_193, %mul3A_478 : i32
        %add3A_480 = arith.constant 0 : i32
        %add3A_481 = arith.addi %mul3A_479, %add3A_480 : i32
        %ne3A_482 = arith.cmpi ne, %add3A_477, %add3A_481 : i32
        %or3A_483 = arith.constant false
        %or3A_484 = arith.ori %or3A_483, %ne3A_482 : i1
        %or3A_485 = arith.constant false
        %or3A_486 = arith.ori %or3A_484, %or3A_485 : i1
        %or3A_487 = arith.ori %or3A_486, %eq3A_174 : i1
        %add3A_488 = arith.constant 1 : i32
        %add3A_489 = arith.addi %scan3A_167, %add3A_488 : i32
        %select_n3A_490 = arith.select %or3A_487, %add3A_489, %scan3A_167 : i32
        %add3A_491 = arith.constant 1 : i32
        %add3A_492 = arith.addi %scan3A_170, %add3A_491 : i32
        %select_n3A_493 = arith.constant true
        %select_n3A_494 = arith.select %select_n3A_493, %add3A_492, %scan3A_170 : i32
        %eq3A_495 = arith.constant 400 : i32
        %eq3A_496 = arith.cmpi eq, %select_n3A_494, %eq3A_495 : i32
        %select_n3A_497 = arith.constant 0 : i32
        %select_n3A_498 = arith.select %eq3A_496, %select_n3A_497, %select_n3A_494 : i32
        scf.yield %select_n3A_221, %select_n3A_473, %select_n3A_247, %select_n3A_490, %select_n3A_392, %select_n3A_456, %select_n3A_498 : i32, i32, i32, i32, i32, i32, i32
      }
      %scan3A_106 = arith.constant 400 : i32
      %sub3A = arith.constant 1 : i32
      %sub3A_107 = arith.subi %scan3A_105#6, %sub3A : i32
      %select_n3A_108 = arith.constant true
      %select_n3A_109 = arith.select %select_n3A_108, %sub3A_107, %scan3A_105#6 : i32
      %eq3A_110 = arith.constant -1 : i32
      %eq3A_111 = arith.cmpi eq, %select_n3A_109, %eq3A_110 : i32
      %select_n3A_112 = arith.constant 399 : i32
      %select_n3A_113 = arith.select %eq3A_111, %select_n3A_112, %select_n3A_109 : i32
      %add3A_114 = arith.addi %select_n3A_113, %mul3A_8 : i32
      %sub3A_115 = arith.constant 1 : i32
      %sub3A_116 = arith.subi %select_n3A_113, %sub3A_115 : i32
      %select_n3A_117 = arith.constant true
      %select_n3A_118 = arith.select %select_n3A_117, %sub3A_116, %select_n3A_113 : i32
      %eq3A_119 = arith.constant -1 : i32
      %eq3A_120 = arith.cmpi eq, %select_n3A_118, %eq3A_119 : i32
      %select_n3A_121 = arith.constant 399 : i32
      %select_n3A_122 = arith.select %eq3A_120, %select_n3A_121, %select_n3A_118 : i32
      %add3A_123 = arith.addi %select_n3A_122, %mul3A_8 : i32
      %add3A_124 = arith.constant 1 : i32
      %add3A_125 = arith.addi %select_n3A_113, %add3A_124 : i32
      %select_n3A_126 = arith.constant true
      %select_n3A_127 = arith.select %select_n3A_126, %add3A_125, %select_n3A_113 : i32
      %eq3A_128 = arith.constant 400 : i32
      %eq3A_129 = arith.cmpi eq, %select_n3A_127, %eq3A_128 : i32
      %select_n3A_130 = arith.constant 0 : i32
      %select_n3A_131 = arith.select %eq3A_129, %select_n3A_130, %select_n3A_127 : i32
      %add3A_132 = arith.addi %select_n3A_131, %mul3A_8 : i32
      %add3A_133 = arith.constant 1 : i32
      %add3A_134 = arith.addi %select_n3A_131, %add3A_133 : i32
      %select_n3A_135 = arith.constant true
      %select_n3A_136 = arith.select %select_n3A_135, %add3A_134, %select_n3A_131 : i32
      %eq3A_137 = arith.constant 400 : i32
      %eq3A_138 = arith.cmpi eq, %select_n3A_136, %eq3A_137 : i32
      %select_n3A_139 = arith.constant 0 : i32
      %select_n3A_140 = arith.select %eq3A_138, %select_n3A_139, %select_n3A_136 : i32
      %add3A_141 = arith.addi %select_n3A_140, %mul3A_8 : i32
      "tpu.trace_start"() <{level = 10 : i32, message = "ep_finalize"}> : () -> ()
      %rem3A_142 = arith.constant 2 : i32
      %rem3A_143 = arith.remui %scan3A_105#5, %rem3A_142 : i32
      %mul3A_144 = arith.constant 1 : i32
      %mul3A_145 = arith.muli %add3A_114, %mul3A_144 : i32
      %add3A_146 = arith.constant 0 : i32
      %add3A_147 = arith.addi %mul3A_145, %add3A_146 : i32
      %mul3A_148 = arith.constant 128 : i32
      %mul3A_149 = arith.muli %mul3A_148, %add3A_147 : i32
      %dma_wait3A = arith.constant 0 : i32
      %dma_wait3A_150 = arith.constant 0 : i32
      %dma_wait3A_151 = tpu.memref_slice %run_scoped3A_12[%rem3A_143, %dma_wait3A, %dma_wait3A_150] : memref<2x8x128xf32, #tpu.memory_space<vmem>> -> memref<1x8x128xf32, #tpu.memory_space<vmem>>
      %dma_wait3A_152 = tpu.memref_squeeze %dma_wait3A_151 : memref<1x8x128xf32, #tpu.memory_space<vmem>> -> memref<8x128xf32, #tpu.memory_space<vmem>>
      %dma_wait3A_153 = arith.constant 0 : i32
      %dma_wait3A_154 = tpu.memref_slice %arg8[%dma_wait3A_153, %mul3A_149] : memref<8x1638400xf32, #tpu.memory_space<hbm>> -> memref<8x128xf32, #tpu.memory_space<hbm>>
      %dma_wait3A_155 = tpu.memref_slice %run_scoped3A_13[%rem3A_143] : memref<2x!tpu.dma_semaphore, #tpu.memory_space<semaphore_mem>> -> memref<1x!tpu.dma_semaphore, #tpu.memory_space<semaphore_mem>>
      %dma_wait3A_156 = tpu.memref_squeeze %dma_wait3A_155 : memref<1x!tpu.dma_semaphore, #tpu.memory_space<semaphore_mem>> -> memref<!tpu.dma_semaphore, #tpu.memory_space<semaphore_mem>>
      %dma_wait3A_157 = arith.constant 0 : i32
      %dma_wait3A_158 = tpu.memref_slice %arg8[%dma_wait3A_157, %mul3A_149] : memref<8x1638400xf32, #tpu.memory_space<hbm>> -> memref<8x128xf32, #tpu.memory_space<hbm>>
      %dma_wait3A_159 = arith.constant 0 : i32
      %dma_wait3A_160 = arith.constant 0 : i32
      %dma_wait3A_161 = tpu.memref_slice %run_scoped3A_12[%rem3A_143, %dma_wait3A_159, %dma_wait3A_160] : memref<2x8x128xf32, #tpu.memory_space<vmem>> -> memref<1x8x128xf32, #tpu.memory_space<vmem>>
      %dma_wait3A_162 = tpu.memref_squeeze %dma_wait3A_161 : memref<1x8x128xf32, #tpu.memory_space<vmem>> -> memref<8x128xf32, #tpu.memory_space<vmem>>
      tpu.wait_dma2 semaphore(%dma_wait3A_156 : memref<!tpu.dma_semaphore, #tpu.memory_space<semaphore_mem>>) src(%dma_wait3A_162 : memref<8x128xf32, #tpu.memory_space<vmem>>) dst(%dma_wait3A_158 : memref<8x128xf32, #tpu.memory_space<hbm>>)
      "tpu.trace_stop"() : () -> ()
      tpu.yield
    }) : () -> ()
    return
  }
}

#map = affine_map<(d0, d1) -> (0, 0)>
#map1 = affine_map<(d0, d1) -> (0)>
module attributes {stable_mosaic.version = 14 : i64} {
  func.func @k(%arg0: i32, %arg1: i32, %arg2: memref<3x1638400xf32, #tpu.memory_space<hbm>>, %arg3: memref<12800x128xi32, #tpu.memory_space<hbm>>, %arg4: memref<614400xf32, #tpu.memory_space<hbm>>, %arg5: memref<102400xf32, #tpu.memory_space<vmem_shared>>, %arg6: memref<102400xf32, #tpu.memory_space<vmem_shared>>, %arg7: memref<102400xf32, #tpu.memory_space<vmem_shared>>, %arg8: memref<6400xf32, #tpu.memory_space<vmem>>) attributes {dimension_semantics = [#tpu.dimension_semantics<core_parallel>, #tpu.dimension_semantics<subcore_parallel>], iteration_bounds = array<i64: 2, 16>, scalar_prefetch = 0 : i64, scratch_operands = 4 : i64, tpu.core_type = #tpu.core_type<sc_vector_subcore>, window_params = [{transform_indices = #map}, {transform_indices = #map}, {transform_indices = #map1}]} {
    %mul3A = arith.constant 6400 : i32
    %mul3A_0 = arith.muli %arg1, %mul3A : i32
    %scan3A = arith.constant 0 : i32
    %scan3A_1 = arith.constant 400 : i32
    %scan3A_2 = arith.addi %scan3A, %scan3A_1 : i32
    %scan3A_3 = arith.constant 1 : i32
    scf.for %scan3A_41 = %scan3A to %scan3A_2 step %scan3A_3  : i32 {
      %mul3A_42 = arith.constant 16 : i32
      %mul3A_43 = arith.muli %scan3A_41, %mul3A_42 : i32
      %add3A_44 = arith.constant 0 : i32
      %add3A_45 = arith.addi %add3A_44, %mul3A_43 : i32
      %broadcast_in_dim3A = arith.constant 0.000000e+00 : f32
      %broadcast_in_dim3A_46 = vector.broadcast %broadcast_in_dim3A : f32 to vector<16xf32>
      %swap3A = arith.index_cast %add3A_45 : i32 to index
      %swap3A_47 = tpu.vector_load %arg8[%swap3A] {strides = array<i32>} : memref<6400xf32, #tpu.memory_space<vmem>>, vector<16xf32>,
      %swap3A_48 = vector.shape_cast %swap3A_47 : vector<16xf32> to vector<16xf32>
      %swap3A_49 = vector.shape_cast %broadcast_in_dim3A_46 : vector<16xf32> to vector<16xf32>
      tpu.vector_store %arg8[%swap3A], %swap3A_49 {strides = array<i32>} : memref<6400xf32, #tpu.memory_space<vmem>>, vector<16xf32>,
    }
    %scan3A_4 = arith.constant 400 : i32
    "tpu.region"() ({
      %run_scoped3A = tpu.sem_alloc : memref<!tpu.dma_semaphore, #tpu.memory_space<semaphore_mem>>
      %dma_start3A = tpu.memref_slice %arg5[%mul3A_0] : memref<102400xf32, #tpu.memory_space<vmem_shared>> -> memref<6400xf32, #tpu.memory_space<vmem_shared>>
      %dma_start3A_41 = tpu.memref_slice %arg5[%mul3A_0] : memref<102400xf32, #tpu.memory_space<vmem_shared>> -> memref<6400xf32, #tpu.memory_space<vmem_shared>>
      tpu.enqueue_dma source(%arg8 : memref<6400xf32, #tpu.memory_space<vmem>>) target(%dma_start3A_41 : memref<6400xf32, #tpu.memory_space<vmem_shared>>) target_semaphore(%run_scoped3A : memref<!tpu.dma_semaphore, #tpu.memory_space<semaphore_mem>>)
      %dma_wait3A = tpu.memref_slice %arg5[%mul3A_0] : memref<102400xf32, #tpu.memory_space<vmem_shared>> -> memref<6400xf32, #tpu.memory_space<vmem_shared>>
      %dma_wait3A_42 = tpu.memref_slice %arg5[%mul3A_0] : memref<102400xf32, #tpu.memory_space<vmem_shared>> -> memref<6400xf32, #tpu.memory_space<vmem_shared>>
      tpu.wait_dma2 semaphore(%run_scoped3A : memref<!tpu.dma_semaphore, #tpu.memory_space<semaphore_mem>>) src(%arg8 : memref<6400xf32, #tpu.memory_space<vmem>>) dst(%dma_wait3A_42 : memref<6400xf32, #tpu.memory_space<vmem_shared>>)
      tpu.yield
    }) : () -> ()
    "tpu.region"() ({
      %run_scoped3A = tpu.sem_alloc : memref<!tpu.dma_semaphore, #tpu.memory_space<semaphore_mem>>
      %dma_start3A = tpu.memref_slice %arg6[%mul3A_0] : memref<102400xf32, #tpu.memory_space<vmem_shared>> -> memref<6400xf32, #tpu.memory_space<vmem_shared>>
      %dma_start3A_41 = tpu.memref_slice %arg6[%mul3A_0] : memref<102400xf32, #tpu.memory_space<vmem_shared>> -> memref<6400xf32, #tpu.memory_space<vmem_shared>>
      tpu.enqueue_dma source(%arg8 : memref<6400xf32, #tpu.memory_space<vmem>>) target(%dma_start3A_41 : memref<6400xf32, #tpu.memory_space<vmem_shared>>) target_semaphore(%run_scoped3A : memref<!tpu.dma_semaphore, #tpu.memory_space<semaphore_mem>>)
      %dma_wait3A = tpu.memref_slice %arg6[%mul3A_0] : memref<102400xf32, #tpu.memory_space<vmem_shared>> -> memref<6400xf32, #tpu.memory_space<vmem_shared>>
      %dma_wait3A_42 = tpu.memref_slice %arg6[%mul3A_0] : memref<102400xf32, #tpu.memory_space<vmem_shared>> -> memref<6400xf32, #tpu.memory_space<vmem_shared>>
      tpu.wait_dma2 semaphore(%run_scoped3A : memref<!tpu.dma_semaphore, #tpu.memory_space<semaphore_mem>>) src(%arg8 : memref<6400xf32, #tpu.memory_space<vmem>>) dst(%dma_wait3A_42 : memref<6400xf32, #tpu.memory_space<vmem_shared>>)
      tpu.yield
    }) : () -> ()
    "tpu.region"() ({
      %run_scoped3A = tpu.sem_alloc : memref<!tpu.dma_semaphore, #tpu.memory_space<semaphore_mem>>
      %dma_start3A = tpu.memref_slice %arg7[%mul3A_0] : memref<102400xf32, #tpu.memory_space<vmem_shared>> -> memref<6400xf32, #tpu.memory_space<vmem_shared>>
      %dma_start3A_41 = tpu.memref_slice %arg7[%mul3A_0] : memref<102400xf32, #tpu.memory_space<vmem_shared>> -> memref<6400xf32, #tpu.memory_space<vmem_shared>>
      tpu.enqueue_dma source(%arg8 : memref<6400xf32, #tpu.memory_space<vmem>>) target(%dma_start3A_41 : memref<6400xf32, #tpu.memory_space<vmem_shared>>) target_semaphore(%run_scoped3A : memref<!tpu.dma_semaphore, #tpu.memory_space<semaphore_mem>>)
      %dma_wait3A = tpu.memref_slice %arg7[%mul3A_0] : memref<102400xf32, #tpu.memory_space<vmem_shared>> -> memref<6400xf32, #tpu.memory_space<vmem_shared>>
      %dma_wait3A_42 = tpu.memref_slice %arg7[%mul3A_0] : memref<102400xf32, #tpu.memory_space<vmem_shared>> -> memref<6400xf32, #tpu.memory_space<vmem_shared>>
      tpu.wait_dma2 semaphore(%run_scoped3A : memref<!tpu.dma_semaphore, #tpu.memory_space<semaphore_mem>>) src(%arg8 : memref<6400xf32, #tpu.memory_space<vmem>>) dst(%dma_wait3A_42 : memref<6400xf32, #tpu.memory_space<vmem_shared>>)
      tpu.yield
    }) : () -> ()
    %barrier3A = arith.constant 0 : index
    tpu.barrier barrier_id(%barrier3A)
    %mul3A_5 = arith.constant 1 : i32
    %mul3A_6 = arith.muli %arg1, %mul3A_5 : i32
    %add3A = arith.constant 0 : i32
    %add3A_7 = arith.addi %add3A, %mul3A_6 : i32
    %mul3A_8 = arith.constant 16 : i32
    %mul3A_9 = arith.muli %arg0, %mul3A_8 : i32
    %add3A_10 = arith.addi %add3A_7, %mul3A_9 : i32
    %mul3A_11 = arith.constant 400 : i32
    %mul3A_12 = arith.muli %add3A_10, %mul3A_11 : i32
    "tpu.region"() ({
      %run_scoped3A = memref.alloca() : memref<2x3x128xf32, #tpu.memory_space<vmem>>
      %run_scoped3A_41 = tpu.sem_alloc : memref<2x!tpu.dma_semaphore, #tpu.memory_space<semaphore_mem>>
      %run_scoped3A_42 = memref.alloca() : memref<2x1x128xi32, #tpu.memory_space<vmem>>
      %run_scoped3A_43 = tpu.sem_alloc : memref<2x!tpu.dma_semaphore, #tpu.memory_space<semaphore_mem>>
      %add3A_44 = arith.constant 0 : i32
      %add3A_45 = arith.addi %add3A_44, %mul3A_12 : i32
      %select_n3A = arith.constant true
      %select_n3A_46 = arith.constant 0 : i32
      %select_n3A_47 = arith.constant -1 : i32
      %select_n3A_48 = arith.select %select_n3A, %select_n3A_47, %select_n3A_46 : i32
      %eq3A = arith.constant -1 : i32
      %eq3A_49 = arith.cmpi eq, %select_n3A_48, %eq3A : i32
      %select_n3A_50 = arith.constant 399 : i32
      %select_n3A_51 = arith.select %eq3A_49, %select_n3A_50, %select_n3A_48 : i32
      %add3A_52 = arith.addi %select_n3A_51, %mul3A_12 : i32
      %select_n3A_53 = arith.constant true
      %select_n3A_54 = arith.constant 0 : i32
      %select_n3A_55 = arith.constant 1 : i32
      %select_n3A_56 = arith.select %select_n3A_53, %select_n3A_55, %select_n3A_54 : i32
      %eq3A_57 = arith.constant 400 : i32
      %eq3A_58 = arith.cmpi eq, %select_n3A_56, %eq3A_57 : i32
      %select_n3A_59 = arith.constant 0 : i32
      %select_n3A_60 = arith.select %eq3A_58, %select_n3A_59, %select_n3A_56 : i32
      %add3A_61 = arith.addi %select_n3A_60, %mul3A_12 : i32
      %add3A_62 = arith.constant 1 : i32
      %add3A_63 = arith.addi %select_n3A_60, %add3A_62 : i32
      %select_n3A_64 = arith.constant true
      %select_n3A_65 = arith.select %select_n3A_64, %add3A_63, %select_n3A_60 : i32
      %eq3A_66 = arith.constant 400 : i32
      %eq3A_67 = arith.cmpi eq, %select_n3A_65, %eq3A_66 : i32
      %select_n3A_68 = arith.constant 0 : i32
      %select_n3A_69 = arith.select %eq3A_67, %select_n3A_68, %select_n3A_65 : i32
      %add3A_70 = arith.addi %select_n3A_69, %mul3A_12 : i32
      "tpu.trace_start"() <{level = 10 : i32, message = "ep_initialize_0"}> : () -> ()
      %rem3A = arith.constant 0 : i32
      %rem3A_71 = arith.constant 2 : i32
      %rem3A_72 = arith.remui %rem3A, %rem3A_71 : i32
      %mul3A_73 = arith.constant 1 : i32
      %mul3A_74 = arith.muli %add3A_45, %mul3A_73 : i32
      %add3A_75 = arith.constant 0 : i32
      %add3A_76 = arith.addi %mul3A_74, %add3A_75 : i32
      %mul3A_77 = arith.constant 128 : i32
      %mul3A_78 = arith.muli %mul3A_77, %add3A_76 : i32
      %dma_start3A = arith.constant 0 : i32
      %dma_start3A_79 = arith.constant 0 : i32
      %dma_start3A_80 = tpu.memref_slice %run_scoped3A[%rem3A_72, %dma_start3A, %dma_start3A_79] : memref<2x3x128xf32, #tpu.memory_space<vmem>> -> memref<1x3x128xf32, #tpu.memory_space<vmem>>
      %dma_start3A_81 = tpu.memref_squeeze %dma_start3A_80 : memref<1x3x128xf32, #tpu.memory_space<vmem>> -> memref<3x128xf32, #tpu.memory_space<vmem>>
      %dma_start3A_82 = arith.constant 0 : i32
      %dma_start3A_83 = tpu.memref_slice %arg2[%dma_start3A_82, %mul3A_78] : memref<3x1638400xf32, #tpu.memory_space<hbm>> -> memref<3x128xf32, #tpu.memory_space<hbm>>
      %dma_start3A_84 = tpu.memref_slice %run_scoped3A_41[%rem3A_72] : memref<2x!tpu.dma_semaphore, #tpu.memory_space<semaphore_mem>> -> memref<1x!tpu.dma_semaphore, #tpu.memory_space<semaphore_mem>>
      %dma_start3A_85 = tpu.memref_squeeze %dma_start3A_84 : memref<1x!tpu.dma_semaphore, #tpu.memory_space<semaphore_mem>> -> memref<!tpu.dma_semaphore, #tpu.memory_space<semaphore_mem>>
      %dma_start3A_86 = arith.constant 0 : i32
      %dma_start3A_87 = arith.constant 0 : i32
      %dma_start3A_88 = tpu.memref_slice %run_scoped3A[%rem3A_72, %dma_start3A_86, %dma_start3A_87] : memref<2x3x128xf32, #tpu.memory_space<vmem>> -> memref<1x3x128xf32, #tpu.memory_space<vmem>>
      %dma_start3A_89 = tpu.memref_squeeze %dma_start3A_88 : memref<1x3x128xf32, #tpu.memory_space<vmem>> -> memref<3x128xf32, #tpu.memory_space<vmem>>
      %dma_start3A_90 = arith.constant 0 : i32
      %dma_start3A_91 = tpu.memref_slice %arg2[%dma_start3A_90, %mul3A_78] : memref<3x1638400xf32, #tpu.memory_space<hbm>> -> memref<3x128xf32, #tpu.memory_space<hbm>>
      tpu.enqueue_dma source(%dma_start3A_91 : memref<3x128xf32, #tpu.memory_space<hbm>>) target(%dma_start3A_89 : memref<3x128xf32, #tpu.memory_space<vmem>>) target_semaphore(%dma_start3A_85 : memref<!tpu.dma_semaphore, #tpu.memory_space<semaphore_mem>>)
      %add3A_92 = arith.constant 0 : i32
      %add3A_93 = arith.constant 1 : i32
      %add3A_94 = arith.addi %add3A_92, %add3A_93 : i32
      %select_n3A_95 = arith.constant true
      %select_n3A_96 = arith.constant 0 : i32
      %select_n3A_97 = arith.select %select_n3A_95, %add3A_94, %select_n3A_96 : i32
      %rem3A_98 = arith.constant 0 : i32
      %rem3A_99 = arith.constant 2 : i32
      %rem3A_100 = arith.remui %rem3A_98, %rem3A_99 : i32
      %mul3A_101 = arith.constant 1 : i32
      %mul3A_102 = arith.muli %add3A_45, %mul3A_101 : i32
      %add3A_103 = arith.constant 0 : i32
      %add3A_104 = arith.addi %mul3A_102, %add3A_103 : i32
      %mul3A_105 = arith.constant 1 : i32
      %mul3A_106 = arith.muli %mul3A_105, %add3A_104 : i32
      %dma_start3A_107 = arith.constant 0 : i32
      %dma_start3A_108 = arith.constant 0 : i32
      %dma_start3A_109 = tpu.memref_slice %run_scoped3A_42[%rem3A_100, %dma_start3A_107, %dma_start3A_108] : memref<2x1x128xi32, #tpu.memory_space<vmem>> -> memref<1x1x128xi32, #tpu.memory_space<vmem>>
      %dma_start3A_110 = tpu.memref_squeeze %dma_start3A_109 : memref<1x1x128xi32, #tpu.memory_space<vmem>> -> memref<1x128xi32, #tpu.memory_space<vmem>>
      %dma_start3A_111 = arith.constant 0 : i32
      %dma_start3A_112 = tpu.memref_slice %arg3[%mul3A_106, %dma_start3A_111] : memref<12800x128xi32, #tpu.memory_space<hbm>> -> memref<1x128xi32, #tpu.memory_space<hbm>>
      %dma_start3A_113 = tpu.memref_slice %run_scoped3A_43[%rem3A_100] : memref<2x!tpu.dma_semaphore, #tpu.memory_space<semaphore_mem>> -> memref<1x!tpu.dma_semaphore, #tpu.memory_space<semaphore_mem>>
      %dma_start3A_114 = tpu.memref_squeeze %dma_start3A_113 : memref<1x!tpu.dma_semaphore, #tpu.memory_space<semaphore_mem>> -> memref<!tpu.dma_semaphore, #tpu.memory_space<semaphore_mem>>
      %dma_start3A_115 = arith.constant 0 : i32
      %dma_start3A_116 = arith.constant 0 : i32
      %dma_start3A_117 = tpu.memref_slice %run_scoped3A_42[%rem3A_100, %dma_start3A_115, %dma_start3A_116] : memref<2x1x128xi32, #tpu.memory_space<vmem>> -> memref<1x1x128xi32, #tpu.memory_space<vmem>>
      %dma_start3A_118 = tpu.memref_squeeze %dma_start3A_117 : memref<1x1x128xi32, #tpu.memory_space<vmem>> -> memref<1x128xi32, #tpu.memory_space<vmem>>
      %dma_start3A_119 = arith.constant 0 : i32
      %dma_start3A_120 = tpu.memref_slice %arg3[%mul3A_106, %dma_start3A_119] : memref<12800x128xi32, #tpu.memory_space<hbm>> -> memref<1x128xi32, #tpu.memory_space<hbm>>
      tpu.enqueue_dma source(%dma_start3A_120 : memref<1x128xi32, #tpu.memory_space<hbm>>) target(%dma_start3A_118 : memref<1x128xi32, #tpu.memory_space<vmem>>) target_semaphore(%dma_start3A_114 : memref<!tpu.dma_semaphore, #tpu.memory_space<semaphore_mem>>)
      %add3A_121 = arith.constant 0 : i32
      %add3A_122 = arith.constant 1 : i32
      %add3A_123 = arith.addi %add3A_121, %add3A_122 : i32
      %select_n3A_124 = arith.constant true
      %select_n3A_125 = arith.constant 0 : i32
      %select_n3A_126 = arith.select %select_n3A_124, %add3A_123, %select_n3A_125 : i32
      "tpu.trace_stop"() : () -> ()
      %scan3A_127 = arith.constant 0 : i32
      %scan3A_128 = arith.constant 0 : i32
      %scan3A_129 = arith.constant 0 : i32
      %scan3A_130 = arith.constant 0 : i32
      %scan3A_131 = arith.constant 400 : i32
      %scan3A_132 = arith.addi %scan3A_130, %scan3A_131 : i32
      %scan3A_133 = arith.constant 1 : i32
      %scan3A_134:5 = scf.for %scan3A_171 = %scan3A_130 to %scan3A_132 step %scan3A_133 iter_args(%scan3A_172 = %select_n3A_97, %scan3A_173 = %scan3A_127, %scan3A_174 = %select_n3A_126, %scan3A_175 = %scan3A_128, %scan3A_176 = %scan3A_129) -> (i32, i32, i32, i32, i32)  : i32 {
        %eq3A_177 = arith.constant 0 : i32
        %eq3A_178 = arith.cmpi eq, %scan3A_171, %eq3A_177 : i32
        %eq3A_179 = arith.constant 399 : i32
        %eq3A_180 = arith.cmpi eq, %scan3A_171, %eq3A_179 : i32
        %add3A_181 = arith.addi %scan3A_176, %mul3A_12 : i32
        %sub3A_182 = arith.constant 1 : i32
        %sub3A_183 = arith.subi %scan3A_176, %sub3A_182 : i32
        %select_n3A_184 = arith.constant true
        %select_n3A_185 = arith.select %select_n3A_184, %sub3A_183, %scan3A_176 : i32
        %eq3A_186 = arith.constant -1 : i32
        %eq3A_187 = arith.cmpi eq, %select_n3A_185, %eq3A_186 : i32
        %select_n3A_188 = arith.constant 399 : i32
        %select_n3A_189 = arith.select %eq3A_187, %select_n3A_188, %select_n3A_185 : i32
        %add3A_190 = arith.addi %select_n3A_189, %mul3A_12 : i32
        %add3A_191 = arith.constant 1 : i32
        %add3A_192 = arith.addi %scan3A_176, %add3A_191 : i32
        %select_n3A_193 = arith.constant true
        %select_n3A_194 = arith.select %select_n3A_193, %add3A_192, %scan3A_176 : i32
        %eq3A_195 = arith.constant 400 : i32
        %eq3A_196 = arith.cmpi eq, %select_n3A_194, %eq3A_195 : i32
        %select_n3A_197 = arith.constant 0 : i32
        %select_n3A_198 = arith.select %eq3A_196, %select_n3A_197, %select_n3A_194 : i32
        %add3A_199 = arith.addi %select_n3A_198, %mul3A_12 : i32
        %add3A_200 = arith.constant 1 : i32
        %add3A_201 = arith.addi %select_n3A_198, %add3A_200 : i32
        %select_n3A_202 = arith.constant true
        %select_n3A_203 = arith.select %select_n3A_202, %add3A_201, %select_n3A_198 : i32
        %eq3A_204 = arith.constant 400 : i32
        %eq3A_205 = arith.cmpi eq, %select_n3A_203, %eq3A_204 : i32
        %select_n3A_206 = arith.constant 0 : i32
        %select_n3A_207 = arith.select %eq3A_205, %select_n3A_206, %select_n3A_203 : i32
        %add3A_208 = arith.addi %select_n3A_207, %mul3A_12 : i32
        %mul3A_209 = arith.constant 1 : i32
        %mul3A_210 = arith.muli %add3A_181, %mul3A_209 : i32
        %add3A_211 = arith.constant 0 : i32
        %add3A_212 = arith.addi %mul3A_210, %add3A_211 : i32
        %mul3A_213 = arith.constant 1 : i32
        %mul3A_214 = arith.muli %add3A_199, %mul3A_213 : i32
        %add3A_215 = arith.constant 0 : i32
        %add3A_216 = arith.addi %mul3A_214, %add3A_215 : i32
        %ne3A = arith.cmpi ne, %add3A_212, %add3A_216 : i32
        %or3A = arith.constant false
        %or3A_217 = arith.ori %or3A, %ne3A : i1
        %ge3A = arith.constant 399 : i32
        %ge3A_218 = arith.cmpi sge, %scan3A_171, %ge3A : i32
        %not3A = arith.constant true
        %not3A_219 = arith.xori %ge3A_218, %not3A : i1
        %and3A = arith.andi %or3A_217, %not3A_219 : i1
        %convert_element_type3A = arith.extui %and3A : i1 to i32
        %cond3A = arith.constant 0 : i32
        %cond3A_220 = arith.cmpi ne, %convert_element_type3A, %cond3A : i32
        scf.if %cond3A_220 {
          "tpu.trace_start"() <{level = 10 : i32, message = "ep_copy_in"}> : () -> ()
          %rem3A_410 = arith.constant 2 : i32
          %rem3A_411 = arith.remui %scan3A_172, %rem3A_410 : i32
          %mul3A_412 = arith.constant 1 : i32
          %mul3A_413 = arith.muli %add3A_199, %mul3A_412 : i32
          %add3A_414 = arith.constant 0 : i32
          %add3A_415 = arith.addi %mul3A_413, %add3A_414 : i32
          %mul3A_416 = arith.constant 128 : i32
          %mul3A_417 = arith.muli %mul3A_416, %add3A_415 : i32
          %dma_start3A_418 = arith.constant 0 : i32
          %dma_start3A_419 = arith.constant 0 : i32
          %dma_start3A_420 = tpu.memref_slice %run_scoped3A[%rem3A_411, %dma_start3A_418, %dma_start3A_419] : memref<2x3x128xf32, #tpu.memory_space<vmem>> -> memref<1x3x128xf32, #tpu.memory_space<vmem>>
          %dma_start3A_421 = tpu.memref_squeeze %dma_start3A_420 : memref<1x3x128xf32, #tpu.memory_space<vmem>> -> memref<3x128xf32, #tpu.memory_space<vmem>>
          %dma_start3A_422 = arith.constant 0 : i32
          %dma_start3A_423 = tpu.memref_slice %arg2[%dma_start3A_422, %mul3A_417] : memref<3x1638400xf32, #tpu.memory_space<hbm>> -> memref<3x128xf32, #tpu.memory_space<hbm>>
          %dma_start3A_424 = tpu.memref_slice %run_scoped3A_41[%rem3A_411] : memref<2x!tpu.dma_semaphore, #tpu.memory_space<semaphore_mem>> -> memref<1x!tpu.dma_semaphore, #tpu.memory_space<semaphore_mem>>
          %dma_start3A_425 = tpu.memref_squeeze %dma_start3A_424 : memref<1x!tpu.dma_semaphore, #tpu.memory_space<semaphore_mem>> -> memref<!tpu.dma_semaphore, #tpu.memory_space<semaphore_mem>>
          %dma_start3A_426 = arith.constant 0 : i32
          %dma_start3A_427 = arith.constant 0 : i32
          %dma_start3A_428 = tpu.memref_slice %run_scoped3A[%rem3A_411, %dma_start3A_426, %dma_start3A_427] : memref<2x3x128xf32, #tpu.memory_space<vmem>> -> memref<1x3x128xf32, #tpu.memory_space<vmem>>
          %dma_start3A_429 = tpu.memref_squeeze %dma_start3A_428 : memref<1x3x128xf32, #tpu.memory_space<vmem>> -> memref<3x128xf32, #tpu.memory_space<vmem>>
          %dma_start3A_430 = arith.constant 0 : i32
          %dma_start3A_431 = tpu.memref_slice %arg2[%dma_start3A_430, %mul3A_417] : memref<3x1638400xf32, #tpu.memory_space<hbm>> -> memref<3x128xf32, #tpu.memory_space<hbm>>
          tpu.enqueue_dma source(%dma_start3A_431 : memref<3x128xf32, #tpu.memory_space<hbm>>) target(%dma_start3A_429 : memref<3x128xf32, #tpu.memory_space<vmem>>) target_semaphore(%dma_start3A_425 : memref<!tpu.dma_semaphore, #tpu.memory_space<semaphore_mem>>)
          "tpu.trace_stop"() : () -> ()
        } else {
        }
        %and3A_221 = arith.constant true
        %and3A_222 = arith.andi %and3A, %and3A_221 : i1
        %add3A_223 = arith.constant 1 : i32
        %add3A_224 = arith.addi %scan3A_172, %add3A_223 : i32
        %select_n3A_225 = arith.select %and3A_222, %add3A_224, %scan3A_172 : i32
        %mul3A_226 = arith.constant 1 : i32
        %mul3A_227 = arith.muli %add3A_181, %mul3A_226 : i32
        %add3A_228 = arith.constant 0 : i32
        %add3A_229 = arith.addi %mul3A_227, %add3A_228 : i32
        %mul3A_230 = arith.constant 1 : i32
        %mul3A_231 = arith.muli %add3A_199, %mul3A_230 : i32
        %add3A_232 = arith.constant 0 : i32
        %add3A_233 = arith.addi %mul3A_231, %add3A_232 : i32
        %ne3A_234 = arith.cmpi ne, %add3A_229, %add3A_233 : i32
        %or3A_235 = arith.constant false
        %or3A_236 = arith.ori %or3A_235, %ne3A_234 : i1
        %or3A_237 = arith.constant false
        %or3A_238 = arith.ori %or3A_236, %or3A_237 : i1
        %ge3A_239 = arith.constant 399 : i32
        %ge3A_240 = arith.cmpi sge, %scan3A_171, %ge3A_239 : i32
        %not3A_241 = arith.constant true
        %not3A_242 = arith.xori %ge3A_240, %not3A_241 : i1
        %and3A_243 = arith.andi %or3A_238, %not3A_242 : i1
        %convert_element_type3A_244 = arith.extui %and3A_243 : i1 to i32
        %cond3A_245 = arith.constant 0 : i32
        %cond3A_246 = arith.cmpi ne, %convert_element_type3A_244, %cond3A_245 : i32
        scf.if %cond3A_246 {
          "tpu.trace_start"() <{level = 10 : i32, message = "ep_copy_in"}> : () -> ()
          %rem3A_410 = arith.constant 2 : i32
          %rem3A_411 = arith.remui %scan3A_174, %rem3A_410 : i32
          %mul3A_412 = arith.constant 1 : i32
          %mul3A_413 = arith.muli %add3A_199, %mul3A_412 : i32
          %add3A_414 = arith.constant 0 : i32
          %add3A_415 = arith.addi %mul3A_413, %add3A_414 : i32
          %mul3A_416 = arith.constant 1 : i32
          %mul3A_417 = arith.muli %mul3A_416, %add3A_415 : i32
          %dma_start3A_418 = arith.constant 0 : i32
          %dma_start3A_419 = arith.constant 0 : i32
          %dma_start3A_420 = tpu.memref_slice %run_scoped3A_42[%rem3A_411, %dma_start3A_418, %dma_start3A_419] : memref<2x1x128xi32, #tpu.memory_space<vmem>> -> memref<1x1x128xi32, #tpu.memory_space<vmem>>
          %dma_start3A_421 = tpu.memref_squeeze %dma_start3A_420 : memref<1x1x128xi32, #tpu.memory_space<vmem>> -> memref<1x128xi32, #tpu.memory_space<vmem>>
          %dma_start3A_422 = arith.constant 0 : i32
          %dma_start3A_423 = tpu.memref_slice %arg3[%mul3A_417, %dma_start3A_422] : memref<12800x128xi32, #tpu.memory_space<hbm>> -> memref<1x128xi32, #tpu.memory_space<hbm>>
          %dma_start3A_424 = tpu.memref_slice %run_scoped3A_43[%rem3A_411] : memref<2x!tpu.dma_semaphore, #tpu.memory_space<semaphore_mem>> -> memref<1x!tpu.dma_semaphore, #tpu.memory_space<semaphore_mem>>
          %dma_start3A_425 = tpu.memref_squeeze %dma_start3A_424 : memref<1x!tpu.dma_semaphore, #tpu.memory_space<semaphore_mem>> -> memref<!tpu.dma_semaphore, #tpu.memory_space<semaphore_mem>>
          %dma_start3A_426 = arith.constant 0 : i32
          %dma_start3A_427 = arith.constant 0 : i32
          %dma_start3A_428 = tpu.memref_slice %run_scoped3A_42[%rem3A_411, %dma_start3A_426, %dma_start3A_427] : memref<2x1x128xi32, #tpu.memory_space<vmem>> -> memref<1x1x128xi32, #tpu.memory_space<vmem>>
          %dma_start3A_429 = tpu.memref_squeeze %dma_start3A_428 : memref<1x1x128xi32, #tpu.memory_space<vmem>> -> memref<1x128xi32, #tpu.memory_space<vmem>>
          %dma_start3A_430 = arith.constant 0 : i32
          %dma_start3A_431 = tpu.memref_slice %arg3[%mul3A_417, %dma_start3A_430] : memref<12800x128xi32, #tpu.memory_space<hbm>> -> memref<1x128xi32, #tpu.memory_space<hbm>>
          tpu.enqueue_dma source(%dma_start3A_431 : memref<1x128xi32, #tpu.memory_space<hbm>>) target(%dma_start3A_429 : memref<1x128xi32, #tpu.memory_space<vmem>>) target_semaphore(%dma_start3A_425 : memref<!tpu.dma_semaphore, #tpu.memory_space<semaphore_mem>>)
          "tpu.trace_stop"() : () -> ()
        } else {
        }
        %and3A_247 = arith.constant true
        %and3A_248 = arith.andi %and3A_243, %and3A_247 : i1
        %add3A_249 = arith.constant 1 : i32
        %add3A_250 = arith.addi %scan3A_174, %add3A_249 : i32
        %select_n3A_251 = arith.select %and3A_248, %add3A_250, %scan3A_174 : i32
        %mul3A_252 = arith.constant 1 : i32
        %mul3A_253 = arith.muli %add3A_181, %mul3A_252 : i32
        %add3A_254 = arith.constant 0 : i32
        %add3A_255 = arith.addi %mul3A_253, %add3A_254 : i32
        %mul3A_256 = arith.constant 1 : i32
        %mul3A_257 = arith.muli %add3A_190, %mul3A_256 : i32
        %add3A_258 = arith.constant 0 : i32
        %add3A_259 = arith.addi %mul3A_257, %add3A_258 : i32
        %ne3A_260 = arith.cmpi ne, %add3A_255, %add3A_259 : i32
        %or3A_261 = arith.constant false
        %or3A_262 = arith.ori %or3A_261, %ne3A_260 : i1
        %or3A_263 = arith.ori %or3A_262, %eq3A_178 : i1
        %convert_element_type3A_264 = arith.extui %or3A_263 : i1 to i32
        %cond3A_265 = arith.constant 0 : i32
        %cond3A_266 = arith.cmpi ne, %convert_element_type3A_264, %cond3A_265 : i32
        scf.if %cond3A_266 {
          "tpu.trace_start"() <{level = 10 : i32, message = "ep_wait_in"}> : () -> ()
          %mul3A_410 = arith.constant 1 : i32
          %mul3A_411 = arith.muli %add3A_181, %mul3A_410 : i32
          %add3A_412 = arith.constant 0 : i32
          %add3A_413 = arith.addi %mul3A_411, %add3A_412 : i32
          %mul3A_414 = arith.constant 128 : i32
          %mul3A_415 = arith.muli %mul3A_414, %add3A_413 : i32
          %rem3A_416 = arith.constant 2 : i32
          %rem3A_417 = arith.remui %scan3A_173, %rem3A_416 : i32
          %dma_wait3A = arith.constant 0 : i32
          %dma_wait3A_418 = arith.constant 0 : i32
          %dma_wait3A_419 = tpu.memref_slice %run_scoped3A[%rem3A_417, %dma_wait3A, %dma_wait3A_418] : memref<2x3x128xf32, #tpu.memory_space<vmem>> -> memref<1x3x128xf32, #tpu.memory_space<vmem>>
          %dma_wait3A_420 = tpu.memref_squeeze %dma_wait3A_419 : memref<1x3x128xf32, #tpu.memory_space<vmem>> -> memref<3x128xf32, #tpu.memory_space<vmem>>
          %dma_wait3A_421 = arith.constant 0 : i32
          %dma_wait3A_422 = tpu.memref_slice %arg2[%dma_wait3A_421, %mul3A_415] : memref<3x1638400xf32, #tpu.memory_space<hbm>> -> memref<3x128xf32, #tpu.memory_space<hbm>>
          %dma_wait3A_423 = tpu.memref_slice %run_scoped3A_41[%rem3A_417] : memref<2x!tpu.dma_semaphore, #tpu.memory_space<semaphore_mem>> -> memref<1x!tpu.dma_semaphore, #tpu.memory_space<semaphore_mem>>
          %dma_wait3A_424 = tpu.memref_squeeze %dma_wait3A_423 : memref<1x!tpu.dma_semaphore, #tpu.memory_space<semaphore_mem>> -> memref<!tpu.dma_semaphore, #tpu.memory_space<semaphore_mem>>
          %dma_wait3A_425 = arith.constant 0 : i32
          %dma_wait3A_426 = arith.constant 0 : i32
          %dma_wait3A_427 = tpu.memref_slice %run_scoped3A[%rem3A_417, %dma_wait3A_425, %dma_wait3A_426] : memref<2x3x128xf32, #tpu.memory_space<vmem>> -> memref<1x3x128xf32, #tpu.memory_space<vmem>>
          %dma_wait3A_428 = tpu.memref_squeeze %dma_wait3A_427 : memref<1x3x128xf32, #tpu.memory_space<vmem>> -> memref<3x128xf32, #tpu.memory_space<vmem>>
          %dma_wait3A_429 = arith.constant 0 : i32
          %dma_wait3A_430 = tpu.memref_slice %arg2[%dma_wait3A_429, %mul3A_415] : memref<3x1638400xf32, #tpu.memory_space<hbm>> -> memref<3x128xf32, #tpu.memory_space<hbm>>
          tpu.wait_dma2 semaphore(%dma_wait3A_424 : memref<!tpu.dma_semaphore, #tpu.memory_space<semaphore_mem>>) src(%dma_wait3A_430 : memref<3x128xf32, #tpu.memory_space<hbm>>) dst(%dma_wait3A_428 : memref<3x128xf32, #tpu.memory_space<vmem>>)
          "tpu.trace_stop"() : () -> ()
        } else {
        }
        %mul3A_267 = arith.constant 1 : i32
        %mul3A_268 = arith.muli %add3A_181, %mul3A_267 : i32
        %add3A_269 = arith.constant 0 : i32
        %add3A_270 = arith.addi %mul3A_268, %add3A_269 : i32
        %mul3A_271 = arith.constant 1 : i32
        %mul3A_272 = arith.muli %add3A_190, %mul3A_271 : i32
        %add3A_273 = arith.constant 0 : i32
        %add3A_274 = arith.addi %mul3A_272, %add3A_273 : i32
        %ne3A_275 = arith.cmpi ne, %add3A_270, %add3A_274 : i32
        %or3A_276 = arith.constant false
        %or3A_277 = arith.ori %or3A_276, %ne3A_275 : i1
        %or3A_278 = arith.constant false
        %or3A_279 = arith.ori %or3A_277, %or3A_278 : i1
        %or3A_280 = arith.ori %or3A_279, %eq3A_178 : i1
        %convert_element_type3A_281 = arith.extui %or3A_280 : i1 to i32
        %cond3A_282 = arith.constant 0 : i32
        %cond3A_283 = arith.cmpi ne, %convert_element_type3A_281, %cond3A_282 : i32
        scf.if %cond3A_283 {
          "tpu.trace_start"() <{level = 10 : i32, message = "ep_wait_in"}> : () -> ()
          %mul3A_410 = arith.constant 1 : i32
          %mul3A_411 = arith.muli %add3A_181, %mul3A_410 : i32
          %add3A_412 = arith.constant 0 : i32
          %add3A_413 = arith.addi %mul3A_411, %add3A_412 : i32
          %mul3A_414 = arith.constant 1 : i32
          %mul3A_415 = arith.muli %mul3A_414, %add3A_413 : i32
          %rem3A_416 = arith.constant 2 : i32
          %rem3A_417 = arith.remui %scan3A_175, %rem3A_416 : i32
          %dma_wait3A = arith.constant 0 : i32
          %dma_wait3A_418 = arith.constant 0 : i32
          %dma_wait3A_419 = tpu.memref_slice %run_scoped3A_42[%rem3A_417, %dma_wait3A, %dma_wait3A_418] : memref<2x1x128xi32, #tpu.memory_space<vmem>> -> memref<1x1x128xi32, #tpu.memory_space<vmem>>
          %dma_wait3A_420 = tpu.memref_squeeze %dma_wait3A_419 : memref<1x1x128xi32, #tpu.memory_space<vmem>> -> memref<1x128xi32, #tpu.memory_space<vmem>>
          %dma_wait3A_421 = arith.constant 0 : i32
          %dma_wait3A_422 = tpu.memref_slice %arg3[%mul3A_415, %dma_wait3A_421] : memref<12800x128xi32, #tpu.memory_space<hbm>> -> memref<1x128xi32, #tpu.memory_space<hbm>>
          %dma_wait3A_423 = tpu.memref_slice %run_scoped3A_43[%rem3A_417] : memref<2x!tpu.dma_semaphore, #tpu.memory_space<semaphore_mem>> -> memref<1x!tpu.dma_semaphore, #tpu.memory_space<semaphore_mem>>
          %dma_wait3A_424 = tpu.memref_squeeze %dma_wait3A_423 : memref<1x!tpu.dma_semaphore, #tpu.memory_space<semaphore_mem>> -> memref<!tpu.dma_semaphore, #tpu.memory_space<semaphore_mem>>
          %dma_wait3A_425 = arith.constant 0 : i32
          %dma_wait3A_426 = arith.constant 0 : i32
          %dma_wait3A_427 = tpu.memref_slice %run_scoped3A_42[%rem3A_417, %dma_wait3A_425, %dma_wait3A_426] : memref<2x1x128xi32, #tpu.memory_space<vmem>> -> memref<1x1x128xi32, #tpu.memory_space<vmem>>
          %dma_wait3A_428 = tpu.memref_squeeze %dma_wait3A_427 : memref<1x1x128xi32, #tpu.memory_space<vmem>> -> memref<1x128xi32, #tpu.memory_space<vmem>>
          %dma_wait3A_429 = arith.constant 0 : i32
          %dma_wait3A_430 = tpu.memref_slice %arg3[%mul3A_415, %dma_wait3A_429] : memref<12800x128xi32, #tpu.memory_space<hbm>> -> memref<1x128xi32, #tpu.memory_space<hbm>>
          tpu.wait_dma2 semaphore(%dma_wait3A_424 : memref<!tpu.dma_semaphore, #tpu.memory_space<semaphore_mem>>) src(%dma_wait3A_430 : memref<1x128xi32, #tpu.memory_space<hbm>>) dst(%dma_wait3A_428 : memref<1x128xi32, #tpu.memory_space<vmem>>)
          "tpu.trace_stop"() : () -> ()
        } else {
        }
        %rem3A_284 = arith.constant 2 : i32
        %rem3A_285 = arith.remui %scan3A_173, %rem3A_284 : i32
        %rem3A_286 = arith.constant 2 : i32
        %rem3A_287 = arith.remui %scan3A_175, %rem3A_286 : i32
        %run_scoped3A_288 = arith.constant 0 : i32
        %run_scoped3A_289 = arith.constant 0 : i32
        "tpu.trace_start"() <{level = 10 : i32, message = "ep_run_kernel"}> : () -> ()
        "tpu.region"() ({
          %run_scoped3A_410 = tpu.sem_alloc : memref<!tpu.dma_semaphore, #tpu.memory_space<semaphore_mem>>
          %dma_start3A_411 = arith.constant 0 : i32
          %dma_start3A_412 = arith.constant 0 : i32
          %dma_start3A_413 = tpu.memref_slice %run_scoped3A[%rem3A_285, %dma_start3A_411, %dma_start3A_412] : memref<2x3x128xf32, #tpu.memory_space<vmem>> -> memref<1x3x128xf32, #tpu.memory_space<vmem>>
          %dma_start3A_414 = tpu.memref_squeeze %dma_start3A_413 : memref<1x3x128xf32, #tpu.memory_space<vmem>> -> memref<3x128xf32, #tpu.memory_space<vmem>>
          %dma_start3A_415 = arith.constant 0 : i32
          %dma_start3A_416 = tpu.memref_slice %dma_start3A_414[%run_scoped3A_288, %dma_start3A_415] : memref<3x128xf32, #tpu.memory_space<vmem>> -> memref<1x128xf32, #tpu.memory_space<vmem>>
          %dma_start3A_417 = tpu.memref_squeeze %dma_start3A_416 : memref<1x128xf32, #tpu.memory_space<vmem>> -> memref<128xf32, #tpu.memory_space<vmem>>
          %dma_start3A_418 = arith.constant 0 : i32
          %dma_start3A_419 = arith.constant 0 : i32
          %dma_start3A_420 = tpu.memref_slice %run_scoped3A_42[%rem3A_287, %dma_start3A_418, %dma_start3A_419] : memref<2x1x128xi32, #tpu.memory_space<vmem>> -> memref<1x1x128xi32, #tpu.memory_space<vmem>>
          %dma_start3A_421 = tpu.memref_squeeze %dma_start3A_420 : memref<1x1x128xi32, #tpu.memory_space<vmem>> -> memref<1x128xi32, #tpu.memory_space<vmem>>
          %dma_start3A_422 = arith.constant 0 : i32
          %dma_start3A_423 = tpu.memref_slice %dma_start3A_421[%run_scoped3A_289, %dma_start3A_422] : memref<1x128xi32, #tpu.memory_space<vmem>> -> memref<1x128xi32, #tpu.memory_space<vmem>>
          %dma_start3A_424 = tpu.memref_squeeze %dma_start3A_423 : memref<1x128xi32, #tpu.memory_space<vmem>> -> memref<128xi32, #tpu.memory_space<vmem>>
          %dma_start3A_425 = arith.constant 0 : i32
          %dma_start3A_426 = tpu.memref_slice %arg5[%dma_start3A_425] : memref<102400xf32, #tpu.memory_space<vmem_shared>> -> memref<102400xf32, #tpu.memory_space<vmem_shared>>
          tpu.enqueue_indirect_dma source(%dma_start3A_417 : memref<128xf32, #tpu.memory_space<vmem>>) target(%dma_start3A_426 : memref<102400xf32, #tpu.memory_space<vmem_shared>>) offsets(%dma_start3A_424 : memref<128xi32, #tpu.memory_space<vmem>>) semaphore(%run_scoped3A_410 : memref<!tpu.dma_semaphore, #tpu.memory_space<semaphore_mem>>) {add = true}
          %dma_wait3A = arith.constant 0 : i32
          %dma_wait3A_427 = arith.constant 0 : i32
          %dma_wait3A_428 = tpu.memref_slice %run_scoped3A[%rem3A_285, %dma_wait3A, %dma_wait3A_427] : memref<2x3x128xf32, #tpu.memory_space<vmem>> -> memref<1x3x128xf32, #tpu.memory_space<vmem>>
          %dma_wait3A_429 = tpu.memref_squeeze %dma_wait3A_428 : memref<1x3x128xf32, #tpu.memory_space<vmem>> -> memref<3x128xf32, #tpu.memory_space<vmem>>
          %dma_wait3A_430 = arith.constant 0 : i32
          %dma_wait3A_431 = tpu.memref_slice %dma_wait3A_429[%run_scoped3A_288, %dma_wait3A_430] : memref<3x128xf32, #tpu.memory_space<vmem>> -> memref<1x128xf32, #tpu.memory_space<vmem>>
          %dma_wait3A_432 = tpu.memref_squeeze %dma_wait3A_431 : memref<1x128xf32, #tpu.memory_space<vmem>> -> memref<128xf32, #tpu.memory_space<vmem>>
          %dma_wait3A_433 = arith.constant 0 : i32
          %dma_wait3A_434 = arith.constant 0 : i32
          %dma_wait3A_435 = tpu.memref_slice %run_scoped3A_42[%rem3A_287, %dma_wait3A_433, %dma_wait3A_434] : memref<2x1x128xi32, #tpu.memory_space<vmem>> -> memref<1x1x128xi32, #tpu.memory_space<vmem>>
          %dma_wait3A_436 = tpu.memref_squeeze %dma_wait3A_435 : memref<1x1x128xi32, #tpu.memory_space<vmem>> -> memref<1x128xi32, #tpu.memory_space<vmem>>
          %dma_wait3A_437 = arith.constant 0 : i32
          %dma_wait3A_438 = tpu.memref_slice %dma_wait3A_436[%run_scoped3A_289, %dma_wait3A_437] : memref<1x128xi32, #tpu.memory_space<vmem>> -> memref<1x128xi32, #tpu.memory_space<vmem>>
          %dma_wait3A_439 = tpu.memref_squeeze %dma_wait3A_438 : memref<1x128xi32, #tpu.memory_space<vmem>> -> memref<128xi32, #tpu.memory_space<vmem>>
          %dma_wait3A_440 = arith.constant 0 : i32
          %dma_wait3A_441 = tpu.memref_slice %arg5[%dma_wait3A_440] : memref<102400xf32, #tpu.memory_space<vmem_shared>> -> memref<102400xf32, #tpu.memory_space<vmem_shared>>
          tpu.wait_indirect_dma semaphore(%run_scoped3A_410 : memref<!tpu.dma_semaphore, #tpu.memory_space<semaphore_mem>>) src(%dma_wait3A_432 : memref<128xf32, #tpu.memory_space<vmem>>) dst(%dma_wait3A_441 : memref<102400xf32, #tpu.memory_space<vmem_shared>>)
          tpu.yield
        }) : () -> ()
        %run_scoped3A_290 = arith.constant 1 : i32
        %run_scoped3A_291 = arith.constant 0 : i32
        "tpu.region"() ({
          %run_scoped3A_410 = tpu.sem_alloc : memref<!tpu.dma_semaphore, #tpu.memory_space<semaphore_mem>>
          %dma_start3A_411 = arith.constant 0 : i32
          %dma_start3A_412 = arith.constant 0 : i32
          %dma_start3A_413 = tpu.memref_slice %run_scoped3A[%rem3A_285, %dma_start3A_411, %dma_start3A_412] : memref<2x3x128xf32, #tpu.memory_space<vmem>> -> memref<1x3x128xf32, #tpu.memory_space<vmem>>
          %dma_start3A_414 = tpu.memref_squeeze %dma_start3A_413 : memref<1x3x128xf32, #tpu.memory_space<vmem>> -> memref<3x128xf32, #tpu.memory_space<vmem>>
          %dma_start3A_415 = arith.constant 0 : i32
          %dma_start3A_416 = tpu.memref_slice %dma_start3A_414[%run_scoped3A_290, %dma_start3A_415] : memref<3x128xf32, #tpu.memory_space<vmem>> -> memref<1x128xf32, #tpu.memory_space<vmem>>
          %dma_start3A_417 = tpu.memref_squeeze %dma_start3A_416 : memref<1x128xf32, #tpu.memory_space<vmem>> -> memref<128xf32, #tpu.memory_space<vmem>>
          %dma_start3A_418 = arith.constant 0 : i32
          %dma_start3A_419 = arith.constant 0 : i32
          %dma_start3A_420 = tpu.memref_slice %run_scoped3A_42[%rem3A_287, %dma_start3A_418, %dma_start3A_419] : memref<2x1x128xi32, #tpu.memory_space<vmem>> -> memref<1x1x128xi32, #tpu.memory_space<vmem>>
          %dma_start3A_421 = tpu.memref_squeeze %dma_start3A_420 : memref<1x1x128xi32, #tpu.memory_space<vmem>> -> memref<1x128xi32, #tpu.memory_space<vmem>>
          %dma_start3A_422 = arith.constant 0 : i32
          %dma_start3A_423 = tpu.memref_slice %dma_start3A_421[%run_scoped3A_291, %dma_start3A_422] : memref<1x128xi32, #tpu.memory_space<vmem>> -> memref<1x128xi32, #tpu.memory_space<vmem>>
          %dma_start3A_424 = tpu.memref_squeeze %dma_start3A_423 : memref<1x128xi32, #tpu.memory_space<vmem>> -> memref<128xi32, #tpu.memory_space<vmem>>
          %dma_start3A_425 = arith.constant 0 : i32
          %dma_start3A_426 = tpu.memref_slice %arg6[%dma_start3A_425] : memref<102400xf32, #tpu.memory_space<vmem_shared>> -> memref<102400xf32, #tpu.memory_space<vmem_shared>>
          tpu.enqueue_indirect_dma source(%dma_start3A_417 : memref<128xf32, #tpu.memory_space<vmem>>) target(%dma_start3A_426 : memref<102400xf32, #tpu.memory_space<vmem_shared>>) offsets(%dma_start3A_424 : memref<128xi32, #tpu.memory_space<vmem>>) semaphore(%run_scoped3A_410 : memref<!tpu.dma_semaphore, #tpu.memory_space<semaphore_mem>>) {add = true}
          %dma_wait3A = arith.constant 0 : i32
          %dma_wait3A_427 = arith.constant 0 : i32
          %dma_wait3A_428 = tpu.memref_slice %run_scoped3A[%rem3A_285, %dma_wait3A, %dma_wait3A_427] : memref<2x3x128xf32, #tpu.memory_space<vmem>> -> memref<1x3x128xf32, #tpu.memory_space<vmem>>
          %dma_wait3A_429 = tpu.memref_squeeze %dma_wait3A_428 : memref<1x3x128xf32, #tpu.memory_space<vmem>> -> memref<3x128xf32, #tpu.memory_space<vmem>>
          %dma_wait3A_430 = arith.constant 0 : i32
          %dma_wait3A_431 = tpu.memref_slice %dma_wait3A_429[%run_scoped3A_290, %dma_wait3A_430] : memref<3x128xf32, #tpu.memory_space<vmem>> -> memref<1x128xf32, #tpu.memory_space<vmem>>
          %dma_wait3A_432 = tpu.memref_squeeze %dma_wait3A_431 : memref<1x128xf32, #tpu.memory_space<vmem>> -> memref<128xf32, #tpu.memory_space<vmem>>
          %dma_wait3A_433 = arith.constant 0 : i32
          %dma_wait3A_434 = arith.constant 0 : i32
          %dma_wait3A_435 = tpu.memref_slice %run_scoped3A_42[%rem3A_287, %dma_wait3A_433, %dma_wait3A_434] : memref<2x1x128xi32, #tpu.memory_space<vmem>> -> memref<1x1x128xi32, #tpu.memory_space<vmem>>
          %dma_wait3A_436 = tpu.memref_squeeze %dma_wait3A_435 : memref<1x1x128xi32, #tpu.memory_space<vmem>> -> memref<1x128xi32, #tpu.memory_space<vmem>>
          %dma_wait3A_437 = arith.constant 0 : i32
          %dma_wait3A_438 = tpu.memref_slice %dma_wait3A_436[%run_scoped3A_291, %dma_wait3A_437] : memref<1x128xi32, #tpu.memory_space<vmem>> -> memref<1x128xi32, #tpu.memory_space<vmem>>
          %dma_wait3A_439 = tpu.memref_squeeze %dma_wait3A_438 : memref<1x128xi32, #tpu.memory_space<vmem>> -> memref<128xi32, #tpu.memory_space<vmem>>
          %dma_wait3A_440 = arith.constant 0 : i32
          %dma_wait3A_441 = tpu.memref_slice %arg6[%dma_wait3A_440] : memref<102400xf32, #tpu.memory_space<vmem_shared>> -> memref<102400xf32, #tpu.memory_space<vmem_shared>>
          tpu.wait_indirect_dma semaphore(%run_scoped3A_410 : memref<!tpu.dma_semaphore, #tpu.memory_space<semaphore_mem>>) src(%dma_wait3A_432 : memref<128xf32, #tpu.memory_space<vmem>>) dst(%dma_wait3A_441 : memref<102400xf32, #tpu.memory_space<vmem_shared>>)
          tpu.yield
        }) : () -> ()
        %run_scoped3A_292 = arith.constant 2 : i32
        %run_scoped3A_293 = arith.constant 0 : i32
        "tpu.region"() ({
          %run_scoped3A_410 = tpu.sem_alloc : memref<!tpu.dma_semaphore, #tpu.memory_space<semaphore_mem>>
          %dma_start3A_411 = arith.constant 0 : i32
          %dma_start3A_412 = arith.constant 0 : i32
          %dma_start3A_413 = tpu.memref_slice %run_scoped3A[%rem3A_285, %dma_start3A_411, %dma_start3A_412] : memref<2x3x128xf32, #tpu.memory_space<vmem>> -> memref<1x3x128xf32, #tpu.memory_space<vmem>>
          %dma_start3A_414 = tpu.memref_squeeze %dma_start3A_413 : memref<1x3x128xf32, #tpu.memory_space<vmem>> -> memref<3x128xf32, #tpu.memory_space<vmem>>
          %dma_start3A_415 = arith.constant 0 : i32
          %dma_start3A_416 = tpu.memref_slice %dma_start3A_414[%run_scoped3A_292, %dma_start3A_415] : memref<3x128xf32, #tpu.memory_space<vmem>> -> memref<1x128xf32, #tpu.memory_space<vmem>>
          %dma_start3A_417 = tpu.memref_squeeze %dma_start3A_416 : memref<1x128xf32, #tpu.memory_space<vmem>> -> memref<128xf32, #tpu.memory_space<vmem>>
          %dma_start3A_418 = arith.constant 0 : i32
          %dma_start3A_419 = arith.constant 0 : i32
          %dma_start3A_420 = tpu.memref_slice %run_scoped3A_42[%rem3A_287, %dma_start3A_418, %dma_start3A_419] : memref<2x1x128xi32, #tpu.memory_space<vmem>> -> memref<1x1x128xi32, #tpu.memory_space<vmem>>
          %dma_start3A_421 = tpu.memref_squeeze %dma_start3A_420 : memref<1x1x128xi32, #tpu.memory_space<vmem>> -> memref<1x128xi32, #tpu.memory_space<vmem>>
          %dma_start3A_422 = arith.constant 0 : i32
          %dma_start3A_423 = tpu.memref_slice %dma_start3A_421[%run_scoped3A_293, %dma_start3A_422] : memref<1x128xi32, #tpu.memory_space<vmem>> -> memref<1x128xi32, #tpu.memory_space<vmem>>
          %dma_start3A_424 = tpu.memref_squeeze %dma_start3A_423 : memref<1x128xi32, #tpu.memory_space<vmem>> -> memref<128xi32, #tpu.memory_space<vmem>>
          %dma_start3A_425 = arith.constant 0 : i32
          %dma_start3A_426 = tpu.memref_slice %arg7[%dma_start3A_425] : memref<102400xf32, #tpu.memory_space<vmem_shared>> -> memref<102400xf32, #tpu.memory_space<vmem_shared>>
          tpu.enqueue_indirect_dma source(%dma_start3A_417 : memref<128xf32, #tpu.memory_space<vmem>>) target(%dma_start3A_426 : memref<102400xf32, #tpu.memory_space<vmem_shared>>) offsets(%dma_start3A_424 : memref<128xi32, #tpu.memory_space<vmem>>) semaphore(%run_scoped3A_410 : memref<!tpu.dma_semaphore, #tpu.memory_space<semaphore_mem>>) {add = true}
          %dma_wait3A = arith.constant 0 : i32
          %dma_wait3A_427 = arith.constant 0 : i32
          %dma_wait3A_428 = tpu.memref_slice %run_scoped3A[%rem3A_285, %dma_wait3A, %dma_wait3A_427] : memref<2x3x128xf32, #tpu.memory_space<vmem>> -> memref<1x3x128xf32, #tpu.memory_space<vmem>>
          %dma_wait3A_429 = tpu.memref_squeeze %dma_wait3A_428 : memref<1x3x128xf32, #tpu.memory_space<vmem>> -> memref<3x128xf32, #tpu.memory_space<vmem>>
          %dma_wait3A_430 = arith.constant 0 : i32
          %dma_wait3A_431 = tpu.memref_slice %dma_wait3A_429[%run_scoped3A_292, %dma_wait3A_430] : memref<3x128xf32, #tpu.memory_space<vmem>> -> memref<1x128xf32, #tpu.memory_space<vmem>>
          %dma_wait3A_432 = tpu.memref_squeeze %dma_wait3A_431 : memref<1x128xf32, #tpu.memory_space<vmem>> -> memref<128xf32, #tpu.memory_space<vmem>>
          %dma_wait3A_433 = arith.constant 0 : i32
          %dma_wait3A_434 = arith.constant 0 : i32
          %dma_wait3A_435 = tpu.memref_slice %run_scoped3A_42[%rem3A_287, %dma_wait3A_433, %dma_wait3A_434] : memref<2x1x128xi32, #tpu.memory_space<vmem>> -> memref<1x1x128xi32, #tpu.memory_space<vmem>>
          %dma_wait3A_436 = tpu.memref_squeeze %dma_wait3A_435 : memref<1x1x128xi32, #tpu.memory_space<vmem>> -> memref<1x128xi32, #tpu.memory_space<vmem>>
          %dma_wait3A_437 = arith.constant 0 : i32
          %dma_wait3A_438 = tpu.memref_slice %dma_wait3A_436[%run_scoped3A_293, %dma_wait3A_437] : memref<1x128xi32, #tpu.memory_space<vmem>> -> memref<1x128xi32, #tpu.memory_space<vmem>>
          %dma_wait3A_439 = tpu.memref_squeeze %dma_wait3A_438 : memref<1x128xi32, #tpu.memory_space<vmem>> -> memref<128xi32, #tpu.memory_space<vmem>>
          %dma_wait3A_440 = arith.constant 0 : i32
          %dma_wait3A_441 = tpu.memref_slice %arg7[%dma_wait3A_440] : memref<102400xf32, #tpu.memory_space<vmem_shared>> -> memref<102400xf32, #tpu.memory_space<vmem_shared>>
          tpu.wait_indirect_dma semaphore(%run_scoped3A_410 : memref<!tpu.dma_semaphore, #tpu.memory_space<semaphore_mem>>) src(%dma_wait3A_432 : memref<128xf32, #tpu.memory_space<vmem>>) dst(%dma_wait3A_441 : memref<102400xf32, #tpu.memory_space<vmem_shared>>)
          tpu.yield
        }) : () -> ()
        "tpu.trace_stop"() : () -> ()
        %mul3A_294 = arith.constant 1 : i32
        %mul3A_295 = arith.muli %add3A_181, %mul3A_294 : i32
        %add3A_296 = arith.constant 0 : i32
        %add3A_297 = arith.addi %mul3A_295, %add3A_296 : i32
        %mul3A_298 = arith.constant 1 : i32
        %mul3A_299 = arith.muli %add3A_199, %mul3A_298 : i32
        %add3A_300 = arith.constant 0 : i32
        %add3A_301 = arith.addi %mul3A_299, %add3A_300 : i32
        %ne3A_302 = arith.cmpi ne, %add3A_297, %add3A_301 : i32
        %or3A_303 = arith.constant false
        %or3A_304 = arith.ori %or3A_303, %ne3A_302 : i1
        %or3A_305 = arith.ori %or3A_304, %eq3A_180 : i1
        %convert_element_type3A_306 = arith.extui %or3A_305 : i1 to i32
        %cond3A_307 = arith.constant 0 : i32
        %cond3A_308 = arith.cmpi ne, %convert_element_type3A_306, %cond3A_307 : i32
        scf.if %cond3A_308 {
        } else {
        }
        %and3A_309 = arith.constant false
        %and3A_310 = arith.andi %or3A_305, %and3A_309 : i1
        %mul3A_311 = arith.constant 1 : i32
        %mul3A_312 = arith.muli %add3A_181, %mul3A_311 : i32
        %add3A_313 = arith.constant 0 : i32
        %add3A_314 = arith.addi %mul3A_312, %add3A_313 : i32
        %mul3A_315 = arith.constant 1 : i32
        %mul3A_316 = arith.muli %add3A_199, %mul3A_315 : i32
        %add3A_317 = arith.constant 0 : i32
        %add3A_318 = arith.addi %mul3A_316, %add3A_317 : i32
        %ne3A_319 = arith.cmpi ne, %add3A_314, %add3A_318 : i32
        %or3A_320 = arith.constant false
        %or3A_321 = arith.ori %or3A_320, %ne3A_319 : i1
        %or3A_322 = arith.constant false
        %or3A_323 = arith.ori %or3A_321, %or3A_322 : i1
        %or3A_324 = arith.ori %or3A_323, %eq3A_180 : i1
        %convert_element_type3A_325 = arith.extui %or3A_324 : i1 to i32
        %cond3A_326 = arith.constant 0 : i32
        %cond3A_327 = arith.cmpi ne, %convert_element_type3A_325, %cond3A_326 : i32
        scf.if %cond3A_327 {
        } else {
        }
        %and3A_328 = arith.constant false
        %and3A_329 = arith.andi %or3A_324, %and3A_328 : i1
        %mul3A_330 = arith.constant 1 : i32
        %mul3A_331 = arith.muli %add3A_181, %mul3A_330 : i32
        %add3A_332 = arith.constant 0 : i32
        %add3A_333 = arith.addi %mul3A_331, %add3A_332 : i32
        %mul3A_334 = arith.constant 1 : i32
        %mul3A_335 = arith.muli %add3A_190, %mul3A_334 : i32
        %add3A_336 = arith.constant 0 : i32
        %add3A_337 = arith.addi %mul3A_335, %add3A_336 : i32
        %ne3A_338 = arith.cmpi ne, %add3A_333, %add3A_337 : i32
        %or3A_339 = arith.constant false
        %or3A_340 = arith.ori %or3A_339, %ne3A_338 : i1
        %not3A_341 = arith.constant true
        %not3A_342 = arith.xori %eq3A_178, %not3A_341 : i1
        %and3A_343 = arith.andi %or3A_340, %not3A_342 : i1
        %convert_element_type3A_344 = arith.extui %and3A_343 : i1 to i32
        %cond3A_345 = arith.constant 0 : i32
        %cond3A_346 = arith.cmpi ne, %convert_element_type3A_344, %cond3A_345 : i32
        scf.if %cond3A_346 {
        } else {
        }
        %and3A_347 = arith.constant false
        %and3A_348 = arith.andi %and3A_343, %and3A_347 : i1
        %mul3A_349 = arith.constant 1 : i32
        %mul3A_350 = arith.muli %add3A_181, %mul3A_349 : i32
        %add3A_351 = arith.constant 0 : i32
        %add3A_352 = arith.addi %mul3A_350, %add3A_351 : i32
        %mul3A_353 = arith.constant 1 : i32
        %mul3A_354 = arith.muli %add3A_190, %mul3A_353 : i32
        %add3A_355 = arith.constant 0 : i32
        %add3A_356 = arith.addi %mul3A_354, %add3A_355 : i32
        %ne3A_357 = arith.cmpi ne, %add3A_352, %add3A_356 : i32
        %or3A_358 = arith.constant false
        %or3A_359 = arith.ori %or3A_358, %ne3A_357 : i1
        %or3A_360 = arith.constant false
        %or3A_361 = arith.ori %or3A_359, %or3A_360 : i1
        %not3A_362 = arith.constant true
        %not3A_363 = arith.xori %eq3A_178, %not3A_362 : i1
        %and3A_364 = arith.andi %or3A_361, %not3A_363 : i1
        %convert_element_type3A_365 = arith.extui %and3A_364 : i1 to i32
        %cond3A_366 = arith.constant 0 : i32
        %cond3A_367 = arith.cmpi ne, %convert_element_type3A_365, %cond3A_366 : i32
        scf.if %cond3A_367 {
        } else {
        }
        %and3A_368 = arith.constant false
        %and3A_369 = arith.andi %and3A_364, %and3A_368 : i1
        %mul3A_370 = arith.constant 1 : i32
        %mul3A_371 = arith.muli %add3A_181, %mul3A_370 : i32
        %add3A_372 = arith.constant 0 : i32
        %add3A_373 = arith.addi %mul3A_371, %add3A_372 : i32
        %mul3A_374 = arith.constant 1 : i32
        %mul3A_375 = arith.muli %add3A_199, %mul3A_374 : i32
        %add3A_376 = arith.constant 0 : i32
        %add3A_377 = arith.addi %mul3A_375, %add3A_376 : i32
        %ne3A_378 = arith.cmpi ne, %add3A_373, %add3A_377 : i32
        %or3A_379 = arith.constant false
        %or3A_380 = arith.ori %or3A_379, %ne3A_378 : i1
        %or3A_381 = arith.ori %or3A_380, %eq3A_180 : i1
        %add3A_382 = arith.constant 1 : i32
        %add3A_383 = arith.addi %scan3A_173, %add3A_382 : i32
        %select_n3A_384 = arith.select %or3A_381, %add3A_383, %scan3A_173 : i32
        %mul3A_385 = arith.constant 1 : i32
        %mul3A_386 = arith.muli %add3A_181, %mul3A_385 : i32
        %add3A_387 = arith.constant 0 : i32
        %add3A_388 = arith.addi %mul3A_386, %add3A_387 : i32
        %mul3A_389 = arith.constant 1 : i32
        %mul3A_390 = arith.muli %add3A_199, %mul3A_389 : i32
        %add3A_391 = arith.constant 0 : i32
        %add3A_392 = arith.addi %mul3A_390, %add3A_391 : i32
        %ne3A_393 = arith.cmpi ne, %add3A_388, %add3A_392 : i32
        %or3A_394 = arith.constant false
        %or3A_395 = arith.ori %or3A_394, %ne3A_393 : i1
        %or3A_396 = arith.constant false
        %or3A_397 = arith.ori %or3A_395, %or3A_396 : i1
        %or3A_398 = arith.ori %or3A_397, %eq3A_180 : i1
        %add3A_399 = arith.constant 1 : i32
        %add3A_400 = arith.addi %scan3A_175, %add3A_399 : i32
        %select_n3A_401 = arith.select %or3A_398, %add3A_400, %scan3A_175 : i32
        %add3A_402 = arith.constant 1 : i32
        %add3A_403 = arith.addi %scan3A_176, %add3A_402 : i32
        %select_n3A_404 = arith.constant true
        %select_n3A_405 = arith.select %select_n3A_404, %add3A_403, %scan3A_176 : i32
        %eq3A_406 = arith.constant 400 : i32
        %eq3A_407 = arith.cmpi eq, %select_n3A_405, %eq3A_406 : i32
        %select_n3A_408 = arith.constant 0 : i32
        %select_n3A_409 = arith.select %eq3A_407, %select_n3A_408, %select_n3A_405 : i32
        scf.yield %select_n3A_225, %select_n3A_384, %select_n3A_251, %select_n3A_401, %select_n3A_409 : i32, i32, i32, i32, i32
      }
      %scan3A_135 = arith.constant 400 : i32
      %sub3A = arith.constant 1 : i32
      %sub3A_136 = arith.subi %scan3A_134#4, %sub3A : i32
      %select_n3A_137 = arith.constant true
      %select_n3A_138 = arith.select %select_n3A_137, %sub3A_136, %scan3A_134#4 : i32
      %eq3A_139 = arith.constant -1 : i32
      %eq3A_140 = arith.cmpi eq, %select_n3A_138, %eq3A_139 : i32
      %select_n3A_141 = arith.constant 399 : i32
      %select_n3A_142 = arith.select %eq3A_140, %select_n3A_141, %select_n3A_138 : i32
      %add3A_143 = arith.addi %select_n3A_142, %mul3A_12 : i32
      %sub3A_144 = arith.constant 1 : i32
      %sub3A_145 = arith.subi %select_n3A_142, %sub3A_144 : i32
      %select_n3A_146 = arith.constant true
      %select_n3A_147 = arith.select %select_n3A_146, %sub3A_145, %select_n3A_142 : i32
      %eq3A_148 = arith.constant -1 : i32
      %eq3A_149 = arith.cmpi eq, %select_n3A_147, %eq3A_148 : i32
      %select_n3A_150 = arith.constant 399 : i32
      %select_n3A_151 = arith.select %eq3A_149, %select_n3A_150, %select_n3A_147 : i32
      %add3A_152 = arith.addi %select_n3A_151, %mul3A_12 : i32
      %add3A_153 = arith.constant 1 : i32
      %add3A_154 = arith.addi %select_n3A_142, %add3A_153 : i32
      %select_n3A_155 = arith.constant true
      %select_n3A_156 = arith.select %select_n3A_155, %add3A_154, %select_n3A_142 : i32
      %eq3A_157 = arith.constant 400 : i32
      %eq3A_158 = arith.cmpi eq, %select_n3A_156, %eq3A_157 : i32
      %select_n3A_159 = arith.constant 0 : i32
      %select_n3A_160 = arith.select %eq3A_158, %select_n3A_159, %select_n3A_156 : i32
      %add3A_161 = arith.addi %select_n3A_160, %mul3A_12 : i32
      %add3A_162 = arith.constant 1 : i32
      %add3A_163 = arith.addi %select_n3A_160, %add3A_162 : i32
      %select_n3A_164 = arith.constant true
      %select_n3A_165 = arith.select %select_n3A_164, %add3A_163, %select_n3A_160 : i32
      %eq3A_166 = arith.constant 400 : i32
      %eq3A_167 = arith.cmpi eq, %select_n3A_165, %eq3A_166 : i32
      %select_n3A_168 = arith.constant 0 : i32
      %select_n3A_169 = arith.select %eq3A_167, %select_n3A_168, %select_n3A_165 : i32
      %add3A_170 = arith.addi %select_n3A_169, %mul3A_12 : i32
      tpu.yield
    }) : () -> ()
    %barrier3A_13 = arith.constant 0 : index
    tpu.barrier barrier_id(%barrier3A_13)
    "tpu.region"() ({
      %run_scoped3A = tpu.sem_alloc : memref<!tpu.dma_semaphore, #tpu.memory_space<semaphore_mem>>
      %dma_start3A = tpu.memref_slice %arg5[%mul3A_0] : memref<102400xf32, #tpu.memory_space<vmem_shared>> -> memref<6400xf32, #tpu.memory_space<vmem_shared>>
      %dma_start3A_41 = tpu.memref_slice %arg5[%mul3A_0] : memref<102400xf32, #tpu.memory_space<vmem_shared>> -> memref<6400xf32, #tpu.memory_space<vmem_shared>>
      tpu.enqueue_dma source(%dma_start3A_41 : memref<6400xf32, #tpu.memory_space<vmem_shared>>) target(%arg8 : memref<6400xf32, #tpu.memory_space<vmem>>) target_semaphore(%run_scoped3A : memref<!tpu.dma_semaphore, #tpu.memory_space<semaphore_mem>>)
      %dma_wait3A = tpu.memref_slice %arg5[%mul3A_0] : memref<102400xf32, #tpu.memory_space<vmem_shared>> -> memref<6400xf32, #tpu.memory_space<vmem_shared>>
      %dma_wait3A_42 = tpu.memref_slice %arg5[%mul3A_0] : memref<102400xf32, #tpu.memory_space<vmem_shared>> -> memref<6400xf32, #tpu.memory_space<vmem_shared>>
      tpu.wait_dma2 semaphore(%run_scoped3A : memref<!tpu.dma_semaphore, #tpu.memory_space<semaphore_mem>>) src(%dma_wait3A_42 : memref<6400xf32, #tpu.memory_space<vmem_shared>>) dst(%arg8 : memref<6400xf32, #tpu.memory_space<vmem>>)
      tpu.yield
    }) : () -> ()
    %mul3A_14 = arith.constant 3 : i32
    %mul3A_15 = arith.muli %arg0, %mul3A_14 : i32
    %add3A_16 = arith.constant 0 : i32
    %add3A_17 = arith.addi %mul3A_15, %add3A_16 : i32
    %mul3A_18 = arith.constant 102400 : i32
    %mul3A_19 = arith.muli %add3A_17, %mul3A_18 : i32
    %mul3A_20 = arith.constant 6400 : i32
    %mul3A_21 = arith.muli %arg1, %mul3A_20 : i32
    %add3A_22 = arith.addi %mul3A_19, %mul3A_21 : i32
    "tpu.region"() ({
      %run_scoped3A = tpu.sem_alloc : memref<!tpu.dma_semaphore, #tpu.memory_space<semaphore_mem>>
      %dma_start3A = tpu.memref_slice %arg4[%add3A_22] : memref<614400xf32, #tpu.memory_space<hbm>> -> memref<6400xf32, #tpu.memory_space<hbm>>
      %dma_start3A_41 = tpu.memref_slice %arg4[%add3A_22] : memref<614400xf32, #tpu.memory_space<hbm>> -> memref<6400xf32, #tpu.memory_space<hbm>>
      tpu.enqueue_dma source(%arg8 : memref<6400xf32, #tpu.memory_space<vmem>>) target(%dma_start3A_41 : memref<6400xf32, #tpu.memory_space<hbm>>) target_semaphore(%run_scoped3A : memref<!tpu.dma_semaphore, #tpu.memory_space<semaphore_mem>>)
      %dma_wait3A = tpu.memref_slice %arg4[%add3A_22] : memref<614400xf32, #tpu.memory_space<hbm>> -> memref<6400xf32, #tpu.memory_space<hbm>>
      %dma_wait3A_42 = tpu.memref_slice %arg4[%add3A_22] : memref<614400xf32, #tpu.memory_space<hbm>> -> memref<6400xf32, #tpu.memory_space<hbm>>
      tpu.wait_dma2 semaphore(%run_scoped3A : memref<!tpu.dma_semaphore, #tpu.memory_space<semaphore_mem>>) src(%arg8 : memref<6400xf32, #tpu.memory_space<vmem>>) dst(%dma_wait3A_42 : memref<6400xf32, #tpu.memory_space<hbm>>)
      tpu.yield
    }) : () -> ()
    "tpu.region"() ({
      %run_scoped3A = tpu.sem_alloc : memref<!tpu.dma_semaphore, #tpu.memory_space<semaphore_mem>>
      %dma_start3A = tpu.memref_slice %arg6[%mul3A_0] : memref<102400xf32, #tpu.memory_space<vmem_shared>> -> memref<6400xf32, #tpu.memory_space<vmem_shared>>
      %dma_start3A_41 = tpu.memref_slice %arg6[%mul3A_0] : memref<102400xf32, #tpu.memory_space<vmem_shared>> -> memref<6400xf32, #tpu.memory_space<vmem_shared>>
      tpu.enqueue_dma source(%dma_start3A_41 : memref<6400xf32, #tpu.memory_space<vmem_shared>>) target(%arg8 : memref<6400xf32, #tpu.memory_space<vmem>>) target_semaphore(%run_scoped3A : memref<!tpu.dma_semaphore, #tpu.memory_space<semaphore_mem>>)
      %dma_wait3A = tpu.memref_slice %arg6[%mul3A_0] : memref<102400xf32, #tpu.memory_space<vmem_shared>> -> memref<6400xf32, #tpu.memory_space<vmem_shared>>
      %dma_wait3A_42 = tpu.memref_slice %arg6[%mul3A_0] : memref<102400xf32, #tpu.memory_space<vmem_shared>> -> memref<6400xf32, #tpu.memory_space<vmem_shared>>
      tpu.wait_dma2 semaphore(%run_scoped3A : memref<!tpu.dma_semaphore, #tpu.memory_space<semaphore_mem>>) src(%dma_wait3A_42 : memref<6400xf32, #tpu.memory_space<vmem_shared>>) dst(%arg8 : memref<6400xf32, #tpu.memory_space<vmem>>)
      tpu.yield
    }) : () -> ()
    %mul3A_23 = arith.constant 3 : i32
    %mul3A_24 = arith.muli %arg0, %mul3A_23 : i32
    %add3A_25 = arith.constant 1 : i32
    %add3A_26 = arith.addi %mul3A_24, %add3A_25 : i32
    %mul3A_27 = arith.constant 102400 : i32
    %mul3A_28 = arith.muli %add3A_26, %mul3A_27 : i32
    %mul3A_29 = arith.constant 6400 : i32
    %mul3A_30 = arith.muli %arg1, %mul3A_29 : i32
    %add3A_31 = arith.addi %mul3A_28, %mul3A_30 : i32
    "tpu.region"() ({
      %run_scoped3A = tpu.sem_alloc : memref<!tpu.dma_semaphore, #tpu.memory_space<semaphore_mem>>
      %dma_start3A = tpu.memref_slice %arg4[%add3A_31] : memref<614400xf32, #tpu.memory_space<hbm>> -> memref<6400xf32, #tpu.memory_space<hbm>>
      %dma_start3A_41 = tpu.memref_slice %arg4[%add3A_31] : memref<614400xf32, #tpu.memory_space<hbm>> -> memref<6400xf32, #tpu.memory_space<hbm>>
      tpu.enqueue_dma source(%arg8 : memref<6400xf32, #tpu.memory_space<vmem>>) target(%dma_start3A_41 : memref<6400xf32, #tpu.memory_space<hbm>>) target_semaphore(%run_scoped3A : memref<!tpu.dma_semaphore, #tpu.memory_space<semaphore_mem>>)
      %dma_wait3A = tpu.memref_slice %arg4[%add3A_31] : memref<614400xf32, #tpu.memory_space<hbm>> -> memref<6400xf32, #tpu.memory_space<hbm>>
      %dma_wait3A_42 = tpu.memref_slice %arg4[%add3A_31] : memref<614400xf32, #tpu.memory_space<hbm>> -> memref<6400xf32, #tpu.memory_space<hbm>>
      tpu.wait_dma2 semaphore(%run_scoped3A : memref<!tpu.dma_semaphore, #tpu.memory_space<semaphore_mem>>) src(%arg8 : memref<6400xf32, #tpu.memory_space<vmem>>) dst(%dma_wait3A_42 : memref<6400xf32, #tpu.memory_space<hbm>>)
      tpu.yield
    }) : () -> ()
    "tpu.region"() ({
      %run_scoped3A = tpu.sem_alloc : memref<!tpu.dma_semaphore, #tpu.memory_space<semaphore_mem>>
      %dma_start3A = tpu.memref_slice %arg7[%mul3A_0] : memref<102400xf32, #tpu.memory_space<vmem_shared>> -> memref<6400xf32, #tpu.memory_space<vmem_shared>>
      %dma_start3A_41 = tpu.memref_slice %arg7[%mul3A_0] : memref<102400xf32, #tpu.memory_space<vmem_shared>> -> memref<6400xf32, #tpu.memory_space<vmem_shared>>
      tpu.enqueue_dma source(%dma_start3A_41 : memref<6400xf32, #tpu.memory_space<vmem_shared>>) target(%arg8 : memref<6400xf32, #tpu.memory_space<vmem>>) target_semaphore(%run_scoped3A : memref<!tpu.dma_semaphore, #tpu.memory_space<semaphore_mem>>)
      %dma_wait3A = tpu.memref_slice %arg7[%mul3A_0] : memref<102400xf32, #tpu.memory_space<vmem_shared>> -> memref<6400xf32, #tpu.memory_space<vmem_shared>>
      %dma_wait3A_42 = tpu.memref_slice %arg7[%mul3A_0] : memref<102400xf32, #tpu.memory_space<vmem_shared>> -> memref<6400xf32, #tpu.memory_space<vmem_shared>>
      tpu.wait_dma2 semaphore(%run_scoped3A : memref<!tpu.dma_semaphore, #tpu.memory_space<semaphore_mem>>) src(%dma_wait3A_42 : memref<6400xf32, #tpu.memory_space<vmem_shared>>) dst(%arg8 : memref<6400xf32, #tpu.memory_space<vmem>>)
      tpu.yield
    }) : () -> ()
    %mul3A_32 = arith.constant 3 : i32
    %mul3A_33 = arith.muli %arg0, %mul3A_32 : i32
    %add3A_34 = arith.constant 2 : i32
    %add3A_35 = arith.addi %mul3A_33, %add3A_34 : i32
    %mul3A_36 = arith.constant 102400 : i32
    %mul3A_37 = arith.muli %add3A_35, %mul3A_36 : i32
    %mul3A_38 = arith.constant 6400 : i32
    %mul3A_39 = arith.muli %arg1, %mul3A_38 : i32
    %add3A_40 = arith.addi %mul3A_37, %mul3A_39 : i32
    "tpu.region"() ({
      %run_scoped3A = tpu.sem_alloc : memref<!tpu.dma_semaphore, #tpu.memory_space<semaphore_mem>>
      %dma_start3A = tpu.memref_slice %arg4[%add3A_40] : memref<614400xf32, #tpu.memory_space<hbm>> -> memref<6400xf32, #tpu.memory_space<hbm>>
      %dma_start3A_41 = tpu.memref_slice %arg4[%add3A_40] : memref<614400xf32, #tpu.memory_space<hbm>> -> memref<6400xf32, #tpu.memory_space<hbm>>
      tpu.enqueue_dma source(%arg8 : memref<6400xf32, #tpu.memory_space<vmem>>) target(%dma_start3A_41 : memref<6400xf32, #tpu.memory_space<hbm>>) target_semaphore(%run_scoped3A : memref<!tpu.dma_semaphore, #tpu.memory_space<semaphore_mem>>)
      %dma_wait3A = tpu.memref_slice %arg4[%add3A_40] : memref<614400xf32, #tpu.memory_space<hbm>> -> memref<6400xf32, #tpu.memory_space<hbm>>
      %dma_wait3A_42 = tpu.memref_slice %arg4[%add3A_40] : memref<614400xf32, #tpu.memory_space<hbm>> -> memref<6400xf32, #tpu.memory_space<hbm>>
      tpu.wait_dma2 semaphore(%run_scoped3A : memref<!tpu.dma_semaphore, #tpu.memory_space<semaphore_mem>>) src(%arg8 : memref<6400xf32, #tpu.memory_space<vmem>>) dst(%dma_wait3A_42 : memref<6400xf32, #tpu.memory_space<hbm>>)
      tpu.yield
    }) : () -> ()
    return
  }
}

#map = affine_map<(d0, d1) -> (0, 0)>
#map1 = affine_map<(d0, d1) -> (0)>
module attributes {stable_mosaic.version = 14 : i64} {
  func.func @k(%arg0: i32, %arg1: i32, %arg2: memref<4x1638400xf32, #tpu.memory_space<hbm>>, %arg3: memref<12800x128xi32, #tpu.memory_space<hbm>>, %arg4: memref<819200xf32, #tpu.memory_space<hbm>>, %arg5: memref<102400xf32, #tpu.memory_space<vmem_shared>>, %arg6: memref<102400xf32, #tpu.memory_space<vmem_shared>>, %arg7: memref<102400xf32, #tpu.memory_space<vmem_shared>>, %arg8: memref<102400xf32, #tpu.memory_space<vmem_shared>>, %arg9: memref<6400xf32, #tpu.memory_space<vmem>>) attributes {dimension_semantics = [#tpu.dimension_semantics<core_parallel>, #tpu.dimension_semantics<subcore_parallel>], iteration_bounds = array<i64: 2, 16>, scalar_prefetch = 0 : i64, scratch_operands = 5 : i64, tpu.core_type = #tpu.core_type<sc_vector_subcore>, window_params = [{transform_indices = #map}, {transform_indices = #map}, {transform_indices = #map1}]} {
    %mul3A = arith.constant 6400 : i32
    %mul3A_0 = arith.muli %arg1, %mul3A : i32
    %scan3A = arith.constant 0 : i32
    %scan3A_1 = arith.constant 400 : i32
    %scan3A_2 = arith.addi %scan3A, %scan3A_1 : i32
    %scan3A_3 = arith.constant 1 : i32
    scf.for %scan3A_50 = %scan3A to %scan3A_2 step %scan3A_3  : i32 {
      %mul3A_51 = arith.constant 16 : i32
      %mul3A_52 = arith.muli %scan3A_50, %mul3A_51 : i32
      %add3A_53 = arith.constant 0 : i32
      %add3A_54 = arith.addi %add3A_53, %mul3A_52 : i32
      %broadcast_in_dim3A = arith.constant 0.000000e+00 : f32
      %broadcast_in_dim3A_55 = vector.broadcast %broadcast_in_dim3A : f32 to vector<16xf32>
      %swap3A = arith.index_cast %add3A_54 : i32 to index
      %swap3A_56 = tpu.vector_load %arg9[%swap3A] {strides = array<i32>} : memref<6400xf32, #tpu.memory_space<vmem>>, vector<16xf32>,
      %swap3A_57 = vector.shape_cast %swap3A_56 : vector<16xf32> to vector<16xf32>
      %swap3A_58 = vector.shape_cast %broadcast_in_dim3A_55 : vector<16xf32> to vector<16xf32>
      tpu.vector_store %arg9[%swap3A], %swap3A_58 {strides = array<i32>} : memref<6400xf32, #tpu.memory_space<vmem>>, vector<16xf32>,
    }
    %scan3A_4 = arith.constant 400 : i32
    "tpu.region"() ({
      %run_scoped3A = tpu.sem_alloc : memref<!tpu.dma_semaphore, #tpu.memory_space<semaphore_mem>>
      %dma_start3A = tpu.memref_slice %arg5[%mul3A_0] : memref<102400xf32, #tpu.memory_space<vmem_shared>> -> memref<6400xf32, #tpu.memory_space<vmem_shared>>
      %dma_start3A_50 = tpu.memref_slice %arg5[%mul3A_0] : memref<102400xf32, #tpu.memory_space<vmem_shared>> -> memref<6400xf32, #tpu.memory_space<vmem_shared>>
      tpu.enqueue_dma source(%arg9 : memref<6400xf32, #tpu.memory_space<vmem>>) target(%dma_start3A_50 : memref<6400xf32, #tpu.memory_space<vmem_shared>>) target_semaphore(%run_scoped3A : memref<!tpu.dma_semaphore, #tpu.memory_space<semaphore_mem>>)
      %dma_wait3A = tpu.memref_slice %arg5[%mul3A_0] : memref<102400xf32, #tpu.memory_space<vmem_shared>> -> memref<6400xf32, #tpu.memory_space<vmem_shared>>
      %dma_wait3A_51 = tpu.memref_slice %arg5[%mul3A_0] : memref<102400xf32, #tpu.memory_space<vmem_shared>> -> memref<6400xf32, #tpu.memory_space<vmem_shared>>
      tpu.wait_dma2 semaphore(%run_scoped3A : memref<!tpu.dma_semaphore, #tpu.memory_space<semaphore_mem>>) src(%arg9 : memref<6400xf32, #tpu.memory_space<vmem>>) dst(%dma_wait3A_51 : memref<6400xf32, #tpu.memory_space<vmem_shared>>)
      tpu.yield
    }) : () -> ()
    "tpu.region"() ({
      %run_scoped3A = tpu.sem_alloc : memref<!tpu.dma_semaphore, #tpu.memory_space<semaphore_mem>>
      %dma_start3A = tpu.memref_slice %arg6[%mul3A_0] : memref<102400xf32, #tpu.memory_space<vmem_shared>> -> memref<6400xf32, #tpu.memory_space<vmem_shared>>
      %dma_start3A_50 = tpu.memref_slice %arg6[%mul3A_0] : memref<102400xf32, #tpu.memory_space<vmem_shared>> -> memref<6400xf32, #tpu.memory_space<vmem_shared>>
      tpu.enqueue_dma source(%arg9 : memref<6400xf32, #tpu.memory_space<vmem>>) target(%dma_start3A_50 : memref<6400xf32, #tpu.memory_space<vmem_shared>>) target_semaphore(%run_scoped3A : memref<!tpu.dma_semaphore, #tpu.memory_space<semaphore_mem>>)
      %dma_wait3A = tpu.memref_slice %arg6[%mul3A_0] : memref<102400xf32, #tpu.memory_space<vmem_shared>> -> memref<6400xf32, #tpu.memory_space<vmem_shared>>
      %dma_wait3A_51 = tpu.memref_slice %arg6[%mul3A_0] : memref<102400xf32, #tpu.memory_space<vmem_shared>> -> memref<6400xf32, #tpu.memory_space<vmem_shared>>
      tpu.wait_dma2 semaphore(%run_scoped3A : memref<!tpu.dma_semaphore, #tpu.memory_space<semaphore_mem>>) src(%arg9 : memref<6400xf32, #tpu.memory_space<vmem>>) dst(%dma_wait3A_51 : memref<6400xf32, #tpu.memory_space<vmem_shared>>)
      tpu.yield
    }) : () -> ()
    "tpu.region"() ({
      %run_scoped3A = tpu.sem_alloc : memref<!tpu.dma_semaphore, #tpu.memory_space<semaphore_mem>>
      %dma_start3A = tpu.memref_slice %arg7[%mul3A_0] : memref<102400xf32, #tpu.memory_space<vmem_shared>> -> memref<6400xf32, #tpu.memory_space<vmem_shared>>
      %dma_start3A_50 = tpu.memref_slice %arg7[%mul3A_0] : memref<102400xf32, #tpu.memory_space<vmem_shared>> -> memref<6400xf32, #tpu.memory_space<vmem_shared>>
      tpu.enqueue_dma source(%arg9 : memref<6400xf32, #tpu.memory_space<vmem>>) target(%dma_start3A_50 : memref<6400xf32, #tpu.memory_space<vmem_shared>>) target_semaphore(%run_scoped3A : memref<!tpu.dma_semaphore, #tpu.memory_space<semaphore_mem>>)
      %dma_wait3A = tpu.memref_slice %arg7[%mul3A_0] : memref<102400xf32, #tpu.memory_space<vmem_shared>> -> memref<6400xf32, #tpu.memory_space<vmem_shared>>
      %dma_wait3A_51 = tpu.memref_slice %arg7[%mul3A_0] : memref<102400xf32, #tpu.memory_space<vmem_shared>> -> memref<6400xf32, #tpu.memory_space<vmem_shared>>
      tpu.wait_dma2 semaphore(%run_scoped3A : memref<!tpu.dma_semaphore, #tpu.memory_space<semaphore_mem>>) src(%arg9 : memref<6400xf32, #tpu.memory_space<vmem>>) dst(%dma_wait3A_51 : memref<6400xf32, #tpu.memory_space<vmem_shared>>)
      tpu.yield
    }) : () -> ()
    "tpu.region"() ({
      %run_scoped3A = tpu.sem_alloc : memref<!tpu.dma_semaphore, #tpu.memory_space<semaphore_mem>>
      %dma_start3A = tpu.memref_slice %arg8[%mul3A_0] : memref<102400xf32, #tpu.memory_space<vmem_shared>> -> memref<6400xf32, #tpu.memory_space<vmem_shared>>
      %dma_start3A_50 = tpu.memref_slice %arg8[%mul3A_0] : memref<102400xf32, #tpu.memory_space<vmem_shared>> -> memref<6400xf32, #tpu.memory_space<vmem_shared>>
      tpu.enqueue_dma source(%arg9 : memref<6400xf32, #tpu.memory_space<vmem>>) target(%dma_start3A_50 : memref<6400xf32, #tpu.memory_space<vmem_shared>>) target_semaphore(%run_scoped3A : memref<!tpu.dma_semaphore, #tpu.memory_space<semaphore_mem>>)
      %dma_wait3A = tpu.memref_slice %arg8[%mul3A_0] : memref<102400xf32, #tpu.memory_space<vmem_shared>> -> memref<6400xf32, #tpu.memory_space<vmem_shared>>
      %dma_wait3A_51 = tpu.memref_slice %arg8[%mul3A_0] : memref<102400xf32, #tpu.memory_space<vmem_shared>> -> memref<6400xf32, #tpu.memory_space<vmem_shared>>
      tpu.wait_dma2 semaphore(%run_scoped3A : memref<!tpu.dma_semaphore, #tpu.memory_space<semaphore_mem>>) src(%arg9 : memref<6400xf32, #tpu.memory_space<vmem>>) dst(%dma_wait3A_51 : memref<6400xf32, #tpu.memory_space<vmem_shared>>)
      tpu.yield
    }) : () -> ()
    %barrier3A = arith.constant 0 : index
    tpu.barrier barrier_id(%barrier3A)
    %mul3A_5 = arith.constant 1 : i32
    %mul3A_6 = arith.muli %arg1, %mul3A_5 : i32
    %add3A = arith.constant 0 : i32
    %add3A_7 = arith.addi %add3A, %mul3A_6 : i32
    %mul3A_8 = arith.constant 16 : i32
    %mul3A_9 = arith.muli %arg0, %mul3A_8 : i32
    %add3A_10 = arith.addi %add3A_7, %mul3A_9 : i32
    %mul3A_11 = arith.constant 400 : i32
    %mul3A_12 = arith.muli %add3A_10, %mul3A_11 : i32
    "tpu.region"() ({
      %run_scoped3A = memref.alloca() : memref<2x4x128xf32, #tpu.memory_space<vmem>>
      %run_scoped3A_50 = tpu.sem_alloc : memref<2x!tpu.dma_semaphore, #tpu.memory_space<semaphore_mem>>
      %run_scoped3A_51 = memref.alloca() : memref<2x1x128xi32, #tpu.memory_space<vmem>>
      %run_scoped3A_52 = tpu.sem_alloc : memref<2x!tpu.dma_semaphore, #tpu.memory_space<semaphore_mem>>
      %add3A_53 = arith.constant 0 : i32
      %add3A_54 = arith.addi %add3A_53, %mul3A_12 : i32
      %select_n3A = arith.constant true
      %select_n3A_55 = arith.constant 0 : i32
      %select_n3A_56 = arith.constant -1 : i32
      %select_n3A_57 = arith.select %select_n3A, %select_n3A_56, %select_n3A_55 : i32
      %eq3A = arith.constant -1 : i32
      %eq3A_58 = arith.cmpi eq, %select_n3A_57, %eq3A : i32
      %select_n3A_59 = arith.constant 399 : i32
      %select_n3A_60 = arith.select %eq3A_58, %select_n3A_59, %select_n3A_57 : i32
      %add3A_61 = arith.addi %select_n3A_60, %mul3A_12 : i32
      %select_n3A_62 = arith.constant true
      %select_n3A_63 = arith.constant 0 : i32
      %select_n3A_64 = arith.constant 1 : i32
      %select_n3A_65 = arith.select %select_n3A_62, %select_n3A_64, %select_n3A_63 : i32
      %eq3A_66 = arith.constant 400 : i32
      %eq3A_67 = arith.cmpi eq, %select_n3A_65, %eq3A_66 : i32
      %select_n3A_68 = arith.constant 0 : i32
      %select_n3A_69 = arith.select %eq3A_67, %select_n3A_68, %select_n3A_65 : i32
      %add3A_70 = arith.addi %select_n3A_69, %mul3A_12 : i32
      %add3A_71 = arith.constant 1 : i32
      %add3A_72 = arith.addi %select_n3A_69, %add3A_71 : i32
      %select_n3A_73 = arith.constant true
      %select_n3A_74 = arith.select %select_n3A_73, %add3A_72, %select_n3A_69 : i32
      %eq3A_75 = arith.constant 400 : i32
      %eq3A_76 = arith.cmpi eq, %select_n3A_74, %eq3A_75 : i32
      %select_n3A_77 = arith.constant 0 : i32
      %select_n3A_78 = arith.select %eq3A_76, %select_n3A_77, %select_n3A_74 : i32
      %add3A_79 = arith.addi %select_n3A_78, %mul3A_12 : i32
      "tpu.trace_start"() <{level = 10 : i32, message = "ep_initialize_0"}> : () -> ()
      %rem3A = arith.constant 0 : i32
      %rem3A_80 = arith.constant 2 : i32
      %rem3A_81 = arith.remui %rem3A, %rem3A_80 : i32
      %mul3A_82 = arith.constant 1 : i32
      %mul3A_83 = arith.muli %add3A_54, %mul3A_82 : i32
      %add3A_84 = arith.constant 0 : i32
      %add3A_85 = arith.addi %mul3A_83, %add3A_84 : i32
      %mul3A_86 = arith.constant 128 : i32
      %mul3A_87 = arith.muli %mul3A_86, %add3A_85 : i32
      %dma_start3A = arith.constant 0 : i32
      %dma_start3A_88 = arith.constant 0 : i32
      %dma_start3A_89 = tpu.memref_slice %run_scoped3A[%rem3A_81, %dma_start3A, %dma_start3A_88] : memref<2x4x128xf32, #tpu.memory_space<vmem>> -> memref<1x4x128xf32, #tpu.memory_space<vmem>>
      %dma_start3A_90 = tpu.memref_squeeze %dma_start3A_89 : memref<1x4x128xf32, #tpu.memory_space<vmem>> -> memref<4x128xf32, #tpu.memory_space<vmem>>
      %dma_start3A_91 = arith.constant 0 : i32
      %dma_start3A_92 = tpu.memref_slice %arg2[%dma_start3A_91, %mul3A_87] : memref<4x1638400xf32, #tpu.memory_space<hbm>> -> memref<4x128xf32, #tpu.memory_space<hbm>>
      %dma_start3A_93 = tpu.memref_slice %run_scoped3A_50[%rem3A_81] : memref<2x!tpu.dma_semaphore, #tpu.memory_space<semaphore_mem>> -> memref<1x!tpu.dma_semaphore, #tpu.memory_space<semaphore_mem>>
      %dma_start3A_94 = tpu.memref_squeeze %dma_start3A_93 : memref<1x!tpu.dma_semaphore, #tpu.memory_space<semaphore_mem>> -> memref<!tpu.dma_semaphore, #tpu.memory_space<semaphore_mem>>
      %dma_start3A_95 = arith.constant 0 : i32
      %dma_start3A_96 = arith.constant 0 : i32
      %dma_start3A_97 = tpu.memref_slice %run_scoped3A[%rem3A_81, %dma_start3A_95, %dma_start3A_96] : memref<2x4x128xf32, #tpu.memory_space<vmem>> -> memref<1x4x128xf32, #tpu.memory_space<vmem>>
      %dma_start3A_98 = tpu.memref_squeeze %dma_start3A_97 : memref<1x4x128xf32, #tpu.memory_space<vmem>> -> memref<4x128xf32, #tpu.memory_space<vmem>>
      %dma_start3A_99 = arith.constant 0 : i32
      %dma_start3A_100 = tpu.memref_slice %arg2[%dma_start3A_99, %mul3A_87] : memref<4x1638400xf32, #tpu.memory_space<hbm>> -> memref<4x128xf32, #tpu.memory_space<hbm>>
      tpu.enqueue_dma source(%dma_start3A_100 : memref<4x128xf32, #tpu.memory_space<hbm>>) target(%dma_start3A_98 : memref<4x128xf32, #tpu.memory_space<vmem>>) target_semaphore(%dma_start3A_94 : memref<!tpu.dma_semaphore, #tpu.memory_space<semaphore_mem>>)
      %add3A_101 = arith.constant 0 : i32
      %add3A_102 = arith.constant 1 : i32
      %add3A_103 = arith.addi %add3A_101, %add3A_102 : i32
      %select_n3A_104 = arith.constant true
      %select_n3A_105 = arith.constant 0 : i32
      %select_n3A_106 = arith.select %select_n3A_104, %add3A_103, %select_n3A_105 : i32
      %rem3A_107 = arith.constant 0 : i32
      %rem3A_108 = arith.constant 2 : i32
      %rem3A_109 = arith.remui %rem3A_107, %rem3A_108 : i32
      %mul3A_110 = arith.constant 1 : i32
      %mul3A_111 = arith.muli %add3A_54, %mul3A_110 : i32
      %add3A_112 = arith.constant 0 : i32
      %add3A_113 = arith.addi %mul3A_111, %add3A_112 : i32
      %mul3A_114 = arith.constant 1 : i32
      %mul3A_115 = arith.muli %mul3A_114, %add3A_113 : i32
      %dma_start3A_116 = arith.constant 0 : i32
      %dma_start3A_117 = arith.constant 0 : i32
      %dma_start3A_118 = tpu.memref_slice %run_scoped3A_51[%rem3A_109, %dma_start3A_116, %dma_start3A_117] : memref<2x1x128xi32, #tpu.memory_space<vmem>> -> memref<1x1x128xi32, #tpu.memory_space<vmem>>
      %dma_start3A_119 = tpu.memref_squeeze %dma_start3A_118 : memref<1x1x128xi32, #tpu.memory_space<vmem>> -> memref<1x128xi32, #tpu.memory_space<vmem>>
      %dma_start3A_120 = arith.constant 0 : i32
      %dma_start3A_121 = tpu.memref_slice %arg3[%mul3A_115, %dma_start3A_120] : memref<12800x128xi32, #tpu.memory_space<hbm>> -> memref<1x128xi32, #tpu.memory_space<hbm>>
      %dma_start3A_122 = tpu.memref_slice %run_scoped3A_52[%rem3A_109] : memref<2x!tpu.dma_semaphore, #tpu.memory_space<semaphore_mem>> -> memref<1x!tpu.dma_semaphore, #tpu.memory_space<semaphore_mem>>
      %dma_start3A_123 = tpu.memref_squeeze %dma_start3A_122 : memref<1x!tpu.dma_semaphore, #tpu.memory_space<semaphore_mem>> -> memref<!tpu.dma_semaphore, #tpu.memory_space<semaphore_mem>>
      %dma_start3A_124 = arith.constant 0 : i32
      %dma_start3A_125 = arith.constant 0 : i32
      %dma_start3A_126 = tpu.memref_slice %run_scoped3A_51[%rem3A_109, %dma_start3A_124, %dma_start3A_125] : memref<2x1x128xi32, #tpu.memory_space<vmem>> -> memref<1x1x128xi32, #tpu.memory_space<vmem>>
      %dma_start3A_127 = tpu.memref_squeeze %dma_start3A_126 : memref<1x1x128xi32, #tpu.memory_space<vmem>> -> memref<1x128xi32, #tpu.memory_space<vmem>>
      %dma_start3A_128 = arith.constant 0 : i32
      %dma_start3A_129 = tpu.memref_slice %arg3[%mul3A_115, %dma_start3A_128] : memref<12800x128xi32, #tpu.memory_space<hbm>> -> memref<1x128xi32, #tpu.memory_space<hbm>>
      tpu.enqueue_dma source(%dma_start3A_129 : memref<1x128xi32, #tpu.memory_space<hbm>>) target(%dma_start3A_127 : memref<1x128xi32, #tpu.memory_space<vmem>>) target_semaphore(%dma_start3A_123 : memref<!tpu.dma_semaphore, #tpu.memory_space<semaphore_mem>>)
      %add3A_130 = arith.constant 0 : i32
      %add3A_131 = arith.constant 1 : i32
      %add3A_132 = arith.addi %add3A_130, %add3A_131 : i32
      %select_n3A_133 = arith.constant true
      %select_n3A_134 = arith.constant 0 : i32
      %select_n3A_135 = arith.select %select_n3A_133, %add3A_132, %select_n3A_134 : i32
      "tpu.trace_stop"() : () -> ()
      %scan3A_136 = arith.constant 0 : i32
      %scan3A_137 = arith.constant 0 : i32
      %scan3A_138 = arith.constant 0 : i32
      %scan3A_139 = arith.constant 0 : i32
      %scan3A_140 = arith.constant 400 : i32
      %scan3A_141 = arith.addi %scan3A_139, %scan3A_140 : i32
      %scan3A_142 = arith.constant 1 : i32
      %scan3A_143:5 = scf.for %scan3A_180 = %scan3A_139 to %scan3A_141 step %scan3A_142 iter_args(%scan3A_181 = %select_n3A_106, %scan3A_182 = %scan3A_136, %scan3A_183 = %select_n3A_135, %scan3A_184 = %scan3A_137, %scan3A_185 = %scan3A_138) -> (i32, i32, i32, i32, i32)  : i32 {
        %eq3A_186 = arith.constant 0 : i32
        %eq3A_187 = arith.cmpi eq, %scan3A_180, %eq3A_186 : i32
        %eq3A_188 = arith.constant 399 : i32
        %eq3A_189 = arith.cmpi eq, %scan3A_180, %eq3A_188 : i32
        %add3A_190 = arith.addi %scan3A_185, %mul3A_12 : i32
        %sub3A_191 = arith.constant 1 : i32
        %sub3A_192 = arith.subi %scan3A_185, %sub3A_191 : i32
        %select_n3A_193 = arith.constant true
        %select_n3A_194 = arith.select %select_n3A_193, %sub3A_192, %scan3A_185 : i32
        %eq3A_195 = arith.constant -1 : i32
        %eq3A_196 = arith.cmpi eq, %select_n3A_194, %eq3A_195 : i32
        %select_n3A_197 = arith.constant 399 : i32
        %select_n3A_198 = arith.select %eq3A_196, %select_n3A_197, %select_n3A_194 : i32
        %add3A_199 = arith.addi %select_n3A_198, %mul3A_12 : i32
        %add3A_200 = arith.constant 1 : i32
        %add3A_201 = arith.addi %scan3A_185, %add3A_200 : i32
        %select_n3A_202 = arith.constant true
        %select_n3A_203 = arith.select %select_n3A_202, %add3A_201, %scan3A_185 : i32
        %eq3A_204 = arith.constant 400 : i32
        %eq3A_205 = arith.cmpi eq, %select_n3A_203, %eq3A_204 : i32
        %select_n3A_206 = arith.constant 0 : i32
        %select_n3A_207 = arith.select %eq3A_205, %select_n3A_206, %select_n3A_203 : i32
        %add3A_208 = arith.addi %select_n3A_207, %mul3A_12 : i32
        %add3A_209 = arith.constant 1 : i32
        %add3A_210 = arith.addi %select_n3A_207, %add3A_209 : i32
        %select_n3A_211 = arith.constant true
        %select_n3A_212 = arith.select %select_n3A_211, %add3A_210, %select_n3A_207 : i32
        %eq3A_213 = arith.constant 400 : i32
        %eq3A_214 = arith.cmpi eq, %select_n3A_212, %eq3A_213 : i32
        %select_n3A_215 = arith.constant 0 : i32
        %select_n3A_216 = arith.select %eq3A_214, %select_n3A_215, %select_n3A_212 : i32
        %add3A_217 = arith.addi %select_n3A_216, %mul3A_12 : i32
        %mul3A_218 = arith.constant 1 : i32
        %mul3A_219 = arith.muli %add3A_190, %mul3A_218 : i32
        %add3A_220 = arith.constant 0 : i32
        %add3A_221 = arith.addi %mul3A_219, %add3A_220 : i32
        %mul3A_222 = arith.constant 1 : i32
        %mul3A_223 = arith.muli %add3A_208, %mul3A_222 : i32
        %add3A_224 = arith.constant 0 : i32
        %add3A_225 = arith.addi %mul3A_223, %add3A_224 : i32
        %ne3A = arith.cmpi ne, %add3A_221, %add3A_225 : i32
        %or3A = arith.constant false
        %or3A_226 = arith.ori %or3A, %ne3A : i1
        %ge3A = arith.constant 399 : i32
        %ge3A_227 = arith.cmpi sge, %scan3A_180, %ge3A : i32
        %not3A = arith.constant true
        %not3A_228 = arith.xori %ge3A_227, %not3A : i1
        %and3A = arith.andi %or3A_226, %not3A_228 : i1
        %convert_element_type3A = arith.extui %and3A : i1 to i32
        %cond3A = arith.constant 0 : i32
        %cond3A_229 = arith.cmpi ne, %convert_element_type3A, %cond3A : i32
        scf.if %cond3A_229 {
          "tpu.trace_start"() <{level = 10 : i32, message = "ep_copy_in"}> : () -> ()
          %rem3A_421 = arith.constant 2 : i32
          %rem3A_422 = arith.remui %scan3A_181, %rem3A_421 : i32
          %mul3A_423 = arith.constant 1 : i32
          %mul3A_424 = arith.muli %add3A_208, %mul3A_423 : i32
          %add3A_425 = arith.constant 0 : i32
          %add3A_426 = arith.addi %mul3A_424, %add3A_425 : i32
          %mul3A_427 = arith.constant 128 : i32
          %mul3A_428 = arith.muli %mul3A_427, %add3A_426 : i32
          %dma_start3A_429 = arith.constant 0 : i32
          %dma_start3A_430 = arith.constant 0 : i32
          %dma_start3A_431 = tpu.memref_slice %run_scoped3A[%rem3A_422, %dma_start3A_429, %dma_start3A_430] : memref<2x4x128xf32, #tpu.memory_space<vmem>> -> memref<1x4x128xf32, #tpu.memory_space<vmem>>
          %dma_start3A_432 = tpu.memref_squeeze %dma_start3A_431 : memref<1x4x128xf32, #tpu.memory_space<vmem>> -> memref<4x128xf32, #tpu.memory_space<vmem>>
          %dma_start3A_433 = arith.constant 0 : i32
          %dma_start3A_434 = tpu.memref_slice %arg2[%dma_start3A_433, %mul3A_428] : memref<4x1638400xf32, #tpu.memory_space<hbm>> -> memref<4x128xf32, #tpu.memory_space<hbm>>
          %dma_start3A_435 = tpu.memref_slice %run_scoped3A_50[%rem3A_422] : memref<2x!tpu.dma_semaphore, #tpu.memory_space<semaphore_mem>> -> memref<1x!tpu.dma_semaphore, #tpu.memory_space<semaphore_mem>>
          %dma_start3A_436 = tpu.memref_squeeze %dma_start3A_435 : memref<1x!tpu.dma_semaphore, #tpu.memory_space<semaphore_mem>> -> memref<!tpu.dma_semaphore, #tpu.memory_space<semaphore_mem>>
          %dma_start3A_437 = arith.constant 0 : i32
          %dma_start3A_438 = arith.constant 0 : i32
          %dma_start3A_439 = tpu.memref_slice %run_scoped3A[%rem3A_422, %dma_start3A_437, %dma_start3A_438] : memref<2x4x128xf32, #tpu.memory_space<vmem>> -> memref<1x4x128xf32, #tpu.memory_space<vmem>>
          %dma_start3A_440 = tpu.memref_squeeze %dma_start3A_439 : memref<1x4x128xf32, #tpu.memory_space<vmem>> -> memref<4x128xf32, #tpu.memory_space<vmem>>
          %dma_start3A_441 = arith.constant 0 : i32
          %dma_start3A_442 = tpu.memref_slice %arg2[%dma_start3A_441, %mul3A_428] : memref<4x1638400xf32, #tpu.memory_space<hbm>> -> memref<4x128xf32, #tpu.memory_space<hbm>>
          tpu.enqueue_dma source(%dma_start3A_442 : memref<4x128xf32, #tpu.memory_space<hbm>>) target(%dma_start3A_440 : memref<4x128xf32, #tpu.memory_space<vmem>>) target_semaphore(%dma_start3A_436 : memref<!tpu.dma_semaphore, #tpu.memory_space<semaphore_mem>>)
          "tpu.trace_stop"() : () -> ()
        } else {
        }
        %and3A_230 = arith.constant true
        %and3A_231 = arith.andi %and3A, %and3A_230 : i1
        %add3A_232 = arith.constant 1 : i32
        %add3A_233 = arith.addi %scan3A_181, %add3A_232 : i32
        %select_n3A_234 = arith.select %and3A_231, %add3A_233, %scan3A_181 : i32
        %mul3A_235 = arith.constant 1 : i32
        %mul3A_236 = arith.muli %add3A_190, %mul3A_235 : i32
        %add3A_237 = arith.constant 0 : i32
        %add3A_238 = arith.addi %mul3A_236, %add3A_237 : i32
        %mul3A_239 = arith.constant 1 : i32
        %mul3A_240 = arith.muli %add3A_208, %mul3A_239 : i32
        %add3A_241 = arith.constant 0 : i32
        %add3A_242 = arith.addi %mul3A_240, %add3A_241 : i32
        %ne3A_243 = arith.cmpi ne, %add3A_238, %add3A_242 : i32
        %or3A_244 = arith.constant false
        %or3A_245 = arith.ori %or3A_244, %ne3A_243 : i1
        %or3A_246 = arith.constant false
        %or3A_247 = arith.ori %or3A_245, %or3A_246 : i1
        %ge3A_248 = arith.constant 399 : i32
        %ge3A_249 = arith.cmpi sge, %scan3A_180, %ge3A_248 : i32
        %not3A_250 = arith.constant true
        %not3A_251 = arith.xori %ge3A_249, %not3A_250 : i1
        %and3A_252 = arith.andi %or3A_247, %not3A_251 : i1
        %convert_element_type3A_253 = arith.extui %and3A_252 : i1 to i32
        %cond3A_254 = arith.constant 0 : i32
        %cond3A_255 = arith.cmpi ne, %convert_element_type3A_253, %cond3A_254 : i32
        scf.if %cond3A_255 {
          "tpu.trace_start"() <{level = 10 : i32, message = "ep_copy_in"}> : () -> ()
          %rem3A_421 = arith.constant 2 : i32
          %rem3A_422 = arith.remui %scan3A_183, %rem3A_421 : i32
          %mul3A_423 = arith.constant 1 : i32
          %mul3A_424 = arith.muli %add3A_208, %mul3A_423 : i32
          %add3A_425 = arith.constant 0 : i32
          %add3A_426 = arith.addi %mul3A_424, %add3A_425 : i32
          %mul3A_427 = arith.constant 1 : i32
          %mul3A_428 = arith.muli %mul3A_427, %add3A_426 : i32
          %dma_start3A_429 = arith.constant 0 : i32
          %dma_start3A_430 = arith.constant 0 : i32
          %dma_start3A_431 = tpu.memref_slice %run_scoped3A_51[%rem3A_422, %dma_start3A_429, %dma_start3A_430] : memref<2x1x128xi32, #tpu.memory_space<vmem>> -> memref<1x1x128xi32, #tpu.memory_space<vmem>>
          %dma_start3A_432 = tpu.memref_squeeze %dma_start3A_431 : memref<1x1x128xi32, #tpu.memory_space<vmem>> -> memref<1x128xi32, #tpu.memory_space<vmem>>
          %dma_start3A_433 = arith.constant 0 : i32
          %dma_start3A_434 = tpu.memref_slice %arg3[%mul3A_428, %dma_start3A_433] : memref<12800x128xi32, #tpu.memory_space<hbm>> -> memref<1x128xi32, #tpu.memory_space<hbm>>
          %dma_start3A_435 = tpu.memref_slice %run_scoped3A_52[%rem3A_422] : memref<2x!tpu.dma_semaphore, #tpu.memory_space<semaphore_mem>> -> memref<1x!tpu.dma_semaphore, #tpu.memory_space<semaphore_mem>>
          %dma_start3A_436 = tpu.memref_squeeze %dma_start3A_435 : memref<1x!tpu.dma_semaphore, #tpu.memory_space<semaphore_mem>> -> memref<!tpu.dma_semaphore, #tpu.memory_space<semaphore_mem>>
          %dma_start3A_437 = arith.constant 0 : i32
          %dma_start3A_438 = arith.constant 0 : i32
          %dma_start3A_439 = tpu.memref_slice %run_scoped3A_51[%rem3A_422, %dma_start3A_437, %dma_start3A_438] : memref<2x1x128xi32, #tpu.memory_space<vmem>> -> memref<1x1x128xi32, #tpu.memory_space<vmem>>
          %dma_start3A_440 = tpu.memref_squeeze %dma_start3A_439 : memref<1x1x128xi32, #tpu.memory_space<vmem>> -> memref<1x128xi32, #tpu.memory_space<vmem>>
          %dma_start3A_441 = arith.constant 0 : i32
          %dma_start3A_442 = tpu.memref_slice %arg3[%mul3A_428, %dma_start3A_441] : memref<12800x128xi32, #tpu.memory_space<hbm>> -> memref<1x128xi32, #tpu.memory_space<hbm>>
          tpu.enqueue_dma source(%dma_start3A_442 : memref<1x128xi32, #tpu.memory_space<hbm>>) target(%dma_start3A_440 : memref<1x128xi32, #tpu.memory_space<vmem>>) target_semaphore(%dma_start3A_436 : memref<!tpu.dma_semaphore, #tpu.memory_space<semaphore_mem>>)
          "tpu.trace_stop"() : () -> ()
        } else {
        }
        %and3A_256 = arith.constant true
        %and3A_257 = arith.andi %and3A_252, %and3A_256 : i1
        %add3A_258 = arith.constant 1 : i32
        %add3A_259 = arith.addi %scan3A_183, %add3A_258 : i32
        %select_n3A_260 = arith.select %and3A_257, %add3A_259, %scan3A_183 : i32
        %mul3A_261 = arith.constant 1 : i32
        %mul3A_262 = arith.muli %add3A_190, %mul3A_261 : i32
        %add3A_263 = arith.constant 0 : i32
        %add3A_264 = arith.addi %mul3A_262, %add3A_263 : i32
        %mul3A_265 = arith.constant 1 : i32
        %mul3A_266 = arith.muli %add3A_199, %mul3A_265 : i32
        %add3A_267 = arith.constant 0 : i32
        %add3A_268 = arith.addi %mul3A_266, %add3A_267 : i32
        %ne3A_269 = arith.cmpi ne, %add3A_264, %add3A_268 : i32
        %or3A_270 = arith.constant false
        %or3A_271 = arith.ori %or3A_270, %ne3A_269 : i1
        %or3A_272 = arith.ori %or3A_271, %eq3A_187 : i1
        %convert_element_type3A_273 = arith.extui %or3A_272 : i1 to i32
        %cond3A_274 = arith.constant 0 : i32
        %cond3A_275 = arith.cmpi ne, %convert_element_type3A_273, %cond3A_274 : i32
        scf.if %cond3A_275 {
          "tpu.trace_start"() <{level = 10 : i32, message = "ep_wait_in"}> : () -> ()
          %mul3A_421 = arith.constant 1 : i32
          %mul3A_422 = arith.muli %add3A_190, %mul3A_421 : i32
          %add3A_423 = arith.constant 0 : i32
          %add3A_424 = arith.addi %mul3A_422, %add3A_423 : i32
          %mul3A_425 = arith.constant 128 : i32
          %mul3A_426 = arith.muli %mul3A_425, %add3A_424 : i32
          %rem3A_427 = arith.constant 2 : i32
          %rem3A_428 = arith.remui %scan3A_182, %rem3A_427 : i32
          %dma_wait3A = arith.constant 0 : i32
          %dma_wait3A_429 = arith.constant 0 : i32
          %dma_wait3A_430 = tpu.memref_slice %run_scoped3A[%rem3A_428, %dma_wait3A, %dma_wait3A_429] : memref<2x4x128xf32, #tpu.memory_space<vmem>> -> memref<1x4x128xf32, #tpu.memory_space<vmem>>
          %dma_wait3A_431 = tpu.memref_squeeze %dma_wait3A_430 : memref<1x4x128xf32, #tpu.memory_space<vmem>> -> memref<4x128xf32, #tpu.memory_space<vmem>>
          %dma_wait3A_432 = arith.constant 0 : i32
          %dma_wait3A_433 = tpu.memref_slice %arg2[%dma_wait3A_432, %mul3A_426] : memref<4x1638400xf32, #tpu.memory_space<hbm>> -> memref<4x128xf32, #tpu.memory_space<hbm>>
          %dma_wait3A_434 = tpu.memref_slice %run_scoped3A_50[%rem3A_428] : memref<2x!tpu.dma_semaphore, #tpu.memory_space<semaphore_mem>> -> memref<1x!tpu.dma_semaphore, #tpu.memory_space<semaphore_mem>>
          %dma_wait3A_435 = tpu.memref_squeeze %dma_wait3A_434 : memref<1x!tpu.dma_semaphore, #tpu.memory_space<semaphore_mem>> -> memref<!tpu.dma_semaphore, #tpu.memory_space<semaphore_mem>>
          %dma_wait3A_436 = arith.constant 0 : i32
          %dma_wait3A_437 = arith.constant 0 : i32
          %dma_wait3A_438 = tpu.memref_slice %run_scoped3A[%rem3A_428, %dma_wait3A_436, %dma_wait3A_437] : memref<2x4x128xf32, #tpu.memory_space<vmem>> -> memref<1x4x128xf32, #tpu.memory_space<vmem>>
          %dma_wait3A_439 = tpu.memref_squeeze %dma_wait3A_438 : memref<1x4x128xf32, #tpu.memory_space<vmem>> -> memref<4x128xf32, #tpu.memory_space<vmem>>
          %dma_wait3A_440 = arith.constant 0 : i32
          %dma_wait3A_441 = tpu.memref_slice %arg2[%dma_wait3A_440, %mul3A_426] : memref<4x1638400xf32, #tpu.memory_space<hbm>> -> memref<4x128xf32, #tpu.memory_space<hbm>>
          tpu.wait_dma2 semaphore(%dma_wait3A_435 : memref<!tpu.dma_semaphore, #tpu.memory_space<semaphore_mem>>) src(%dma_wait3A_441 : memref<4x128xf32, #tpu.memory_space<hbm>>) dst(%dma_wait3A_439 : memref<4x128xf32, #tpu.memory_space<vmem>>)
          "tpu.trace_stop"() : () -> ()
        } else {
        }
        %mul3A_276 = arith.constant 1 : i32
        %mul3A_277 = arith.muli %add3A_190, %mul3A_276 : i32
        %add3A_278 = arith.constant 0 : i32
        %add3A_279 = arith.addi %mul3A_277, %add3A_278 : i32
        %mul3A_280 = arith.constant 1 : i32
        %mul3A_281 = arith.muli %add3A_199, %mul3A_280 : i32
        %add3A_282 = arith.constant 0 : i32
        %add3A_283 = arith.addi %mul3A_281, %add3A_282 : i32
        %ne3A_284 = arith.cmpi ne, %add3A_279, %add3A_283 : i32
        %or3A_285 = arith.constant false
        %or3A_286 = arith.ori %or3A_285, %ne3A_284 : i1
        %or3A_287 = arith.constant false
        %or3A_288 = arith.ori %or3A_286, %or3A_287 : i1
        %or3A_289 = arith.ori %or3A_288, %eq3A_187 : i1
        %convert_element_type3A_290 = arith.extui %or3A_289 : i1 to i32
        %cond3A_291 = arith.constant 0 : i32
        %cond3A_292 = arith.cmpi ne, %convert_element_type3A_290, %cond3A_291 : i32
        scf.if %cond3A_292 {
          "tpu.trace_start"() <{level = 10 : i32, message = "ep_wait_in"}> : () -> ()
          %mul3A_421 = arith.constant 1 : i32
          %mul3A_422 = arith.muli %add3A_190, %mul3A_421 : i32
          %add3A_423 = arith.constant 0 : i32
          %add3A_424 = arith.addi %mul3A_422, %add3A_423 : i32
          %mul3A_425 = arith.constant 1 : i32
          %mul3A_426 = arith.muli %mul3A_425, %add3A_424 : i32
          %rem3A_427 = arith.constant 2 : i32
          %rem3A_428 = arith.remui %scan3A_184, %rem3A_427 : i32
          %dma_wait3A = arith.constant 0 : i32
          %dma_wait3A_429 = arith.constant 0 : i32
          %dma_wait3A_430 = tpu.memref_slice %run_scoped3A_51[%rem3A_428, %dma_wait3A, %dma_wait3A_429] : memref<2x1x128xi32, #tpu.memory_space<vmem>> -> memref<1x1x128xi32, #tpu.memory_space<vmem>>
          %dma_wait3A_431 = tpu.memref_squeeze %dma_wait3A_430 : memref<1x1x128xi32, #tpu.memory_space<vmem>> -> memref<1x128xi32, #tpu.memory_space<vmem>>
          %dma_wait3A_432 = arith.constant 0 : i32
          %dma_wait3A_433 = tpu.memref_slice %arg3[%mul3A_426, %dma_wait3A_432] : memref<12800x128xi32, #tpu.memory_space<hbm>> -> memref<1x128xi32, #tpu.memory_space<hbm>>
          %dma_wait3A_434 = tpu.memref_slice %run_scoped3A_52[%rem3A_428] : memref<2x!tpu.dma_semaphore, #tpu.memory_space<semaphore_mem>> -> memref<1x!tpu.dma_semaphore, #tpu.memory_space<semaphore_mem>>
          %dma_wait3A_435 = tpu.memref_squeeze %dma_wait3A_434 : memref<1x!tpu.dma_semaphore, #tpu.memory_space<semaphore_mem>> -> memref<!tpu.dma_semaphore, #tpu.memory_space<semaphore_mem>>
          %dma_wait3A_436 = arith.constant 0 : i32
          %dma_wait3A_437 = arith.constant 0 : i32
          %dma_wait3A_438 = tpu.memref_slice %run_scoped3A_51[%rem3A_428, %dma_wait3A_436, %dma_wait3A_437] : memref<2x1x128xi32, #tpu.memory_space<vmem>> -> memref<1x1x128xi32, #tpu.memory_space<vmem>>
          %dma_wait3A_439 = tpu.memref_squeeze %dma_wait3A_438 : memref<1x1x128xi32, #tpu.memory_space<vmem>> -> memref<1x128xi32, #tpu.memory_space<vmem>>
          %dma_wait3A_440 = arith.constant 0 : i32
          %dma_wait3A_441 = tpu.memref_slice %arg3[%mul3A_426, %dma_wait3A_440] : memref<12800x128xi32, #tpu.memory_space<hbm>> -> memref<1x128xi32, #tpu.memory_space<hbm>>
          tpu.wait_dma2 semaphore(%dma_wait3A_435 : memref<!tpu.dma_semaphore, #tpu.memory_space<semaphore_mem>>) src(%dma_wait3A_441 : memref<1x128xi32, #tpu.memory_space<hbm>>) dst(%dma_wait3A_439 : memref<1x128xi32, #tpu.memory_space<vmem>>)
          "tpu.trace_stop"() : () -> ()
        } else {
        }
        %rem3A_293 = arith.constant 2 : i32
        %rem3A_294 = arith.remui %scan3A_182, %rem3A_293 : i32
        %rem3A_295 = arith.constant 2 : i32
        %rem3A_296 = arith.remui %scan3A_184, %rem3A_295 : i32
        %run_scoped3A_297 = arith.constant 0 : i32
        %run_scoped3A_298 = arith.constant 0 : i32
        "tpu.trace_start"() <{level = 10 : i32, message = "ep_run_kernel"}> : () -> ()
        "tpu.region"() ({
          %run_scoped3A_421 = tpu.sem_alloc : memref<!tpu.dma_semaphore, #tpu.memory_space<semaphore_mem>>
          %dma_start3A_422 = arith.constant 0 : i32
          %dma_start3A_423 = arith.constant 0 : i32
          %dma_start3A_424 = tpu.memref_slice %run_scoped3A[%rem3A_294, %dma_start3A_422, %dma_start3A_423] : memref<2x4x128xf32, #tpu.memory_space<vmem>> -> memref<1x4x128xf32, #tpu.memory_space<vmem>>
          %dma_start3A_425 = tpu.memref_squeeze %dma_start3A_424 : memref<1x4x128xf32, #tpu.memory_space<vmem>> -> memref<4x128xf32, #tpu.memory_space<vmem>>
          %dma_start3A_426 = arith.constant 0 : i32
          %dma_start3A_427 = tpu.memref_slice %dma_start3A_425[%run_scoped3A_297, %dma_start3A_426] : memref<4x128xf32, #tpu.memory_space<vmem>> -> memref<1x128xf32, #tpu.memory_space<vmem>>
          %dma_start3A_428 = tpu.memref_squeeze %dma_start3A_427 : memref<1x128xf32, #tpu.memory_space<vmem>> -> memref<128xf32, #tpu.memory_space<vmem>>
          %dma_start3A_429 = arith.constant 0 : i32
          %dma_start3A_430 = arith.constant 0 : i32
          %dma_start3A_431 = tpu.memref_slice %run_scoped3A_51[%rem3A_296, %dma_start3A_429, %dma_start3A_430] : memref<2x1x128xi32, #tpu.memory_space<vmem>> -> memref<1x1x128xi32, #tpu.memory_space<vmem>>
          %dma_start3A_432 = tpu.memref_squeeze %dma_start3A_431 : memref<1x1x128xi32, #tpu.memory_space<vmem>> -> memref<1x128xi32, #tpu.memory_space<vmem>>
          %dma_start3A_433 = arith.constant 0 : i32
          %dma_start3A_434 = tpu.memref_slice %dma_start3A_432[%run_scoped3A_298, %dma_start3A_433] : memref<1x128xi32, #tpu.memory_space<vmem>> -> memref<1x128xi32, #tpu.memory_space<vmem>>
          %dma_start3A_435 = tpu.memref_squeeze %dma_start3A_434 : memref<1x128xi32, #tpu.memory_space<vmem>> -> memref<128xi32, #tpu.memory_space<vmem>>
          %dma_start3A_436 = arith.constant 0 : i32
          %dma_start3A_437 = tpu.memref_slice %arg5[%dma_start3A_436] : memref<102400xf32, #tpu.memory_space<vmem_shared>> -> memref<102400xf32, #tpu.memory_space<vmem_shared>>
          tpu.enqueue_indirect_dma source(%dma_start3A_428 : memref<128xf32, #tpu.memory_space<vmem>>) target(%dma_start3A_437 : memref<102400xf32, #tpu.memory_space<vmem_shared>>) offsets(%dma_start3A_435 : memref<128xi32, #tpu.memory_space<vmem>>) semaphore(%run_scoped3A_421 : memref<!tpu.dma_semaphore, #tpu.memory_space<semaphore_mem>>) {add = true}
          %dma_wait3A = arith.constant 0 : i32
          %dma_wait3A_438 = arith.constant 0 : i32
          %dma_wait3A_439 = tpu.memref_slice %run_scoped3A[%rem3A_294, %dma_wait3A, %dma_wait3A_438] : memref<2x4x128xf32, #tpu.memory_space<vmem>> -> memref<1x4x128xf32, #tpu.memory_space<vmem>>
          %dma_wait3A_440 = tpu.memref_squeeze %dma_wait3A_439 : memref<1x4x128xf32, #tpu.memory_space<vmem>> -> memref<4x128xf32, #tpu.memory_space<vmem>>
          %dma_wait3A_441 = arith.constant 0 : i32
          %dma_wait3A_442 = tpu.memref_slice %dma_wait3A_440[%run_scoped3A_297, %dma_wait3A_441] : memref<4x128xf32, #tpu.memory_space<vmem>> -> memref<1x128xf32, #tpu.memory_space<vmem>>
          %dma_wait3A_443 = tpu.memref_squeeze %dma_wait3A_442 : memref<1x128xf32, #tpu.memory_space<vmem>> -> memref<128xf32, #tpu.memory_space<vmem>>
          %dma_wait3A_444 = arith.constant 0 : i32
          %dma_wait3A_445 = arith.constant 0 : i32
          %dma_wait3A_446 = tpu.memref_slice %run_scoped3A_51[%rem3A_296, %dma_wait3A_444, %dma_wait3A_445] : memref<2x1x128xi32, #tpu.memory_space<vmem>> -> memref<1x1x128xi32, #tpu.memory_space<vmem>>
          %dma_wait3A_447 = tpu.memref_squeeze %dma_wait3A_446 : memref<1x1x128xi32, #tpu.memory_space<vmem>> -> memref<1x128xi32, #tpu.memory_space<vmem>>
          %dma_wait3A_448 = arith.constant 0 : i32
          %dma_wait3A_449 = tpu.memref_slice %dma_wait3A_447[%run_scoped3A_298, %dma_wait3A_448] : memref<1x128xi32, #tpu.memory_space<vmem>> -> memref<1x128xi32, #tpu.memory_space<vmem>>
          %dma_wait3A_450 = tpu.memref_squeeze %dma_wait3A_449 : memref<1x128xi32, #tpu.memory_space<vmem>> -> memref<128xi32, #tpu.memory_space<vmem>>
          %dma_wait3A_451 = arith.constant 0 : i32
          %dma_wait3A_452 = tpu.memref_slice %arg5[%dma_wait3A_451] : memref<102400xf32, #tpu.memory_space<vmem_shared>> -> memref<102400xf32, #tpu.memory_space<vmem_shared>>
          tpu.wait_indirect_dma semaphore(%run_scoped3A_421 : memref<!tpu.dma_semaphore, #tpu.memory_space<semaphore_mem>>) src(%dma_wait3A_443 : memref<128xf32, #tpu.memory_space<vmem>>) dst(%dma_wait3A_452 : memref<102400xf32, #tpu.memory_space<vmem_shared>>)
          tpu.yield
        }) : () -> ()
        %run_scoped3A_299 = arith.constant 1 : i32
        %run_scoped3A_300 = arith.constant 0 : i32
        "tpu.region"() ({
          %run_scoped3A_421 = tpu.sem_alloc : memref<!tpu.dma_semaphore, #tpu.memory_space<semaphore_mem>>
          %dma_start3A_422 = arith.constant 0 : i32
          %dma_start3A_423 = arith.constant 0 : i32
          %dma_start3A_424 = tpu.memref_slice %run_scoped3A[%rem3A_294, %dma_start3A_422, %dma_start3A_423] : memref<2x4x128xf32, #tpu.memory_space<vmem>> -> memref<1x4x128xf32, #tpu.memory_space<vmem>>
          %dma_start3A_425 = tpu.memref_squeeze %dma_start3A_424 : memref<1x4x128xf32, #tpu.memory_space<vmem>> -> memref<4x128xf32, #tpu.memory_space<vmem>>
          %dma_start3A_426 = arith.constant 0 : i32
          %dma_start3A_427 = tpu.memref_slice %dma_start3A_425[%run_scoped3A_299, %dma_start3A_426] : memref<4x128xf32, #tpu.memory_space<vmem>> -> memref<1x128xf32, #tpu.memory_space<vmem>>
          %dma_start3A_428 = tpu.memref_squeeze %dma_start3A_427 : memref<1x128xf32, #tpu.memory_space<vmem>> -> memref<128xf32, #tpu.memory_space<vmem>>
          %dma_start3A_429 = arith.constant 0 : i32
          %dma_start3A_430 = arith.constant 0 : i32
          %dma_start3A_431 = tpu.memref_slice %run_scoped3A_51[%rem3A_296, %dma_start3A_429, %dma_start3A_430] : memref<2x1x128xi32, #tpu.memory_space<vmem>> -> memref<1x1x128xi32, #tpu.memory_space<vmem>>
          %dma_start3A_432 = tpu.memref_squeeze %dma_start3A_431 : memref<1x1x128xi32, #tpu.memory_space<vmem>> -> memref<1x128xi32, #tpu.memory_space<vmem>>
          %dma_start3A_433 = arith.constant 0 : i32
          %dma_start3A_434 = tpu.memref_slice %dma_start3A_432[%run_scoped3A_300, %dma_start3A_433] : memref<1x128xi32, #tpu.memory_space<vmem>> -> memref<1x128xi32, #tpu.memory_space<vmem>>
          %dma_start3A_435 = tpu.memref_squeeze %dma_start3A_434 : memref<1x128xi32, #tpu.memory_space<vmem>> -> memref<128xi32, #tpu.memory_space<vmem>>
          %dma_start3A_436 = arith.constant 0 : i32
          %dma_start3A_437 = tpu.memref_slice %arg6[%dma_start3A_436] : memref<102400xf32, #tpu.memory_space<vmem_shared>> -> memref<102400xf32, #tpu.memory_space<vmem_shared>>
          tpu.enqueue_indirect_dma source(%dma_start3A_428 : memref<128xf32, #tpu.memory_space<vmem>>) target(%dma_start3A_437 : memref<102400xf32, #tpu.memory_space<vmem_shared>>) offsets(%dma_start3A_435 : memref<128xi32, #tpu.memory_space<vmem>>) semaphore(%run_scoped3A_421 : memref<!tpu.dma_semaphore, #tpu.memory_space<semaphore_mem>>) {add = true}
          %dma_wait3A = arith.constant 0 : i32
          %dma_wait3A_438 = arith.constant 0 : i32
          %dma_wait3A_439 = tpu.memref_slice %run_scoped3A[%rem3A_294, %dma_wait3A, %dma_wait3A_438] : memref<2x4x128xf32, #tpu.memory_space<vmem>> -> memref<1x4x128xf32, #tpu.memory_space<vmem>>
          %dma_wait3A_440 = tpu.memref_squeeze %dma_wait3A_439 : memref<1x4x128xf32, #tpu.memory_space<vmem>> -> memref<4x128xf32, #tpu.memory_space<vmem>>
          %dma_wait3A_441 = arith.constant 0 : i32
          %dma_wait3A_442 = tpu.memref_slice %dma_wait3A_440[%run_scoped3A_299, %dma_wait3A_441] : memref<4x128xf32, #tpu.memory_space<vmem>> -> memref<1x128xf32, #tpu.memory_space<vmem>>
          %dma_wait3A_443 = tpu.memref_squeeze %dma_wait3A_442 : memref<1x128xf32, #tpu.memory_space<vmem>> -> memref<128xf32, #tpu.memory_space<vmem>>
          %dma_wait3A_444 = arith.constant 0 : i32
          %dma_wait3A_445 = arith.constant 0 : i32
          %dma_wait3A_446 = tpu.memref_slice %run_scoped3A_51[%rem3A_296, %dma_wait3A_444, %dma_wait3A_445] : memref<2x1x128xi32, #tpu.memory_space<vmem>> -> memref<1x1x128xi32, #tpu.memory_space<vmem>>
          %dma_wait3A_447 = tpu.memref_squeeze %dma_wait3A_446 : memref<1x1x128xi32, #tpu.memory_space<vmem>> -> memref<1x128xi32, #tpu.memory_space<vmem>>
          %dma_wait3A_448 = arith.constant 0 : i32
          %dma_wait3A_449 = tpu.memref_slice %dma_wait3A_447[%run_scoped3A_300, %dma_wait3A_448] : memref<1x128xi32, #tpu.memory_space<vmem>> -> memref<1x128xi32, #tpu.memory_space<vmem>>
          %dma_wait3A_450 = tpu.memref_squeeze %dma_wait3A_449 : memref<1x128xi32, #tpu.memory_space<vmem>> -> memref<128xi32, #tpu.memory_space<vmem>>
          %dma_wait3A_451 = arith.constant 0 : i32
          %dma_wait3A_452 = tpu.memref_slice %arg6[%dma_wait3A_451] : memref<102400xf32, #tpu.memory_space<vmem_shared>> -> memref<102400xf32, #tpu.memory_space<vmem_shared>>
          tpu.wait_indirect_dma semaphore(%run_scoped3A_421 : memref<!tpu.dma_semaphore, #tpu.memory_space<semaphore_mem>>) src(%dma_wait3A_443 : memref<128xf32, #tpu.memory_space<vmem>>) dst(%dma_wait3A_452 : memref<102400xf32, #tpu.memory_space<vmem_shared>>)
          tpu.yield
        }) : () -> ()
        %run_scoped3A_301 = arith.constant 2 : i32
        %run_scoped3A_302 = arith.constant 0 : i32
        "tpu.region"() ({
          %run_scoped3A_421 = tpu.sem_alloc : memref<!tpu.dma_semaphore, #tpu.memory_space<semaphore_mem>>
          %dma_start3A_422 = arith.constant 0 : i32
          %dma_start3A_423 = arith.constant 0 : i32
          %dma_start3A_424 = tpu.memref_slice %run_scoped3A[%rem3A_294, %dma_start3A_422, %dma_start3A_423] : memref<2x4x128xf32, #tpu.memory_space<vmem>> -> memref<1x4x128xf32, #tpu.memory_space<vmem>>
          %dma_start3A_425 = tpu.memref_squeeze %dma_start3A_424 : memref<1x4x128xf32, #tpu.memory_space<vmem>> -> memref<4x128xf32, #tpu.memory_space<vmem>>
          %dma_start3A_426 = arith.constant 0 : i32
          %dma_start3A_427 = tpu.memref_slice %dma_start3A_425[%run_scoped3A_301, %dma_start3A_426] : memref<4x128xf32, #tpu.memory_space<vmem>> -> memref<1x128xf32, #tpu.memory_space<vmem>>
          %dma_start3A_428 = tpu.memref_squeeze %dma_start3A_427 : memref<1x128xf32, #tpu.memory_space<vmem>> -> memref<128xf32, #tpu.memory_space<vmem>>
          %dma_start3A_429 = arith.constant 0 : i32
          %dma_start3A_430 = arith.constant 0 : i32
          %dma_start3A_431 = tpu.memref_slice %run_scoped3A_51[%rem3A_296, %dma_start3A_429, %dma_start3A_430] : memref<2x1x128xi32, #tpu.memory_space<vmem>> -> memref<1x1x128xi32, #tpu.memory_space<vmem>>
          %dma_start3A_432 = tpu.memref_squeeze %dma_start3A_431 : memref<1x1x128xi32, #tpu.memory_space<vmem>> -> memref<1x128xi32, #tpu.memory_space<vmem>>
          %dma_start3A_433 = arith.constant 0 : i32
          %dma_start3A_434 = tpu.memref_slice %dma_start3A_432[%run_scoped3A_302, %dma_start3A_433] : memref<1x128xi32, #tpu.memory_space<vmem>> -> memref<1x128xi32, #tpu.memory_space<vmem>>
          %dma_start3A_435 = tpu.memref_squeeze %dma_start3A_434 : memref<1x128xi32, #tpu.memory_space<vmem>> -> memref<128xi32, #tpu.memory_space<vmem>>
          %dma_start3A_436 = arith.constant 0 : i32
          %dma_start3A_437 = tpu.memref_slice %arg7[%dma_start3A_436] : memref<102400xf32, #tpu.memory_space<vmem_shared>> -> memref<102400xf32, #tpu.memory_space<vmem_shared>>
          tpu.enqueue_indirect_dma source(%dma_start3A_428 : memref<128xf32, #tpu.memory_space<vmem>>) target(%dma_start3A_437 : memref<102400xf32, #tpu.memory_space<vmem_shared>>) offsets(%dma_start3A_435 : memref<128xi32, #tpu.memory_space<vmem>>) semaphore(%run_scoped3A_421 : memref<!tpu.dma_semaphore, #tpu.memory_space<semaphore_mem>>) {add = true}
          %dma_wait3A = arith.constant 0 : i32
          %dma_wait3A_438 = arith.constant 0 : i32
          %dma_wait3A_439 = tpu.memref_slice %run_scoped3A[%rem3A_294, %dma_wait3A, %dma_wait3A_438] : memref<2x4x128xf32, #tpu.memory_space<vmem>> -> memref<1x4x128xf32, #tpu.memory_space<vmem>>
          %dma_wait3A_440 = tpu.memref_squeeze %dma_wait3A_439 : memref<1x4x128xf32, #tpu.memory_space<vmem>> -> memref<4x128xf32, #tpu.memory_space<vmem>>
          %dma_wait3A_441 = arith.constant 0 : i32
          %dma_wait3A_442 = tpu.memref_slice %dma_wait3A_440[%run_scoped3A_301, %dma_wait3A_441] : memref<4x128xf32, #tpu.memory_space<vmem>> -> memref<1x128xf32, #tpu.memory_space<vmem>>
          %dma_wait3A_443 = tpu.memref_squeeze %dma_wait3A_442 : memref<1x128xf32, #tpu.memory_space<vmem>> -> memref<128xf32, #tpu.memory_space<vmem>>
          %dma_wait3A_444 = arith.constant 0 : i32
          %dma_wait3A_445 = arith.constant 0 : i32
          %dma_wait3A_446 = tpu.memref_slice %run_scoped3A_51[%rem3A_296, %dma_wait3A_444, %dma_wait3A_445] : memref<2x1x128xi32, #tpu.memory_space<vmem>> -> memref<1x1x128xi32, #tpu.memory_space<vmem>>
          %dma_wait3A_447 = tpu.memref_squeeze %dma_wait3A_446 : memref<1x1x128xi32, #tpu.memory_space<vmem>> -> memref<1x128xi32, #tpu.memory_space<vmem>>
          %dma_wait3A_448 = arith.constant 0 : i32
          %dma_wait3A_449 = tpu.memref_slice %dma_wait3A_447[%run_scoped3A_302, %dma_wait3A_448] : memref<1x128xi32, #tpu.memory_space<vmem>> -> memref<1x128xi32, #tpu.memory_space<vmem>>
          %dma_wait3A_450 = tpu.memref_squeeze %dma_wait3A_449 : memref<1x128xi32, #tpu.memory_space<vmem>> -> memref<128xi32, #tpu.memory_space<vmem>>
          %dma_wait3A_451 = arith.constant 0 : i32
          %dma_wait3A_452 = tpu.memref_slice %arg7[%dma_wait3A_451] : memref<102400xf32, #tpu.memory_space<vmem_shared>> -> memref<102400xf32, #tpu.memory_space<vmem_shared>>
          tpu.wait_indirect_dma semaphore(%run_scoped3A_421 : memref<!tpu.dma_semaphore, #tpu.memory_space<semaphore_mem>>) src(%dma_wait3A_443 : memref<128xf32, #tpu.memory_space<vmem>>) dst(%dma_wait3A_452 : memref<102400xf32, #tpu.memory_space<vmem_shared>>)
          tpu.yield
        }) : () -> ()
        %run_scoped3A_303 = arith.constant 3 : i32
        %run_scoped3A_304 = arith.constant 0 : i32
        "tpu.region"() ({
          %run_scoped3A_421 = tpu.sem_alloc : memref<!tpu.dma_semaphore, #tpu.memory_space<semaphore_mem>>
          %dma_start3A_422 = arith.constant 0 : i32
          %dma_start3A_423 = arith.constant 0 : i32
          %dma_start3A_424 = tpu.memref_slice %run_scoped3A[%rem3A_294, %dma_start3A_422, %dma_start3A_423] : memref<2x4x128xf32, #tpu.memory_space<vmem>> -> memref<1x4x128xf32, #tpu.memory_space<vmem>>
          %dma_start3A_425 = tpu.memref_squeeze %dma_start3A_424 : memref<1x4x128xf32, #tpu.memory_space<vmem>> -> memref<4x128xf32, #tpu.memory_space<vmem>>
          %dma_start3A_426 = arith.constant 0 : i32
          %dma_start3A_427 = tpu.memref_slice %dma_start3A_425[%run_scoped3A_303, %dma_start3A_426] : memref<4x128xf32, #tpu.memory_space<vmem>> -> memref<1x128xf32, #tpu.memory_space<vmem>>
          %dma_start3A_428 = tpu.memref_squeeze %dma_start3A_427 : memref<1x128xf32, #tpu.memory_space<vmem>> -> memref<128xf32, #tpu.memory_space<vmem>>
          %dma_start3A_429 = arith.constant 0 : i32
          %dma_start3A_430 = arith.constant 0 : i32
          %dma_start3A_431 = tpu.memref_slice %run_scoped3A_51[%rem3A_296, %dma_start3A_429, %dma_start3A_430] : memref<2x1x128xi32, #tpu.memory_space<vmem>> -> memref<1x1x128xi32, #tpu.memory_space<vmem>>
          %dma_start3A_432 = tpu.memref_squeeze %dma_start3A_431 : memref<1x1x128xi32, #tpu.memory_space<vmem>> -> memref<1x128xi32, #tpu.memory_space<vmem>>
          %dma_start3A_433 = arith.constant 0 : i32
          %dma_start3A_434 = tpu.memref_slice %dma_start3A_432[%run_scoped3A_304, %dma_start3A_433] : memref<1x128xi32, #tpu.memory_space<vmem>> -> memref<1x128xi32, #tpu.memory_space<vmem>>
          %dma_start3A_435 = tpu.memref_squeeze %dma_start3A_434 : memref<1x128xi32, #tpu.memory_space<vmem>> -> memref<128xi32, #tpu.memory_space<vmem>>
          %dma_start3A_436 = arith.constant 0 : i32
          %dma_start3A_437 = tpu.memref_slice %arg8[%dma_start3A_436] : memref<102400xf32, #tpu.memory_space<vmem_shared>> -> memref<102400xf32, #tpu.memory_space<vmem_shared>>
          tpu.enqueue_indirect_dma source(%dma_start3A_428 : memref<128xf32, #tpu.memory_space<vmem>>) target(%dma_start3A_437 : memref<102400xf32, #tpu.memory_space<vmem_shared>>) offsets(%dma_start3A_435 : memref<128xi32, #tpu.memory_space<vmem>>) semaphore(%run_scoped3A_421 : memref<!tpu.dma_semaphore, #tpu.memory_space<semaphore_mem>>) {add = true}
          %dma_wait3A = arith.constant 0 : i32
          %dma_wait3A_438 = arith.constant 0 : i32
          %dma_wait3A_439 = tpu.memref_slice %run_scoped3A[%rem3A_294, %dma_wait3A, %dma_wait3A_438] : memref<2x4x128xf32, #tpu.memory_space<vmem>> -> memref<1x4x128xf32, #tpu.memory_space<vmem>>
          %dma_wait3A_440 = tpu.memref_squeeze %dma_wait3A_439 : memref<1x4x128xf32, #tpu.memory_space<vmem>> -> memref<4x128xf32, #tpu.memory_space<vmem>>
          %dma_wait3A_441 = arith.constant 0 : i32
          %dma_wait3A_442 = tpu.memref_slice %dma_wait3A_440[%run_scoped3A_303, %dma_wait3A_441] : memref<4x128xf32, #tpu.memory_space<vmem>> -> memref<1x128xf32, #tpu.memory_space<vmem>>
          %dma_wait3A_443 = tpu.memref_squeeze %dma_wait3A_442 : memref<1x128xf32, #tpu.memory_space<vmem>> -> memref<128xf32, #tpu.memory_space<vmem>>
          %dma_wait3A_444 = arith.constant 0 : i32
          %dma_wait3A_445 = arith.constant 0 : i32
          %dma_wait3A_446 = tpu.memref_slice %run_scoped3A_51[%rem3A_296, %dma_wait3A_444, %dma_wait3A_445] : memref<2x1x128xi32, #tpu.memory_space<vmem>> -> memref<1x1x128xi32, #tpu.memory_space<vmem>>
          %dma_wait3A_447 = tpu.memref_squeeze %dma_wait3A_446 : memref<1x1x128xi32, #tpu.memory_space<vmem>> -> memref<1x128xi32, #tpu.memory_space<vmem>>
          %dma_wait3A_448 = arith.constant 0 : i32
          %dma_wait3A_449 = tpu.memref_slice %dma_wait3A_447[%run_scoped3A_304, %dma_wait3A_448] : memref<1x128xi32, #tpu.memory_space<vmem>> -> memref<1x128xi32, #tpu.memory_space<vmem>>
          %dma_wait3A_450 = tpu.memref_squeeze %dma_wait3A_449 : memref<1x128xi32, #tpu.memory_space<vmem>> -> memref<128xi32, #tpu.memory_space<vmem>>
          %dma_wait3A_451 = arith.constant 0 : i32
          %dma_wait3A_452 = tpu.memref_slice %arg8[%dma_wait3A_451] : memref<102400xf32, #tpu.memory_space<vmem_shared>> -> memref<102400xf32, #tpu.memory_space<vmem_shared>>
          tpu.wait_indirect_dma semaphore(%run_scoped3A_421 : memref<!tpu.dma_semaphore, #tpu.memory_space<semaphore_mem>>) src(%dma_wait3A_443 : memref<128xf32, #tpu.memory_space<vmem>>) dst(%dma_wait3A_452 : memref<102400xf32, #tpu.memory_space<vmem_shared>>)
          tpu.yield
        }) : () -> ()
        "tpu.trace_stop"() : () -> ()
        %mul3A_305 = arith.constant 1 : i32
        %mul3A_306 = arith.muli %add3A_190, %mul3A_305 : i32
        %add3A_307 = arith.constant 0 : i32
        %add3A_308 = arith.addi %mul3A_306, %add3A_307 : i32
        %mul3A_309 = arith.constant 1 : i32
        %mul3A_310 = arith.muli %add3A_208, %mul3A_309 : i32
        %add3A_311 = arith.constant 0 : i32
        %add3A_312 = arith.addi %mul3A_310, %add3A_311 : i32
        %ne3A_313 = arith.cmpi ne, %add3A_308, %add3A_312 : i32
        %or3A_314 = arith.constant false
        %or3A_315 = arith.ori %or3A_314, %ne3A_313 : i1
        %or3A_316 = arith.ori %or3A_315, %eq3A_189 : i1
        %convert_element_type3A_317 = arith.extui %or3A_316 : i1 to i32
        %cond3A_318 = arith.constant 0 : i32
        %cond3A_319 = arith.cmpi ne, %convert_element_type3A_317, %cond3A_318 : i32
        scf.if %cond3A_319 {
        } else {
        }
        %and3A_320 = arith.constant false
        %and3A_321 = arith.andi %or3A_316, %and3A_320 : i1
        %mul3A_322 = arith.constant 1 : i32
        %mul3A_323 = arith.muli %add3A_190, %mul3A_322 : i32
        %add3A_324 = arith.constant 0 : i32
        %add3A_325 = arith.addi %mul3A_323, %add3A_324 : i32
        %mul3A_326 = arith.constant 1 : i32
        %mul3A_327 = arith.muli %add3A_208, %mul3A_326 : i32
        %add3A_328 = arith.constant 0 : i32
        %add3A_329 = arith.addi %mul3A_327, %add3A_328 : i32
        %ne3A_330 = arith.cmpi ne, %add3A_325, %add3A_329 : i32
        %or3A_331 = arith.constant false
        %or3A_332 = arith.ori %or3A_331, %ne3A_330 : i1
        %or3A_333 = arith.constant false
        %or3A_334 = arith.ori %or3A_332, %or3A_333 : i1
        %or3A_335 = arith.ori %or3A_334, %eq3A_189 : i1
        %convert_element_type3A_336 = arith.extui %or3A_335 : i1 to i32
        %cond3A_337 = arith.constant 0 : i32
        %cond3A_338 = arith.cmpi ne, %convert_element_type3A_336, %cond3A_337 : i32
        scf.if %cond3A_338 {
        } else {
        }
        %and3A_339 = arith.constant false
        %and3A_340 = arith.andi %or3A_335, %and3A_339 : i1
        %mul3A_341 = arith.constant 1 : i32
        %mul3A_342 = arith.muli %add3A_190, %mul3A_341 : i32
        %add3A_343 = arith.constant 0 : i32
        %add3A_344 = arith.addi %mul3A_342, %add3A_343 : i32
        %mul3A_345 = arith.constant 1 : i32
        %mul3A_346 = arith.muli %add3A_199, %mul3A_345 : i32
        %add3A_347 = arith.constant 0 : i32
        %add3A_348 = arith.addi %mul3A_346, %add3A_347 : i32
        %ne3A_349 = arith.cmpi ne, %add3A_344, %add3A_348 : i32
        %or3A_350 = arith.constant false
        %or3A_351 = arith.ori %or3A_350, %ne3A_349 : i1
        %not3A_352 = arith.constant true
        %not3A_353 = arith.xori %eq3A_187, %not3A_352 : i1
        %and3A_354 = arith.andi %or3A_351, %not3A_353 : i1
        %convert_element_type3A_355 = arith.extui %and3A_354 : i1 to i32
        %cond3A_356 = arith.constant 0 : i32
        %cond3A_357 = arith.cmpi ne, %convert_element_type3A_355, %cond3A_356 : i32
        scf.if %cond3A_357 {
        } else {
        }
        %and3A_358 = arith.constant false
        %and3A_359 = arith.andi %and3A_354, %and3A_358 : i1
        %mul3A_360 = arith.constant 1 : i32
        %mul3A_361 = arith.muli %add3A_190, %mul3A_360 : i32
        %add3A_362 = arith.constant 0 : i32
        %add3A_363 = arith.addi %mul3A_361, %add3A_362 : i32
        %mul3A_364 = arith.constant 1 : i32
        %mul3A_365 = arith.muli %add3A_199, %mul3A_364 : i32
        %add3A_366 = arith.constant 0 : i32
        %add3A_367 = arith.addi %mul3A_365, %add3A_366 : i32
        %ne3A_368 = arith.cmpi ne, %add3A_363, %add3A_367 : i32
        %or3A_369 = arith.constant false
        %or3A_370 = arith.ori %or3A_369, %ne3A_368 : i1
        %or3A_371 = arith.constant false
        %or3A_372 = arith.ori %or3A_370, %or3A_371 : i1
        %not3A_373 = arith.constant true
        %not3A_374 = arith.xori %eq3A_187, %not3A_373 : i1
        %and3A_375 = arith.andi %or3A_372, %not3A_374 : i1
        %convert_element_type3A_376 = arith.extui %and3A_375 : i1 to i32
        %cond3A_377 = arith.constant 0 : i32
        %cond3A_378 = arith.cmpi ne, %convert_element_type3A_376, %cond3A_377 : i32
        scf.if %cond3A_378 {
        } else {
        }
        %and3A_379 = arith.constant false
        %and3A_380 = arith.andi %and3A_375, %and3A_379 : i1
        %mul3A_381 = arith.constant 1 : i32
        %mul3A_382 = arith.muli %add3A_190, %mul3A_381 : i32
        %add3A_383 = arith.constant 0 : i32
        %add3A_384 = arith.addi %mul3A_382, %add3A_383 : i32
        %mul3A_385 = arith.constant 1 : i32
        %mul3A_386 = arith.muli %add3A_208, %mul3A_385 : i32
        %add3A_387 = arith.constant 0 : i32
        %add3A_388 = arith.addi %mul3A_386, %add3A_387 : i32
        %ne3A_389 = arith.cmpi ne, %add3A_384, %add3A_388 : i32
        %or3A_390 = arith.constant false
        %or3A_391 = arith.ori %or3A_390, %ne3A_389 : i1
        %or3A_392 = arith.ori %or3A_391, %eq3A_189 : i1
        %add3A_393 = arith.constant 1 : i32
        %add3A_394 = arith.addi %scan3A_182, %add3A_393 : i32
        %select_n3A_395 = arith.select %or3A_392, %add3A_394, %scan3A_182 : i32
        %mul3A_396 = arith.constant 1 : i32
        %mul3A_397 = arith.muli %add3A_190, %mul3A_396 : i32
        %add3A_398 = arith.constant 0 : i32
        %add3A_399 = arith.addi %mul3A_397, %add3A_398 : i32
        %mul3A_400 = arith.constant 1 : i32
        %mul3A_401 = arith.muli %add3A_208, %mul3A_400 : i32
        %add3A_402 = arith.constant 0 : i32
        %add3A_403 = arith.addi %mul3A_401, %add3A_402 : i32
        %ne3A_404 = arith.cmpi ne, %add3A_399, %add3A_403 : i32
        %or3A_405 = arith.constant false
        %or3A_406 = arith.ori %or3A_405, %ne3A_404 : i1
        %or3A_407 = arith.constant false
        %or3A_408 = arith.ori %or3A_406, %or3A_407 : i1
        %or3A_409 = arith.ori %or3A_408, %eq3A_189 : i1
        %add3A_410 = arith.constant 1 : i32
        %add3A_411 = arith.addi %scan3A_184, %add3A_410 : i32
        %select_n3A_412 = arith.select %or3A_409, %add3A_411, %scan3A_184 : i32
        %add3A_413 = arith.constant 1 : i32
        %add3A_414 = arith.addi %scan3A_185, %add3A_413 : i32
        %select_n3A_415 = arith.constant true
        %select_n3A_416 = arith.select %select_n3A_415, %add3A_414, %scan3A_185 : i32
        %eq3A_417 = arith.constant 400 : i32
        %eq3A_418 = arith.cmpi eq, %select_n3A_416, %eq3A_417 : i32
        %select_n3A_419 = arith.constant 0 : i32
        %select_n3A_420 = arith.select %eq3A_418, %select_n3A_419, %select_n3A_416 : i32
        scf.yield %select_n3A_234, %select_n3A_395, %select_n3A_260, %select_n3A_412, %select_n3A_420 : i32, i32, i32, i32, i32
      }
      %scan3A_144 = arith.constant 400 : i32
      %sub3A = arith.constant 1 : i32
      %sub3A_145 = arith.subi %scan3A_143#4, %sub3A : i32
      %select_n3A_146 = arith.constant true
      %select_n3A_147 = arith.select %select_n3A_146, %sub3A_145, %scan3A_143#4 : i32
      %eq3A_148 = arith.constant -1 : i32
      %eq3A_149 = arith.cmpi eq, %select_n3A_147, %eq3A_148 : i32
      %select_n3A_150 = arith.constant 399 : i32
      %select_n3A_151 = arith.select %eq3A_149, %select_n3A_150, %select_n3A_147 : i32
      %add3A_152 = arith.addi %select_n3A_151, %mul3A_12 : i32
      %sub3A_153 = arith.constant 1 : i32
      %sub3A_154 = arith.subi %select_n3A_151, %sub3A_153 : i32
      %select_n3A_155 = arith.constant true
      %select_n3A_156 = arith.select %select_n3A_155, %sub3A_154, %select_n3A_151 : i32
      %eq3A_157 = arith.constant -1 : i32
      %eq3A_158 = arith.cmpi eq, %select_n3A_156, %eq3A_157 : i32
      %select_n3A_159 = arith.constant 399 : i32
      %select_n3A_160 = arith.select %eq3A_158, %select_n3A_159, %select_n3A_156 : i32
      %add3A_161 = arith.addi %select_n3A_160, %mul3A_12 : i32
      %add3A_162 = arith.constant 1 : i32
      %add3A_163 = arith.addi %select_n3A_151, %add3A_162 : i32
      %select_n3A_164 = arith.constant true
      %select_n3A_165 = arith.select %select_n3A_164, %add3A_163, %select_n3A_151 : i32
      %eq3A_166 = arith.constant 400 : i32
      %eq3A_167 = arith.cmpi eq, %select_n3A_165, %eq3A_166 : i32
      %select_n3A_168 = arith.constant 0 : i32
      %select_n3A_169 = arith.select %eq3A_167, %select_n3A_168, %select_n3A_165 : i32
      %add3A_170 = arith.addi %select_n3A_169, %mul3A_12 : i32
      %add3A_171 = arith.constant 1 : i32
      %add3A_172 = arith.addi %select_n3A_169, %add3A_171 : i32
      %select_n3A_173 = arith.constant true
      %select_n3A_174 = arith.select %select_n3A_173, %add3A_172, %select_n3A_169 : i32
      %eq3A_175 = arith.constant 400 : i32
      %eq3A_176 = arith.cmpi eq, %select_n3A_174, %eq3A_175 : i32
      %select_n3A_177 = arith.constant 0 : i32
      %select_n3A_178 = arith.select %eq3A_176, %select_n3A_177, %select_n3A_174 : i32
      %add3A_179 = arith.addi %select_n3A_178, %mul3A_12 : i32
      tpu.yield
    }) : () -> ()
    %barrier3A_13 = arith.constant 0 : index
    tpu.barrier barrier_id(%barrier3A_13)
    "tpu.region"() ({
      %run_scoped3A = tpu.sem_alloc : memref<!tpu.dma_semaphore, #tpu.memory_space<semaphore_mem>>
      %dma_start3A = tpu.memref_slice %arg5[%mul3A_0] : memref<102400xf32, #tpu.memory_space<vmem_shared>> -> memref<6400xf32, #tpu.memory_space<vmem_shared>>
      %dma_start3A_50 = tpu.memref_slice %arg5[%mul3A_0] : memref<102400xf32, #tpu.memory_space<vmem_shared>> -> memref<6400xf32, #tpu.memory_space<vmem_shared>>
      tpu.enqueue_dma source(%dma_start3A_50 : memref<6400xf32, #tpu.memory_space<vmem_shared>>) target(%arg9 : memref<6400xf32, #tpu.memory_space<vmem>>) target_semaphore(%run_scoped3A : memref<!tpu.dma_semaphore, #tpu.memory_space<semaphore_mem>>)
      %dma_wait3A = tpu.memref_slice %arg5[%mul3A_0] : memref<102400xf32, #tpu.memory_space<vmem_shared>> -> memref<6400xf32, #tpu.memory_space<vmem_shared>>
      %dma_wait3A_51 = tpu.memref_slice %arg5[%mul3A_0] : memref<102400xf32, #tpu.memory_space<vmem_shared>> -> memref<6400xf32, #tpu.memory_space<vmem_shared>>
      tpu.wait_dma2 semaphore(%run_scoped3A : memref<!tpu.dma_semaphore, #tpu.memory_space<semaphore_mem>>) src(%dma_wait3A_51 : memref<6400xf32, #tpu.memory_space<vmem_shared>>) dst(%arg9 : memref<6400xf32, #tpu.memory_space<vmem>>)
      tpu.yield
    }) : () -> ()
    %mul3A_14 = arith.constant 4 : i32
    %mul3A_15 = arith.muli %arg0, %mul3A_14 : i32
    %add3A_16 = arith.constant 0 : i32
    %add3A_17 = arith.addi %mul3A_15, %add3A_16 : i32
    %mul3A_18 = arith.constant 102400 : i32
    %mul3A_19 = arith.muli %add3A_17, %mul3A_18 : i32
    %mul3A_20 = arith.constant 6400 : i32
    %mul3A_21 = arith.muli %arg1, %mul3A_20 : i32
    %add3A_22 = arith.addi %mul3A_19, %mul3A_21 : i32
    "tpu.region"() ({
      %run_scoped3A = tpu.sem_alloc : memref<!tpu.dma_semaphore, #tpu.memory_space<semaphore_mem>>
      %dma_start3A = tpu.memref_slice %arg4[%add3A_22] : memref<819200xf32, #tpu.memory_space<hbm>> -> memref<6400xf32, #tpu.memory_space<hbm>>
      %dma_start3A_50 = tpu.memref_slice %arg4[%add3A_22] : memref<819200xf32, #tpu.memory_space<hbm>> -> memref<6400xf32, #tpu.memory_space<hbm>>
      tpu.enqueue_dma source(%arg9 : memref<6400xf32, #tpu.memory_space<vmem>>) target(%dma_start3A_50 : memref<6400xf32, #tpu.memory_space<hbm>>) target_semaphore(%run_scoped3A : memref<!tpu.dma_semaphore, #tpu.memory_space<semaphore_mem>>)
      %dma_wait3A = tpu.memref_slice %arg4[%add3A_22] : memref<819200xf32, #tpu.memory_space<hbm>> -> memref<6400xf32, #tpu.memory_space<hbm>>
      %dma_wait3A_51 = tpu.memref_slice %arg4[%add3A_22] : memref<819200xf32, #tpu.memory_space<hbm>> -> memref<6400xf32, #tpu.memory_space<hbm>>
      tpu.wait_dma2 semaphore(%run_scoped3A : memref<!tpu.dma_semaphore, #tpu.memory_space<semaphore_mem>>) src(%arg9 : memref<6400xf32, #tpu.memory_space<vmem>>) dst(%dma_wait3A_51 : memref<6400xf32, #tpu.memory_space<hbm>>)
      tpu.yield
    }) : () -> ()
    "tpu.region"() ({
      %run_scoped3A = tpu.sem_alloc : memref<!tpu.dma_semaphore, #tpu.memory_space<semaphore_mem>>
      %dma_start3A = tpu.memref_slice %arg6[%mul3A_0] : memref<102400xf32, #tpu.memory_space<vmem_shared>> -> memref<6400xf32, #tpu.memory_space<vmem_shared>>
      %dma_start3A_50 = tpu.memref_slice %arg6[%mul3A_0] : memref<102400xf32, #tpu.memory_space<vmem_shared>> -> memref<6400xf32, #tpu.memory_space<vmem_shared>>
      tpu.enqueue_dma source(%dma_start3A_50 : memref<6400xf32, #tpu.memory_space<vmem_shared>>) target(%arg9 : memref<6400xf32, #tpu.memory_space<vmem>>) target_semaphore(%run_scoped3A : memref<!tpu.dma_semaphore, #tpu.memory_space<semaphore_mem>>)
      %dma_wait3A = tpu.memref_slice %arg6[%mul3A_0] : memref<102400xf32, #tpu.memory_space<vmem_shared>> -> memref<6400xf32, #tpu.memory_space<vmem_shared>>
      %dma_wait3A_51 = tpu.memref_slice %arg6[%mul3A_0] : memref<102400xf32, #tpu.memory_space<vmem_shared>> -> memref<6400xf32, #tpu.memory_space<vmem_shared>>
      tpu.wait_dma2 semaphore(%run_scoped3A : memref<!tpu.dma_semaphore, #tpu.memory_space<semaphore_mem>>) src(%dma_wait3A_51 : memref<6400xf32, #tpu.memory_space<vmem_shared>>) dst(%arg9 : memref<6400xf32, #tpu.memory_space<vmem>>)
      tpu.yield
    }) : () -> ()
    %mul3A_23 = arith.constant 4 : i32
    %mul3A_24 = arith.muli %arg0, %mul3A_23 : i32
    %add3A_25 = arith.constant 1 : i32
    %add3A_26 = arith.addi %mul3A_24, %add3A_25 : i32
    %mul3A_27 = arith.constant 102400 : i32
    %mul3A_28 = arith.muli %add3A_26, %mul3A_27 : i32
    %mul3A_29 = arith.constant 6400 : i32
    %mul3A_30 = arith.muli %arg1, %mul3A_29 : i32
    %add3A_31 = arith.addi %mul3A_28, %mul3A_30 : i32
    "tpu.region"() ({
      %run_scoped3A = tpu.sem_alloc : memref<!tpu.dma_semaphore, #tpu.memory_space<semaphore_mem>>
      %dma_start3A = tpu.memref_slice %arg4[%add3A_31] : memref<819200xf32, #tpu.memory_space<hbm>> -> memref<6400xf32, #tpu.memory_space<hbm>>
      %dma_start3A_50 = tpu.memref_slice %arg4[%add3A_31] : memref<819200xf32, #tpu.memory_space<hbm>> -> memref<6400xf32, #tpu.memory_space<hbm>>
      tpu.enqueue_dma source(%arg9 : memref<6400xf32, #tpu.memory_space<vmem>>) target(%dma_start3A_50 : memref<6400xf32, #tpu.memory_space<hbm>>) target_semaphore(%run_scoped3A : memref<!tpu.dma_semaphore, #tpu.memory_space<semaphore_mem>>)
      %dma_wait3A = tpu.memref_slice %arg4[%add3A_31] : memref<819200xf32, #tpu.memory_space<hbm>> -> memref<6400xf32, #tpu.memory_space<hbm>>
      %dma_wait3A_51 = tpu.memref_slice %arg4[%add3A_31] : memref<819200xf32, #tpu.memory_space<hbm>> -> memref<6400xf32, #tpu.memory_space<hbm>>
      tpu.wait_dma2 semaphore(%run_scoped3A : memref<!tpu.dma_semaphore, #tpu.memory_space<semaphore_mem>>) src(%arg9 : memref<6400xf32, #tpu.memory_space<vmem>>) dst(%dma_wait3A_51 : memref<6400xf32, #tpu.memory_space<hbm>>)
      tpu.yield
    }) : () -> ()
    "tpu.region"() ({
      %run_scoped3A = tpu.sem_alloc : memref<!tpu.dma_semaphore, #tpu.memory_space<semaphore_mem>>
      %dma_start3A = tpu.memref_slice %arg7[%mul3A_0] : memref<102400xf32, #tpu.memory_space<vmem_shared>> -> memref<6400xf32, #tpu.memory_space<vmem_shared>>
      %dma_start3A_50 = tpu.memref_slice %arg7[%mul3A_0] : memref<102400xf32, #tpu.memory_space<vmem_shared>> -> memref<6400xf32, #tpu.memory_space<vmem_shared>>
      tpu.enqueue_dma source(%dma_start3A_50 : memref<6400xf32, #tpu.memory_space<vmem_shared>>) target(%arg9 : memref<6400xf32, #tpu.memory_space<vmem>>) target_semaphore(%run_scoped3A : memref<!tpu.dma_semaphore, #tpu.memory_space<semaphore_mem>>)
      %dma_wait3A = tpu.memref_slice %arg7[%mul3A_0] : memref<102400xf32, #tpu.memory_space<vmem_shared>> -> memref<6400xf32, #tpu.memory_space<vmem_shared>>
      %dma_wait3A_51 = tpu.memref_slice %arg7[%mul3A_0] : memref<102400xf32, #tpu.memory_space<vmem_shared>> -> memref<6400xf32, #tpu.memory_space<vmem_shared>>
      tpu.wait_dma2 semaphore(%run_scoped3A : memref<!tpu.dma_semaphore, #tpu.memory_space<semaphore_mem>>) src(%dma_wait3A_51 : memref<6400xf32, #tpu.memory_space<vmem_shared>>) dst(%arg9 : memref<6400xf32, #tpu.memory_space<vmem>>)
      tpu.yield
    }) : () -> ()
    %mul3A_32 = arith.constant 4 : i32
    %mul3A_33 = arith.muli %arg0, %mul3A_32 : i32
    %add3A_34 = arith.constant 2 : i32
    %add3A_35 = arith.addi %mul3A_33, %add3A_34 : i32
    %mul3A_36 = arith.constant 102400 : i32
    %mul3A_37 = arith.muli %add3A_35, %mul3A_36 : i32
    %mul3A_38 = arith.constant 6400 : i32
    %mul3A_39 = arith.muli %arg1, %mul3A_38 : i32
    %add3A_40 = arith.addi %mul3A_37, %mul3A_39 : i32
    "tpu.region"() ({
      %run_scoped3A = tpu.sem_alloc : memref<!tpu.dma_semaphore, #tpu.memory_space<semaphore_mem>>
      %dma_start3A = tpu.memref_slice %arg4[%add3A_40] : memref<819200xf32, #tpu.memory_space<hbm>> -> memref<6400xf32, #tpu.memory_space<hbm>>
      %dma_start3A_50 = tpu.memref_slice %arg4[%add3A_40] : memref<819200xf32, #tpu.memory_space<hbm>> -> memref<6400xf32, #tpu.memory_space<hbm>>
      tpu.enqueue_dma source(%arg9 : memref<6400xf32, #tpu.memory_space<vmem>>) target(%dma_start3A_50 : memref<6400xf32, #tpu.memory_space<hbm>>) target_semaphore(%run_scoped3A : memref<!tpu.dma_semaphore, #tpu.memory_space<semaphore_mem>>)
      %dma_wait3A = tpu.memref_slice %arg4[%add3A_40] : memref<819200xf32, #tpu.memory_space<hbm>> -> memref<6400xf32, #tpu.memory_space<hbm>>
      %dma_wait3A_51 = tpu.memref_slice %arg4[%add3A_40] : memref<819200xf32, #tpu.memory_space<hbm>> -> memref<6400xf32, #tpu.memory_space<hbm>>
      tpu.wait_dma2 semaphore(%run_scoped3A : memref<!tpu.dma_semaphore, #tpu.memory_space<semaphore_mem>>) src(%arg9 : memref<6400xf32, #tpu.memory_space<vmem>>) dst(%dma_wait3A_51 : memref<6400xf32, #tpu.memory_space<hbm>>)
      tpu.yield
    }) : () -> ()
    "tpu.region"() ({
      %run_scoped3A = tpu.sem_alloc : memref<!tpu.dma_semaphore, #tpu.memory_space<semaphore_mem>>
      %dma_start3A = tpu.memref_slice %arg8[%mul3A_0] : memref<102400xf32, #tpu.memory_space<vmem_shared>> -> memref<6400xf32, #tpu.memory_space<vmem_shared>>
      %dma_start3A_50 = tpu.memref_slice %arg8[%mul3A_0] : memref<102400xf32, #tpu.memory_space<vmem_shared>> -> memref<6400xf32, #tpu.memory_space<vmem_shared>>
      tpu.enqueue_dma source(%dma_start3A_50 : memref<6400xf32, #tpu.memory_space<vmem_shared>>) target(%arg9 : memref<6400xf32, #tpu.memory_space<vmem>>) target_semaphore(%run_scoped3A : memref<!tpu.dma_semaphore, #tpu.memory_space<semaphore_mem>>)
      %dma_wait3A = tpu.memref_slice %arg8[%mul3A_0] : memref<102400xf32, #tpu.memory_space<vmem_shared>> -> memref<6400xf32, #tpu.memory_space<vmem_shared>>
      %dma_wait3A_51 = tpu.memref_slice %arg8[%mul3A_0] : memref<102400xf32, #tpu.memory_space<vmem_shared>> -> memref<6400xf32, #tpu.memory_space<vmem_shared>>
      tpu.wait_dma2 semaphore(%run_scoped3A : memref<!tpu.dma_semaphore, #tpu.memory_space<semaphore_mem>>) src(%dma_wait3A_51 : memref<6400xf32, #tpu.memory_space<vmem_shared>>) dst(%arg9 : memref<6400xf32, #tpu.memory_space<vmem>>)
      tpu.yield
    }) : () -> ()
    %mul3A_41 = arith.constant 4 : i32
    %mul3A_42 = arith.muli %arg0, %mul3A_41 : i32
    %add3A_43 = arith.constant 3 : i32
    %add3A_44 = arith.addi %mul3A_42, %add3A_43 : i32
    %mul3A_45 = arith.constant 102400 : i32
    %mul3A_46 = arith.muli %add3A_44, %mul3A_45 : i32
    %mul3A_47 = arith.constant 6400 : i32
    %mul3A_48 = arith.muli %arg1, %mul3A_47 : i32
    %add3A_49 = arith.addi %mul3A_46, %mul3A_48 : i32
    "tpu.region"() ({
      %run_scoped3A = tpu.sem_alloc : memref<!tpu.dma_semaphore, #tpu.memory_space<semaphore_mem>>
      %dma_start3A = tpu.memref_slice %arg4[%add3A_49] : memref<819200xf32, #tpu.memory_space<hbm>> -> memref<6400xf32, #tpu.memory_space<hbm>>
      %dma_start3A_50 = tpu.memref_slice %arg4[%add3A_49] : memref<819200xf32, #tpu.memory_space<hbm>> -> memref<6400xf32, #tpu.memory_space<hbm>>
      tpu.enqueue_dma source(%arg9 : memref<6400xf32, #tpu.memory_space<vmem>>) target(%dma_start3A_50 : memref<6400xf32, #tpu.memory_space<hbm>>) target_semaphore(%run_scoped3A : memref<!tpu.dma_semaphore, #tpu.memory_space<semaphore_mem>>)
      %dma_wait3A = tpu.memref_slice %arg4[%add3A_49] : memref<819200xf32, #tpu.memory_space<hbm>> -> memref<6400xf32, #tpu.memory_space<hbm>>
      %dma_wait3A_51 = tpu.memref_slice %arg4[%add3A_49] : memref<819200xf32, #tpu.memory_space<hbm>> -> memref<6400xf32, #tpu.memory_space<hbm>>
      tpu.wait_dma2 semaphore(%run_scoped3A : memref<!tpu.dma_semaphore, #tpu.memory_space<semaphore_mem>>) src(%arg9 : memref<6400xf32, #tpu.memory_space<vmem>>) dst(%dma_wait3A_51 : memref<6400xf32, #tpu.memory_space<hbm>>)
      tpu.yield
    }) : () -> ()
    return
  }
}

module attributes {stable_mosaic.version = 14 : i64} {
  func.func @_stats_body(%arg0: i32, %arg1: memref<4x1024xf32, #tpu.memory_space<vmem>>, %arg2: memref<4x2xf32, #tpu.memory_space<vmem>>) attributes {dimension_semantics = [#tpu.dimension_semantics<arbitrary>], iteration_bounds = array<i64: 100>, scalar_prefetch = 0 : i64, scratch_operands = 0 : i64, tpu.core_type = #tpu.core_type<tc>, window_params = [{transform_indices = @transform_0, window_bounds = array<i64: 4, 1024>}, {pipeline_mode = #tpu.pipeline_mode<synchronous>, transform_indices = @transform_1, window_bounds = array<i64: 4, 2>}]} {
    %eq3A = arith.constant 0 : i32
    %eq3A_0 = arith.cmpi eq, %arg0, %eq3A : i32
    %convert_element_type3A = arith.extui %eq3A_0 : i1 to i32
    %cond3A = arith.constant 0 : i32
    %cond3A_1 = arith.cmpi ne, %convert_element_type3A, %cond3A : i32
    scf.if %cond3A_1 {
      %broadcast_in_dim3A_20 = arith.constant 0.000000e+00 : f32
      %broadcast_in_dim3A_21 = vector.broadcast %broadcast_in_dim3A_20 : f32 to vector<4x2xf32>
      %swap3A_22 = arith.constant 0 : index
      %swap3A_23 = arith.constant 0 : index
      %swap3A_24 = vector.load %arg2[%swap3A_22, %swap3A_23] : memref<4x2xf32, #tpu.memory_space<vmem>>, vector<4x2xf32>
      tpu.vector_store %arg2[%swap3A_22, %swap3A_23], %broadcast_in_dim3A_21 {strides = array<i32>} : memref<4x2xf32, #tpu.memory_space<vmem>>, vector<4x2xf32>,
    } else {
    }
    %get3A = arith.constant 0 : index
    %get3A_2 = arith.constant 0 : index
    %get3A_3 = vector.load %arg1[%get3A, %get3A_2] : memref<4x1024xf32, #tpu.memory_space<vmem>>, vector<4x1024xf32>
    %get3A_4 = arith.constant 0 : index
    %get3A_5 = arith.constant 0 : index
    %get3A_6 = vector.load %arg2[%get3A_4, %get3A_5] : memref<4x2xf32, #tpu.memory_space<vmem>>, vector<4x1xf32>
    %reduce_sum3A = arith.constant dense<0.000000e+00> : vector<4xf32>
    %reduce_sum3A_7 = vector.multi_reduction <add>, %get3A_3, %reduce_sum3A [1] : vector<4x1024xf32> to vector<4xf32>
    %broadcast_in_dim3A = vector.shape_cast %reduce_sum3A_7 : vector<4xf32> to vector<4x1xf32>
    %add3A = arith.addf %get3A_6, %broadcast_in_dim3A : vector<4x1xf32>
    %swap3A = arith.constant 0 : index
    %swap3A_8 = arith.constant 0 : index
    %swap3A_9 = vector.load %arg2[%swap3A, %swap3A_8] : memref<4x2xf32, #tpu.memory_space<vmem>>, vector<4x1xf32>
    tpu.vector_store %arg2[%swap3A, %swap3A_8], %add3A {strides = array<i32>} : memref<4x2xf32, #tpu.memory_space<vmem>>, vector<4x1xf32>,
    %get3A_10 = arith.constant 0 : index
    %get3A_11 = arith.constant 1 : index
    %get3A_12 = vector.load %arg2[%get3A_10, %get3A_11] : memref<4x2xf32, #tpu.memory_space<vmem>>, vector<4x1xf32>
    %mul3A = arith.mulf %get3A_3, %get3A_3 : vector<4x1024xf32>
    %reduce_sum3A_13 = arith.constant dense<0.000000e+00> : vector<4xf32>
    %reduce_sum3A_14 = vector.multi_reduction <add>, %mul3A, %reduce_sum3A_13 [1] : vector<4x1024xf32> to vector<4xf32>
    %broadcast_in_dim3A_15 = vector.shape_cast %reduce_sum3A_14 : vector<4xf32> to vector<4x1xf32>
    %add3A_16 = arith.addf %get3A_12, %broadcast_in_dim3A_15 : vector<4x1xf32>
    %swap3A_17 = arith.constant 0 : index
    %swap3A_18 = arith.constant 1 : index
    %swap3A_19 = vector.load %arg2[%swap3A_17, %swap3A_18] : memref<4x2xf32, #tpu.memory_space<vmem>>, vector<4x1xf32>
    tpu.vector_store %arg2[%swap3A_17, %swap3A_18], %add3A_16 {strides = array<i32>} : memref<4x2xf32, #tpu.memory_space<vmem>>, vector<4x1xf32>,
    return
  }
  func.func @transform_0(%arg0: i32) -> (i32, i32) {
    %c0_i32 = arith.constant 0 : i32
    %c0_i32_0 = arith.constant 0 : i32
    return %c0_i32, %arg0 : i32, i32
  }
  func.func @transform_1(%arg0: i32) -> (i32, i32) {
    %c0_i32 = arith.constant 0 : i32
    %c0_i32_0 = arith.constant 0 : i32
    %c0_i32_1 = arith.constant 0 : i32
    return %c0_i32, %c0_i32_0 : i32, i32
  }
}

module attributes {stable_mosaic.version = 14 : i64} {
  func.func @_mlp_body(%arg0: i32, %arg1: memref<8x1024xf32, #tpu.memory_space<vmem>>, %arg2: memref<32x4xf32, #tpu.memory_space<vmem>>, %arg3: memref<32x4xf32, #tpu.memory_space<vmem>>, %arg4: memref<32x1xf32, #tpu.memory_space<vmem>>, %arg5: memref<32x32xf32, #tpu.memory_space<vmem>>, %arg6: memref<32x1xf32, #tpu.memory_space<vmem>>, %arg7: memref<3x32xf32, #tpu.memory_space<vmem>>, %arg8: memref<3x1xf32, #tpu.memory_space<vmem>>, %arg9: memref<3x1024xf32, #tpu.memory_space<vmem>>) attributes {dimension_semantics = [#tpu.dimension_semantics<arbitrary>], iteration_bounds = array<i64: 1600>, scalar_prefetch = 0 : i64, scratch_operands = 0 : i64, tpu.core_type = #tpu.core_type<tc>, window_params = [{transform_indices = @transform_0, window_bounds = array<i64: 8, 1024>}, {pipeline_mode = #tpu.pipeline_mode<synchronous>, transform_indices = @transform_1, window_bounds = array<i64: 32, 4>}, {pipeline_mode = #tpu.pipeline_mode<synchronous>, transform_indices = @transform_2, window_bounds = array<i64: 32, 4>}, {pipeline_mode = #tpu.pipeline_mode<synchronous>, transform_indices = @transform_3, window_bounds = array<i64: 32, 1>}, {pipeline_mode = #tpu.pipeline_mode<synchronous>, transform_indices = @transform_4, window_bounds = array<i64: 32, 32>}, {pipeline_mode = #tpu.pipeline_mode<synchronous>, transform_indices = @transform_5, window_bounds = array<i64: 32, 1>}, {pipeline_mode = #tpu.pipeline_mode<synchronous>, transform_indices = @transform_6, window_bounds = array<i64: 3, 32>}, {pipeline_mode = #tpu.pipeline_mode<synchronous>, transform_indices = @transform_7, window_bounds = array<i64: 3, 1>}, {transform_indices = @transform_8, window_bounds = array<i64: 3, 1024>}]} {
    %get3A = arith.constant 0 : index
    %get3A_0 = arith.constant 0 : index
    %get3A_1 = vector.load %arg1[%get3A, %get3A_0] : memref<8x1024xf32, #tpu.memory_space<vmem>>, vector<8x1024xf32>
    %get3A_2 = arith.constant 0 : index
    %get3A_3 = arith.constant 0 : index
    %get3A_4 = vector.load %arg2[%get3A_2, %get3A_3] : memref<32x4xf32, #tpu.memory_space<vmem>>, vector<32x4xf32>
    %get3A_5 = arith.constant 0 : index
    %get3A_6 = arith.constant 0 : index
    %get3A_7 = vector.load %arg3[%get3A_5, %get3A_6] : memref<32x4xf32, #tpu.memory_space<vmem>>, vector<32x4xf32>
    %slice3A = vector.extract_strided_slice %get3A_4 {offsets = [0, 0], sizes = [32, 1], strides = [1, 1]} : vector<32x4xf32> to vector<32x1xf32>
    %slice3A_8 = vector.extract_strided_slice %get3A_1 {offsets = [0, 0], sizes = [1, 1024], strides = [1, 1]} : vector<8x1024xf32> to vector<1x1024xf32>
    %mul3A = vector.broadcast %slice3A : vector<32x1xf32> to vector<32x1024xf32>
    %mul3A_9 = vector.broadcast %slice3A_8 : vector<1x1024xf32> to vector<32x1024xf32>
    %mul3A_10 = arith.mulf %mul3A, %mul3A_9 : vector<32x1024xf32>
    %slice3A_11 = vector.extract_strided_slice %get3A_7 {offsets = [0, 0], sizes = [32, 1], strides = [1, 1]} : vector<32x4xf32> to vector<32x1xf32>
    %slice3A_12 = vector.extract_strided_slice %get3A_1 {offsets = [4, 0], sizes = [1, 1024], strides = [1, 1]} : vector<8x1024xf32> to vector<1x1024xf32>
    %mul3A_13 = vector.broadcast %slice3A_11 : vector<32x1xf32> to vector<32x1024xf32>
    %mul3A_14 = vector.broadcast %slice3A_12 : vector<1x1024xf32> to vector<32x1024xf32>
    %mul3A_15 = arith.mulf %mul3A_13, %mul3A_14 : vector<32x1024xf32>
    %add3A = arith.addf %mul3A_10, %mul3A_15 : vector<32x1024xf32>
    %slice3A_16 = vector.extract_strided_slice %get3A_4 {offsets = [0, 1], sizes = [32, 1], strides = [1, 1]} : vector<32x4xf32> to vector<32x1xf32>
    %slice3A_17 = vector.extract_strided_slice %get3A_1 {offsets = [1, 0], sizes = [1, 1024], strides = [1, 1]} : vector<8x1024xf32> to vector<1x1024xf32>
    %mul3A_18 = vector.broadcast %slice3A_16 : vector<32x1xf32> to vector<32x1024xf32>
    %mul3A_19 = vector.broadcast %slice3A_17 : vector<1x1024xf32> to vector<32x1024xf32>
    %mul3A_20 = arith.mulf %mul3A_18, %mul3A_19 : vector<32x1024xf32>
    %slice3A_21 = vector.extract_strided_slice %get3A_7 {offsets = [0, 1], sizes = [32, 1], strides = [1, 1]} : vector<32x4xf32> to vector<32x1xf32>
    %slice3A_22 = vector.extract_strided_slice %get3A_1 {offsets = [5, 0], sizes = [1, 1024], strides = [1, 1]} : vector<8x1024xf32> to vector<1x1024xf32>
    %mul3A_23 = vector.broadcast %slice3A_21 : vector<32x1xf32> to vector<32x1024xf32>
    %mul3A_24 = vector.broadcast %slice3A_22 : vector<1x1024xf32> to vector<32x1024xf32>
    %mul3A_25 = arith.mulf %mul3A_23, %mul3A_24 : vector<32x1024xf32>
    %add3A_26 = arith.addf %mul3A_20, %mul3A_25 : vector<32x1024xf32>
    %add3A_27 = arith.addf %add3A, %add3A_26 : vector<32x1024xf32>
    %slice3A_28 = vector.extract_strided_slice %get3A_4 {offsets = [0, 2], sizes = [32, 1], strides = [1, 1]} : vector<32x4xf32> to vector<32x1xf32>
    %slice3A_29 = vector.extract_strided_slice %get3A_1 {offsets = [2, 0], sizes = [1, 1024], strides = [1, 1]} : vector<8x1024xf32> to vector<1x1024xf32>
    %mul3A_30 = vector.broadcast %slice3A_28 : vector<32x1xf32> to vector<32x1024xf32>
    %mul3A_31 = vector.broadcast %slice3A_29 : vector<1x1024xf32> to vector<32x1024xf32>
    %mul3A_32 = arith.mulf %mul3A_30, %mul3A_31 : vector<32x1024xf32>
    %slice3A_33 = vector.extract_strided_slice %get3A_7 {offsets = [0, 2], sizes = [32, 1], strides = [1, 1]} : vector<32x4xf32> to vector<32x1xf32>
    %slice3A_34 = vector.extract_strided_slice %get3A_1 {offsets = [6, 0], sizes = [1, 1024], strides = [1, 1]} : vector<8x1024xf32> to vector<1x1024xf32>
    %mul3A_35 = vector.broadcast %slice3A_33 : vector<32x1xf32> to vector<32x1024xf32>
    %mul3A_36 = vector.broadcast %slice3A_34 : vector<1x1024xf32> to vector<32x1024xf32>
    %mul3A_37 = arith.mulf %mul3A_35, %mul3A_36 : vector<32x1024xf32>
    %add3A_38 = arith.addf %mul3A_32, %mul3A_37 : vector<32x1024xf32>
    %add3A_39 = arith.addf %add3A_27, %add3A_38 : vector<32x1024xf32>
    %slice3A_40 = vector.extract_strided_slice %get3A_4 {offsets = [0, 3], sizes = [32, 1], strides = [1, 1]} : vector<32x4xf32> to vector<32x1xf32>
    %slice3A_41 = vector.extract_strided_slice %get3A_1 {offsets = [3, 0], sizes = [1, 1024], strides = [1, 1]} : vector<8x1024xf32> to vector<1x1024xf32>
    %mul3A_42 = vector.broadcast %slice3A_40 : vector<32x1xf32> to vector<32x1024xf32>
    %mul3A_43 = vector.broadcast %slice3A_41 : vector<1x1024xf32> to vector<32x1024xf32>
    %mul3A_44 = arith.mulf %mul3A_42, %mul3A_43 : vector<32x1024xf32>
    %slice3A_45 = vector.extract_strided_slice %get3A_7 {offsets = [0, 3], sizes = [32, 1], strides = [1, 1]} : vector<32x4xf32> to vector<32x1xf32>
    %slice3A_46 = vector.extract_strided_slice %get3A_1 {offsets = [7, 0], sizes = [1, 1024], strides = [1, 1]} : vector<8x1024xf32> to vector<1x1024xf32>
    %mul3A_47 = vector.broadcast %slice3A_45 : vector<32x1xf32> to vector<32x1024xf32>
    %mul3A_48 = vector.broadcast %slice3A_46 : vector<1x1024xf32> to vector<32x1024xf32>
    %mul3A_49 = arith.mulf %mul3A_47, %mul3A_48 : vector<32x1024xf32>
    %add3A_50 = arith.addf %mul3A_44, %mul3A_49 : vector<32x1024xf32>
    %add3A_51 = arith.addf %add3A_39, %add3A_50 : vector<32x1024xf32>
    %get3A_52 = arith.constant 0 : index
    %get3A_53 = arith.constant 0 : index
    %get3A_54 = vector.load %arg4[%get3A_52, %get3A_53] : memref<32x1xf32, #tpu.memory_space<vmem>>, vector<32x1xf32>
    %add3A_55 = vector.broadcast %get3A_54 : vector<32x1xf32> to vector<32x1024xf32>
    %add3A_56 = arith.addf %add3A_51, %add3A_55 : vector<32x1024xf32>
    %max3A = arith.constant 0.000000e+00 : f32
    %max3A_57 = vector.broadcast %max3A : f32 to vector<32x1024xf32>
    %max3A_58 = arith.maximumf %add3A_56, %max3A_57 : vector<32x1024xf32>
    %get3A_59 = arith.constant 0 : index
    %get3A_60 = arith.constant 0 : index
    %get3A_61 = vector.load %arg5[%get3A_59, %get3A_60] : memref<32x32xf32, #tpu.memory_space<vmem>>, vector<32x32xf32>
    %dot_general3A = arith.constant dense<0.000000e+00> : vector<32x1024xf32>
    %dot_general3A_62 = tpu.matmul %get3A_61, %max3A_58, %dot_general3A {dimension_numbers = #tpu.dot_dimension_numbers<[1], [0], [0], [1], [0, 0, 1, 1], [], []>, precision = #tpu.contract_precision<fp32>, transpose_lhs_hint = false} : vector<32x32xf32>, vector<32x1024xf32>, vector<32x1024xf32> -> vector<32x1024xf32>
    %get3A_63 = arith.constant 0 : index
    %get3A_64 = arith.constant 0 : index
    %get3A_65 = vector.load %arg6[%get3A_63, %get3A_64] : memref<32x1xf32, #tpu.memory_space<vmem>>, vector<32x1xf32>
    %add3A_66 = vector.broadcast %get3A_65 : vector<32x1xf32> to vector<32x1024xf32>
    %add3A_67 = arith.addf %dot_general3A_62, %add3A_66 : vector<32x1024xf32>
    %max3A_68 = arith.constant 0.000000e+00 : f32
    %max3A_69 = vector.broadcast %max3A_68 : f32 to vector<32x1024xf32>
    %max3A_70 = arith.maximumf %add3A_67, %max3A_69 : vector<32x1024xf32>
    %get3A_71 = arith.constant 0 : index
    %get3A_72 = arith.constant 0 : index
    %get3A_73 = vector.load %arg7[%get3A_71, %get3A_72] : memref<3x32xf32, #tpu.memory_space<vmem>>, vector<3x32xf32>
    %dot_general3A_74 = arith.constant dense<0.000000e+00> : vector<3x1024xf32>
    %dot_general3A_75 = tpu.matmul %get3A_73, %max3A_70, %dot_general3A_74 {dimension_numbers = #tpu.dot_dimension_numbers<[1], [0], [0], [1], [0, 0, 1, 1], [], []>, precision = #tpu.contract_precision<fp32>, transpose_lhs_hint = false} : vector<3x32xf32>, vector<32x1024xf32>, vector<3x1024xf32> -> vector<3x1024xf32>
    %get3A_76 = arith.constant 0 : index
    %get3A_77 = arith.constant 0 : index
    %get3A_78 = vector.load %arg8[%get3A_76, %get3A_77] : memref<3x1xf32, #tpu.memory_space<vmem>>, vector<3x1xf32>
    %add3A_79 = vector.broadcast %get3A_78 : vector<3x1xf32> to vector<3x1024xf32>
    %add3A_80 = arith.addf %dot_general3A_75, %add3A_79 : vector<3x1024xf32>
    %max3A_81 = arith.constant 0.000000e+00 : f32
    %max3A_82 = vector.broadcast %max3A_81 : f32 to vector<3x1024xf32>
    %max3A_83 = arith.maximumf %add3A_80, %max3A_82 : vector<3x1024xf32>
    %swap3A = arith.constant 0 : index
    %swap3A_84 = arith.constant 0 : index
    %swap3A_85 = vector.load %arg9[%swap3A, %swap3A_84] : memref<3x1024xf32, #tpu.memory_space<vmem>>, vector<3x1024xf32>
    tpu.vector_store %arg9[%swap3A, %swap3A_84], %max3A_83 {strides = array<i32>} : memref<3x1024xf32, #tpu.memory_space<vmem>>, vector<3x1024xf32>,
    return
  }
  func.func @transform_0(%arg0: i32) -> (i32, i32) {
    %c0_i32 = arith.constant 0 : i32
    %c0_i32_0 = arith.constant 0 : i32
    return %c0_i32, %arg0 : i32, i32
  }
  func.func @transform_1(%arg0: i32) -> (i32, i32) {
    %c0_i32 = arith.constant 0 : i32
    %c0_i32_0 = arith.constant 0 : i32
    %c0_i32_1 = arith.constant 0 : i32
    return %c0_i32, %c0_i32_0 : i32, i32
  }
  func.func @transform_2(%arg0: i32) -> (i32, i32) {
    %c0_i32 = arith.constant 0 : i32
    %c0_i32_0 = arith.constant 0 : i32
    %c0_i32_1 = arith.constant 0 : i32
    return %c0_i32, %c0_i32_0 : i32, i32
  }
  func.func @transform_3(%arg0: i32) -> (i32, i32) {
    %c0_i32 = arith.constant 0 : i32
    %c0_i32_0 = arith.constant 0 : i32
    %c0_i32_1 = arith.constant 0 : i32
    return %c0_i32, %c0_i32_0 : i32, i32
  }
  func.func @transform_4(%arg0: i32) -> (i32, i32) {
    %c0_i32 = arith.constant 0 : i32
    %c0_i32_0 = arith.constant 0 : i32
    %c0_i32_1 = arith.constant 0 : i32
    return %c0_i32, %c0_i32_0 : i32, i32
  }
  func.func @transform_5(%arg0: i32) -> (i32, i32) {
    %c0_i32 = arith.constant 0 : i32
    %c0_i32_0 = arith.constant 0 : i32
    %c0_i32_1 = arith.constant 0 : i32
    return %c0_i32, %c0_i32_0 : i32, i32
  }
  func.func @transform_6(%arg0: i32) -> (i32, i32) {
    %c0_i32 = arith.constant 0 : i32
    %c0_i32_0 = arith.constant 0 : i32
    %c0_i32_1 = arith.constant 0 : i32
    return %c0_i32, %c0_i32_0 : i32, i32
  }
  func.func @transform_7(%arg0: i32) -> (i32, i32) {
    %c0_i32 = arith.constant 0 : i32
    %c0_i32_0 = arith.constant 0 : i32
    %c0_i32_1 = arith.constant 0 : i32
    return %c0_i32, %c0_i32_0 : i32, i32
  }
  func.func @transform_8(%arg0: i32) -> (i32, i32) {
    %c0_i32 = arith.constant 0 : i32
    %c0_i32_0 = arith.constant 0 : i32
    return %c0_i32, %arg0 : i32, i32
  }
}

module attributes {stable_mosaic.version = 14 : i64} {
  func.func @_combine_body(%arg0: i32, %arg1: memref<2x3x1024xf32, #tpu.memory_space<vmem>>, %arg2: memref<2x1024xf32, #tpu.memory_space<vmem>>, %arg3: memref<1x1024xf32, #tpu.memory_space<vmem>>) attributes {dimension_semantics = [#tpu.dimension_semantics<arbitrary>], iteration_bounds = array<i64: 100>, scalar_prefetch = 0 : i64, scratch_operands = 0 : i64, tpu.core_type = #tpu.core_type<tc>, window_params = [{transform_indices = @transform_0, window_bounds = array<i64: 2, 3, 1024>}, {transform_indices = @transform_1, window_bounds = array<i64: 2, 1024>}, {transform_indices = @transform_2, window_bounds = array<i64: 1, 1024>}]} {
    %get3A = arith.constant 0 : index
    %get3A_0 = arith.constant 0 : index
    %get3A_1 = arith.constant 0 : index
    %get3A_2 = vector.load %arg1[%get3A, %get3A_0, %get3A_1] : memref<2x3x1024xf32, #tpu.memory_space<vmem>>, vector<2x3x1024xf32>
    %slice3A = vector.extract_strided_slice %get3A_2 {offsets = [0, 0, 0], sizes = [1, 3, 1024], strides = [1, 1, 1]} : vector<2x3x1024xf32> to vector<1x3x1024xf32>
    %squeeze3A = vector.shape_cast %slice3A : vector<1x3x1024xf32> to vector<3x1024xf32>
    %slice3A_3 = vector.extract_strided_slice %get3A_2 {offsets = [1, 0, 0], sizes = [1, 3, 1024], strides = [1, 1, 1]} : vector<2x3x1024xf32> to vector<1x3x1024xf32>
    %squeeze3A_4 = vector.shape_cast %slice3A_3 : vector<1x3x1024xf32> to vector<3x1024xf32>
    %add3A = arith.addf %squeeze3A, %squeeze3A_4 : vector<3x1024xf32>
    %slice3A_5 = vector.extract_strided_slice %add3A {offsets = [2, 0], sizes = [1, 1024], strides = [1, 1]} : vector<3x1024xf32> to vector<1x1024xf32>
    %max3A = arith.constant 1.000000e+00 : f32
    %max3A_6 = vector.broadcast %max3A : f32 to vector<1x1024xf32>
    %max3A_7 = arith.maximumf %slice3A_5, %max3A_6 : vector<1x1024xf32>
    %slice3A_8 = vector.extract_strided_slice %add3A {offsets = [0, 0], sizes = [2, 1024], strides = [1, 1]} : vector<3x1024xf32> to vector<2x1024xf32>
    %div3A = vector.broadcast %max3A_7 : vector<1x1024xf32> to vector<2x1024xf32>
    %div3A_9 = arith.divf %slice3A_8, %div3A : vector<2x1024xf32>
    %swap3A = arith.constant 0 : index
    %swap3A_10 = arith.constant 0 : index
    %swap3A_11 = vector.load %arg2[%swap3A, %swap3A_10] : memref<2x1024xf32, #tpu.memory_space<vmem>>, vector<2x1024xf32>
    tpu.vector_store %arg2[%swap3A, %swap3A_10], %div3A_9 {strides = array<i32>} : memref<2x1024xf32, #tpu.memory_space<vmem>>, vector<2x1024xf32>,
    %swap3A_12 = arith.constant 0 : index
    %swap3A_13 = arith.constant 0 : index
    %swap3A_14 = vector.load %arg3[%swap3A_12, %swap3A_13] : memref<1x1024xf32, #tpu.memory_space<vmem>>, vector<1x1024xf32>
    tpu.vector_store %arg3[%swap3A_12, %swap3A_13], %slice3A_5 {strides = array<i32>} : memref<1x1024xf32, #tpu.memory_space<vmem>>, vector<1x1024xf32>,
    return
  }
  func.func @transform_0(%arg0: i32) -> (i32, i32, i32) {
    %c0_i32 = arith.constant 0 : i32
    %c0_i32_0 = arith.constant 0 : i32
    %c0_i32_1 = arith.constant 0 : i32
    return %c0_i32, %c0_i32_0, %arg0 : i32, i32, i32
  }
  func.func @transform_1(%arg0: i32) -> (i32, i32) {
    %c0_i32 = arith.constant 0 : i32
    %c0_i32_0 = arith.constant 0 : i32
    return %c0_i32, %arg0 : i32, i32
  }
  func.func @transform_2(%arg0: i32) -> (i32, i32) {
    %c0_i32 = arith.constant 0 : i32
    %c0_i32_0 = arith.constant 0 : i32
    return %c0_i32, %arg0 : i32, i32
  }
}

module attributes {stable_mosaic.version = 14 : i64} {
  func.func @_mlp_body(%arg0: i32, %arg1: memref<4x1024xf32, #tpu.memory_space<vmem>>, %arg2: memref<32x2xf32, #tpu.memory_space<vmem>>, %arg3: memref<32x2xf32, #tpu.memory_space<vmem>>, %arg4: memref<32x1xf32, #tpu.memory_space<vmem>>, %arg5: memref<32x32xf32, #tpu.memory_space<vmem>>, %arg6: memref<32x1xf32, #tpu.memory_space<vmem>>, %arg7: memref<4x32xf32, #tpu.memory_space<vmem>>, %arg8: memref<4x1xf32, #tpu.memory_space<vmem>>, %arg9: memref<4x1024xf32, #tpu.memory_space<vmem>>) attributes {dimension_semantics = [#tpu.dimension_semantics<arbitrary>], iteration_bounds = array<i64: 1600>, scalar_prefetch = 0 : i64, scratch_operands = 0 : i64, tpu.core_type = #tpu.core_type<tc>, window_params = [{transform_indices = @transform_0, window_bounds = array<i64: 4, 1024>}, {pipeline_mode = #tpu.pipeline_mode<synchronous>, transform_indices = @transform_1, window_bounds = array<i64: 32, 2>}, {pipeline_mode = #tpu.pipeline_mode<synchronous>, transform_indices = @transform_2, window_bounds = array<i64: 32, 2>}, {pipeline_mode = #tpu.pipeline_mode<synchronous>, transform_indices = @transform_3, window_bounds = array<i64: 32, 1>}, {pipeline_mode = #tpu.pipeline_mode<synchronous>, transform_indices = @transform_4, window_bounds = array<i64: 32, 32>}, {pipeline_mode = #tpu.pipeline_mode<synchronous>, transform_indices = @transform_5, window_bounds = array<i64: 32, 1>}, {pipeline_mode = #tpu.pipeline_mode<synchronous>, transform_indices = @transform_6, window_bounds = array<i64: 4, 32>}, {pipeline_mode = #tpu.pipeline_mode<synchronous>, transform_indices = @transform_7, window_bounds = array<i64: 4, 1>}, {transform_indices = @transform_8, window_bounds = array<i64: 4, 1024>}]} {
    %get3A = arith.constant 0 : index
    %get3A_0 = arith.constant 0 : index
    %get3A_1 = vector.load %arg1[%get3A, %get3A_0] : memref<4x1024xf32, #tpu.memory_space<vmem>>, vector<4x1024xf32>
    %get3A_2 = arith.constant 0 : index
    %get3A_3 = arith.constant 0 : index
    %get3A_4 = vector.load %arg2[%get3A_2, %get3A_3] : memref<32x2xf32, #tpu.memory_space<vmem>>, vector<32x2xf32>
    %get3A_5 = arith.constant 0 : index
    %get3A_6 = arith.constant 0 : index
    %get3A_7 = vector.load %arg3[%get3A_5, %get3A_6] : memref<32x2xf32, #tpu.memory_space<vmem>>, vector<32x2xf32>
    %slice3A = vector.extract_strided_slice %get3A_4 {offsets = [0, 0], sizes = [32, 1], strides = [1, 1]} : vector<32x2xf32> to vector<32x1xf32>
    %slice3A_8 = vector.extract_strided_slice %get3A_1 {offsets = [0, 0], sizes = [1, 1024], strides = [1, 1]} : vector<4x1024xf32> to vector<1x1024xf32>
    %mul3A = vector.broadcast %slice3A : vector<32x1xf32> to vector<32x1024xf32>
    %mul3A_9 = vector.broadcast %slice3A_8 : vector<1x1024xf32> to vector<32x1024xf32>
    %mul3A_10 = arith.mulf %mul3A, %mul3A_9 : vector<32x1024xf32>
    %slice3A_11 = vector.extract_strided_slice %get3A_7 {offsets = [0, 0], sizes = [32, 1], strides = [1, 1]} : vector<32x2xf32> to vector<32x1xf32>
    %slice3A_12 = vector.extract_strided_slice %get3A_1 {offsets = [2, 0], sizes = [1, 1024], strides = [1, 1]} : vector<4x1024xf32> to vector<1x1024xf32>
    %mul3A_13 = vector.broadcast %slice3A_11 : vector<32x1xf32> to vector<32x1024xf32>
    %mul3A_14 = vector.broadcast %slice3A_12 : vector<1x1024xf32> to vector<32x1024xf32>
    %mul3A_15 = arith.mulf %mul3A_13, %mul3A_14 : vector<32x1024xf32>
    %add3A = arith.addf %mul3A_10, %mul3A_15 : vector<32x1024xf32>
    %slice3A_16 = vector.extract_strided_slice %get3A_4 {offsets = [0, 1], sizes = [32, 1], strides = [1, 1]} : vector<32x2xf32> to vector<32x1xf32>
    %slice3A_17 = vector.extract_strided_slice %get3A_1 {offsets = [1, 0], sizes = [1, 1024], strides = [1, 1]} : vector<4x1024xf32> to vector<1x1024xf32>
    %mul3A_18 = vector.broadcast %slice3A_16 : vector<32x1xf32> to vector<32x1024xf32>
    %mul3A_19 = vector.broadcast %slice3A_17 : vector<1x1024xf32> to vector<32x1024xf32>
    %mul3A_20 = arith.mulf %mul3A_18, %mul3A_19 : vector<32x1024xf32>
    %slice3A_21 = vector.extract_strided_slice %get3A_7 {offsets = [0, 1], sizes = [32, 1], strides = [1, 1]} : vector<32x2xf32> to vector<32x1xf32>
    %slice3A_22 = vector.extract_strided_slice %get3A_1 {offsets = [3, 0], sizes = [1, 1024], strides = [1, 1]} : vector<4x1024xf32> to vector<1x1024xf32>
    %mul3A_23 = vector.broadcast %slice3A_21 : vector<32x1xf32> to vector<32x1024xf32>
    %mul3A_24 = vector.broadcast %slice3A_22 : vector<1x1024xf32> to vector<32x1024xf32>
    %mul3A_25 = arith.mulf %mul3A_23, %mul3A_24 : vector<32x1024xf32>
    %add3A_26 = arith.addf %mul3A_20, %mul3A_25 : vector<32x1024xf32>
    %add3A_27 = arith.addf %add3A, %add3A_26 : vector<32x1024xf32>
    %get3A_28 = arith.constant 0 : index
    %get3A_29 = arith.constant 0 : index
    %get3A_30 = vector.load %arg4[%get3A_28, %get3A_29] : memref<32x1xf32, #tpu.memory_space<vmem>>, vector<32x1xf32>
    %add3A_31 = vector.broadcast %get3A_30 : vector<32x1xf32> to vector<32x1024xf32>
    %add3A_32 = arith.addf %add3A_27, %add3A_31 : vector<32x1024xf32>
    %max3A = arith.constant 0.000000e+00 : f32
    %max3A_33 = vector.broadcast %max3A : f32 to vector<32x1024xf32>
    %max3A_34 = arith.maximumf %add3A_32, %max3A_33 : vector<32x1024xf32>
    %get3A_35 = arith.constant 0 : index
    %get3A_36 = arith.constant 0 : index
    %get3A_37 = vector.load %arg5[%get3A_35, %get3A_36] : memref<32x32xf32, #tpu.memory_space<vmem>>, vector<32x32xf32>
    %dot_general3A = arith.constant dense<0.000000e+00> : vector<32x1024xf32>
    %dot_general3A_38 = tpu.matmul %get3A_37, %max3A_34, %dot_general3A {dimension_numbers = #tpu.dot_dimension_numbers<[1], [0], [0], [1], [0, 0, 1, 1], [], []>, precision = #tpu.contract_precision<fp32>, transpose_lhs_hint = false} : vector<32x32xf32>, vector<32x1024xf32>, vector<32x1024xf32> -> vector<32x1024xf32>
    %get3A_39 = arith.constant 0 : index
    %get3A_40 = arith.constant 0 : index
    %get3A_41 = vector.load %arg6[%get3A_39, %get3A_40] : memref<32x1xf32, #tpu.memory_space<vmem>>, vector<32x1xf32>
    %add3A_42 = vector.broadcast %get3A_41 : vector<32x1xf32> to vector<32x1024xf32>
    %add3A_43 = arith.addf %dot_general3A_38, %add3A_42 : vector<32x1024xf32>
    %max3A_44 = arith.constant 0.000000e+00 : f32
    %max3A_45 = vector.broadcast %max3A_44 : f32 to vector<32x1024xf32>
    %max3A_46 = arith.maximumf %add3A_43, %max3A_45 : vector<32x1024xf32>
    %get3A_47 = arith.constant 0 : index
    %get3A_48 = arith.constant 0 : index
    %get3A_49 = vector.load %arg7[%get3A_47, %get3A_48] : memref<4x32xf32, #tpu.memory_space<vmem>>, vector<4x32xf32>
    %dot_general3A_50 = arith.constant dense<0.000000e+00> : vector<4x1024xf32>
    %dot_general3A_51 = tpu.matmul %get3A_49, %max3A_46, %dot_general3A_50 {dimension_numbers = #tpu.dot_dimension_numbers<[1], [0], [0], [1], [0, 0, 1, 1], [], []>, precision = #tpu.contract_precision<fp32>, transpose_lhs_hint = false} : vector<4x32xf32>, vector<32x1024xf32>, vector<4x1024xf32> -> vector<4x1024xf32>
    %get3A_52 = arith.constant 0 : index
    %get3A_53 = arith.constant 0 : index
    %get3A_54 = vector.load %arg8[%get3A_52, %get3A_53] : memref<4x1xf32, #tpu.memory_space<vmem>>, vector<4x1xf32>
    %add3A_55 = vector.broadcast %get3A_54 : vector<4x1xf32> to vector<4x1024xf32>
    %add3A_56 = arith.addf %dot_general3A_51, %add3A_55 : vector<4x1024xf32>
    %swap3A = arith.constant 0 : index
    %swap3A_57 = arith.constant 0 : index
    %swap3A_58 = vector.load %arg9[%swap3A, %swap3A_57] : memref<4x1024xf32, #tpu.memory_space<vmem>>, vector<4x1024xf32>
    tpu.vector_store %arg9[%swap3A, %swap3A_57], %add3A_56 {strides = array<i32>} : memref<4x1024xf32, #tpu.memory_space<vmem>>, vector<4x1024xf32>,
    return
  }
  func.func @transform_0(%arg0: i32) -> (i32, i32) {
    %c0_i32 = arith.constant 0 : i32
    %c0_i32_0 = arith.constant 0 : i32
    return %c0_i32, %arg0 : i32, i32
  }
  func.func @transform_1(%arg0: i32) -> (i32, i32) {
    %c0_i32 = arith.constant 0 : i32
    %c0_i32_0 = arith.constant 0 : i32
    %c0_i32_1 = arith.constant 0 : i32
    return %c0_i32, %c0_i32_0 : i32, i32
  }
  func.func @transform_2(%arg0: i32) -> (i32, i32) {
    %c0_i32 = arith.constant 0 : i32
    %c0_i32_0 = arith.constant 0 : i32
    %c0_i32_1 = arith.constant 0 : i32
    return %c0_i32, %c0_i32_0 : i32, i32
  }
  func.func @transform_3(%arg0: i32) -> (i32, i32) {
    %c0_i32 = arith.constant 0 : i32
    %c0_i32_0 = arith.constant 0 : i32
    %c0_i32_1 = arith.constant 0 : i32
    return %c0_i32, %c0_i32_0 : i32, i32
  }
  func.func @transform_4(%arg0: i32) -> (i32, i32) {
    %c0_i32 = arith.constant 0 : i32
    %c0_i32_0 = arith.constant 0 : i32
    %c0_i32_1 = arith.constant 0 : i32
    return %c0_i32, %c0_i32_0 : i32, i32
  }
  func.func @transform_5(%arg0: i32) -> (i32, i32) {
    %c0_i32 = arith.constant 0 : i32
    %c0_i32_0 = arith.constant 0 : i32
    %c0_i32_1 = arith.constant 0 : i32
    return %c0_i32, %c0_i32_0 : i32, i32
  }
  func.func @transform_6(%arg0: i32) -> (i32, i32) {
    %c0_i32 = arith.constant 0 : i32
    %c0_i32_0 = arith.constant 0 : i32
    %c0_i32_1 = arith.constant 0 : i32
    return %c0_i32, %c0_i32_0 : i32, i32
  }
  func.func @transform_7(%arg0: i32) -> (i32, i32) {
    %c0_i32 = arith.constant 0 : i32
    %c0_i32_0 = arith.constant 0 : i32
    %c0_i32_1 = arith.constant 0 : i32
    return %c0_i32, %c0_i32_0 : i32, i32
  }
  func.func @transform_8(%arg0: i32) -> (i32, i32) {
    %c0_i32 = arith.constant 0 : i32
    %c0_i32_0 = arith.constant 0 : i32
    return %c0_i32, %arg0 : i32, i32
  }
}

module attributes {stable_mosaic.version = 14 : i64} {
  func.func @_final_body(%arg0: i32, %arg1: memref<2x4x1024xf32, #tpu.memory_space<vmem>>, %arg2: memref<1x1024xf32, #tpu.memory_space<vmem>>, %arg3: memref<4x1024xf32, #tpu.memory_space<vmem>>, %arg4: memref<1x1024xi32, #tpu.memory_space<vmem>>, %arg5: memref<4x1024xf32, #tpu.memory_space<vmem>>, %arg6: memref<128x1xf32, #tpu.memory_space<vmem>>, %arg7: memref<128x1xf32, #tpu.memory_space<vmem>>, %arg8: memref<128x1xf32, #tpu.memory_space<vmem>>) attributes {dimension_semantics = [#tpu.dimension_semantics<arbitrary>], iteration_bounds = array<i64: 100>, scalar_prefetch = 0 : i64, scratch_operands = 2 : i64, tpu.core_type = #tpu.core_type<tc>, window_params = [{transform_indices = @transform_0, window_bounds = array<i64: 2, 4, 1024>}, {transform_indices = @transform_1, window_bounds = array<i64: 1, 1024>}, {transform_indices = @transform_2, window_bounds = array<i64: 4, 1024>}, {transform_indices = @transform_3, window_bounds = array<i64: 1, 1024>}, {transform_indices = @transform_4, window_bounds = array<i64: 4, 1024>}, {pipeline_mode = #tpu.pipeline_mode<synchronous>, transform_indices = @transform_5, window_bounds = array<i64: 128, 1>}]} {
    %eq3A = arith.constant 0 : i32
    %eq3A_0 = arith.cmpi eq, %arg0, %eq3A : i32
    %convert_element_type3A = arith.extui %eq3A_0 : i1 to i32
    %cond3A = arith.constant 0 : i32
    %cond3A_1 = arith.cmpi ne, %convert_element_type3A, %cond3A : i32
    scf.if %cond3A_1 {
      %broadcast_in_dim3A_54 = arith.constant 0.000000e+00 : f32
      %broadcast_in_dim3A_55 = vector.broadcast %broadcast_in_dim3A_54 : f32 to vector<128x1xf32>
      %swap3A_56 = arith.constant 0 : index
      %swap3A_57 = arith.constant 0 : index
      %swap3A_58 = vector.load %arg7[%swap3A_56, %swap3A_57] : memref<128x1xf32, #tpu.memory_space<vmem>>, vector<128x1xf32>
      tpu.vector_store %arg7[%swap3A_56, %swap3A_57], %broadcast_in_dim3A_55 {strides = array<i32>} : memref<128x1xf32, #tpu.memory_space<vmem>>, vector<128x1xf32>,
      %broadcast_in_dim3A_59 = arith.constant 0.000000e+00 : f32
      %broadcast_in_dim3A_60 = vector.broadcast %broadcast_in_dim3A_59 : f32 to vector<128x1xf32>
      %swap3A_61 = arith.constant 0 : index
      %swap3A_62 = arith.constant 0 : index
      %swap3A_63 = vector.load %arg8[%swap3A_61, %swap3A_62] : memref<128x1xf32, #tpu.memory_space<vmem>>, vector<128x1xf32>
      tpu.vector_store %arg8[%swap3A_61, %swap3A_62], %broadcast_in_dim3A_60 {strides = array<i32>} : memref<128x1xf32, #tpu.memory_space<vmem>>, vector<128x1xf32>,
    } else {
    }
    %get3A = arith.constant 0 : index
    %get3A_2 = arith.constant 0 : index
    %get3A_3 = arith.constant 0 : index
    %get3A_4 = vector.load %arg1[%get3A, %get3A_2, %get3A_3] : memref<2x4x1024xf32, #tpu.memory_space<vmem>>, vector<2x4x1024xf32>
    %slice3A = vector.extract_strided_slice %get3A_4 {offsets = [0, 0, 0], sizes = [1, 4, 1024], strides = [1, 1, 1]} : vector<2x4x1024xf32> to vector<1x4x1024xf32>
    %squeeze3A = vector.shape_cast %slice3A : vector<1x4x1024xf32> to vector<4x1024xf32>
    %slice3A_5 = vector.extract_strided_slice %get3A_4 {offsets = [1, 0, 0], sizes = [1, 4, 1024], strides = [1, 1, 1]} : vector<2x4x1024xf32> to vector<1x4x1024xf32>
    %squeeze3A_6 = vector.shape_cast %slice3A_5 : vector<1x4x1024xf32> to vector<4x1024xf32>
    %add3A = arith.addf %squeeze3A, %squeeze3A_6 : vector<4x1024xf32>
    %get3A_7 = arith.constant 0 : index
    %get3A_8 = arith.constant 0 : index
    %get3A_9 = vector.load %arg2[%get3A_7, %get3A_8] : memref<1x1024xf32, #tpu.memory_space<vmem>>, vector<1x1024xf32>
    %max3A = arith.constant 1.000000e+00 : f32
    %max3A_10 = vector.broadcast %max3A : f32 to vector<1x1024xf32>
    %max3A_11 = arith.maximumf %get3A_9, %max3A_10 : vector<1x1024xf32>
    %div3A = vector.broadcast %max3A_11 : vector<1x1024xf32> to vector<4x1024xf32>
    %div3A_12 = arith.divf %add3A, %div3A : vector<4x1024xf32>
    %swap3A = arith.constant 0 : index
    %swap3A_13 = arith.constant 0 : index
    %swap3A_14 = vector.load %arg5[%swap3A, %swap3A_13] : memref<4x1024xf32, #tpu.memory_space<vmem>>, vector<4x1024xf32>
    tpu.vector_store %arg5[%swap3A, %swap3A_13], %div3A_12 {strides = array<i32>} : memref<4x1024xf32, #tpu.memory_space<vmem>>, vector<4x1024xf32>,
    %get3A_15 = arith.constant 0 : index
    %get3A_16 = arith.constant 0 : index
    %get3A_17 = vector.load %arg3[%get3A_15, %get3A_16] : memref<4x1024xf32, #tpu.memory_space<vmem>>, vector<4x1024xf32>
    %sub3A = arith.subf %div3A_12, %get3A_17 : vector<4x1024xf32>
    %mul3A = arith.mulf %sub3A, %sub3A : vector<4x1024xf32>
    %reduce_sum3A = arith.constant dense<0.000000e+00> : vector<1024xf32>
    %reduce_sum3A_18 = vector.multi_reduction <add>, %mul3A, %reduce_sum3A [0] : vector<4x1024xf32> to vector<1024xf32>
    %broadcast_in_dim3A = vector.shape_cast %reduce_sum3A_18 : vector<1024xf32> to vector<1x1024xf32>
    %iota3A = tpu.iota {dimensions = array<i32: 0>} : vector<128x1xi32>
    %get3A_19 = arith.constant 0 : index
    %get3A_20 = arith.constant 0 : index
    %get3A_21 = vector.load %arg4[%get3A_19, %get3A_20] : memref<1x1024xi32, #tpu.memory_space<vmem>>, vector<1x1024xi32>
    %eq3A_22 = vector.broadcast %iota3A : vector<128x1xi32> to vector<128x1024xi32>
    %eq3A_23 = vector.broadcast %get3A_21 : vector<1x1024xi32> to vector<128x1024xi32>
    %eq3A_24 = arith.cmpi eq, %eq3A_22, %eq3A_23 : vector<128x1024xi32>
    %convert_element_type3A_25 = arith.extui %eq3A_24 : vector<128x1024xi1> to vector<128x1024xi32>
    %convert_element_type3A_26 = arith.sitofp %convert_element_type3A_25 : vector<128x1024xi32> to vector<128x1024xf32>
    %get3A_27 = arith.constant 0 : index
    %get3A_28 = arith.constant 0 : index
    %get3A_29 = vector.load %arg7[%get3A_27, %get3A_28] : memref<128x1xf32, #tpu.memory_space<vmem>>, vector<128x1xf32>
    %mul3A_30 = vector.broadcast %broadcast_in_dim3A : vector<1x1024xf32> to vector<128x1024xf32>
    %mul3A_31 = arith.mulf %convert_element_type3A_26, %mul3A_30 : vector<128x1024xf32>
    %reduce_sum3A_32 = arith.constant dense<0.000000e+00> : vector<128xf32>
    %reduce_sum3A_33 = vector.multi_reduction <add>, %mul3A_31, %reduce_sum3A_32 [1] : vector<128x1024xf32> to vector<128xf32>
    %broadcast_in_dim3A_34 = vector.shape_cast %reduce_sum3A_33 : vector<128xf32> to vector<128x1xf32>
    %add3A_35 = arith.addf %get3A_29, %broadcast_in_dim3A_34 : vector<128x1xf32>
    %swap3A_36 = arith.constant 0 : index
    %swap3A_37 = arith.constant 0 : index
    %swap3A_38 = vector.load %arg7[%swap3A_36, %swap3A_37] : memref<128x1xf32, #tpu.memory_space<vmem>>, vector<128x1xf32>
    tpu.vector_store %arg7[%swap3A_36, %swap3A_37], %add3A_35 {strides = array<i32>} : memref<128x1xf32, #tpu.memory_space<vmem>>, vector<128x1xf32>,
    %get3A_39 = arith.constant 0 : index
    %get3A_40 = arith.constant 0 : index
    %get3A_41 = vector.load %arg8[%get3A_39, %get3A_40] : memref<128x1xf32, #tpu.memory_space<vmem>>, vector<128x1xf32>
    %reduce_sum3A_42 = arith.constant dense<0.000000e+00> : vector<128xf32>
    %reduce_sum3A_43 = vector.multi_reduction <add>, %convert_element_type3A_26, %reduce_sum3A_42 [1] : vector<128x1024xf32> to vector<128xf32>
    %broadcast_in_dim3A_44 = vector.shape_cast %reduce_sum3A_43 : vector<128xf32> to vector<128x1xf32>
    %add3A_45 = arith.addf %get3A_41, %broadcast_in_dim3A_44 : vector<128x1xf32>
    %swap3A_46 = arith.constant 0 : index
    %swap3A_47 = arith.constant 0 : index
    %swap3A_48 = vector.load %arg8[%swap3A_46, %swap3A_47] : memref<128x1xf32, #tpu.memory_space<vmem>>, vector<128x1xf32>
    tpu.vector_store %arg8[%swap3A_46, %swap3A_47], %add3A_45 {strides = array<i32>} : memref<128x1xf32, #tpu.memory_space<vmem>>, vector<128x1xf32>,
    %eq3A_49 = arith.constant 99 : i32
    %eq3A_50 = arith.cmpi eq, %arg0, %eq3A_49 : i32
    %convert_element_type3A_51 = arith.extui %eq3A_50 : i1 to i32
    %cond3A_52 = arith.constant 0 : i32
    %cond3A_53 = arith.cmpi ne, %convert_element_type3A_51, %cond3A_52 : i32
    scf.if %cond3A_53 {
      %get3A_54 = arith.constant 0 : index
      %get3A_55 = arith.constant 0 : index
      %get3A_56 = vector.load %arg7[%get3A_54, %get3A_55] : memref<128x1xf32, #tpu.memory_space<vmem>>, vector<128x1xf32>
      %get3A_57 = arith.constant 0 : index
      %get3A_58 = arith.constant 0 : index
      %get3A_59 = vector.load %arg8[%get3A_57, %get3A_58] : memref<128x1xf32, #tpu.memory_space<vmem>>, vector<128x1xf32>
      %max3A_60 = arith.constant 1.000000e+00 : f32
      %max3A_61 = vector.broadcast %max3A_60 : f32 to vector<128x1xf32>
      %max3A_62 = arith.maximumf %get3A_59, %max3A_61 : vector<128x1xf32>
      %div3A_63 = arith.divf %get3A_56, %max3A_62 : vector<128x1xf32>
      %swap3A_64 = arith.constant 0 : index
      %swap3A_65 = arith.constant 0 : index
      %swap3A_66 = vector.load %arg6[%swap3A_64, %swap3A_65] : memref<128x1xf32, #tpu.memory_space<vmem>>, vector<128x1xf32>
      tpu.vector_store %arg6[%swap3A_64, %swap3A_65], %div3A_63 {strides = array<i32>} : memref<128x1xf32, #tpu.memory_space<vmem>>, vector<128x1xf32>,
    } else {
    }
    return
  }
  func.func @transform_0(%arg0: i32) -> (i32, i32, i32) {
    %c0_i32 = arith.constant 0 : i32
    %c0_i32_0 = arith.constant 0 : i32
    %c0_i32_1 = arith.constant 0 : i32
    return %c0_i32, %c0_i32_0, %arg0 : i32, i32, i32
  }
  func.func @transform_1(%arg0: i32) -> (i32, i32) {
    %c0_i32 = arith.constant 0 : i32
    %c0_i32_0 = arith.constant 0 : i32
    return %c0_i32, %arg0 : i32, i32
  }
  func.func @transform_2(%arg0: i32) -> (i32, i32) {
    %c0_i32 = arith.constant 0 : i32
    %c0_i32_0 = arith.constant 0 : i32
    return %c0_i32, %arg0 : i32, i32
  }
  func.func @transform_3(%arg0: i32) -> (i32, i32) {
    %c0_i32 = arith.constant 0 : i32
    %c0_i32_0 = arith.constant 0 : i32
    return %c0_i32, %arg0 : i32, i32
  }
  func.func @transform_4(%arg0: i32) -> (i32, i32) {
    %c0_i32 = arith.constant 0 : i32
    %c0_i32_0 = arith.constant 0 : i32
    return %c0_i32, %arg0 : i32, i32
  }
  func.func @transform_5(%arg0: i32) -> (i32, i32) {
    %c0_i32 = arith.constant 0 : i32
    %c0_i32_0 = arith.constant 0 : i32
    %c0_i32_1 = arith.constant 0 : i32
    return %c0_i32, %c0_i32_0 : i32, i32
  }
}

</mosaic_0001>

<sc_bundles>
// kernel: kernel.11.cloned.1.call-start
scs
__scs_entry_jumppad:
0x0: {  	(pc) =	sbr.rel $0x88, $3  }
0x1: {  	(tag) =	ssettag $0x0;
	lr =	simm.s32 $0x1  }
0x2: {  	[smem:$0x3F90] =	sst lr;
	_ =	strace $0xD0000000  }
0x3: {  	_ = 	snop  }
0x4: {  	_ = 	snop  }
0x5: {  	_ = 	snop  }
0x6: {  	_ = 	snop  }
0x7: {  	_ = 	snop  }
__scs_overlays_trampoline_lowered:
0x8: {  	[smem:$0x3F9F] =	sst s0  }
0x9: {  	[smem:$0x3FA0] =	sst s1  }
0xa: {  	[smem:$0x3FA1] =	sst s2  }
0xb: {  	[smem:$0x3FA2] =	sst s3  }
0xc: {  	[smem:$0x3FA3] =	sst s4  }
0xd: {  	[smem:$0x3FA4] =	sst s5  }
0xe: {  	[smem:$0x3FA5] =	sst s6  }
0xf: {  	[smem:$0x3FA6] =	sst s7  }
0x10: {  	[smem:$0x3FA7] =	sst s8  }
0x11: {  	[smem:$0x3FA8] =	sst s9;
	s0 =	simm.s32 @!p0 $0x0  }
0x12: {  	s1 =	sld [smem:$0x3F8E];
	s0 =	simm.s32 @p0 $0x1  }
0x13: {  	[smem:$0x3FA9] =	sst s0;
	s0 =	simm.s32 @!p1 $0x0  }
0x14: {  	s2 =	sld [smem:$0x3F8D];
	s0 =	simm.s32 @p1 $0x1  }
0x15: {  	[smem:$0x3FAA] =	sst s0;
	s0 =	simm.s32 @!p2 $0x0  }
0x16: {  	s3 =	sld [smem:$0x3FDB];
	s0 =	simm.s32 @p2 $0x1  }
0x17: {  	s4 =	simm.s32 $0x1BF5;
	[smem:$0x3FAC] =	sst s0  }
0x18: {  	s0 =	sld [smem:$0x3F8F];
	_ =	swait.ge [sflag:s4], $0x0  }
0x19: {  	s7 =	sld [smem:$0x3F90]  }
0x1a: {  	s8 =	sadd.s32 $0xFFFFE003, lr  }
0x1b: {  	s9 =	sadd.s32 $0xFFFFFEF7, lr;
	s5 =	simm.s32 $0xFFFFFFFF;
	p2 =	slt.u32 s8, $0xFFFFF086  }
0x1c: {  	p1 =	slt.u32 s9, $0xF7A;
	s5 =	simm.s32 @!p2 $0x0  }
0x1d: {  	s5 =	simm.s32 @p1 $0x1;
	p0 =	seq.s32 s7, s2  }
0x1e: {  	s7 =	smul.u32 @!p0 $0xF7A, s2;
	p2 =	seq.s32 @!p0 s5, $0x0  }
0x1f: {  	s9 =	smul.u32 $0xF7A, s1;
	s8 =	simm.s32 @!p0 $0x1BF5;
	p2 =	por !p2, p0  }
0x20: {  	[sflag:s8] =	ssyncset.s32 @!p0 $0xFFFFF086;
	s6 =	sadd.s32 @!p0 s3, s7;
	s7 =	simm.s32 @!p0 $0x108  }
0x21: {  	s3 =	sadd.s32 s3, s9;
	s6 =	sadd.s32 @!p0 $0x88, s6;
	s7 =	simm.s32 @p2 $0x1082  }
0x22: {  	[simem:s7], [sflag:s8] =	dma.local @!p0 [hbm:s6], $0xF7A  }
0x23: {  	s9 =	sor.u32 $0xD0000000, s2;
	s6 =	simm.s32 $0x108;
	_ =	swait.ge @!p0 [sflag:s8], $0x0  }
0x24: {  	s3 =	sadd.s32 $0x88, s3;
	s6 =	simm.s32 @!p1 $0x1082;
	[sflag:s4] =	ssyncset.s32 $0xFFFFF086  }
0x25: {  	[simem:s6], [sflag:s4] =	dma.local [hbm:s3], $0xF7A  }
0x26: {  	[smem:$0x3F90] =	sst s1;
	(tag) =	ssettag s2;
	_ =	strace s9  }
0x27: {  	s1 =	sld [smem:$0x3FA0]  }
0x28: {  	s2 =	sld [smem:$0x3FA1]  }
0x29: {  	s4 =	sld [smem:$0x3FA3]  }
0x2a: {  	p0 =	seq.s32 s5, $0x0;
	s5 =	sld [smem:$0x3FA4]  }
0x2b: {  	s6 =	sld [smem:$0x3FA5]  }
0x2c: {  	s7 =	sld [smem:$0x3FA6]  }
0x2d: {  	s3 =	simm.s32 $0x108;
	s8 =	sld [smem:$0x3FA7]  }
0x2e: {  	s3 =	simm.s32 @!p0 $0x1082;
	s9 =	sld [smem:$0x3FA8]  }
0x2f: {  	lr =	sadd.s32 s0, s3;
	s0 =	sld [smem:$0x3F9F]  }
0x30: {  	s3 =	sld [smem:$0x3FA2]  }
0x31: {  	[smem:$0x3FAB] =	sst s10  }
0x32: {  	s10 =	sld [smem:$0x3FA9];
	_ =	sdelay $0x3  }
0x33: {  	p0 =	seq.s32 s10, $0x1;
	s10 =	sld [smem:$0x3FAB];
	_ =	sdelay $0x3  }
0x34: {  	[smem:$0x3FAB] =	sst s10  }
0x35: {  	s10 =	sld [smem:$0x3FAA];
	_ =	sdelay $0x3  }
0x36: {  	p1 =	seq.s32 s10, $0x1;
	s10 =	sld [smem:$0x3FAB];
	_ =	sdelay $0x3  }
0x37: {  	[smem:$0x3FAB] =	sst s10  }
0x38: {  	s10 =	sld [smem:$0x3FAC]  }
0x39: {  	_ = 	snop;
	(pc) =	sbr.ind lr, $3  }
0x3a: {  	_ = 	snop  }
0x3b: {  	_ = 	snop  }
0x3c: {  	p2 =	seq.s32 s10, $0x1;
	s10 =	sld [smem:$0x3FAB]  }
0x3d: {  	_ =	shalt  }
0x3e: {  	_ =	shalt  }
0x3f: {  	_ =	shalt  }
0x40: {  	_ =	shalt  }
0x41: {  	_ =	shalt  }
0x42: {  	_ =	shalt  }
0x43: {  	_ =	shalt  }
0x44: {  	_ =	shalt  }
0x45: {  	_ =	shalt  }
0x46: {  	_ =	shalt  }
0x47: {  	_ =	shalt  }
0x48: {  	_ =	shalt  }
0x49: {  	_ =	shalt  }
0x4a: {  	_ =	shalt  }
0x4b: {  	_ =	shalt  }
0x4c: {  	_ =	shalt  }
0x4d: {  	_ =	shalt  }
0x4e: {  	_ =	shalt  }
0x4f: {  	_ =	shalt  }
0x50: {  	_ =	shalt  }
0x51: {  	_ =	shalt  }
0x52: {  	_ =	shalt  }
0x53: {  	_ =	shalt  }
0x54: {  	_ =	shalt  }
0x55: {  	_ =	shalt  }
0x56: {  	_ =	shalt  }
0x57: {  	_ =	shalt  }
0x58: {  	_ =	shalt  }
0x59: {  	_ =	shalt  }
0x5a: {  	_ =	shalt  }
0x5b: {  	_ =	shalt  }
0x5c: {  	_ =	shalt  }
0x5d: {  	_ =	shalt  }
0x5e: {  	_ =	shalt  }
0x5f: {  	_ =	shalt  }
0x60: {  	_ =	shalt  }
0x61: {  	_ =	shalt  }
0x62: {  	_ =	shalt  }
0x63: {  	_ =	shalt  }
0x64: {  	_ =	shalt  }
0x65: {  	_ =	shalt  }
0x66: {  	_ =	shalt  }
0x67: {  	_ =	shalt  }
0x68: {  	_ =	shalt  }
0x69: {  	_ =	shalt  }
0x6a: {  	_ =	shalt  }
0x6b: {  	_ =	shalt  }
0x6c: {  	_ =	shalt  }
0x6d: {  	_ =	shalt  }
0x6e: {  	_ =	shalt  }
0x6f: {  	_ =	shalt  }
0x70: {  	_ =	shalt  }
0x71: {  	_ =	shalt  }
0x72: {  	_ =	shalt  }
0x73: {  	_ =	shalt  }
0x74: {  	_ =	shalt  }
0x75: {  	_ =	shalt  }
0x76: {  	_ =	shalt  }
0x77: {  	_ =	shalt  }
0x78: {  	_ =	shalt  }
0x79: {  	_ =	shalt  }
0x7a: {  	_ =	shalt  }
0x7b: {  	_ =	shalt  }
0x7c: {  	_ =	shalt  }
0x7d: {  	_ =	shalt  }
0x7e: {  	_ =	shalt  }
0x7f: {  	_ =	shalt  }
0x80: {  	_ =	shalt  }
0x81: {  	_ =	shalt  }
0x82: {  	_ =	shalt  }
0x83: {  	_ =	shalt  }
0x84: {  	_ =	shalt  }
0x85: {  	_ =	shalt  }
0x86: {  	_ =	shalt  }
0x87: {  	_ =	shalt  }
.Lfunc_end0:
.L_simem_size_0:
called_computation_lowered:
.L_overlay_start_0:
0x88: {  	s2 =	sld [smem:$0x3FD9]  }
0x89: {  	s3 =	sld [smem:$0x3FFE];
	_ =	sdelay $0x1  }
0x8a: {  	s1 =	srdreg.scid  }
0x8b: {  	s0 =	sand.u32 $0x1, s1  }
0x8c: {  	s14 =	sshll.u32 s0, $0xA;
	s2 =	sadd.s32 s3, s2  }
0x8d: {  	s2 =	sadd.s32 s2, s14  }
0x8e: {  	[smem:$0x3FB7] =	sst s2  }
0x8f: {  	_ = 	snop  }
0x90: {  	s2 =	sld [smem:$0x3FD0];
	_ =	sdelay $0x2  }
0x91: {  	s15 =	simm.s32 $0xA;
	s4 =	simm.s32 $0x10  }
0x92: {  	[smem:s4], [sflag:s15] =	dma.local [hbm:s2], $0x1  }
0x93: {  	_ =	swait.eq [sflag:s15], $0x1  }
0x94: {  	[sflag:s15] =	ssyncset.done $0x0  }
0x95: {  	[sflag:s15] =	ssyncadd.s32 $0xFFFFFFFF  }
0x96: {  	s16 =	sld [smem:$0x10];
	(tm) =	ssettm $0x1  }
0x97: {  	s17 =	sld [smem:$0x3FFB];
	_ =	sdelay $0x3  }
0x98: {  	_ =	strace s17  }
0x99: {  	s3 =	sld [smem:$0x3FFC];
	_ =	sdelay $0x3  }
0x9a: {  	_ =	strace s3  }
0x9b: {  	s3 =	sld [smem:$0x3FFD];
	_ =	sdelay $0x3  }
0x9c: {  	_ =	strace s3  }
0x9d: {  	_ =	strace $0x8FFFFFFF  }
0x9e: {  	s18 =	sld [smem:$0x3FDB];
	_ =	sdelay $0x1  }
0x9f: {  	s19 =	simm.s32 $_scs_section_size  }
0xa0: {  	s5 =	simm.s32 $_size__tile_overlayer_lowered;
	s6 =	simm.s32 $_tile_overlayer_lowered  }
0xa1: {  	s22 =	simm.s32 $0x1BFF;
	s21 =	sshll.u32 s6, $0x1;
	s3 =	sadd.s32 s19, s18  }
0xa2: {  	s7 =	simm.s32 $0x0;
	s20 =	sshll.u32 s5, $0x1;
	s5 =	sadd.s32 s21, s3  }
0xa3: {  	[timem:s7], [sflag:s22] =	dma.local [hbm:s5], s20  }
0xa4: {  	_ =	swait.ge [sflag:s22], s20  }
0xa5: {  	s4 =	ssub.s32 $0x0, s20;
	[sflag:s22] =	ssyncset.done $0x0  }
0xa6: {  	[sflag:s22] =	ssyncadd.s32 s4;
	_ =	sdelay $0x1  }
0xa7: {  	s23 =	simm.s32 $0x1B8B  }
0xa8: {  	_ =	swait.ge [sflag:s23], $0x1  }
0xa9: {  	[sflag:s23] =	ssyncset.done $0x0  }
0xaa: {  	s25 =	simm.s32 $0x1B8E;
	s24 =	sld [smem:$0x3FFE];
	[sflag:s23] =	ssyncadd.s32 $0xFFFFFFFF  }
0xab: {  	s26 =	simm.s32 $execute0_lowered;
	[smem:$0x3FD2] =	sst s25  }
0xac: {  	s5 =	sshll.u32 s26, $0x1;
	_ =	strace $0x80000046;
	[dreg:$0x1] =	wrdreg $0xFFFFFFFF  }
0xad: {  	s28 =	simm.s32 $_size_execute0_lowered;
	s3 =	sadd.s32 s3, s5;
	[dreg:$0x0] =	wrdreg $0x0  }
0xae: {  	s5 =	sshll.u32 s28, $0x1;
	[dreg:$0x2] =	wrdreg s3  }
0xaf: {  	[dreg:$0x3] =	wrdreg s5  }
0xb0: {  	[dreg:$0x4] =	wrdreg $0xC0  }
0xb1: {  	_ =	task [dreg:s7], $0x5FFFF  }
0xb2: {  	[dreg:$0x1] =	wrdreg $0xFFFFFFFF  }
0xb3: {  	[dreg:$0x0] =	wrdreg $0x60  }
0xb4: {  	[dreg:$0x2] =	wrdreg s24  }
0xb5: {  	[dreg:$0x3] =	wrdreg s16  }
0xb6: {  	[dreg:$0x4] =	wrdreg $0x0  }
0xb7: {  	[dreg:$0x5] =	wrdreg $0x19000  }
0xb8: {  	[dreg:$0x6] =	wrdreg $0x32000  }
0xb9: {  	[dreg:$0x7] =	wrdreg $0x4B000  }
0xba: {  	[dreg:$0x8] =	wrdreg $0x9  }
0xbb: {  	_ =	task.clear_ibuf [dreg:s7], $0x9FFFF;
	_ =	strace $0x90000046  }
0xbc: {  	s29 =	simm.s32 $0x9;
	_ =	strace $0x80000051  }
0xbd: {  	_ =	swait.ge [sflag:s29], $0x1  }
0xbe: {  	[sflag:s29] =	ssyncadd.s32 $0xFFFFFFFF  }
0xbf: {  	_ =	strace $0x90000051  }
0xc0: {  	_ =	sfence  }
0xc1: {  	s30 =	sld [smem:$0x0];
	_ =	sdelay $0x2  }
0xc2: {  	s31 =	sshll.u32 s1, $0xD;
	s1 =	sshrl.u32 s1, $0x2  }
0xc3: {  	s3 =	sand.u32 $0x4000, s31;
	s1 =	sadd.s32 s1, s30  }
0xc4: {  	s0 =	sor.u32 s3, s0;
	s1 =	sshll.u32 s1, $0x11  }
0xc5: {  	s0 =	sor.u32 s1, s0  }
0xc6: {  	s0 =	sadd.s32 $0x8F2B, s0  }
0xc7: {  	[sflag:s0] =	ssyncadd.remote.s32 $0x1  }
0xc8: {  	_ =	sfence.sel $0xFFFF  }
0xc9: {  	[dreg:$0x0] =	wrdreg $0xFFFFFFFF;
	(pc) =	sbr.abs _section_cstart, $3  }
0xca: {  	[dreg:$0x1] =	wrdreg $0xFFFFFFFF  }
0xcb: {  	_ =	task.clear_ibuf [dreg:s7], $0x2FFFF;
	_ =	strace $0x9FFFFFFF  }
0xcc: {  	(tm) =	ssettm $0x7FFFFFFF  }
0xcd: {  	_ =	shalt  }
tec
execute0_lowered:
.L_overlay_start_1:
0x0: {  	(tag) =	ssettag $0x1  }
0x1: {  	s0 =	rddreg [dreg:$0x0]  }
0x2: {  	s1 =	rddreg [dreg:$0x1]  }
0x3: {  	s5 =	rddreg [dreg:$0x2]  }
0x4: {  	s7 =	rddreg [dreg:$0x3]  }
0x5: {  	s12 =	rddreg [dreg:$0x4]  }
0x6: {  	s13 =	rddreg [dreg:$0x5]  }
0x7: {  	s4 =	stileid.u32;
	s3 =	simm.s32 $0x0;
	s21 =	srdreg.scid  }
0x8: {  	s2 =	smul.u32 $0x1900, s4;
	[smem:$0x7FF] =	sst s3  }
0x9: {  	s3 =	sand.u32 $0x1, s21;
	s14 =	sadd.s32 $0x35200, s0;
	s15 =	sadd.s32 $0x3200, s0  }
0xa: {  	_ =	strace $0x80000047;
	[dreg:$0x8] =	wrdreg s14;
	s5 =	sadd.s32 s2, s5  }
0xb: {  	s10 =	ssub.s32 $0x2, s3;
	s24 =	sadd.s32 s2, s7;
	[dreg:$0xa] =	wrdreg s5  }
0xc: {  	s3 =	sshll.u32 s3, $0x4;
	s28 =	sadd.s32 s2, s12;
	[dreg:$0xc] =	wrdreg s24  }
0xd: {  	s6 =	sshrl.u32 s2, $0x3;
	s29 =	sadd.s32 s2, s13;
	[dreg:$0xe] =	wrdreg s28  }
0xe: {  	s9 =	sadd.s32 s6, s0;
	s0 =	sadd.s32 $0x70800, s0;
	[dreg:$0x10] =	wrdreg s29  }
0xf: {  	s11 =	sshrl.u32 s10, $0x1;
	s1 =	sadd.s32 s1, s6;
	[dreg:$0x7] =	wrdreg s0  }
0x10: {  	s3 =	sor.u32 s4, s3;
	s8 =	sadd.s32 $0x67200, s9;
	[dreg:$0xf] =	wrdreg s1  }
0x11: {  	s22 =	ssub.s32 s10, s11;
	s23 =	sadd.s32 $0x6A400, s9;
	[dreg:$0x9] =	wrdreg s8  }
0x12: {  	s25 =	smul.u32 $0x1900, s3;
	s26 =	sadd.s32 $0x6D600, s9;
	[dreg:$0xb] =	wrdreg s23  }
0x13: {  	s17 =	smul.u32 $0x190, s3;
	s0 =	smax.u32 s22, $0x1;
	[dreg:$0xd] =	wrdreg s26  }
0x14: {  	s24 =	simm.s32 $0x80;
	s30 =	sadd.s32 s14, s25;
	[dreg:$0x13] =	wrdreg s0  }
0x15: {  	s1 =	simm.s32 $0x0;
	s31 =	sadd.s32 s15, s25;
	[dreg:$0x11] =	wrdreg s30  }
0x16: {  	s8 =	smov.u32 s15;
	s25 =	simm.s32 $0x7;
	[dreg:$0x12] =	wrdreg s31  }
.LBB2_1:
0x17: {  	[dreg:$0x14] =	wrdreg s1;
	s4 =	simm.s32 $0x0  }
0x18: {  	s0 =	rddreg [dreg:$0x9];
	s3 =	simm.s32 $0x6400;
	s7 =	simm.s32 $0x1  }
0x19: {  	[tilespmem:s3], [sflag:$0x1] =	stream.linear.gather [hbm4b:s0+s4], $0x1900, $0x38;
	[tilespmem:$0x8700] =	vst v63  }
0x1a: {  	_ =	swait.ge [sflag:s7], $0x1900  }
0x1b: {  	[sflag:s7] =	ssyncset.done $0x0  }
0x1c: {  	s5 =	rddreg [dreg:$0xa];
	[sflag:s7] =	ssyncadd.s32 $0xFFFFE700  }
0x1d: {  	[spmem:s5] =	stream.linear.scatter [tilespmem:s3], [sflag:$0x1], $0x1900, $0x38;
	[tilespmem:$0x8700] =	vst v63  }
0x1e: {  	_ =	swait.ge [sflag:s7], $0x1900  }
0x1f: {  	[sflag:s7] =	ssyncset.done $0x0  }
0x20: {  	s6 =	rddreg [dreg:$0xb];
	[sflag:s7] =	ssyncadd.s32 $0xFFFFE700  }
0x21: {  	[tilespmem:s3], [sflag:$0x1] =	stream.linear.gather [hbm4b:s6+s4], $0x1900, $0x38;
	[tilespmem:$0x8700] =	vst v63  }
0x22: {  	_ =	swait.ge [sflag:s7], $0x1900  }
0x23: {  	[sflag:s7] =	ssyncset.done $0x0  }
0x24: {  	s9 =	rddreg [dreg:$0xc];
	[sflag:s7] =	ssyncadd.s32 $0xFFFFE700  }
0x25: {  	[spmem:s9] =	stream.linear.scatter [tilespmem:s3], [sflag:$0x1], $0x1900, $0x38;
	[tilespmem:$0x8700] =	vst v63  }
0x26: {  	_ =	swait.ge [sflag:s7], $0x1900  }
0x27: {  	[sflag:s7] =	ssyncset.done $0x0  }
0x28: {  	s10 =	rddreg [dreg:$0xd];
	[sflag:s7] =	ssyncadd.s32 $0xFFFFE700  }
0x29: {  	[tilespmem:s3], [sflag:$0x1] =	stream.linear.gather [hbm4b:s10+s4], $0x1900, $0x38;
	[tilespmem:$0x8700] =	vst v63  }
0x2a: {  	_ =	swait.ge [sflag:s7], $0x1900  }
0x2b: {  	[sflag:s7] =	ssyncset.done $0x0  }
0x2c: {  	s11 =	rddreg [dreg:$0xe];
	[sflag:s7] =	ssyncadd.s32 $0xFFFFE700  }
0x2d: {  	[spmem:s11] =	stream.linear.scatter [tilespmem:s3], [sflag:$0x1], $0x1900, $0x38;
	[tilespmem:$0x8700] =	vst v63  }
0x2e: {  	_ =	swait.ge [sflag:s7], $0x1900  }
0x2f: {  	[sflag:s7] =	ssyncset.done $0x0  }
0x30: {  	s12 =	rddreg [dreg:$0xf];
	[sflag:s7] =	ssyncadd.s32 $0xFFFFE700  }
0x31: {  	[tilespmem:s3], [sflag:$0x1] =	stream.linear.gather [hbm4b:s12+s4], $0x1900, $0x38;
	[tilespmem:$0x8700] =	vst v63  }
0x32: {  	s1 =	simm.s32 $0x1;
	_ =	swait.ge [sflag:s7], $0x1900  }
0x33: {  	p1 =	por $0x0, $0x0;
	p0 =	por $0x0, $0x0;
	[sflag:s7] =	ssyncset.done $0x0  }
0x34: {  	s1 =	simm.s32 @p1 $0x0;
	s13 =	rddreg [dreg:$0x10];
	[sflag:s7] =	ssyncadd.s32 $0xFFFFE700  }
0x35: {  	[spmem:s13] =	stream.linear.scatter [tilespmem:s3], [sflag:$0x1], $0x1900, $0x38;
	[tilespmem:$0x8700] =	vst v63  }
0x36: {  	p2 =	seq.s32 @!p0 s1, $0x0;
	_ =	swait.ge [sflag:s7], $0x1900  }
0x37: {  	p1 =	por p2, p0;
	[sflag:s7] =	ssyncset.done $0x0  }
0x38: {  	s15 =	simm.s32 $0x7D00;
	s0 =	sadd.s32 @!p1 s17, s1;
	[sflag:s7] =	ssyncadd.s32 $0xFFFFE700  }
0x39: {  	s2 =	sshll.u32 @!p1 s1, $0x7;
	s0 =	sshll.u32 @!p1 s0, $0x7;
	[bflag:$0x0] =	sbarrier.arrive $0xFFFF  }
0x3a: {  	s2 =	sand.u32 @!p1 $0x380, s2;
	s0 =	sand.u32 @!p1 $0xFFFFFC00, s0;
	_ =	strace $0x80000048  }
0x3b: {  	s18 =	simm.s32 $0x7E00;
	s0 =	sor.u32 @!p1 s2, s0;
	s14 =	rddreg [dreg:$0x11]  }
0x3c: {  	[tilespmem:s15], [sflag:$0x1] =	stream.linear.gather [hbm4b:s14+s4], $0x80, $0x200038;
	[tilespmem:$0x8700] =	vst v63  }
0x3d: {  	s0 =	sshrl.u32 @!p1 s0, $0x3;
	s9 =	simm.s32 @!p1 $0x0;
	s16 =	rddreg [dreg:$0x12]  }
0x3e: {  	[tilespmem:s18], [sflag:$0x3] =	stream.linear.gather [hbm4b:s16+s4], $0x80, $0x200038;
	[tilespmem:$0x8700] =	vst v63  }
0x3f: {  	s10 =	sand.u32 @!p1 $0x1, s7;
	s3 =	sand.u32 @!p1 $0x1, s7;
	_ =	strace $0x90000048  }
0x40: {  	s2 =	sshll.u32 @!p1 s3, $0x7;
	s3 =	sadd.s32 @!p1 $0x1, s3;
	s5 =	rddreg [dreg:$0x8]  }
0x41: {  	s2 =	sor.u32 @!p1 $0x7D00, s2;
	_ =	strace @!p1 $0x80000049;
	s6 =	sadd.s32 @!p1 s5, s0  }
0x42: {  	[tilespmem:s2], [sflag:s3] =	stream.linear.gather @!p1 [hbm4b:s6+s9], $0x80, $0x200038;
	[tilespmem:$0x8700] =	vst v63  }
0x43: {  	s0 =	sadd.s32 @!p1 s8, s0;
	s2 =	sshll.u32 @!p1 s10, $0x7;
	_ =	strace @!p1 $0x90000049  }
0x44: {  	s3 =	sadd.s32 @!p1 $0x3, s10;
	s2 =	sor.u32 @!p1 $0x7E00, s2;
	_ =	strace @!p1 $0x8000004A  }
0x45: {  	[tilespmem:s2], [sflag:s3] =	stream.linear.gather @!p1 [hbm4b:s0+s9], $0x80, $0x200038;
	[tilespmem:$0x8700] =	vst v63  }
0x46: {  	s19 =	sand.u32 $0x1, s4;
	_ =	strace @!p1 $0x9000004A  }
0x47: {  	s0 =	sadd.s32 $0x1, s19;
	_ =	strace $0x8000004B  }
0x48: {  	_ =	swait.ge [sflag:s0], $0x80  }
0x49: {  	[sflag:s0] =	ssyncset.done $0x0  }
0x4a: {  	[sflag:s0] =	ssyncadd.s32 $0xFFFFFF80  }
0x4b: {  	s15 =	sand.u32 $0x1, s4;
	_ =	strace $0x9000004B  }
0x4c: {  	s20 =	sadd.s32 $0x3, s15;
	_ =	strace $0x8000004C  }
0x4d: {  	_ =	swait.ge [sflag:s20], $0x80  }
0x4e: {  	s21 =	simm.s32 $0x0;
	[sflag:s20] =	ssyncset.done $0x0  }
0x4f: {  	s26 =	simm.s32 $0x0;
	s31 =	simm.s32 $0x18F;
	[sflag:s20] =	ssyncadd.s32 $0xFFFFFF80  }
0x50: {  	s28 =	simm.s32 $0x1;
	s22 =	sand.u32 $0x80, s21;
	_ =	strace $0x9000004C  }
0x51: {  	p4 =	sne.s32 s1, $0x0;
	s3 =	sshll.u32 s15, $0xA;
	_ =	strace $0x8000004D  }
0x52: {  	s2 =	sor.u32 $0x7D00, s22;
	s14 =	sadd.s32 $0x7F00, s3;
	s23 =	rddreg [dreg:$0x2]  }
0x53: {  	[tilespmem:s14], [sflag:$0x7] =	stream.indirect.gather [spmem:s23], $0x1, s2, s24, $0x2000b8;
	[tilespmem:$0x8700] =	vst v63  }
0x54: {  	s29 =	sadd.s32 s17, s1;
	p3 =	por !p2, p0;
	_ =	swait.ge [sflag:s25], $0x80  }
0x55: {  	p2 =	por p0, p4;
	s6 =	sand.u32 $0x80, s26;
	[sflag:s25] =	ssyncset.done $0x0  }
0x56: {  	s6 =	sor.u32 $0x7E00, s6;
	s5 =	sor.u32 $0x8100, s3;
	[sflag:s25] =	ssyncadd.s32 $0xFFFFFF80  }
0x57: {  	[tilespmem:s5], [sflag:$0x7] =	stream.indirect.gather [spmem:s23], $0x1, s6, s24, $0x2000b8;
	[tilespmem:$0x8700] =	vst v63  }
0x58: {  	s10 =	simm.s32 $0x18E;
	s9 =	sadd.s32 $0x0, s17;
	_ =	swait.ge [sflag:s25], $0x80  }
0x59: {  	s19 =	simm.s32 $0x1;
	s22 =	simm.s32 $0x1;
	[sflag:s25] =	ssyncset.done $0x0  }
0x5a: {  	s11 =	sadd.s32 $0x7F80, s3;
	s19 =	simm.s32 @!p2 $0x0;
	[sflag:s25] =	ssyncadd.s32 $0xFFFFFF80  }
0x5b: {  	s9 =	sshll.u32 @p2 s9, $0x7;
	s13 =	sor.u32 $0x8180, s3;
	s12 =	rddreg [dreg:$0x3]  }
0x5c: {  	[tilespmem:s11], [sflag:$0x7] =	stream.indirect.gather [spmem:s12], $0x1, s2, s24, $0x2000b8;
	[tilespmem:$0x8700] =	vst v63  }
0x5d: {  	s18 =	sand.u32 @p2 $0x1FFFFF80, s9;
	s9 =	simm.s32 $0x0;
	_ =	swait.ge [sflag:s25], $0x80  }
0x5e: {  	s21 =	sor.u32 $0x8080, s3;
	s9 =	simm.s32 @p3 $0x1;
	[sflag:s25] =	ssyncset.done $0x0  }
0x5f: {  	p2 =	por p2, p2;
	s9 =	simm.s32 @p0 $0x0;
	[sflag:s25] =	ssyncadd.s32 $0xFFFFFF80  }
0x60: {  	[tilespmem:s13], [sflag:$0x7] =	stream.indirect.gather [spmem:s12], $0x1, s6, s24, $0x2000b8;
	[tilespmem:$0x8700] =	vst v63  }
0x61: {  	s0 =	simm.s32 $0x190;
	s20 =	sor.u32 $0x8200, s3;
	_ =	swait.ge [sflag:s25], $0x80  }
0x62: {  	s23 =	sadd.s32 $0x0, s19;
	s11 =	simm.s32 @!p1 $0x2;
	[sflag:s25] =	ssyncset.done $0x0  }
0x63: {  	p1 =	por $0x0, $0x0;
	s22 =	smov.u32 @p3 s11;
	[sflag:s25] =	ssyncadd.s32 $0xFFFFFF80  }
0x64: {  	p3 =	por $0x0, $0x0;
	s12 =	sor.u32 $0x8000, s3;
	s16 =	rddreg [dreg:$0x4]  }
0x65: {  	[tilespmem:s12], [sflag:$0x7] =	stream.indirect.gather [spmem:s16], $0x1, s2, s24, $0x2000b8;
	[tilespmem:$0x8700] =	vst v63  }
0x66: {  	s11 =	smov.u32 s23;
	s22 =	smov.u32 @p0 s7;
	_ =	swait.ge [sflag:s25], $0x80  }
0x67: {  	s13 =	sadd.s32 $0x1, s9;
	s12 =	sadd.s32 $0x1, s1;
	[sflag:s25] =	ssyncset.done $0x0  }
0x68: {  	s3 =	sor.u32 $0x8280, s3;
	p0 =	seq.s32 s12, $0x190;
	[sflag:s25] =	ssyncadd.s32 $0xFFFFFF80  }
0x69: {  	[tilespmem:s20], [sflag:$0x7] =	stream.indirect.gather [spmem:s16], $0x1, s6, s24, $0x2000b8;
	[tilespmem:$0x8700] =	vst v63  }
0x6a: {  	s9 =	simm.s32 $0x0;
	s12 =	simm.s32 @p0 $0x0;
	_ =	swait.ge [sflag:s25], $0x80  }
0x6b: {  	p5 =	seq.s32 @!p3 s1, s12;
	p0 =	sne.s32 s1, s12;
	[sflag:s25] =	ssyncset.done $0x0  }
0x6c: {  	s1 =	smov.u32 s23;
	p0 =	por p3, p0;
	[sflag:s25] =	ssyncadd.s32 $0xFFFFFF80  }
0x6d: {  	p4 =	por !p5, p3;
	s20 =	smov.u32 s23;
	s26 =	rddreg [dreg:$0x5]  }
0x6e: {  	[tilespmem:s21], [sflag:$0x7] =	stream.indirect.gather [spmem:s26], $0x1, s2, s24, $0x2000b8;
	[tilespmem:$0x8700] =	vst v63  }
0x6f: {  	s16 =	smov.u32 s13;
	s2 =	simm.s32 $0x1;
	_ =	swait.ge [sflag:s25], $0x80  }
0x70: {  	s28 =	simm.s32 @!p0 $0x0;
	s2 =	simm.s32 @!p1 $0x0;
	[sflag:s25] =	ssyncset.done $0x0  }
0x71: {  	s21 =	simm.s32 $0x0;
	s30 =	sadd.s32 $0x0, s2;
	[sflag:s25] =	ssyncadd.s32 $0xFFFFFF80  }
0x72: {  	[tilespmem:s3], [sflag:$0x7] =	stream.indirect.gather [spmem:s26], $0x1, s6, s24, $0x2000b8;
	[tilespmem:$0x8700] =	vst v63  }
.LBB2_2:
0x73: {  	_ =	swait.ge [sflag:s25], $0x80  }
0x74: {  	[sflag:s25] =	ssyncset.done $0x0  }
0x75: {  	s9 =	sadd.s32 s19, s9;
	[sflag:s25] =	ssyncadd.s32 $0xFFFFFF80  }
0x76: {  	s19 =	sadd.s32 @p2 $0x5, s15;
	s5 =	simm.s32 @p2 $0x0;
	_ =	strace $0x9000004D  }
0x77: {  	p6 =	seq.s32 s0, $0x190;
	p5 =	por p5, p3;
	_ =	strace @p2 $0x8000004E  }
0x78: {  	s0 =	smov.u32 s31;
	s31 =	sshll.u32 @!p5 s12, $0x7;
	s7 =	rddreg [dreg:$0x7]  }
0x79: {  	s16 =	sand.u32 @!p5 $0x1, s16;
	s7 =	sadd.s32 @p2 s7, s18;
	s18 =	sand.u32 @!p6 $0x1, s21  }
0x7a: {  	[hbm4b:s7+s5] =	stream.linear.scatter @p2 [tilespmem:s14], [sflag:s19], $0x400, $0x200038;
	[tilespmem:$0x8700] =	vst v63  }
0x7b: {  	s21 =	sadd.s32 @!p5 s17, s12;
	s18 =	sadd.s32 @!p6 $0x5, s18;
	_ =	strace @p2 $0x9000004E  }
0x7c: {  	s5 =	sshll.u32 @!p5 s21, $0x7;
	s7 =	sand.u32 @!p5 $0x380, s31;
	_ =	strace @!p6 $0x8000004F  }
0x7d: {  	s14 =	sand.u32 @!p5 $0x1, s22;
	s5 =	sand.u32 @!p5 $0xFFFFFC00, s5;
	_ =	swait.ge @!p6 [sflag:s18], $0x400  }
0x7e: {  	s21 =	simm.s32 @!p5 $0x0;
	s5 =	sor.u32 @!p5 s7, s5;
	[sflag:s18] =	ssyncset.done @!p6 $0x0  }
0x7f: {  	s7 =	sshll.u32 @!p5 s14, $0x7;
	s14 =	sadd.s32 @!p5 $0x1, s14;
	[sflag:s18] =	ssyncadd.s32 @!p6 $0xFFFFFC00  }
0x80: {  	s5 =	sshrl.u32 @!p5 s5, $0x3;
	s19 =	rddreg [dreg:$0x8];
	_ =	strace @!p6 $0x9000004F  }
0x81: {  	s7 =	sor.u32 @!p5 $0x7D00, s7;
	s19 =	sadd.s32 @!p5 s19, s5;
	_ =	strace @!p5 $0x80000049  }
0x82: {  	[tilespmem:s7], [sflag:s14] =	stream.linear.gather @!p5 [hbm4b:s19+s21], $0x80, $0x200038;
	[tilespmem:$0x8700] =	vst v63  }
0x83: {  	s5 =	sadd.s32 @!p5 s8, s5;
	s18 =	sshll.u32 @!p5 s16, $0x7;
	_ =	strace @!p5 $0x90000049  }
0x84: {  	s16 =	sadd.s32 @!p5 $0x3, s16;
	s14 =	sor.u32 @!p5 $0x7E00, s18;
	_ =	strace @!p5 $0x8000004A  }
0x85: {  	[tilespmem:s14], [sflag:s16] =	stream.linear.gather @!p5 [hbm4b:s5+s21], $0x80, $0x200038;
	[tilespmem:$0x8700] =	vst v63  }
0x86: {  	s3 =	sshll.u32 @p0 s29, $0x7;
	s15 =	sand.u32 $0x1, s9;
	_ =	strace @!p5 $0x9000004A  }
0x87: {  	s29 =	simm.s32 $0x0;
	s19 =	sadd.s32 $0x1, s15;
	_ =	strace $0x8000004B  }
0x88: {  	s29 =	simm.s32 @p4 $0x1;
	_ =	swait.ge [sflag:s19], $0x80  }
0x89: {  	s29 =	simm.s32 @p3 $0x0;
	[sflag:s19] =	ssyncset.done $0x0  }
0x8a: {  	s4 =	sadd.s32 s17, s12;
	s13 =	sadd.s32 s13, s29;
	[sflag:s19] =	ssyncadd.s32 $0xFFFFFF80  }
0x8b: {  	s29 =	smov.u32 s4;
	s4 =	sand.u32 $0x1, s20;
	_ =	strace $0x9000004B  }
0x8c: {  	s2 =	smov.u32 s22;
	s4 =	sadd.s32 $0x3, s4;
	_ =	strace $0x8000004C  }
0x8d: {  	s26 =	smov.u32 s10;
	s3 =	sand.u32 @p0 $0x1FFFFF80, s3;
	_ =	swait.ge [sflag:s4], $0x80  }
0x8e: {  	s7 =	sadd.s32 @!p5 $0x1, s22;
	s18 =	smov.u32 s3;
	[sflag:s4] =	ssyncset.done $0x0  }
0x8f: {  	s15 =	sand.u32 $0x1, s11;
	s22 =	smov.u32 @p4 s7;
	[sflag:s4] =	ssyncadd.s32 $0xFFFFFF80  }
0x90: {  	s3 =	sshll.u32 s15, $0xA;
	s21 =	sshll.u32 s9, $0x7;
	_ =	strace $0x9000004C  }
0x91: {  	s22 =	smov.u32 @p3 s2;
	s2 =	sand.u32 $0x80, s21;
	_ =	strace $0x8000004D  }
0x92: {  	s14 =	sadd.s32 $0x7F00, s3;
	s2 =	sor.u32 $0x7D00, s2;
	s7 =	rddreg [dreg:$0x2]  }
0x93: {  	[tilespmem:s14], [sflag:$0x7] =	stream.indirect.gather [spmem:s7], $0x1, s2, s24, $0x2000b8;
	[tilespmem:$0x8700] =	vst v63  }
0x94: {  	s31 =	smov.u32 s26;
	s26 =	sshll.u32 s20, $0x7;
	_ =	swait.ge [sflag:s25], $0x80  }
0x95: {  	s5 =	sand.u32 $0x80, s26;
	[sflag:s25] =	ssyncset.done $0x0  }
0x96: {  	s26 =	sor.u32 $0x7E00, s5;
	s4 =	sor.u32 $0x8100, s3;
	[sflag:s25] =	ssyncadd.s32 $0xFFFFFF80  }
0x97: {  	[tilespmem:s4], [sflag:$0x7] =	stream.indirect.gather [spmem:s7], $0x1, s26, s24, $0x2000b8;
	[tilespmem:$0x8700] =	vst v63  }
0x98: {  	_ =	swait.ge [sflag:s25], $0x80  }
0x99: {  	[sflag:s25] =	ssyncset.done $0x0  }
0x9a: {  	[sflag:s25] =	ssyncadd.s32 $0xFFFFFF80  }
0x9b: {  	s5 =	sadd.s32 $0x7F80, s3;
	s7 =	rddreg [dreg:$0x3]  }
0x9c: {  	[tilespmem:s5], [sflag:$0x7] =	stream.indirect.gather [spmem:s7], $0x1, s2, s24, $0x2000b8;
	[tilespmem:$0x8700] =	vst v63  }
0x9d: {  	_ =	swait.ge [sflag:s25], $0x80  }
0x9e: {  	[sflag:s25] =	ssyncset.done $0x0  }
0x9f: {  	s4 =	sor.u32 $0x8180, s3;
	[sflag:s25] =	ssyncadd.s32 $0xFFFFFF80  }
0xa0: {  	[tilespmem:s4], [sflag:$0x7] =	stream.indirect.gather [spmem:s7], $0x1, s26, s24, $0x2000b8;
	[tilespmem:$0x8700] =	vst v63  }
0xa1: {  	s23 =	sadd.s32 s28, s23;
	_ =	swait.ge [sflag:s25], $0x80  }
0xa2: {  	s6 =	smov.u32 s12;
	s10 =	sadd.s32 $0xFFFFFFFF, s10;
	[sflag:s25] =	ssyncset.done $0x0  }
0xa3: {  	s1 =	sadd.s32 s28, s1;
	p1 =	sne.s32 s10, $0x0;
	[sflag:s25] =	ssyncadd.s32 $0xFFFFFF80  }
0xa4: {  	s12 =	sadd.s32 $0x1, s12;
	s5 =	sor.u32 $0x8000, s3;
	s7 =	rddreg [dreg:$0x4]  }
0xa5: {  	[tilespmem:s5], [sflag:$0x7] =	stream.indirect.gather [spmem:s7], $0x1, s2, s24, $0x2000b8;
	[tilespmem:$0x8700] =	vst v63  }
0xa6: {  	p2 =	por p0, p0;
	p0 =	seq.s32 s12, $0x190;
	_ =	swait.ge [sflag:s25], $0x80  }
0xa7: {  	s20 =	smov.u32 s1;
	s12 =	simm.s32 @p0 $0x0;
	[sflag:s25] =	ssyncset.done $0x0  }
0xa8: {  	p0 =	sne.s32 s6, s12;
	s4 =	sor.u32 $0x8200, s3;
	[sflag:s25] =	ssyncadd.s32 $0xFFFFFF80  }
0xa9: {  	[tilespmem:s4], [sflag:$0x7] =	stream.indirect.gather [spmem:s7], $0x1, s26, s24, $0x2000b8;
	[tilespmem:$0x8700] =	vst v63  }
0xaa: {  	s11 =	smov.u32 s23;
	p4 =	sne.s32 s0, $0x190;
	_ =	swait.ge [sflag:s25], $0x80  }
0xab: {  	p3 =	seq.s32 s31, $0x1;
	s16 =	smov.u32 s13;
	[sflag:s25] =	ssyncset.done $0x0  }
0xac: {  	p0 =	por p3, p0;
	s21 =	smov.u32 s30;
	[sflag:s25] =	ssyncadd.s32 $0xFFFFFF80  }
0xad: {  	p5 =	seq.s32 @!p3 s6, s12;
	s5 =	sor.u32 $0x8080, s3;
	s7 =	rddreg [dreg:$0x5]  }
0xae: {  	[tilespmem:s5], [sflag:$0x7] =	stream.indirect.gather [spmem:s7], $0x1, s2, s24, $0x2000b8;
	[tilespmem:$0x8700] =	vst v63  }
.Ltmp0:
0xaf: {  	s19 =	smov.u32 s28;
	s28 =	simm.s32 $0x1;
	(pc) =	sbr.rel @p1 .LBB2_2-.Ltmp0, $4  }
0xb0: {  	s28 =	simm.s32 @!p0 $0x0;
	s4 =	simm.s32 $0x1;
	_ =	swait.ge [sflag:s25], $0x80  }
0xb1: {  	s3 =	sor.u32 $0x8280, s3;
	s4 =	simm.s32 @!p4 $0x0;
	[sflag:s25] =	ssyncset.done $0x0  }
0xb2: {  	p4 =	por !p5, p3;
	s30 =	sadd.s32 s4, s30;
	[sflag:s25] =	ssyncadd.s32 $0xFFFFFF80  }
0xb3: {  	[tilespmem:s3], [sflag:$0x7] =	stream.indirect.gather [spmem:s7], $0x1, s26, s24, $0x2000b8;
	[tilespmem:$0x8700] =	vst v63  }
0xb4: {  	_ =	swait.ge [sflag:s25], $0x80  }
0xb5: {  	[sflag:s25] =	ssyncset.done $0x0  }
0xb6: {  	[sflag:s25] =	ssyncadd.s32 $0xFFFFFF80  }
0xb7: {  	_ =	strace $0x9000004D  }
0xb8: {  	s2 =	sadd.s32 @p2 $0x5, s15;
	s3 =	simm.s32 @p2 $0x0;
	_ =	strace @p2 $0x8000004E  }
0xb9: {  	p4 =	seq.s32 s0, $0x190;
	p1 =	por p5, p3;
	s1 =	rddreg [dreg:$0x7]  }
0xba: {  	s0 =	sand.u32 @!p4 $0x1, s21;
	s4 =	simm.s32 @!p1 $0x0;
	s1 =	sadd.s32 @p2 s1, s18  }
0xbb: {  	[hbm4b:s1+s3] =	stream.linear.scatter @p2 [tilespmem:s14], [sflag:s2], $0x400, $0x200038;
	[tilespmem:$0x8700] =	vst v63  }
0xbc: {  	s0 =	sadd.s32 @!p4 $0x5, s0;
	s1 =	sadd.s32 @!p1 s17, s12;
	_ =	strace @p2 $0x9000004E  }
0xbd: {  	s2 =	sshll.u32 @!p1 s12, $0x7;
	s1 =	sshll.u32 @!p1 s1, $0x7;
	_ =	strace @!p4 $0x8000004F  }
0xbe: {  	s2 =	sand.u32 @!p1 $0x380, s2;
	s1 =	sand.u32 @!p1 $0xFFFFFC00, s1;
	_ =	swait.ge @!p4 [sflag:s0], $0x400  }
0xbf: {  	s3 =	sand.u32 @!p1 $0x1, s22;
	s1 =	sor.u32 @!p1 s2, s1;
	[sflag:s0] =	ssyncset.done @!p4 $0x0  }
0xc0: {  	s2 =	sshll.u32 @!p1 s3, $0x7;
	s1 =	sshrl.u32 @!p1 s1, $0x3;
	[sflag:s0] =	ssyncadd.s32 @!p4 $0xFFFFFC00  }
0xc1: {  	s0 =	sor.u32 @!p1 $0x7D00, s2;
	s2 =	rddreg [dreg:$0x8];
	_ =	strace @!p4 $0x9000004F  }
0xc2: {  	s3 =	sadd.s32 @!p1 $0x1, s3;
	s2 =	sadd.s32 @!p1 s2, s1;
	_ =	strace @!p1 $0x80000049  }
0xc3: {  	[tilespmem:s0], [sflag:s3] =	stream.linear.gather @!p1 [hbm4b:s2+s4], $0x80, $0x200038;
	[tilespmem:$0x8700] =	vst v63  }
0xc4: {  	s10 =	sadd.s32 s19, s9;
	s0 =	sand.u32 @!p1 $0x1, s16  }
0xc5: {  	s1 =	sadd.s32 @!p1 s8, s1;
	s2 =	sshll.u32 @!p1 s0, $0x7;
	_ =	strace @!p1 $0x90000049  }
0xc6: {  	s0 =	sadd.s32 @!p1 $0x3, s0;
	s2 =	sor.u32 @!p1 $0x7E00, s2;
	_ =	strace @!p1 $0x8000004A  }
0xc7: {  	[tilespmem:s2], [sflag:s0] =	stream.linear.gather @!p1 [hbm4b:s1+s4], $0x80, $0x200038;
	[tilespmem:$0x8700] =	vst v63  }
0xc8: {  	s12 =	sand.u32 $0x1, s10;
	_ =	strace @!p1 $0x9000004A  }
0xc9: {  	s1 =	sadd.s32 $0x1, s12;
	_ =	strace $0x8000004B  }
0xca: {  	_ =	swait.ge [sflag:s1], $0x80  }
0xcb: {  	[sflag:s1] =	ssyncset.done $0x0  }
0xcc: {  	[sflag:s1] =	ssyncadd.s32 $0xFFFFFF80  }
0xcd: {  	s13 =	sand.u32 $0x1, s20;
	_ =	strace $0x9000004B  }
0xce: {  	s1 =	sadd.s32 $0x3, s13;
	_ =	strace $0x8000004C  }
0xcf: {  	_ =	swait.ge [sflag:s1], $0x80  }
0xd0: {  	[sflag:s1] =	ssyncset.done $0x0  }
0xd1: {  	[sflag:s1] =	ssyncadd.s32 $0xFFFFFF80  }
0xd2: {  	s2 =	sand.u32 $0x1, s11;
	s0 =	sshll.u32 s10, $0x7;
	_ =	strace $0x9000004C  }
0xd3: {  	s14 =	sshll.u32 s2, $0xA;
	s0 =	sand.u32 $0x80, s0;
	_ =	strace $0x8000004D  }
0xd4: {  	s3 =	sadd.s32 $0x7F00, s14;
	s0 =	sor.u32 $0x7D00, s0;
	s6 =	rddreg [dreg:$0x2]  }
0xd5: {  	[tilespmem:s3], [sflag:$0x7] =	stream.indirect.gather [spmem:s6], $0x1, s0, s24, $0x2000b8;
	[tilespmem:$0x8700] =	vst v63  }
0xd6: {  	s15 =	sshll.u32 s20, $0x7;
	_ =	swait.ge [sflag:s25], $0x80  }
0xd7: {  	s4 =	sand.u32 $0x80, s15;
	[sflag:s25] =	ssyncset.done $0x0  }
0xd8: {  	s4 =	sor.u32 $0x7E00, s4;
	s5 =	sor.u32 $0x8100, s14;
	[sflag:s25] =	ssyncadd.s32 $0xFFFFFF80  }
0xd9: {  	[tilespmem:s5], [sflag:$0x7] =	stream.indirect.gather [spmem:s6], $0x1, s4, s24, $0x2000b8;
	[tilespmem:$0x8700] =	vst v63  }
0xda: {  	_ =	swait.ge [sflag:s25], $0x80  }
0xdb: {  	[sflag:s25] =	ssyncset.done $0x0  }
0xdc: {  	[sflag:s25] =	ssyncadd.s32 $0xFFFFFF80  }
0xdd: {  	s16 =	sadd.s32 $0x7F80, s14;
	s18 =	rddreg [dreg:$0x3]  }
0xde: {  	[tilespmem:s16], [sflag:$0x7] =	stream.indirect.gather [spmem:s18], $0x1, s0, s24, $0x2000b8;
	[tilespmem:$0x8700] =	vst v63  }
0xdf: {  	_ =	swait.ge [sflag:s25], $0x80  }
0xe0: {  	[sflag:s25] =	ssyncset.done $0x0  }
0xe1: {  	s19 =	sor.u32 $0x8180, s14;
	[sflag:s25] =	ssyncadd.s32 $0xFFFFFF80  }
0xe2: {  	[tilespmem:s19], [sflag:$0x7] =	stream.indirect.gather [spmem:s18], $0x1, s4, s24, $0x2000b8;
	[tilespmem:$0x8700] =	vst v63  }
0xe3: {  	_ =	swait.ge [sflag:s25], $0x80  }
0xe4: {  	[sflag:s25] =	ssyncset.done $0x0  }
0xe5: {  	[sflag:s25] =	ssyncadd.s32 $0xFFFFFF80  }
0xe6: {  	s20 =	sor.u32 $0x8000, s14;
	s21 =	rddreg [dreg:$0x4]  }
0xe7: {  	[tilespmem:s20], [sflag:$0x7] =	stream.indirect.gather [spmem:s21], $0x1, s0, s24, $0x2000b8;
	[tilespmem:$0x8700] =	vst v63  }
0xe8: {  	_ =	swait.ge [sflag:s25], $0x80  }
0xe9: {  	[sflag:s25] =	ssyncset.done $0x0  }
0xea: {  	s22 =	sor.u32 $0x8200, s14;
	[sflag:s25] =	ssyncadd.s32 $0xFFFFFF80  }
0xeb: {  	[tilespmem:s22], [sflag:$0x7] =	stream.indirect.gather [spmem:s21], $0x1, s4, s24, $0x2000b8;
	[tilespmem:$0x8700] =	vst v63  }
0xec: {  	_ =	swait.ge [sflag:s25], $0x80  }
0xed: {  	[sflag:s25] =	ssyncset.done $0x0  }
0xee: {  	[sflag:s25] =	ssyncadd.s32 $0xFFFFFF80  }
0xef: {  	s23 =	sor.u32 $0x8080, s14;
	s26 =	rddreg [dreg:$0x5]  }
0xf0: {  	[tilespmem:s23], [sflag:$0x7] =	stream.indirect.gather [spmem:s26], $0x1, s0, s24, $0x2000b8;
	[tilespmem:$0x8700] =	vst v63  }
0xf1: {  	_ =	swait.ge [sflag:s25], $0x80  }
0xf2: {  	[sflag:s25] =	ssyncset.done $0x0  }
0xf3: {  	s28 =	sor.u32 $0x8280, s14;
	[sflag:s25] =	ssyncadd.s32 $0xFFFFFF80  }
0xf4: {  	[tilespmem:s28], [sflag:$0x7] =	stream.indirect.gather [spmem:s26], $0x1, s4, s24, $0x2000b8;
	[tilespmem:$0x8700] =	vst v63  }
0xf5: {  	_ =	swait.ge [sflag:s25], $0x80  }
0xf6: {  	[sflag:s25] =	ssyncset.done $0x0  }
0xf7: {  	[sflag:s25] =	ssyncadd.s32 $0xFFFFFF80  }
0xf8: {  	p1 =	por p0, p0;
	_ =	strace $0x9000004D  }
0xf9: {  	s1 =	sshll.u32 @p0 s29, $0x7;
	_ =	strace @p1 $0x8000004E  }
0xfa: {  	s2 =	sadd.s32 @p1 $0x5, s2;
	s1 =	sand.u32 @p0 $0x1FFFFF80, s1;
	s0 =	rddreg [dreg:$0x7]  }
0xfb: {  	p0 =	seq.s32 s31, $0x190;
	s0 =	sadd.s32 @p1 s0, s1;
	s1 =	simm.s32 @p1 $0x0  }
0xfc: {  	[hbm4b:s0+s1] =	stream.linear.scatter @p1 [tilespmem:s3], [sflag:s2], $0x400, $0x200038;
	[tilespmem:$0x8700] =	vst v63  }
0xfd: {  	s0 =	sand.u32 @!p0 $0x1, s30;
	_ =	strace @p1 $0x9000004E  }
0xfe: {  	s0 =	sadd.s32 @!p0 $0x5, s0;
	_ =	strace @!p0 $0x8000004F  }
0xff: {  	s1 =	simm.s32 $0x1;
	p1 =	sne.s32 s31, $0x190;
	_ =	swait.ge @!p0 [sflag:s0], $0x400  }
0x100: {  	s1 =	simm.s32 @!p1 $0x0;
	[sflag:s0] =	ssyncset.done @!p0 $0x0  }
0x101: {  	s1 =	sadd.s32 s1, s30;
	[sflag:s0] =	ssyncadd.s32 @!p0 $0xFFFFFC00  }
0x102: {  	s29 =	sand.u32 $0x1, s1;
	_ =	strace @!p0 $0x9000004F  }
0x103: {  	s0 =	sadd.s32 $0x5, s29;
	_ =	strace $0x80000050  }
0x104: {  	_ =	swait.ge [sflag:s0], $0x400  }
0x105: {  	s30 =	rddreg [dreg:$0x14]  }
0x106: {  	s31 =	rddreg [dreg:$0x13];
	s1 =	sadd.s32 $0x1, s30  }
0x107: {  	p0 =	sne.s32 s1, s31  }
.Ltmp1:
0x108: {  	_ = 	snop;
	(pc) =	sbr.rel @p0 .LBB2_1-.Ltmp1, $4  }
0x109: {  	_ = 	snop  }
0x10a: {  	[sflag:s0] =	ssyncset.done $0x0  }
0x10b: {  	[sflag:s0] =	ssyncadd.s32 $0xFFFFFC00  }
0x10c: {  	_ =	strace $0x90000050  }
0x10d: {  	_ =	sfence.sel $0x180000  }
0x10e: {  	[bflag:$0x0] =	sbarrier.arrive $0xFFFF  }
0x10f: {  	_ =	strace $0x90000047  }
0x110: {  	s0 =	stileid.u32;
	[bflag:$0x2] =	sbarrier.arrive $0xFFFF  }
0x111: {  	p0 =	sne.s32 s0, $0x0;
	s0 =	rddreg [dreg:$0x6]  }
0x112: {  	s0 =	sadd.s32 @!p0 $0x100000, s0  }
0x113: {  	[sflag:s0] =	ssyncadd.tile.s32 @!p0 $0x1;
	_ =	shalt  }
.Lfunc_end2:
_tile_overlayer_lowered:
.L_overlay_start_2:
0x114: {  	(tag) =	ssettag $0x2  }
0x115: {  	s0 =	rddreg [dreg:$0x0];
	s2 =	stileid.u32  }
0x116: {  	s1 =	rddreg [dreg:$0x1];
	p0 =	sne.s32 s2, $0x0  }
0x117: {  	s3 =	rddreg [dreg:$0x2];
	[bflag:$0x3] =	sbarrier.arrive $0xFFFF;
	s2 =	simm.s32 @!p0 $0x1C01  }
0x118: {  	[timem:s3], [sflag:s2] =	dma.local @!p0 [hbm:s0], s1  }
0x119: {  	s0 =	simm.s32 @!p0 $0x1  }
0x11a: {  	_ =	swait.ge @!p0 [sflag:s0], s1  }
0x11b: {  	s1 =	ssub.s32 @!p0 $0x0, s1;
	[sflag:s0] =	ssyncset.done @!p0 $0x0  }
0x11c: {  	[sflag:s0] =	ssyncadd.s32 @!p0 s1  }
0x11d: {  	[bflag:$0x3] =	sbarrier.arrive $0xFFFF  }
0x11e: {  	_ =	shalt  }

// kernel: kernel.14.cloned.1.call-start
scs
__scs_entry_jumppad:
0x0: {  	(pc) =	sbr.rel $0x88, $3  }
0x1: {  	(tag) =	ssettag $0x0;
	lr =	simm.s32 $0x1  }
0x2: {  	[smem:$0x3F90] =	sst lr;
	_ =	strace $0xD0000000  }
0x3: {  	_ = 	snop  }
0x4: {  	_ = 	snop  }
0x5: {  	_ = 	snop  }
0x6: {  	_ = 	snop  }
0x7: {  	_ = 	snop  }
__scs_overlays_trampoline_lowered:
0x8: {  	[smem:$0x3F9F] =	sst s0  }
0x9: {  	[smem:$0x3FA0] =	sst s1  }
0xa: {  	[smem:$0x3FA1] =	sst s2  }
0xb: {  	[smem:$0x3FA2] =	sst s3  }
0xc: {  	[smem:$0x3FA3] =	sst s4  }
0xd: {  	[smem:$0x3FA4] =	sst s5  }
0xe: {  	[smem:$0x3FA5] =	sst s6  }
0xf: {  	[smem:$0x3FA6] =	sst s7  }
0x10: {  	[smem:$0x3FA7] =	sst s8  }
0x11: {  	[smem:$0x3FA8] =	sst s9;
	s0 =	simm.s32 @!p0 $0x0  }
0x12: {  	s1 =	sld [smem:$0x3F8E];
	s0 =	simm.s32 @p0 $0x1  }
0x13: {  	[smem:$0x3FA9] =	sst s0;
	s0 =	simm.s32 @!p1 $0x0  }
0x14: {  	s2 =	sld [smem:$0x3F8D];
	s0 =	simm.s32 @p1 $0x1  }
0x15: {  	[smem:$0x3FAA] =	sst s0;
	s0 =	simm.s32 @!p2 $0x0  }
0x16: {  	s3 =	sld [smem:$0x3FDB];
	s0 =	simm.s32 @p2 $0x1  }
0x17: {  	s4 =	simm.s32 $0x1BF5;
	[smem:$0x3FAC] =	sst s0  }
0x18: {  	s0 =	sld [smem:$0x3F8F];
	_ =	swait.ge [sflag:s4], $0x0  }
0x19: {  	s7 =	sld [smem:$0x3F90]  }
0x1a: {  	s8 =	sadd.s32 $0xFFFFE003, lr  }
0x1b: {  	s9 =	sadd.s32 $0xFFFFFEF7, lr;
	s5 =	simm.s32 $0xFFFFFFFF;
	p2 =	slt.u32 s8, $0xFFFFF086  }
0x1c: {  	p1 =	slt.u32 s9, $0xF7A;
	s5 =	simm.s32 @!p2 $0x0  }
0x1d: {  	s5 =	simm.s32 @p1 $0x1;
	p0 =	seq.s32 s7, s2  }
0x1e: {  	s7 =	smul.u32 @!p0 $0xF7A, s2;
	p2 =	seq.s32 @!p0 s5, $0x0  }
0x1f: {  	s9 =	smul.u32 $0xF7A, s1;
	s8 =	simm.s32 @!p0 $0x1BF5;
	p2 =	por !p2, p0  }
0x20: {  	[sflag:s8] =	ssyncset.s32 @!p0 $0xFFFFF086;
	s6 =	sadd.s32 @!p0 s3, s7;
	s7 =	simm.s32 @!p0 $0x108  }
0x21: {  	s3 =	sadd.s32 s3, s9;
	s6 =	sadd.s32 @!p0 $0x88, s6;
	s7 =	simm.s32 @p2 $0x1082  }
0x22: {  	[simem:s7], [sflag:s8] =	dma.local @!p0 [hbm:s6], $0xF7A  }
0x23: {  	s9 =	sor.u32 $0xD0000000, s2;
	s6 =	simm.s32 $0x108;
	_ =	swait.ge @!p0 [sflag:s8], $0x0  }
0x24: {  	s3 =	sadd.s32 $0x88, s3;
	s6 =	simm.s32 @!p1 $0x1082;
	[sflag:s4] =	ssyncset.s32 $0xFFFFF086  }
0x25: {  	[simem:s6], [sflag:s4] =	dma.local [hbm:s3], $0xF7A  }
0x26: {  	[smem:$0x3F90] =	sst s1;
	(tag) =	ssettag s2;
	_ =	strace s9  }
0x27: {  	s1 =	sld [smem:$0x3FA0]  }
0x28: {  	s2 =	sld [smem:$0x3FA1]  }
0x29: {  	s4 =	sld [smem:$0x3FA3]  }
0x2a: {  	p0 =	seq.s32 s5, $0x0;
	s5 =	sld [smem:$0x3FA4]  }
0x2b: {  	s6 =	sld [smem:$0x3FA5]  }
0x2c: {  	s7 =	sld [smem:$0x3FA6]  }
0x2d: {  	s3 =	simm.s32 $0x108;
	s8 =	sld [smem:$0x3FA7]  }
0x2e: {  	s3 =	simm.s32 @!p0 $0x1082;
	s9 =	sld [smem:$0x3FA8]  }
0x2f: {  	lr =	sadd.s32 s0, s3;
	s0 =	sld [smem:$0x3F9F]  }
0x30: {  	s3 =	sld [smem:$0x3FA2]  }
0x31: {  	[smem:$0x3FAB] =	sst s10  }
0x32: {  	s10 =	sld [smem:$0x3FA9];
	_ =	sdelay $0x3  }
0x33: {  	p0 =	seq.s32 s10, $0x1;
	s10 =	sld [smem:$0x3FAB];
	_ =	sdelay $0x3  }
0x34: {  	[smem:$0x3FAB] =	sst s10  }
0x35: {  	s10 =	sld [smem:$0x3FAA];
	_ =	sdelay $0x3  }
0x36: {  	p1 =	seq.s32 s10, $0x1;
	s10 =	sld [smem:$0x3FAB];
	_ =	sdelay $0x3  }
0x37: {  	[smem:$0x3FAB] =	sst s10  }
0x38: {  	s10 =	sld [smem:$0x3FAC]  }
0x39: {  	_ = 	snop;
	(pc) =	sbr.ind lr, $3  }
0x3a: {  	_ = 	snop  }
0x3b: {  	_ = 	snop  }
0x3c: {  	p2 =	seq.s32 s10, $0x1;
	s10 =	sld [smem:$0x3FAB]  }
0x3d: {  	_ =	shalt  }
0x3e: {  	_ =	shalt  }
0x3f: {  	_ =	shalt  }
0x40: {  	_ =	shalt  }
0x41: {  	_ =	shalt  }
0x42: {  	_ =	shalt  }
0x43: {  	_ =	shalt  }
0x44: {  	_ =	shalt  }
0x45: {  	_ =	shalt  }
0x46: {  	_ =	shalt  }
0x47: {  	_ =	shalt  }
0x48: {  	_ =	shalt  }
0x49: {  	_ =	shalt  }
0x4a: {  	_ =	shalt  }
0x4b: {  	_ =	shalt  }
0x4c: {  	_ =	shalt  }
0x4d: {  	_ =	shalt  }
0x4e: {  	_ =	shalt  }
0x4f: {  	_ =	shalt  }
0x50: {  	_ =	shalt  }
0x51: {  	_ =	shalt  }
0x52: {  	_ =	shalt  }
0x53: {  	_ =	shalt  }
0x54: {  	_ =	shalt  }
0x55: {  	_ =	shalt  }
0x56: {  	_ =	shalt  }
0x57: {  	_ =	shalt  }
0x58: {  	_ =	shalt  }
0x59: {  	_ =	shalt  }
0x5a: {  	_ =	shalt  }
0x5b: {  	_ =	shalt  }
0x5c: {  	_ =	shalt  }
0x5d: {  	_ =	shalt  }
0x5e: {  	_ =	shalt  }
0x5f: {  	_ =	shalt  }
0x60: {  	_ =	shalt  }
0x61: {  	_ =	shalt  }
0x62: {  	_ =	shalt  }
0x63: {  	_ =	shalt  }
0x64: {  	_ =	shalt  }
0x65: {  	_ =	shalt  }
0x66: {  	_ =	shalt  }
0x67: {  	_ =	shalt  }
0x68: {  	_ =	shalt  }
0x69: {  	_ =	shalt  }
0x6a: {  	_ =	shalt  }
0x6b: {  	_ =	shalt  }
0x6c: {  	_ =	shalt  }
0x6d: {  	_ =	shalt  }
0x6e: {  	_ =	shalt  }
0x6f: {  	_ =	shalt  }
0x70: {  	_ =	shalt  }
0x71: {  	_ =	shalt  }
0x72: {  	_ =	shalt  }
0x73: {  	_ =	shalt  }
0x74: {  	_ =	shalt  }
0x75: {  	_ =	shalt  }
0x76: {  	_ =	shalt  }
0x77: {  	_ =	shalt  }
0x78: {  	_ =	shalt  }
0x79: {  	_ =	shalt  }
0x7a: {  	_ =	shalt  }
0x7b: {  	_ =	shalt  }
0x7c: {  	_ =	shalt  }
0x7d: {  	_ =	shalt  }
0x7e: {  	_ =	shalt  }
0x7f: {  	_ =	shalt  }
0x80: {  	_ =	shalt  }
0x81: {  	_ =	shalt  }
0x82: {  	_ =	shalt  }
0x83: {  	_ =	shalt  }
0x84: {  	_ =	shalt  }
0x85: {  	_ =	shalt  }
0x86: {  	_ =	shalt  }
0x87: {  	_ =	shalt  }
.Lfunc_end0:
.L_simem_size_0:
called_computation.1_lowered:
.L_overlay_start_0:
0x88: {  	s2 =	sld [smem:$0x3FD9]  }
0x89: {  	s3 =	sld [smem:$0x3FFE];
	_ =	sdelay $0x1  }
0x8a: {  	s1 =	srdreg.scid  }
0x8b: {  	s0 =	sand.u32 $0x1, s1  }
0x8c: {  	s16 =	sshll.u32 s0, $0xA;
	s2 =	sadd.s32 s3, s2  }
0x8d: {  	s2 =	sadd.s32 s2, s16  }
0x8e: {  	[smem:$0x3FB7] =	sst s2  }
0x8f: {  	_ = 	snop  }
0x90: {  	(tm) =	ssettm $0x1  }
0x91: {  	s17 =	sld [smem:$0x3FFB];
	_ =	sdelay $0x3  }
0x92: {  	_ =	strace s17  }
0x93: {  	s2 =	sld [smem:$0x3FFC];
	_ =	sdelay $0x3  }
0x94: {  	_ =	strace s2  }
0x95: {  	s2 =	sld [smem:$0x3FFD];
	_ =	sdelay $0x3  }
0x96: {  	_ =	strace s2  }
0x97: {  	_ =	strace $0x8FFFFFFF  }
0x98: {  	s18 =	sld [smem:$0x3FDB];
	_ =	sdelay $0x1  }
0x99: {  	s19 =	simm.s32 $_scs_section_size  }
0x9a: {  	s4 =	simm.s32 $_size__tile_overlayer_lowered;
	s5 =	simm.s32 $_tile_overlayer_lowered  }
0x9b: {  	s22 =	simm.s32 $0x1BFF;
	s21 =	sshll.u32 s5, $0x1;
	s2 =	sadd.s32 s19, s18  }
0x9c: {  	s6 =	simm.s32 $0x0;
	s20 =	sshll.u32 s4, $0x1;
	s4 =	sadd.s32 s21, s2  }
0x9d: {  	[timem:s6], [sflag:s22] =	dma.local [hbm:s4], s20  }
0x9e: {  	_ =	swait.ge [sflag:s22], s20  }
0x9f: {  	s3 =	ssub.s32 $0x0, s20;
	[sflag:s22] =	ssyncset.done $0x0  }
0xa0: {  	[sflag:s22] =	ssyncadd.s32 s3;
	_ =	sdelay $0x1  }
0xa1: {  	s23 =	simm.s32 $0x1B8B  }
0xa2: {  	_ =	swait.ge [sflag:s23], $0x1  }
0xa3: {  	[sflag:s23] =	ssyncset.done $0x0  }
0xa4: {  	s25 =	simm.s32 $0x1B8E;
	s24 =	sld [smem:$0x3FFE];
	[sflag:s23] =	ssyncadd.s32 $0xFFFFFFFF  }
0xa5: {  	s26 =	simm.s32 $execute0_lowered;
	[smem:$0x3FD2] =	sst s25  }
0xa6: {  	s4 =	sshll.u32 s26, $0x1;
	_ =	strace $0x80000052;
	[dreg:$0x1] =	wrdreg $0xFFFFFFFF  }
0xa7: {  	s28 =	simm.s32 $_size_execute0_lowered;
	s2 =	sadd.s32 s2, s4;
	[dreg:$0x0] =	wrdreg $0x0  }
0xa8: {  	s4 =	sshll.u32 s28, $0x1;
	[dreg:$0x2] =	wrdreg s2  }
0xa9: {  	[dreg:$0x3] =	wrdreg s4  }
0xaa: {  	[dreg:$0x4] =	wrdreg $0xC0  }
0xab: {  	_ =	task [dreg:s6], $0x5FFFF  }
0xac: {  	[dreg:$0x1] =	wrdreg $0xFFFFFFFF  }
0xad: {  	[dreg:$0x0] =	wrdreg $0x60  }
0xae: {  	[dreg:$0x2] =	wrdreg s24  }
0xaf: {  	[dreg:$0x3] =	wrdreg $0x0  }
0xb0: {  	[dreg:$0x4] =	wrdreg $0x19000  }
0xb1: {  	[dreg:$0x5] =	wrdreg $0x32000  }
0xb2: {  	[dreg:$0x6] =	wrdreg $0x9  }
0xb3: {  	_ =	task.clear_ibuf [dreg:s6], $0x7FFFF;
	_ =	strace $0x90000052  }
0xb4: {  	s29 =	simm.s32 $0x9;
	_ =	strace $0x8000005A  }
0xb5: {  	_ =	swait.ge [sflag:s29], $0x1  }
0xb6: {  	[sflag:s29] =	ssyncadd.s32 $0xFFFFFFFF  }
0xb7: {  	_ =	strace $0x9000005A  }
0xb8: {  	_ =	sfence  }
0xb9: {  	s30 =	sld [smem:$0x0];
	_ =	sdelay $0x2  }
0xba: {  	s31 =	sshll.u32 s1, $0xD;
	s1 =	sshrl.u32 s1, $0x2  }
0xbb: {  	s3 =	sand.u32 $0x4000, s31;
	s1 =	sadd.s32 s1, s30  }
0xbc: {  	s0 =	sor.u32 s3, s0;
	s1 =	sshll.u32 s1, $0x11  }
0xbd: {  	s0 =	sor.u32 s1, s0  }
0xbe: {  	s0 =	sadd.s32 $0x8F2B, s0  }
0xbf: {  	[sflag:s0] =	ssyncadd.remote.s32 $0x1  }
0xc0: {  	_ =	sfence.sel $0xFFFF  }
0xc1: {  	[dreg:$0x0] =	wrdreg $0xFFFFFFFF;
	(pc) =	sbr.abs _section_cstart, $3  }
0xc2: {  	[dreg:$0x1] =	wrdreg $0xFFFFFFFF  }
0xc3: {  	_ =	task.clear_ibuf [dreg:s6], $0x2FFFF;
	_ =	strace $0x9FFFFFFF  }
0xc4: {  	(tm) =	ssettm $0x7FFFFFFF  }
0xc5: {  	_ =	shalt  }
tec
execute0_lowered:
.L_overlay_start_1:
0x0: {  	(tag) =	ssettag $0x1  }
0x1: {  	s0 =	rddreg [dreg:$0x0]  }
0x2: {  	s1 =	rddreg [dreg:$0x1]  }
0x3: {  	s2 =	rddreg [dreg:$0x2]  }
0x4: {  	s4 =	rddreg [dreg:$0x3];
	s3 =	srdreg.scid  }
0x5: {  	s6 =	simm.s32 $0x0;
	s5 =	stileid.u32;
	s3 =	sand.u32 $0x1, s3  }
0x6: {  	s17 =	simm.s32 $0x4B00;
	s10 =	smul.u32 $0x1900, s5;
	s9 =	sshll.u32 s3, $0x4  }
0x7: {  	[smem:$0x7FF] =	sst s6;
	s8 =	smul.u32 $0x4B000, s3;
	s9 =	sor.u32 s5, s9  }
0x8: {  	s31 =	simm.s32 $0x180;
	_ =	strace $0x80000053;
	s11 =	smul.u32 $0x190, s9  }
0x9: {  	s3 =	ssub.s32 $0x2, s3;
	[dreg:$0x6] =	wrdreg s31;
	s13 =	smul.u32 $0x6400, s9  }
0xa: {  	s12 =	sshrl.u32 s3, $0x1;
	s24 =	smul.u32 $0x1900, s9;
	s9 =	sadd.s32 s10, s4  }
0xb: {  	s6 =	sadd.s32 $0x200800, s0;
	s3 =	ssub.s32 s3, s12;
	[dreg:$0x8] =	wrdreg s9  }
0xc: {  	s7 =	sadd.s32 $0x35200, s0;
	s30 =	smax.u32 s3, $0x1;
	[dreg:$0x5] =	wrdreg s11  }
0xd: {  	s8 =	sadd.s32 s10, s8;
	s25 =	sadd.s32 s6, s13;
	[dreg:$0xe] =	wrdreg s30  }
0xe: {  	s8 =	sshrl.u32 s8, $0x3;
	s26 =	sadd.s32 s7, s24;
	[dreg:$0x9] =	wrdreg s25  }
0xf: {  	s0 =	sadd.s32 s8, s0;
	s8 =	sadd.s32 s10, s2;
	[dreg:$0xa] =	wrdreg s26  }
0x10: {  	s22 =	simm.s32 $0x80;
	s28 =	sadd.s32 $0x67200, s0;
	[dreg:$0x7] =	wrdreg s8  }
0x11: {  	s23 =	simm.s32 $0x5;
	s29 =	sadd.s32 $0x6A400, s0;
	[dreg:$0xb] =	wrdreg s28  }
0x12: {  	s5 =	sadd.s32 s10, s1;
	s0 =	sadd.s32 $0x6D600, s0;
	[dreg:$0xc] =	wrdreg s29  }
0x13: {  	v0 =	vimm.f32 $0.0e+00;
	s24 =	simm.s32 $0x1;
	s25 =	simm.s32 $0x0;
	[dreg:$0xd] =	wrdreg s0  }
.LBB2_1:
0x14: {  	s0 =	simm.s32 $0x40;
	s3 =	simm.s32 $0x0  }
.LBB2_2:
0x15: {  	p0 =	sne.s32 s0, $0x63C0;
	[tilespmem:s3+$0x4B00] =	vst v0;
	s3 =	smov.u32 s0;
	s0 =	sadd.s32 $0x40, s0  }
.Ltmp0:
0x16: {  	(pc) =	sbr.rel @p0 .LBB2_2-.Ltmp0, $2  }
0x17: {  	_ =	sdelay $0x2  }
0x18: {  	s3 =	sshra.s32 s3, $0x2  }
0x19: {  	[tilespmem:s3+$0x4B00] =	vst v0;
	s0 =	simm.s32 $0x1  }
0x1a: {  	[spmem:s5] =	stream.linear.scatter [tilespmem:s17], [sflag:$0x1], $0x1900, $0x38;
	[tilespmem:$0x6800] =	vst v63  }
0x1b: {  	_ =	swait.ge [sflag:s0], $0x1900  }
0x1c: {  	[sflag:s0] =	ssyncset.done $0x0  }
0x1d: {  	[sflag:s0] =	ssyncadd.s32 $0xFFFFE700  }
0x1e: {  	[spmem:s8] =	stream.linear.scatter [tilespmem:s17], [sflag:$0x1], $0x1900, $0x38;
	[tilespmem:$0x6800] =	vst v63  }
0x1f: {  	_ =	swait.ge [sflag:s0], $0x1900  }
0x20: {  	[sflag:s0] =	ssyncset.done $0x0  }
0x21: {  	[sflag:s0] =	ssyncadd.s32 $0xFFFFE700  }
0x22: {  	[spmem:s9] =	stream.linear.scatter [tilespmem:s17], [sflag:$0x1], $0x1900, $0x38;
	[tilespmem:$0x6800] =	vst v63  }
0x23: {  	_ =	swait.ge [sflag:s0], $0x1900  }
0x24: {  	[sflag:s0] =	ssyncset.done $0x0  }
0x25: {  	[sflag:s0] =	ssyncadd.s32 $0xFFFFE700  }
0x26: {  	[bflag:$0x0] =	sbarrier.arrive $0xFFFF  }
0x27: {  	s16 =	simm.s32 $0x200;
	_ =	strace $0x80000054  }
0x28: {  	s18 =	simm.s32 $0x640000;
	s19 =	simm.s32 $0x6400;
	s15 =	rddreg [dreg:$0x9]  }
0x29: {  	[tilespmem:s19], [sflag:$0x1] =	stream.strided.gather [hbm4b:s15+s16], $0x0, s18, s16, $0x200038;
	[tilespmem:$0x6800] =	vst v63  }
0x2a: {  	p1 =	por $0x0, $0x0;
	s18 =	simm.s32 $0x1  }
0x2b: {  	s20 =	simm.s32 $0x0;
	p0 =	por $0x0, $0x0;
	s18 =	simm.s32 @p1 $0x0  }
0x2c: {  	[tilespmem:s19], [sflag:$0x1] =	stream.linear.gather [hbm4b:s15+s20], $0x180, $0x200038;
	[tilespmem:$0x6800] =	vst v63  }
0x2d: {  	s9 =	simm.s32 $0x6700;
	s8 =	rddreg [dreg:$0xa];
	p1 =	seq.s32 @!p0 s18, $0x0  }
0x2e: {  	[tilespmem:s9], [sflag:$0x3] =	stream.linear.gather [hbm4b:s8+s20], $0x80, $0x200038;
	[tilespmem:$0x6800] =	vst v63  }
0x2f: {  	p2 =	por p1, p0;
	_ =	strace $0x90000054  }
0x30: {  	s19 =	sand.u32 @!p2 $0x1, s0;
	s12 =	rddreg [dreg:$0x5]  }
0x31: {  	s21 =	smul.u32 @!p2 $0x600, s19;
	s12 =	sadd.s32 @!p2 s12, s18  }
0x32: {  	s26 =	simm.s32 @!p2 $0x640000;
	s30 =	simm.s32 @!p2 $0x200;
	s28 =	sshll.u32 @!p2 s12, $0x6  }
0x33: {  	s29 =	sadd.s32 @!p2 $0x1, s19;
	s21 =	sshrl.u32 @!p2 s21, $0x2;
	s28 =	sand.u32 @!p2 $0x1FFFFFC0, s28  }
0x34: {  	_ =	strace @!p2 $0x80000055;
	s21 =	sor.u32 @!p2 $0x6400, s21;
	s28 =	sadd.s32 @!p2 s6, s28  }
0x35: {  	[tilespmem:s21], [sflag:s29] =	stream.strided.gather @!p2 [hbm4b:s28+s30], $0x0, s26, s30, $0x200038;
	[tilespmem:$0x6800] =	vst v63  }
0x36: {  	s12 =	sshll.u32 @!p2 s12, $0x7;
	s26 =	sshll.u32 @!p2 s18, $0x7  }
0x37: {  	s12 =	sand.u32 @!p2 $0xFFFFFC00, s12;
	s26 =	sand.u32 @!p2 $0x380, s26  }
0x38: {  	s30 =	simm.s32 @!p2 $0x0;
	s12 =	sor.u32 @!p2 s26, s12;
	s26 =	sshll.u32 @!p2 s19, $0x7  }
0x39: {  	[tilespmem:s21], [sflag:s29] =	stream.linear.gather @!p2 [hbm4b:s28+s30], $0x180, $0x200038;
	[tilespmem:$0x6800] =	vst v63  }
0x3a: {  	s19 =	sadd.s32 @!p2 $0x3, s19;
	_ =	strace @!p2 $0x90000055;
	s12 =	sshrl.u32 @!p2 s12, $0x3  }
0x3b: {  	s21 =	sor.u32 @!p2 $0x6700, s26;
	_ =	strace @!p2 $0x80000056;
	s12 =	sadd.s32 @!p2 s7, s12  }
0x3c: {  	[tilespmem:s21], [sflag:s19] =	stream.linear.gather @!p2 [hbm4b:s12+s30], $0x80, $0x200038;
	[tilespmem:$0x6800] =	vst v63  }
0x3d: {  	s3 =	sand.u32 $0x1, s20;
	_ =	strace @!p2 $0x90000056  }
0x3e: {  	s10 =	sadd.s32 $0x1, s3;
	_ =	strace $0x80000057  }
0x3f: {  	_ =	swait.ge [sflag:s10], $0x180  }
0x40: {  	[sflag:s10] =	ssyncset.done $0x0  }
0x41: {  	[sflag:s10] =	ssyncadd.s32 $0xFFFFFE80  }
0x42: {  	_ =	strace $0x90000057  }
0x43: {  	s13 =	sadd.s32 $0x3, s3;
	_ =	strace $0x80000058  }
0x44: {  	_ =	swait.ge [sflag:s13], $0x80  }
0x45: {  	s11 =	smov.u32 s5;
	s14 =	simm.s32 $0x0;
	[sflag:s13] =	ssyncset.done $0x0  }
0x46: {  	p3 =	sne.s32 s18, $0x0;
	p1 =	por !p1, p0;
	[sflag:s13] =	ssyncadd.s32 $0xFFFFFF80  }
0x47: {  	s29 =	simm.s32 $0x1;
	s12 =	sand.u32 $0x80, s14;
	_ =	strace $0x90000058  }
0x48: {  	s21 =	simm.s32 @!p2 $0x2;
	p2 =	seq.s32 s3, $0x1;
	_ =	strace $0x80000059  }
0x49: {  	s29 =	smov.u32 @p1 s21;
	s3 =	simm.s32 $0x0;
	s19 =	rddreg [dreg:$0x6]  }
0x4a: {  	s12 =	sor.u32 $0x6700, s12;
	s3 =	simm.s32 @p1 $0x1;
	s19 =	simm.s32 @!p2 $0x0  }
0x4b: {  	s29 =	smov.u32 @p0 s0;
	s0 =	simm.s32 $0x1;
	s15 =	sor.u32 $0x6400, s19  }
0x4c: {  	[spmem:s1] =	stream.indirect.scatter.add.f32 [tilespmem:s15], [sflag:$0x5], $0x1, s12, s22, $0x2000b8;
	[tilespmem:$0x6800] =	vst v63  }
0x4d: {  	s3 =	simm.s32 @p0 $0x0;
	p0 =	por p0, p3;
	_ =	swait.ge [sflag:s23], $0x80  }
0x4e: {  	s0 =	simm.s32 @!p0 $0x0;
	s30 =	sadd.s32 $0x1, s3;
	[sflag:s23] =	ssyncset.done $0x0  }
0x4f: {  	s21 =	sadd.s32 $0x0, s0;
	s16 =	sadd.s32 $0x6480, s19;
	[sflag:s23] =	ssyncadd.s32 $0xFFFFFF80  }
0x50: {  	[spmem:s2] =	stream.indirect.scatter.add.f32 [tilespmem:s16], [sflag:$0x5], $0x1, s12, s22, $0x2000b8;
	[tilespmem:$0x6800] =	vst v63  }
0x51: {  	p0 =	por $0x0, $0x0;
	s26 =	sand.u32 $0x1, s21;
	_ =	swait.ge [sflag:s23], $0x80  }
0x52: {  	s0 =	sshll.u32 s21, $0x7;
	s3 =	smov.u32 s21;
	[sflag:s23] =	ssyncset.done $0x0  }
0x53: {  	s28 =	sand.u32 $0x80, s0;
	s20 =	sadd.s32 $0x6500, s19;
	[sflag:s23] =	ssyncadd.s32 $0xFFFFFF80  }
0x54: {  	[spmem:s4] =	stream.indirect.scatter.add.f32 [tilespmem:s20], [sflag:$0x5], $0x1, s12, s22, $0x2000b8;
	[tilespmem:$0x6800] =	vst v63  }
0x55: {  	s0 =	sadd.s32 $0x1, s18;
	s31 =	smov.u32 s26;
	_ =	swait.ge [sflag:s23], $0x80  }
0x56: {  	p2 =	seq.s32 s0, $0x190;
	s19 =	simm.s32 $0x18E;
	[sflag:s23] =	ssyncset.done $0x0  }
.LBB2_4:
0x57: {  	s0 =	simm.s32 @p2 $0x0  }
0x58: {  	[sflag:s23] =	ssyncadd.s32 $0xFFFFFF80;
	p2 =	seq.s32 @!p0 s18, s0  }
0x59: {  	p1 =	sne.s32 s18, s0;
	_ =	strace $0x90000059;
	p3 =	por p2, p0  }
0x5a: {  	s18 =	rddreg [dreg:$0x5];
	_ =	strace @!p3 $0x80000055;
	s20 =	sand.u32 @!p3 $0x1, s29  }
0x5b: {  	s14 =	simm.s32 @!p3 $0x640000;
	s18 =	sadd.s32 @!p3 s18, s0;
	s8 =	sshll.u32 @!p3 s0, $0x7  }
0x5c: {  	s10 =	simm.s32 @!p3 $0x200;
	s15 =	smul.u32 @!p3 $0x600, s20;
	s20 =	sadd.s32 @!p3 $0x1, s20  }
0x5d: {  	s9 =	sshll.u32 @!p3 s18, $0x6;
	s18 =	sshll.u32 @!p3 s18, $0x7;
	s8 =	sand.u32 @!p3 $0x380, s8  }
0x5e: {  	s9 =	sand.u32 @!p3 $0x1FFFFFC0, s9;
	s18 =	sand.u32 @!p3 $0xFFFFFC00, s18;
	s15 =	sshrl.u32 @!p3 s15, $0x2  }
0x5f: {  	s9 =	sadd.s32 @!p3 s6, s9;
	s8 =	sor.u32 @!p3 s8, s18;
	s15 =	sor.u32 @!p3 $0x6400, s15  }
0x60: {  	[tilespmem:s15], [sflag:s20] =	stream.strided.gather @!p3 [hbm4b:s9+s10], $0x0, s14, s10, $0x200038;
	[tilespmem:$0x6800] =	vst v63  }
0x61: {  	s16 =	sand.u32 @!p3 $0x1, s30;
	s5 =	simm.s32 @!p3 $0x0;
	s8 =	sshrl.u32 @!p3 s8, $0x3  }
0x62: {  	[tilespmem:s15], [sflag:s20] =	stream.linear.gather @!p3 [hbm4b:s9+s5], $0x180, $0x200038;
	[tilespmem:$0x6800] =	vst v63  }
0x63: {  	s10 =	sshll.u32 @!p3 s16, $0x7;
	s14 =	sadd.s32 @!p3 $0x3, s16;
	_ =	strace @!p3 $0x90000055  }
0x64: {  	s8 =	sadd.s32 @!p3 s7, s8;
	s9 =	sor.u32 @!p3 $0x6700, s10;
	_ =	strace @!p3 $0x80000056  }
0x65: {  	[tilespmem:s9], [sflag:s14] =	stream.linear.gather @!p3 [hbm4b:s8+s5], $0x80, $0x200038;
	[tilespmem:$0x6800] =	vst v63  }
0x66: {  	_ =	strace @!p3 $0x90000056  }
0x67: {  	s12 =	sadd.s32 $0x1, s26;
	_ =	strace $0x80000057  }
0x68: {  	_ =	swait.ge [sflag:s12], $0x180  }
0x69: {  	[sflag:s12] =	ssyncset.done $0x0  }
0x6a: {  	s13 =	smov.u32 s29;
	[sflag:s12] =	ssyncadd.s32 $0xFFFFFE80  }
0x6b: {  	p2 =	por !p2, p0;
	s10 =	sadd.s32 @!p3 $0x1, s29;
	_ =	strace $0x90000057  }
0x6c: {  	s29 =	smov.u32 @p2 s10;
	s10 =	sadd.s32 $0x3, s31;
	_ =	strace $0x80000058  }
0x6d: {  	_ =	swait.ge [sflag:s10], $0x80  }
0x6e: {  	[sflag:s10] =	ssyncset.done $0x0  }
0x6f: {  	s5 =	simm.s32 $0x0;
	[sflag:s10] =	ssyncadd.s32 $0xFFFFFF80  }
0x70: {  	s18 =	smov.u32 s0;
	s5 =	simm.s32 @p2 $0x1;
	_ =	strace $0x90000058  }
0x71: {  	s0 =	sadd.s32 $0x1, s0;
	s5 =	simm.s32 @p0 $0x0;
	_ =	strace $0x80000059  }
0x72: {  	p2 =	seq.s32 s26, $0x1;
	s30 =	sadd.s32 s30, s5;
	s5 =	rddreg [dreg:$0x6]  }
0x73: {  	s15 =	sor.u32 $0x6700, s28;
	s29 =	smov.u32 @p0 s13;
	s5 =	simm.s32 @!p2 $0x0  }
0x74: {  	s8 =	simm.s32 $0x1;
	p0 =	por p0, p1;
	s16 =	sor.u32 $0x6400, s5  }
0x75: {  	[spmem:s1] =	stream.indirect.scatter.add.f32 [tilespmem:s16], [sflag:$0x5], $0x1, s15, s22, $0x2000b8;
	[tilespmem:$0x6800] =	vst v63  }
0x76: {  	s8 =	simm.s32 @!p0 $0x0;
	p0 =	seq.s32 s19, $0x1;
	_ =	swait.ge [sflag:s23], $0x80  }
0x77: {  	s19 =	sadd.s32 $0xFFFFFFFF, s19;
	s21 =	sadd.s32 s8, s21;
	[sflag:s23] =	ssyncset.done $0x0  }
0x78: {  	s3 =	sadd.s32 s8, s3;
	s20 =	sadd.s32 $0x6480, s5;
	[sflag:s23] =	ssyncadd.s32 $0xFFFFFF80  }
0x79: {  	[spmem:s2] =	stream.indirect.scatter.add.f32 [tilespmem:s20], [sflag:$0x5], $0x1, s15, s22, $0x2000b8;
	[tilespmem:$0x6800] =	vst v63  }
0x7a: {  	p1 =	sne.s32 s19, $0x0;
	s13 =	sand.u32 $0x1, s21;
	_ =	swait.ge [sflag:s23], $0x80  }
.Ltmp1:
0x7b: {  	s31 =	sand.u32 $0x1, s3;
	[sflag:s23] =	ssyncset.done $0x0;
	(pc) =	sbr.rel @p1 .LBB2_4-.Ltmp1, $4  }
0x7c: {  	s14 =	sshll.u32 s3, $0x7;
	s5 =	sadd.s32 $0x6500, s5;
	[sflag:s23] =	ssyncadd.s32 $0xFFFFFF80  }
0x7d: {  	[spmem:s4] =	stream.indirect.scatter.add.f32 [tilespmem:s5], [sflag:$0x5], $0x1, s15, s22, $0x2000b8;
	[tilespmem:$0x6800] =	vst v63  }
0x7e: {  	s9 =	sand.u32 $0x80, s14;
	s26 =	smov.u32 s13;
	_ =	swait.ge [sflag:s23], $0x80  }
0x7f: {  	s28 =	smov.u32 s9;
	p2 =	seq.s32 s0, $0x190;
	[sflag:s23] =	ssyncset.done $0x0  }
0x80: {  	s0 =	simm.s32 @p2 $0x0  }
0x81: {  	[sflag:s23] =	ssyncadd.s32 $0xFFFFFF80;
	p1 =	seq.s32 @!p0 s18, s0  }
0x82: {  	_ =	strace $0x90000059;
	p0 =	por p1, p0  }
0x83: {  	s3 =	rddreg [dreg:$0x5];
	s5 =	sand.u32 @!p0 $0x1, s29  }
0x84: {  	s3 =	sadd.s32 @!p0 s3, s0;
	_ =	strace @!p0 $0x80000055;
	s9 =	simm.s32 @!p0 $0x640000  }
0x85: {  	s12 =	simm.s32 @!p0 $0x200;
	s0 =	sshll.u32 @!p0 s0, $0x7;
	s8 =	smul.u32 @!p0 $0x600, s5  }
0x86: {  	s10 =	sshll.u32 @!p0 s3, $0x6;
	s5 =	sadd.s32 @!p0 $0x1, s5;
	s3 =	sshll.u32 @!p0 s3, $0x7  }
0x87: {  	s0 =	sand.u32 @!p0 $0x380, s0;
	s10 =	sand.u32 @!p0 $0x1FFFFFC0, s10;
	s8 =	sshrl.u32 @!p0 s8, $0x2  }
0x88: {  	s3 =	sand.u32 @!p0 $0xFFFFFC00, s3;
	s10 =	sadd.s32 @!p0 s6, s10;
	s8 =	sor.u32 @!p0 $0x6400, s8  }
0x89: {  	[tilespmem:s8], [sflag:s5] =	stream.strided.gather @!p0 [hbm4b:s10+s12], $0x0, s9, s12, $0x200038;
	[tilespmem:$0x6800] =	vst v63  }
0x8a: {  	s0 =	sor.u32 @!p0 s0, s3;
	s9 =	simm.s32 @!p0 $0x0  }
0x8b: {  	[tilespmem:s8], [sflag:s5] =	stream.linear.gather @!p0 [hbm4b:s10+s9], $0x180, $0x200038;
	[tilespmem:$0x6800] =	vst v63  }
0x8c: {  	s0 =	sshrl.u32 @!p0 s0, $0x3;
	s5 =	sand.u32 @!p0 $0x1, s30  }
0x8d: {  	s0 =	sadd.s32 @!p0 s7, s0;
	s3 =	sshll.u32 @!p0 s5, $0x7;
	_ =	strace @!p0 $0x90000055  }
0x8e: {  	s5 =	sadd.s32 @!p0 $0x3, s5;
	s3 =	sor.u32 @!p0 $0x6700, s3;
	_ =	strace @!p0 $0x80000056  }
0x8f: {  	[tilespmem:s3], [sflag:s5] =	stream.linear.gather @!p0 [hbm4b:s0+s9], $0x80, $0x200038;
	[tilespmem:$0x6800] =	vst v63  }
0x90: {  	_ =	strace @!p0 $0x90000056  }
0x91: {  	s16 =	sadd.s32 $0x1, s26;
	_ =	strace $0x80000057  }
0x92: {  	_ =	swait.ge [sflag:s16], $0x180  }
0x93: {  	[sflag:s16] =	ssyncset.done $0x0  }
0x94: {  	[sflag:s16] =	ssyncadd.s32 $0xFFFFFE80  }
0x95: {  	_ =	strace $0x90000057  }
0x96: {  	s18 =	sadd.s32 $0x3, s31;
	_ =	strace $0x80000058  }
0x97: {  	_ =	swait.ge [sflag:s18], $0x80  }
0x98: {  	[sflag:s18] =	ssyncset.done $0x0  }
0x99: {  	[sflag:s18] =	ssyncadd.s32 $0xFFFFFF80  }
0x9a: {  	_ =	strace $0x90000058  }
0x9b: {  	_ =	strace $0x80000059  }
0x9c: {  	p0 =	seq.s32 s26, $0x1;
	s0 =	rddreg [dreg:$0x6]  }
0x9d: {  	s0 =	simm.s32 @!p0 $0x0  }
0x9e: {  	s19 =	sor.u32 $0x6700, s28;
	s20 =	sor.u32 $0x6400, s0  }
0x9f: {  	[spmem:s1] =	stream.indirect.scatter.add.f32 [tilespmem:s20], [sflag:$0x5], $0x1, s19, s22, $0x2000b8;
	[tilespmem:$0x6800] =	vst v63  }
0xa0: {  	_ =	swait.ge [sflag:s23], $0x80  }
0xa1: {  	[sflag:s23] =	ssyncset.done $0x0  }
0xa2: {  	s21 =	sadd.s32 $0x6480, s0;
	[sflag:s23] =	ssyncadd.s32 $0xFFFFFF80  }
0xa3: {  	[spmem:s2] =	stream.indirect.scatter.add.f32 [tilespmem:s21], [sflag:$0x5], $0x1, s19, s22, $0x2000b8;
	[tilespmem:$0x6800] =	vst v63  }
0xa4: {  	_ =	swait.ge [sflag:s23], $0x80  }
0xa5: {  	[sflag:s23] =	ssyncset.done $0x0  }
0xa6: {  	s0 =	sadd.s32 $0x6500, s0;
	[sflag:s23] =	ssyncadd.s32 $0xFFFFFF80  }
0xa7: {  	[spmem:s4] =	stream.indirect.scatter.add.f32 [tilespmem:s0], [sflag:$0x5], $0x1, s19, s22, $0x2000b8;
	[tilespmem:$0x6800] =	vst v63  }
0xa8: {  	_ =	swait.ge [sflag:s23], $0x80  }
0xa9: {  	[sflag:s23] =	ssyncset.done $0x0  }
0xaa: {  	[sflag:s23] =	ssyncadd.s32 $0xFFFFFF80  }
0xab: {  	_ =	strace $0x90000059  }
0xac: {  	[bflag:$0x0] =	sbarrier.arrive $0xFFFF  }
0xad: {  	[tilespmem:s17], [sflag:$0x1] =	stream.linear.gather [spmem:s11], $0x1900, $0x38;
	[tilespmem:$0x6800] =	vst v63  }
0xae: {  	_ =	swait.ge [sflag:s24], $0x1900  }
0xaf: {  	[sflag:s24] =	ssyncset.done $0x0  }
0xb0: {  	s26 =	simm.s32 $0x0;
	s28 =	rddreg [dreg:$0xb];
	[sflag:s24] =	ssyncadd.s32 $0xFFFFE700  }
0xb1: {  	[hbm4b:s28+s26] =	stream.linear.scatter [tilespmem:s17], [sflag:$0x1], $0x1900, $0x38;
	[tilespmem:$0x6800] =	vst v63  }
0xb2: {  	_ =	swait.ge [sflag:s24], $0x1900  }
0xb3: {  	[sflag:s24] =	ssyncset.done $0x0  }
0xb4: {  	s8 =	rddreg [dreg:$0x7];
	[sflag:s24] =	ssyncadd.s32 $0xFFFFE700  }
0xb5: {  	[tilespmem:s17], [sflag:$0x1] =	stream.linear.gather [spmem:s8], $0x1900, $0x38;
	[tilespmem:$0x6800] =	vst v63  }
0xb6: {  	_ =	swait.ge [sflag:s24], $0x1900  }
0xb7: {  	[sflag:s24] =	ssyncset.done $0x0  }
0xb8: {  	s29 =	rddreg [dreg:$0xc];
	[sflag:s24] =	ssyncadd.s32 $0xFFFFE700  }
0xb9: {  	[hbm4b:s29+s26] =	stream.linear.scatter [tilespmem:s17], [sflag:$0x1], $0x1900, $0x38;
	[tilespmem:$0x6800] =	vst v63  }
0xba: {  	_ =	swait.ge [sflag:s24], $0x1900  }
0xbb: {  	[sflag:s24] =	ssyncset.done $0x0  }
0xbc: {  	s9 =	rddreg [dreg:$0x8];
	[sflag:s24] =	ssyncadd.s32 $0xFFFFE700  }
0xbd: {  	[tilespmem:s17], [sflag:$0x1] =	stream.linear.gather [spmem:s9], $0x1900, $0x38;
	[tilespmem:$0x6800] =	vst v63  }
0xbe: {  	_ =	swait.ge [sflag:s24], $0x1900  }
0xbf: {  	[sflag:s24] =	ssyncset.done $0x0  }
0xc0: {  	s30 =	rddreg [dreg:$0xd];
	[sflag:s24] =	ssyncadd.s32 $0xFFFFE700  }
0xc1: {  	[hbm4b:s30+s26] =	stream.linear.scatter [tilespmem:s17], [sflag:$0x1], $0x1900, $0x38;
	[tilespmem:$0x6800] =	vst v63  }
0xc2: {  	_ =	swait.ge [sflag:s24], $0x1900  }
0xc3: {  	s25 =	sadd.s32 $0x1, s25;
	s31 =	rddreg [dreg:$0xe]  }
0xc4: {  	p0 =	sne.s32 s25, s31  }
.Ltmp2:
0xc5: {  	_ = 	snop;
	(pc) =	sbr.rel @p0 .LBB2_1-.Ltmp2, $3  }
0xc6: {  	_ =	sdelay $0x1  }
0xc7: {  	[sflag:s24] =	ssyncset.done $0x0  }
0xc8: {  	s5 =	smov.u32 s11;
	[sflag:s24] =	ssyncadd.s32 $0xFFFFE700  }
0xc9: {  	_ =	sfence.sel $0x180000  }
0xca: {  	[bflag:$0x0] =	sbarrier.arrive $0xFFFF  }
0xcb: {  	_ =	strace $0x90000053  }
0xcc: {  	s0 =	stileid.u32;
	[bflag:$0x2] =	sbarrier.arrive $0xFFFF  }
0xcd: {  	p0 =	sne.s32 s0, $0x0;
	s0 =	rddreg [dreg:$0x4]  }
0xce: {  	s0 =	sadd.s32 @!p0 $0x100000, s0  }
0xcf: {  	[sflag:s0] =	ssyncadd.tile.s32 @!p0 $0x1;
	_ =	shalt  }
.Lfunc_end2:
_tile_overlayer_lowered:
.L_overlay_start_2:
0xd0: {  	(tag) =	ssettag $0x2  }
0xd1: {  	s0 =	rddreg [dreg:$0x0];
	s2 =	stileid.u32  }
0xd2: {  	s1 =	rddreg [dreg:$0x1];
	p0 =	sne.s32 s2, $0x0  }
0xd3: {  	s3 =	rddreg [dreg:$0x2];
	[bflag:$0x3] =	sbarrier.arrive $0xFFFF;
	s2 =	simm.s32 @!p0 $0x1C01  }
0xd4: {  	[timem:s3], [sflag:s2] =	dma.local @!p0 [hbm:s0], s1  }
0xd5: {  	s0 =	simm.s32 @!p0 $0x1  }
0xd6: {  	_ =	swait.ge @!p0 [sflag:s0], s1  }
0xd7: {  	s1 =	ssub.s32 @!p0 $0x0, s1;
	[sflag:s0] =	ssyncset.done @!p0 $0x0  }
0xd8: {  	[sflag:s0] =	ssyncadd.s32 @!p0 s1  }
0xd9: {  	[bflag:$0x3] =	sbarrier.arrive $0xFFFF  }
0xda: {  	_ =	shalt  }

// kernel: kernel.17.cloned.1.call-start
scs
__scs_entry_jumppad:
0x0: {  	(pc) =	sbr.rel $0x88, $3  }
0x1: {  	(tag) =	ssettag $0x0;
	lr =	simm.s32 $0x1  }
0x2: {  	[smem:$0x3F90] =	sst lr;
	_ =	strace $0xD0000000  }
0x3: {  	_ = 	snop  }
0x4: {  	_ = 	snop  }
0x5: {  	_ = 	snop  }
0x6: {  	_ = 	snop  }
0x7: {  	_ = 	snop  }
__scs_overlays_trampoline_lowered:
0x8: {  	[smem:$0x3F9F] =	sst s0  }
0x9: {  	[smem:$0x3FA0] =	sst s1  }
0xa: {  	[smem:$0x3FA1] =	sst s2  }
0xb: {  	[smem:$0x3FA2] =	sst s3  }
0xc: {  	[smem:$0x3FA3] =	sst s4  }
0xd: {  	[smem:$0x3FA4] =	sst s5  }
0xe: {  	[smem:$0x3FA5] =	sst s6  }
0xf: {  	[smem:$0x3FA6] =	sst s7  }
0x10: {  	[smem:$0x3FA7] =	sst s8  }
0x11: {  	[smem:$0x3FA8] =	sst s9;
	s0 =	simm.s32 @!p0 $0x0  }
0x12: {  	s1 =	sld [smem:$0x3F8E];
	s0 =	simm.s32 @p0 $0x1  }
0x13: {  	[smem:$0x3FA9] =	sst s0;
	s0 =	simm.s32 @!p1 $0x0  }
0x14: {  	s2 =	sld [smem:$0x3F8D];
	s0 =	simm.s32 @p1 $0x1  }
0x15: {  	[smem:$0x3FAA] =	sst s0;
	s0 =	simm.s32 @!p2 $0x0  }
0x16: {  	s3 =	sld [smem:$0x3FDB];
	s0 =	simm.s32 @p2 $0x1  }
0x17: {  	s4 =	simm.s32 $0x1BF5;
	[smem:$0x3FAC] =	sst s0  }
0x18: {  	s0 =	sld [smem:$0x3F8F];
	_ =	swait.ge [sflag:s4], $0x0  }
0x19: {  	s7 =	sld [smem:$0x3F90]  }
0x1a: {  	s8 =	sadd.s32 $0xFFFFE003, lr  }
0x1b: {  	s9 =	sadd.s32 $0xFFFFFEF7, lr;
	s5 =	simm.s32 $0xFFFFFFFF;
	p2 =	slt.u32 s8, $0xFFFFF086  }
0x1c: {  	p1 =	slt.u32 s9, $0xF7A;
	s5 =	simm.s32 @!p2 $0x0  }
0x1d: {  	s5 =	simm.s32 @p1 $0x1;
	p0 =	seq.s32 s7, s2  }
0x1e: {  	s7 =	smul.u32 @!p0 $0xF7A, s2;
	p2 =	seq.s32 @!p0 s5, $0x0  }
0x1f: {  	s9 =	smul.u32 $0xF7A, s1;
	s8 =	simm.s32 @!p0 $0x1BF5;
	p2 =	por !p2, p0  }
0x20: {  	[sflag:s8] =	ssyncset.s32 @!p0 $0xFFFFF086;
	s6 =	sadd.s32 @!p0 s3, s7;
	s7 =	simm.s32 @!p0 $0x108  }
0x21: {  	s3 =	sadd.s32 s3, s9;
	s6 =	sadd.s32 @!p0 $0x88, s6;
	s7 =	simm.s32 @p2 $0x1082  }
0x22: {  	[simem:s7], [sflag:s8] =	dma.local @!p0 [hbm:s6], $0xF7A  }
0x23: {  	s9 =	sor.u32 $0xD0000000, s2;
	s6 =	simm.s32 $0x108;
	_ =	swait.ge @!p0 [sflag:s8], $0x0  }
0x24: {  	s3 =	sadd.s32 $0x88, s3;
	s6 =	simm.s32 @!p1 $0x1082;
	[sflag:s4] =	ssyncset.s32 $0xFFFFF086  }
0x25: {  	[simem:s6], [sflag:s4] =	dma.local [hbm:s3], $0xF7A  }
0x26: {  	[smem:$0x3F90] =	sst s1;
	(tag) =	ssettag s2;
	_ =	strace s9  }
0x27: {  	s1 =	sld [smem:$0x3FA0]  }
0x28: {  	s2 =	sld [smem:$0x3FA1]  }
0x29: {  	s4 =	sld [smem:$0x3FA3]  }
0x2a: {  	p0 =	seq.s32 s5, $0x0;
	s5 =	sld [smem:$0x3FA4]  }
0x2b: {  	s6 =	sld [smem:$0x3FA5]  }
0x2c: {  	s7 =	sld [smem:$0x3FA6]  }
0x2d: {  	s3 =	simm.s32 $0x108;
	s8 =	sld [smem:$0x3FA7]  }
0x2e: {  	s3 =	simm.s32 @!p0 $0x1082;
	s9 =	sld [smem:$0x3FA8]  }
0x2f: {  	lr =	sadd.s32 s0, s3;
	s0 =	sld [smem:$0x3F9F]  }
0x30: {  	s3 =	sld [smem:$0x3FA2]  }
0x31: {  	[smem:$0x3FAB] =	sst s10  }
0x32: {  	s10 =	sld [smem:$0x3FA9];
	_ =	sdelay $0x3  }
0x33: {  	p0 =	seq.s32 s10, $0x1;
	s10 =	sld [smem:$0x3FAB];
	_ =	sdelay $0x3  }
0x34: {  	[smem:$0x3FAB] =	sst s10  }
0x35: {  	s10 =	sld [smem:$0x3FAA];
	_ =	sdelay $0x3  }
0x36: {  	p1 =	seq.s32 s10, $0x1;
	s10 =	sld [smem:$0x3FAB];
	_ =	sdelay $0x3  }
0x37: {  	[smem:$0x3FAB] =	sst s10  }
0x38: {  	s10 =	sld [smem:$0x3FAC]  }
0x39: {  	_ = 	snop;
	(pc) =	sbr.ind lr, $3  }
0x3a: {  	_ = 	snop  }
0x3b: {  	_ = 	snop  }
0x3c: {  	p2 =	seq.s32 s10, $0x1;
	s10 =	sld [smem:$0x3FAB]  }
0x3d: {  	_ =	shalt  }
0x3e: {  	_ =	shalt  }
0x3f: {  	_ =	shalt  }
0x40: {  	_ =	shalt  }
0x41: {  	_ =	shalt  }
0x42: {  	_ =	shalt  }
0x43: {  	_ =	shalt  }
0x44: {  	_ =	shalt  }
0x45: {  	_ =	shalt  }
0x46: {  	_ =	shalt  }
0x47: {  	_ =	shalt  }
0x48: {  	_ =	shalt  }
0x49: {  	_ =	shalt  }
0x4a: {  	_ =	shalt  }
0x4b: {  	_ =	shalt  }
0x4c: {  	_ =	shalt  }
0x4d: {  	_ =	shalt  }
0x4e: {  	_ =	shalt  }
0x4f: {  	_ =	shalt  }
0x50: {  	_ =	shalt  }
0x51: {  	_ =	shalt  }
0x52: {  	_ =	shalt  }
0x53: {  	_ =	shalt  }
0x54: {  	_ =	shalt  }
0x55: {  	_ =	shalt  }
0x56: {  	_ =	shalt  }
0x57: {  	_ =	shalt  }
0x58: {  	_ =	shalt  }
0x59: {  	_ =	shalt  }
0x5a: {  	_ =	shalt  }
0x5b: {  	_ =	shalt  }
0x5c: {  	_ =	shalt  }
0x5d: {  	_ =	shalt  }
0x5e: {  	_ =	shalt  }
0x5f: {  	_ =	shalt  }
0x60: {  	_ =	shalt  }
0x61: {  	_ =	shalt  }
0x62: {  	_ =	shalt  }
0x63: {  	_ =	shalt  }
0x64: {  	_ =	shalt  }
0x65: {  	_ =	shalt  }
0x66: {  	_ =	shalt  }
0x67: {  	_ =	shalt  }
0x68: {  	_ =	shalt  }
0x69: {  	_ =	shalt  }
0x6a: {  	_ =	shalt  }
0x6b: {  	_ =	shalt  }
0x6c: {  	_ =	shalt  }
0x6d: {  	_ =	shalt  }
0x6e: {  	_ =	shalt  }
0x6f: {  	_ =	shalt  }
0x70: {  	_ =	shalt  }
0x71: {  	_ =	shalt  }
0x72: {  	_ =	shalt  }
0x73: {  	_ =	shalt  }
0x74: {  	_ =	shalt  }
0x75: {  	_ =	shalt  }
0x76: {  	_ =	shalt  }
0x77: {  	_ =	shalt  }
0x78: {  	_ =	shalt  }
0x79: {  	_ =	shalt  }
0x7a: {  	_ =	shalt  }
0x7b: {  	_ =	shalt  }
0x7c: {  	_ =	shalt  }
0x7d: {  	_ =	shalt  }
0x7e: {  	_ =	shalt  }
0x7f: {  	_ =	shalt  }
0x80: {  	_ =	shalt  }
0x81: {  	_ =	shalt  }
0x82: {  	_ =	shalt  }
0x83: {  	_ =	shalt  }
0x84: {  	_ =	shalt  }
0x85: {  	_ =	shalt  }
0x86: {  	_ =	shalt  }
0x87: {  	_ =	shalt  }
.Lfunc_end0:
.L_simem_size_0:
called_computation.2_lowered:
.L_overlay_start_0:
0x88: {  	s2 =	sld [smem:$0x3FD9]  }
0x89: {  	s3 =	sld [smem:$0x3FFE];
	_ =	sdelay $0x1  }
0x8a: {  	s1 =	srdreg.scid  }
0x8b: {  	s0 =	sand.u32 $0x1, s1  }
0x8c: {  	s14 =	sshll.u32 s0, $0xA;
	s2 =	sadd.s32 s3, s2  }
0x8d: {  	s2 =	sadd.s32 s2, s14  }
0x8e: {  	[smem:$0x3FB7] =	sst s2  }
0x8f: {  	_ = 	snop  }
0x90: {  	s2 =	sld [smem:$0x3FD0];
	_ =	sdelay $0x2  }
0x91: {  	s15 =	simm.s32 $0xA;
	s4 =	simm.s32 $0x10  }
0x92: {  	[smem:s4], [sflag:s15] =	dma.local [hbm:s2], $0x1  }
0x93: {  	_ =	swait.eq [sflag:s15], $0x1  }
0x94: {  	[sflag:s15] =	ssyncset.done $0x0  }
0x95: {  	[sflag:s15] =	ssyncadd.s32 $0xFFFFFFFF  }
0x96: {  	s16 =	sld [smem:$0x10];
	(tm) =	ssettm $0x1  }
0x97: {  	s17 =	sld [smem:$0x3FFB];
	_ =	sdelay $0x3  }
0x98: {  	_ =	strace s17  }
0x99: {  	s3 =	sld [smem:$0x3FFC];
	_ =	sdelay $0x3  }
0x9a: {  	_ =	strace s3  }
0x9b: {  	s3 =	sld [smem:$0x3FFD];
	_ =	sdelay $0x3  }
0x9c: {  	_ =	strace s3  }
0x9d: {  	_ =	strace $0x8FFFFFFF  }
0x9e: {  	s18 =	sld [smem:$0x3FDB];
	_ =	sdelay $0x1  }
0x9f: {  	s19 =	simm.s32 $_scs_section_size  }
0xa0: {  	s5 =	simm.s32 $_size__tile_overlayer_lowered;
	s6 =	simm.s32 $_tile_overlayer_lowered  }
0xa1: {  	s22 =	simm.s32 $0x1BFF;
	s21 =	sshll.u32 s6, $0x1;
	s3 =	sadd.s32 s19, s18  }
0xa2: {  	s7 =	simm.s32 $0x0;
	s20 =	sshll.u32 s5, $0x1;
	s5 =	sadd.s32 s21, s3  }
0xa3: {  	[timem:s7], [sflag:s22] =	dma.local [hbm:s5], s20  }
0xa4: {  	_ =	swait.ge [sflag:s22], s20  }
0xa5: {  	s4 =	ssub.s32 $0x0, s20;
	[sflag:s22] =	ssyncset.done $0x0  }
0xa6: {  	[sflag:s22] =	ssyncadd.s32 s4;
	_ =	sdelay $0x1  }
0xa7: {  	s23 =	simm.s32 $0x1B8B  }
0xa8: {  	_ =	swait.ge [sflag:s23], $0x1  }
0xa9: {  	[sflag:s23] =	ssyncset.done $0x0  }
0xaa: {  	s25 =	simm.s32 $0x1B8E;
	s24 =	sld [smem:$0x3FFE];
	[sflag:s23] =	ssyncadd.s32 $0xFFFFFFFF  }
0xab: {  	s26 =	simm.s32 $execute0_lowered;
	[smem:$0x3FD2] =	sst s25  }
0xac: {  	s5 =	sshll.u32 s26, $0x1;
	_ =	strace $0x8000005B;
	[dreg:$0x1] =	wrdreg $0xFFFFFFFF  }
0xad: {  	s28 =	simm.s32 $_size_execute0_lowered;
	s3 =	sadd.s32 s3, s5;
	[dreg:$0x0] =	wrdreg $0x0  }
0xae: {  	s5 =	sshll.u32 s28, $0x1;
	[dreg:$0x2] =	wrdreg s3  }
0xaf: {  	[dreg:$0x3] =	wrdreg s5  }
0xb0: {  	[dreg:$0x4] =	wrdreg $0xC0  }
0xb1: {  	_ =	task [dreg:s7], $0x5FFFF  }
0xb2: {  	[dreg:$0x1] =	wrdreg $0xFFFFFFFF  }
0xb3: {  	[dreg:$0x0] =	wrdreg $0x60  }
0xb4: {  	[dreg:$0x2] =	wrdreg s24  }
0xb5: {  	[dreg:$0x3] =	wrdreg s16  }
0xb6: {  	[dreg:$0x4] =	wrdreg $0x0  }
0xb7: {  	[dreg:$0x5] =	wrdreg $0x19000  }
0xb8: {  	[dreg:$0x6] =	wrdreg $0x9  }
0xb9: {  	_ =	task.clear_ibuf [dreg:s7], $0x7FFFF;
	_ =	strace $0x9000005B  }
0xba: {  	s29 =	simm.s32 $0x9;
	_ =	strace $0x80000066  }
0xbb: {  	_ =	swait.ge [sflag:s29], $0x1  }
0xbc: {  	[sflag:s29] =	ssyncadd.s32 $0xFFFFFFFF  }
0xbd: {  	_ =	strace $0x90000066  }
0xbe: {  	_ =	sfence  }
0xbf: {  	s30 =	sld [smem:$0x0];
	_ =	sdelay $0x2  }
0xc0: {  	s31 =	sshll.u32 s1, $0xD;
	s1 =	sshrl.u32 s1, $0x2  }
0xc1: {  	s3 =	sand.u32 $0x4000, s31;
	s1 =	sadd.s32 s1, s30  }
0xc2: {  	s0 =	sor.u32 s3, s0;
	s1 =	sshll.u32 s1, $0x11  }
0xc3: {  	s0 =	sor.u32 s1, s0  }
0xc4: {  	s0 =	sadd.s32 $0x8F2B, s0  }
0xc5: {  	[sflag:s0] =	ssyncadd.remote.s32 $0x1  }
0xc6: {  	_ =	sfence.sel $0xFFFF  }
0xc7: {  	[dreg:$0x0] =	wrdreg $0xFFFFFFFF;
	(pc) =	sbr.abs _section_cstart, $3  }
0xc8: {  	[dreg:$0x1] =	wrdreg $0xFFFFFFFF  }
0xc9: {  	_ =	task.clear_ibuf [dreg:s7], $0x2FFFF;
	_ =	strace $0x9FFFFFFF  }
0xca: {  	(tm) =	ssettm $0x7FFFFFFF  }
0xcb: {  	_ =	shalt  }
tec
execute0_lowered:
.L_overlay_start_1:
0x0: {  	(tag) =	ssettag $0x1  }
0x1: {  	s0 =	rddreg [dreg:$0x0]  }
0x2: {  	s1 =	rddreg [dreg:$0x1]  }
0x3: {  	s2 =	rddreg [dreg:$0x2]  }
0x4: {  	s3 =	rddreg [dreg:$0x3]  }
0x5: {  	s4 =	stileid.u32;
	s5 =	simm.s32 $0x0;
	s6 =	srdreg.scid  }
0x6: {  	s7 =	smul.u32 $0x1900, s4;
	[smem:$0x7FF] =	sst s5  }
0x7: {  	s5 =	sadd.s32 $0x35200, s0;
	s10 =	sand.u32 $0x1, s6;
	s6 =	sadd.s32 $0x3200, s0  }
0x8: {  	_ =	strace $0x8000005C;
	s11 =	ssub.s32 $0x2, s10;
	s10 =	sshll.u32 s10, $0x4  }
0x9: {  	s8 =	sshrl.u32 s7, $0x3;
	s12 =	sshrl.u32 s11, $0x1;
	s28 =	sadd.s32 s7, s2  }
0xa: {  	s10 =	sor.u32 s4, s10;
	s29 =	sadd.s32 s7, s3;
	[dreg:$0x7] =	wrdreg s28  }
0xb: {  	s9 =	sadd.s32 s8, s0;
	s0 =	sadd.s32 $0x6A400, s0;
	[dreg:$0x9] =	wrdreg s29  }
0xc: {  	s24 =	ssub.s32 s11, s12;
	s1 =	sadd.s32 s1, s8;
	[dreg:$0x5] =	wrdreg s0  }
0xd: {  	s25 =	smul.u32 $0x1900, s10;
	s26 =	sadd.s32 $0x67200, s9;
	[dreg:$0x8] =	wrdreg s1  }
0xe: {  	s0 =	smax.u32 s24, $0x1;
	[dreg:$0x6] =	wrdreg s26  }
0xf: {  	s18 =	simm.s32 $0x80;
	s30 =	sadd.s32 s5, s25;
	[dreg:$0xc] =	wrdreg s0  }
0x10: {  	s19 =	simm.s32 $0x7;
	s31 =	sadd.s32 s6, s25;
	[dreg:$0xa] =	wrdreg s30  }
0x11: {  	s21 =	simm.s32 $0x0;
	s11 =	smul.u32 $0x190, s10;
	[dreg:$0xb] =	wrdreg s31  }
.LBB2_1:
0x12: {  	s4 =	simm.s32 $0x0  }
0x13: {  	s0 =	rddreg [dreg:$0x6];
	s1 =	simm.s32 $0x3200;
	s14 =	simm.s32 $0x1  }
0x14: {  	[tilespmem:s1], [sflag:$0x1] =	stream.linear.gather [hbm4b:s0+s4], $0x1900, $0x38;
	[tilespmem:$0x5100] =	vst v63  }
0x15: {  	_ =	swait.ge [sflag:s14], $0x1900  }
0x16: {  	[sflag:s14] =	ssyncset.done $0x0  }
0x17: {  	s12 =	rddreg [dreg:$0x7];
	[sflag:s14] =	ssyncadd.s32 $0xFFFFE700  }
0x18: {  	[spmem:s12] =	stream.linear.scatter [tilespmem:s1], [sflag:$0x1], $0x1900, $0x38;
	[tilespmem:$0x5100] =	vst v63  }
0x19: {  	_ =	swait.ge [sflag:s14], $0x1900  }
0x1a: {  	[sflag:s14] =	ssyncset.done $0x0  }
0x1b: {  	s13 =	rddreg [dreg:$0x8];
	[sflag:s14] =	ssyncadd.s32 $0xFFFFE700  }
0x1c: {  	[tilespmem:s1], [sflag:$0x1] =	stream.linear.gather [hbm4b:s13+s4], $0x1900, $0x38;
	[tilespmem:$0x5100] =	vst v63  }
0x1d: {  	_ =	swait.ge [sflag:s14], $0x1900  }
0x1e: {  	[sflag:s14] =	ssyncset.done $0x0  }
0x1f: {  	s15 =	rddreg [dreg:$0x9];
	[sflag:s14] =	ssyncadd.s32 $0xFFFFE700  }
0x20: {  	[spmem:s15] =	stream.linear.scatter [tilespmem:s1], [sflag:$0x1], $0x1900, $0x38;
	[tilespmem:$0x5100] =	vst v63  }
0x21: {  	p0 =	por $0x0, $0x0;
	s1 =	simm.s32 $0x1  }
0x22: {  	p2 =	por $0x0, $0x0;
	_ =	swait.ge [sflag:s14], $0x1900;
	s1 =	simm.s32 @p0 $0x0  }
0x23: {  	[sflag:s14] =	ssyncset.done $0x0;
	p1 =	seq.s32 @!p2 s1, $0x0  }
0x24: {  	[sflag:s14] =	ssyncadd.s32 $0xFFFFE700;
	p0 =	por p1, p2  }
0x25: {  	s17 =	simm.s32 $0x4B00;
	[bflag:$0x0] =	sbarrier.arrive $0xFFFF;
	s0 =	sadd.s32 @!p0 s11, s1  }
0x26: {  	s7 =	sshll.u32 @!p0 s1, $0x7;
	_ =	strace $0x8000005D;
	s0 =	sshll.u32 @!p0 s0, $0x7  }
0x27: {  	s7 =	sand.u32 @!p0 $0x380, s7;
	s16 =	rddreg [dreg:$0xa];
	s0 =	sand.u32 @!p0 $0xFFFFFC00, s0  }
0x28: {  	[tilespmem:s17], [sflag:$0x1] =	stream.linear.gather [hbm4b:s16+s4], $0x80, $0x200038;
	[tilespmem:$0x5100] =	vst v63  }
0x29: {  	s22 =	simm.s32 $0x4C00;
	s13 =	simm.s32 @!p0 $0x0;
	s0 =	sor.u32 @!p0 s7, s0  }
0x2a: {  	s20 =	rddreg [dreg:$0xb];
	s7 =	sand.u32 @!p0 $0x1, s14;
	s0 =	sshrl.u32 @!p0 s0, $0x3  }
0x2b: {  	[tilespmem:s22], [sflag:$0x3] =	stream.linear.gather [hbm4b:s20+s4], $0x80, $0x200038;
	[tilespmem:$0x5100] =	vst v63  }
0x2c: {  	s9 =	sshll.u32 @!p0 s7, $0x7;
	s10 =	sadd.s32 @!p0 $0x1, s7;
	_ =	strace $0x9000005D  }
0x2d: {  	s8 =	sadd.s32 @!p0 s5, s0;
	s12 =	sor.u32 @!p0 $0x4B00, s9;
	_ =	strace @!p0 $0x8000005E  }
0x2e: {  	[tilespmem:s12], [sflag:s10] =	stream.linear.gather @!p0 [hbm4b:s8+s13], $0x80, $0x200038;
	[tilespmem:$0x5100] =	vst v63  }
0x2f: {  	p4 =	por $0x1, $0x1;
	s7 =	sadd.s32 @!p0 $0x3, s7;
	_ =	strace @!p0 $0x9000005E  }
0x30: {  	s0 =	sadd.s32 @!p0 s6, s0;
	s8 =	sor.u32 @!p0 $0x4C00, s9;
	_ =	strace @!p0 $0x8000005F  }
0x31: {  	[tilespmem:s8], [sflag:s7] =	stream.linear.gather @!p0 [hbm4b:s0+s13], $0x80, $0x200038;
	[tilespmem:$0x5100] =	vst v63  }
0x32: {  	s29 =	simm.s32 $0x18E;
	s16 =	sand.u32 $0x1, s4;
	_ =	strace @!p0 $0x9000005F  }
0x33: {  	s24 =	simm.s32 $0x0;
	s23 =	sadd.s32 $0x1, s16;
	_ =	strace $0x80000060  }
0x34: {  	s25 =	simm.s32 $0x1;
	s28 =	simm.s32 $0x0;
	_ =	swait.ge [sflag:s23], $0x80  }
0x35: {  	s30 =	simm.s32 $0x0;
	p3 =	sne.s32 s1, $0x0;
	[sflag:s23] =	ssyncset.done $0x0  }
0x36: {  	s31 =	sadd.s32 $0x1, s1;
	p3 =	por p3, p3;
	[sflag:s23] =	ssyncadd.s32 $0xFFFFFF80  }
0x37: {  	p1 =	por !p1, p2;
	p5 =	por p2, p3;
	_ =	strace $0x90000060  }
0x38: {  	s26 =	sadd.s32 $0x3, s16;
	s22 =	simm.s32 $0x18F;
	_ =	strace $0x80000061  }
0x39: {  	s10 =	simm.s32 $0x0;
	s9 =	sshll.u32 s16, $0x9;
	_ =	swait.ge [sflag:s26], $0x80  }
0x3a: {  	s10 =	simm.s32 @p1 $0x1;
	s17 =	sor.u32 $0x4D00, s9;
	[sflag:s26] =	ssyncset.done $0x0  }
0x3b: {  	s15 =	sadd.s32 $0x4E00, s9;
	s20 =	sor.u32 $0x4D80, s9;
	[sflag:s26] =	ssyncadd.s32 $0xFFFFFF80  }
0x3c: {  	s10 =	simm.s32 @p2 $0x0;
	s0 =	sand.u32 $0x80, s24;
	_ =	strace $0x90000061  }
0x3d: {  	s8 =	sadd.s32 $0x0, s11;
	s13 =	sor.u32 $0x4B00, s0;
	_ =	strace $0x80000062  }
0x3e: {  	[tilespmem:s17], [sflag:$0x7] =	stream.indirect.gather [spmem:s2], $0x1, s13, s18, $0x2000b8;
	[tilespmem:$0x5100] =	vst v63  }
0x3f: {  	s7 =	simm.s32 @!p0 $0x2;
	s24 =	sadd.s32 $0x4E80, s9;
	_ =	swait.ge [sflag:s19], $0x80  }
0x40: {  	s25 =	smov.u32 @p1 s7;
	p1 =	por p4, p4;
	[sflag:s19] =	ssyncset.done $0x0  }
0x41: {  	s0 =	sor.u32 $0x4C00, s0;
	p0 =	seq.s32 s31, $0x190;
	[sflag:s19] =	ssyncadd.s32 $0xFFFFFF80  }
0x42: {  	[tilespmem:s15], [sflag:$0x7] =	stream.indirect.gather [spmem:s2], $0x1, s0, s18, $0x2000b8;
	[tilespmem:$0x5100] =	vst v63  }
0x43: {  	s7 =	simm.s32 $0x1;
	s25 =	smov.u32 @p2 s14;
	_ =	swait.ge [sflag:s19], $0x80  }
0x44: {  	s31 =	simm.s32 @p0 $0x0;
	p2 =	por $0x0, $0x0;
	[sflag:s19] =	ssyncset.done $0x0  }
0x45: {  	p0 =	por $0x0, $0x0;
	s7 =	simm.s32 @!p2 $0x0;
	[sflag:s19] =	ssyncadd.s32 $0xFFFFFF80  }
0x46: {  	[tilespmem:s20], [sflag:$0x7] =	stream.indirect.gather [spmem:s3], $0x1, s13, s18, $0x2000b8;
	[tilespmem:$0x5100] =	vst v63  }
0x47: {  	s23 =	sadd.s32 s11, s1;
	s26 =	sadd.s32 $0x1, s10;
	_ =	swait.ge [sflag:s19], $0x80  }
0x48: {  	s10 =	sand.u32 @!p4 $0x1, s4;
	p4 =	sne.s32 s1, s31;
	[sflag:s19] =	ssyncset.done $0x0  }
0x49: {  	s9 =	sadd.s32 @!p1 $0x5, s10;
	s10 =	simm.s32 $0x1;
	[sflag:s19] =	ssyncadd.s32 $0xFFFFFF80  }
0x4a: {  	[tilespmem:s24], [sflag:$0x7] =	stream.indirect.gather [spmem:s3], $0x1, s0, s18, $0x2000b8;
	[tilespmem:$0x5100] =	vst v63  }
0x4b: {  	s10 =	simm.s32 @!p5 $0x0;
	s24 =	simm.s32 $0x0;
	s0 =	simm.s32 $0x0  }
.LBB2_2:
0x4c: {  	s13 =	smov.u32 s25;
	s28 =	sadd.s32 s10, s28  }
0x4d: {  	s24 =	sadd.s32 s7, s24;
	s7 =	smov.u32 s22;
	p2 =	por p4, p4  }
0x4e: {  	_ =	swait.ge [sflag:s19], $0x80;
	s8 =	sshll.u32 @p5 s8, $0x6;
	s0 =	sadd.s32 s10, s0  }
0x4f: {  	s30 =	sadd.s32 s10, s30;
	p3 =	seq.s32 s7, $0x1;
	[sflag:s19] =	ssyncset.done $0x0  }
0x50: {  	s8 =	sand.u32 @p5 $0x1FFFFFC0, s8;
	[sflag:s19] =	ssyncadd.s32 $0xFFFFFF80;
	p6 =	seq.s32 @!p3 s1, s31  }
0x51: {  	s1 =	sadd.s32 @p5 $0x5, s16;
	_ =	strace $0x90000062;
	p4 =	por p6, p3  }
0x52: {  	p6 =	por !p6, p3;
	_ =	strace @p5 $0x80000063;
	s10 =	sadd.s32 @!p4 $0x1, s25  }
0x53: {  	s16 =	sand.u32 @!p4 $0x1, s26;
	s15 =	sadd.s32 @!p4 s11, s31;
	s14 =	rddreg [dreg:$0x5]  }
0x54: {  	s4 =	sshll.u32 @!p4 s31, $0x7;
	s8 =	sadd.s32 @p5 s14, s8;
	s14 =	simm.s32 @p5 $0x0  }
0x55: {  	[hbm4b:s8+s14] =	stream.linear.scatter @p5 [tilespmem:s17], [sflag:s1], $0x200, $0x200038;
	[tilespmem:$0x5100] =	vst v63  }
0x56: {  	s15 =	sshll.u32 @!p4 s15, $0x7;
	s4 =	sand.u32 @!p4 $0x380, s4;
	_ =	strace @p5 $0x90000063  }
0x57: {  	s25 =	smov.u32 @p6 s10;
	s10 =	sand.u32 @!p4 $0xFFFFFC00, s15;
	_ =	strace @!p1 $0x80000064  }
0x58: {  	s15 =	sadd.s32 @!p4 $0x3, s16;
	s1 =	sor.u32 @!p4 s4, s10;
	_ =	swait.ge @!p1 [sflag:s9], $0x200  }
0x59: {  	s8 =	sand.u32 @!p4 $0x1, s13;
	s1 =	sshrl.u32 @!p4 s1, $0x3;
	[sflag:s9] =	ssyncset.done @!p1 $0x0  }
0x5a: {  	s4 =	sshll.u32 @!p4 s8, $0x7;
	s8 =	sadd.s32 @!p4 $0x1, s8;
	[sflag:s9] =	ssyncadd.s32 @!p1 $0xFFFFFE00  }
0x5b: {  	s14 =	sadd.s32 @!p4 s5, s1;
	s4 =	sor.u32 @!p4 $0x4B00, s4;
	_ =	strace @!p1 $0x90000064  }
0x5c: {  	s9 =	sshll.u32 @!p4 s16, $0x7;
	s16 =	simm.s32 @!p4 $0x0;
	_ =	strace @!p4 $0x8000005E  }
0x5d: {  	[tilespmem:s4], [sflag:s8] =	stream.linear.gather @!p4 [hbm4b:s14+s16], $0x80, $0x200038;
	[tilespmem:$0x5100] =	vst v63  }
0x5e: {  	_ =	strace @!p4 $0x9000005E  }
0x5f: {  	s1 =	sadd.s32 @!p4 s6, s1;
	s9 =	sor.u32 @!p4 $0x4C00, s9;
	_ =	strace @!p4 $0x8000005F  }
0x60: {  	[tilespmem:s9], [sflag:s15] =	stream.linear.gather @!p4 [hbm4b:s1+s16], $0x80, $0x200038;
	[tilespmem:$0x5100] =	vst v63  }
0x61: {  	s17 =	sshll.u32 s30, $0x7;
	s14 =	sand.u32 $0x1, s0;
	_ =	strace @!p4 $0x9000005F  }
0x62: {  	s10 =	sand.u32 $0x80, s17;
	s17 =	sadd.s32 $0x1, s14;
	_ =	strace $0x80000060  }
0x63: {  	_ =	swait.ge [sflag:s17], $0x80  }
0x64: {  	s22 =	smov.u32 s29;
	s29 =	sadd.s32 $0xFFFFFFFF, s29;
	[sflag:s17] =	ssyncset.done $0x0  }
0x65: {  	s20 =	simm.s32 $0x0;
	s12 =	sshll.u32 s0, $0x7;
	[sflag:s17] =	ssyncadd.s32 $0xFFFFFF80  }
0x66: {  	s20 =	simm.s32 @p6 $0x1;
	s8 =	sand.u32 $0x1, s30;
	_ =	strace $0x90000060  }
0x67: {  	s20 =	simm.s32 @p3 $0x0;
	s4 =	sadd.s32 $0x3, s8;
	_ =	strace $0x80000061  }
0x68: {  	p6 =	sne.s32 s29, $0x0;
	s26 =	sadd.s32 s26, s20;
	_ =	swait.ge [sflag:s4], $0x80  }
0x69: {  	s25 =	smov.u32 @p3 s13;
	s20 =	sadd.s32 s11, s31;
	[sflag:s4] =	ssyncset.done $0x0  }
0x6a: {  	p5 =	por p3, p2;
	s16 =	sand.u32 $0x1, s28;
	[sflag:s4] =	ssyncadd.s32 $0xFFFFFF80  }
0x6b: {  	s15 =	sand.u32 $0x80, s12;
	s14 =	sshll.u32 s16, $0x9;
	_ =	strace $0x90000061  }
0x6c: {  	s12 =	sor.u32 $0x4B00, s15;
	s17 =	sor.u32 $0x4D00, s14;
	_ =	strace $0x80000062  }
0x6d: {  	[tilespmem:s17], [sflag:$0x7] =	stream.indirect.gather [spmem:s2], $0x1, s12, s18, $0x2000b8;
	[tilespmem:$0x5100] =	vst v63  }
0x6e: {  	p2 =	sne.s32 s7, $0x190;
	s7 =	simm.s32 $0x1;
	_ =	swait.ge [sflag:s19], $0x80  }
0x6f: {  	s13 =	sor.u32 $0x4C00, s10;
	s8 =	smov.u32 s23;
	[sflag:s19] =	ssyncset.done $0x0  }
0x70: {  	s23 =	smov.u32 s20;
	s20 =	sadd.s32 $0x4E00, s14;
	[sflag:s19] =	ssyncadd.s32 $0xFFFFFF80  }
0x71: {  	[tilespmem:s20], [sflag:$0x7] =	stream.indirect.gather [spmem:s2], $0x1, s13, s18, $0x2000b8;
	[tilespmem:$0x5100] =	vst v63  }
0x72: {  	s10 =	simm.s32 $0x1;
	s7 =	simm.s32 @!p2 $0x0;
	_ =	swait.ge [sflag:s19], $0x80  }
0x73: {  	s10 =	simm.s32 @!p5 $0x0;
	p1 =	por p0, p0;
	[sflag:s19] =	ssyncset.done $0x0  }
0x74: {  	s9 =	sand.u32 @!p0 $0x1, s24;
	s15 =	sor.u32 $0x4D80, s14;
	[sflag:s19] =	ssyncadd.s32 $0xFFFFFF80  }
0x75: {  	[tilespmem:s15], [sflag:$0x7] =	stream.indirect.gather [spmem:s3], $0x1, s12, s18, $0x2000b8;
	[tilespmem:$0x5100] =	vst v63  }
.Ltmp0:
0x76: {  	s1 =	smov.u32 s31;
	s31 =	sadd.s32 $0x1, s31;
	(pc) =	sbr.rel @p6 .LBB2_2-.Ltmp0, $4  }
0x77: {  	p0 =	seq.s32 s31, $0x190;
	s9 =	sadd.s32 @!p1 $0x5, s9;
	_ =	swait.ge [sflag:s19], $0x80  }
0x78: {  	s31 =	simm.s32 @p0 $0x0;
	p0 =	seq.s32 s22, $0x190;
	[sflag:s19] =	ssyncset.done $0x0  }
0x79: {  	p4 =	sne.s32 s1, s31;
	s20 =	sadd.s32 $0x4E80, s14;
	[sflag:s19] =	ssyncadd.s32 $0xFFFFFF80  }
0x7a: {  	[tilespmem:s20], [sflag:$0x7] =	stream.indirect.gather [spmem:s3], $0x1, s13, s18, $0x2000b8;
	[tilespmem:$0x5100] =	vst v63  }
0x7b: {  	_ =	swait.ge [sflag:s19], $0x80  }
0x7c: {  	[sflag:s19] =	ssyncset.done $0x0  }
0x7d: {  	[sflag:s19] =	ssyncadd.s32 $0xFFFFFF80  }
0x7e: {  	s8 =	sshll.u32 @p5 s8, $0x6;
	p2 =	seq.s32 s22, $0x1;
	_ =	strace $0x90000062  }
0x7f: {  	s0 =	sadd.s32 s10, s0;
	p3 =	seq.s32 @!p2 s1, s31;
	_ =	strace @p5 $0x80000063  }
0x80: {  	s1 =	sand.u32 @p5 $0x1FFFFFC0, s8;
	s8 =	sadd.s32 @p5 $0x5, s16;
	s4 =	rddreg [dreg:$0x5]  }
0x81: {  	p3 =	por p3, p2;
	s1 =	sadd.s32 @p5 s4, s1;
	s4 =	simm.s32 @p5 $0x0  }
0x82: {  	[hbm4b:s1+s4] =	stream.linear.scatter @p5 [tilespmem:s17], [sflag:s8], $0x200, $0x200038;
	[tilespmem:$0x5100] =	vst v63  }
0x83: {  	s13 =	simm.s32 @!p3 $0x0;
	s1 =	sadd.s32 @!p3 s11, s31;
	_ =	strace @p5 $0x90000063  }
0x84: {  	s4 =	sshll.u32 @!p3 s31, $0x7;
	s1 =	sshll.u32 @!p3 s1, $0x7;
	_ =	strace @!p1 $0x80000064  }
0x85: {  	s4 =	sand.u32 @!p3 $0x380, s4;
	s1 =	sand.u32 @!p3 $0xFFFFFC00, s1;
	_ =	swait.ge @!p1 [sflag:s9], $0x200  }
0x86: {  	s8 =	sand.u32 @!p3 $0x1, s25;
	s1 =	sor.u32 @!p3 s4, s1;
	[sflag:s9] =	ssyncset.done @!p1 $0x0  }
0x87: {  	s4 =	sand.u32 @!p3 $0x1, s26;
	s1 =	sshrl.u32 @!p3 s1, $0x3;
	[sflag:s9] =	ssyncadd.s32 @!p1 $0xFFFFFE00  }
0x88: {  	s12 =	sadd.s32 @!p3 s5, s1;
	s9 =	sshll.u32 @!p3 s8, $0x7;
	_ =	strace @!p1 $0x90000064  }
0x89: {  	s8 =	sadd.s32 @!p3 $0x1, s8;
	s9 =	sor.u32 @!p3 $0x4B00, s9;
	_ =	strace @!p3 $0x8000005E  }
0x8a: {  	[tilespmem:s9], [sflag:s8] =	stream.linear.gather @!p3 [hbm4b:s12+s13], $0x80, $0x200038;
	[tilespmem:$0x5100] =	vst v63  }
0x8b: {  	s1 =	sadd.s32 @!p3 s6, s1;
	s8 =	sshll.u32 @!p3 s4, $0x7;
	_ =	strace @!p3 $0x9000005E  }
0x8c: {  	s4 =	sadd.s32 @!p3 $0x3, s4;
	s8 =	sor.u32 @!p3 $0x4C00, s8;
	_ =	strace @!p3 $0x8000005F  }
0x8d: {  	[tilespmem:s8], [sflag:s4] =	stream.linear.gather @!p3 [hbm4b:s1+s13], $0x80, $0x200038;
	[tilespmem:$0x5100] =	vst v63  }
0x8e: {  	s15 =	sand.u32 $0x1, s0;
	_ =	strace @!p3 $0x9000005F  }
0x8f: {  	s1 =	sadd.s32 $0x1, s15;
	_ =	strace $0x80000060  }
0x90: {  	_ =	swait.ge [sflag:s1], $0x80  }
0x91: {  	[sflag:s1] =	ssyncset.done $0x0  }
0x92: {  	s16 =	sadd.s32 s10, s30;
	[sflag:s1] =	ssyncadd.s32 $0xFFFFFF80  }
0x93: {  	s17 =	sand.u32 $0x1, s16;
	_ =	strace $0x90000060  }
0x94: {  	s1 =	sadd.s32 $0x3, s17;
	_ =	strace $0x80000061  }
0x95: {  	_ =	swait.ge [sflag:s1], $0x80  }
0x96: {  	s20 =	sadd.s32 s10, s28;
	[sflag:s1] =	ssyncset.done $0x0  }
0x97: {  	s0 =	sshll.u32 s0, $0x7;
	s8 =	sand.u32 $0x1, s20;
	[sflag:s1] =	ssyncadd.s32 $0xFFFFFF80  }
0x98: {  	s0 =	sand.u32 $0x80, s0;
	s25 =	sshll.u32 s8, $0x9;
	_ =	strace $0x90000061  }
0x99: {  	s0 =	sor.u32 $0x4B00, s0;
	s9 =	sor.u32 $0x4D00, s25;
	_ =	strace $0x80000062  }
0x9a: {  	[tilespmem:s9], [sflag:$0x7] =	stream.indirect.gather [spmem:s2], $0x1, s0, s18, $0x2000b8;
	[tilespmem:$0x5100] =	vst v63  }
0x9b: {  	s4 =	sshll.u32 s16, $0x7;
	_ =	swait.ge [sflag:s19], $0x80  }
0x9c: {  	s4 =	sand.u32 $0x80, s4;
	[sflag:s19] =	ssyncset.done $0x0  }
0x9d: {  	s26 =	sadd.s32 $0x4E00, s25;
	s4 =	sor.u32 $0x4C00, s4;
	[sflag:s19] =	ssyncadd.s32 $0xFFFFFF80  }
0x9e: {  	[tilespmem:s26], [sflag:$0x7] =	stream.indirect.gather [spmem:s2], $0x1, s4, s18, $0x2000b8;
	[tilespmem:$0x5100] =	vst v63  }
0x9f: {  	_ =	swait.ge [sflag:s19], $0x80  }
0xa0: {  	[sflag:s19] =	ssyncset.done $0x0  }
0xa1: {  	s28 =	sor.u32 $0x4D80, s25;
	[sflag:s19] =	ssyncadd.s32 $0xFFFFFF80  }
0xa2: {  	[tilespmem:s28], [sflag:$0x7] =	stream.indirect.gather [spmem:s3], $0x1, s0, s18, $0x2000b8;
	[tilespmem:$0x5100] =	vst v63  }
0xa3: {  	_ =	swait.ge [sflag:s19], $0x80  }
0xa4: {  	[sflag:s19] =	ssyncset.done $0x0  }
0xa5: {  	s29 =	sadd.s32 $0x4E80, s25;
	[sflag:s19] =	ssyncadd.s32 $0xFFFFFF80  }
0xa6: {  	[tilespmem:s29], [sflag:$0x7] =	stream.indirect.gather [spmem:s3], $0x1, s4, s18, $0x2000b8;
	[tilespmem:$0x5100] =	vst v63  }
0xa7: {  	_ =	swait.ge [sflag:s19], $0x80  }
0xa8: {  	[sflag:s19] =	ssyncset.done $0x0  }
0xa9: {  	p6 =	por p4, p4;
	[sflag:s19] =	ssyncadd.s32 $0xFFFFFF80  }
0xaa: {  	p1 =	por p2, p6;
	_ =	strace $0x90000062  }
0xab: {  	s1 =	sshll.u32 @p1 s23, $0x6;
	_ =	strace @p1 $0x80000063  }
0xac: {  	s1 =	sand.u32 @p1 $0x1FFFFFC0, s1;
	s4 =	sadd.s32 s7, s24;
	s0 =	rddreg [dreg:$0x5]  }
0xad: {  	s7 =	sadd.s32 @p1 $0x5, s8;
	s0 =	sadd.s32 @p1 s0, s1;
	s1 =	simm.s32 @p1 $0x0  }
0xae: {  	[hbm4b:s0+s1] =	stream.linear.scatter @p1 [tilespmem:s9], [sflag:s7], $0x200, $0x200038;
	[tilespmem:$0x5100] =	vst v63  }
0xaf: {  	s0 =	sand.u32 @!p0 $0x1, s4;
	p0 =	por p0, p0;
	_ =	strace @p1 $0x90000063  }
0xb0: {  	s0 =	sadd.s32 @!p0 $0x5, s0;
	_ =	strace @!p0 $0x80000064  }
0xb1: {  	s1 =	simm.s32 $0x1;
	p1 =	sne.s32 s22, $0x190;
	_ =	swait.ge @!p0 [sflag:s0], $0x200  }
0xb2: {  	s1 =	simm.s32 @!p1 $0x0;
	[sflag:s0] =	ssyncset.done @!p0 $0x0  }
0xb3: {  	s1 =	sadd.s32 s1, s4;
	[sflag:s0] =	ssyncadd.s32 @!p0 $0xFFFFFE00  }
0xb4: {  	s30 =	sand.u32 $0x1, s1;
	_ =	strace @!p0 $0x90000064  }
0xb5: {  	s0 =	sadd.s32 $0x5, s30;
	_ =	strace $0x80000065  }
0xb6: {  	_ =	swait.ge [sflag:s0], $0x200  }
0xb7: {  	s21 =	sadd.s32 $0x1, s21;
	s31 =	rddreg [dreg:$0xc]  }
0xb8: {  	p0 =	sne.s32 s21, s31  }
.Ltmp1:
0xb9: {  	_ = 	snop;
	(pc) =	sbr.rel @p0 .LBB2_1-.Ltmp1, $4  }
0xba: {  	_ = 	snop  }
0xbb: {  	[sflag:s0] =	ssyncset.done $0x0  }
0xbc: {  	[sflag:s0] =	ssyncadd.s32 $0xFFFFFE00  }
0xbd: {  	_ =	strace $0x90000065  }
0xbe: {  	_ =	sfence.sel $0x180000  }
0xbf: {  	[bflag:$0x0] =	sbarrier.arrive $0xFFFF  }
0xc0: {  	_ =	strace $0x9000005C  }
0xc1: {  	s0 =	stileid.u32;
	[bflag:$0x2] =	sbarrier.arrive $0xFFFF  }
0xc2: {  	p0 =	sne.s32 s0, $0x0;
	s0 =	rddreg [dreg:$0x4]  }
0xc3: {  	s0 =	sadd.s32 @!p0 $0x100000, s0  }
0xc4: {  	[sflag:s0] =	ssyncadd.tile.s32 @!p0 $0x1;
	_ =	shalt  }
.Lfunc_end2:
_tile_overlayer_lowered:
.L_overlay_start_2:
0xc5: {  	(tag) =	ssettag $0x2  }
0xc6: {  	s0 =	rddreg [dreg:$0x0];
	s2 =	stileid.u32  }
0xc7: {  	s1 =	rddreg [dreg:$0x1];
	p0 =	sne.s32 s2, $0x0  }
0xc8: {  	s3 =	rddreg [dreg:$0x2];
	[bflag:$0x3] =	sbarrier.arrive $0xFFFF;
	s2 =	simm.s32 @!p0 $0x1C01  }
0xc9: {  	[timem:s3], [sflag:s2] =	dma.local @!p0 [hbm:s0], s1  }
0xca: {  	s0 =	simm.s32 @!p0 $0x1  }
0xcb: {  	_ =	swait.ge @!p0 [sflag:s0], s1  }
0xcc: {  	s1 =	ssub.s32 @!p0 $0x0, s1;
	[sflag:s0] =	ssyncset.done @!p0 $0x0  }
0xcd: {  	[sflag:s0] =	ssyncadd.s32 @!p0 s1  }
0xce: {  	[bflag:$0x3] =	sbarrier.arrive $0xFFFF  }
0xcf: {  	_ =	shalt  }

// kernel: kernel.20.cloned.1.call-start
scs
__scs_entry_jumppad:
0x0: {  	(pc) =	sbr.rel $0x88, $3  }
0x1: {  	(tag) =	ssettag $0x0;
	lr =	simm.s32 $0x1  }
0x2: {  	[smem:$0x3F90] =	sst lr;
	_ =	strace $0xD0000000  }
0x3: {  	_ = 	snop  }
0x4: {  	_ = 	snop  }
0x5: {  	_ = 	snop  }
0x6: {  	_ = 	snop  }
0x7: {  	_ = 	snop  }
__scs_overlays_trampoline_lowered:
0x8: {  	[smem:$0x3F9F] =	sst s0  }
0x9: {  	[smem:$0x3FA0] =	sst s1  }
0xa: {  	[smem:$0x3FA1] =	sst s2  }
0xb: {  	[smem:$0x3FA2] =	sst s3  }
0xc: {  	[smem:$0x3FA3] =	sst s4  }
0xd: {  	[smem:$0x3FA4] =	sst s5  }
0xe: {  	[smem:$0x3FA5] =	sst s6  }
0xf: {  	[smem:$0x3FA6] =	sst s7  }
0x10: {  	[smem:$0x3FA7] =	sst s8  }
0x11: {  	[smem:$0x3FA8] =	sst s9;
	s0 =	simm.s32 @!p0 $0x0  }
0x12: {  	s1 =	sld [smem:$0x3F8E];
	s0 =	simm.s32 @p0 $0x1  }
0x13: {  	[smem:$0x3FA9] =	sst s0;
	s0 =	simm.s32 @!p1 $0x0  }
0x14: {  	s2 =	sld [smem:$0x3F8D];
	s0 =	simm.s32 @p1 $0x1  }
0x15: {  	[smem:$0x3FAA] =	sst s0;
	s0 =	simm.s32 @!p2 $0x0  }
0x16: {  	s3 =	sld [smem:$0x3FDB];
	s0 =	simm.s32 @p2 $0x1  }
0x17: {  	s4 =	simm.s32 $0x1BF5;
	[smem:$0x3FAC] =	sst s0  }
0x18: {  	s0 =	sld [smem:$0x3F8F];
	_ =	swait.ge [sflag:s4], $0x0  }
0x19: {  	s7 =	sld [smem:$0x3F90]  }
0x1a: {  	s8 =	sadd.s32 $0xFFFFE003, lr  }
0x1b: {  	s9 =	sadd.s32 $0xFFFFFEF7, lr;
	s5 =	simm.s32 $0xFFFFFFFF;
	p2 =	slt.u32 s8, $0xFFFFF086  }
0x1c: {  	p1 =	slt.u32 s9, $0xF7A;
	s5 =	simm.s32 @!p2 $0x0  }
0x1d: {  	s5 =	simm.s32 @p1 $0x1;
	p0 =	seq.s32 s7, s2  }
0x1e: {  	s7 =	smul.u32 @!p0 $0xF7A, s2;
	p2 =	seq.s32 @!p0 s5, $0x0  }
0x1f: {  	s9 =	smul.u32 $0xF7A, s1;
	s8 =	simm.s32 @!p0 $0x1BF5;
	p2 =	por !p2, p0  }
0x20: {  	[sflag:s8] =	ssyncset.s32 @!p0 $0xFFFFF086;
	s6 =	sadd.s32 @!p0 s3, s7;
	s7 =	simm.s32 @!p0 $0x108  }
0x21: {  	s3 =	sadd.s32 s3, s9;
	s6 =	sadd.s32 @!p0 $0x88, s6;
	s7 =	simm.s32 @p2 $0x1082  }
0x22: {  	[simem:s7], [sflag:s8] =	dma.local @!p0 [hbm:s6], $0xF7A  }
0x23: {  	s9 =	sor.u32 $0xD0000000, s2;
	s6 =	simm.s32 $0x108;
	_ =	swait.ge @!p0 [sflag:s8], $0x0  }
0x24: {  	s3 =	sadd.s32 $0x88, s3;
	s6 =	simm.s32 @!p1 $0x1082;
	[sflag:s4] =	ssyncset.s32 $0xFFFFF086  }
0x25: {  	[simem:s6], [sflag:s4] =	dma.local [hbm:s3], $0xF7A  }
0x26: {  	[smem:$0x3F90] =	sst s1;
	(tag) =	ssettag s2;
	_ =	strace s9  }
0x27: {  	s1 =	sld [smem:$0x3FA0]  }
0x28: {  	s2 =	sld [smem:$0x3FA1]  }
0x29: {  	s4 =	sld [smem:$0x3FA3]  }
0x2a: {  	p0 =	seq.s32 s5, $0x0;
	s5 =	sld [smem:$0x3FA4]  }
0x2b: {  	s6 =	sld [smem:$0x3FA5]  }
0x2c: {  	s7 =	sld [smem:$0x3FA6]  }
0x2d: {  	s3 =	simm.s32 $0x108;
	s8 =	sld [smem:$0x3FA7]  }
0x2e: {  	s3 =	simm.s32 @!p0 $0x1082;
	s9 =	sld [smem:$0x3FA8]  }
0x2f: {  	lr =	sadd.s32 s0, s3;
	s0 =	sld [smem:$0x3F9F]  }
0x30: {  	s3 =	sld [smem:$0x3FA2]  }
0x31: {  	[smem:$0x3FAB] =	sst s10  }
0x32: {  	s10 =	sld [smem:$0x3FA9];
	_ =	sdelay $0x3  }
0x33: {  	p0 =	seq.s32 s10, $0x1;
	s10 =	sld [smem:$0x3FAB];
	_ =	sdelay $0x3  }
0x34: {  	[smem:$0x3FAB] =	sst s10  }
0x35: {  	s10 =	sld [smem:$0x3FAA];
	_ =	sdelay $0x3  }
0x36: {  	p1 =	seq.s32 s10, $0x1;
	s10 =	sld [smem:$0x3FAB];
	_ =	sdelay $0x3  }
0x37: {  	[smem:$0x3FAB] =	sst s10  }
0x38: {  	s10 =	sld [smem:$0x3FAC]  }
0x39: {  	_ = 	snop;
	(pc) =	sbr.ind lr, $3  }
0x3a: {  	_ = 	snop  }
0x3b: {  	_ = 	snop  }
0x3c: {  	p2 =	seq.s32 s10, $0x1;
	s10 =	sld [smem:$0x3FAB]  }
0x3d: {  	_ =	shalt  }
0x3e: {  	_ =	shalt  }
0x3f: {  	_ =	shalt  }
0x40: {  	_ =	shalt  }
0x41: {  	_ =	shalt  }
0x42: {  	_ =	shalt  }
0x43: {  	_ =	shalt  }
0x44: {  	_ =	shalt  }
0x45: {  	_ =	shalt  }
0x46: {  	_ =	shalt  }
0x47: {  	_ =	shalt  }
0x48: {  	_ =	shalt  }
0x49: {  	_ =	shalt  }
0x4a: {  	_ =	shalt  }
0x4b: {  	_ =	shalt  }
0x4c: {  	_ =	shalt  }
0x4d: {  	_ =	shalt  }
0x4e: {  	_ =	shalt  }
0x4f: {  	_ =	shalt  }
0x50: {  	_ =	shalt  }
0x51: {  	_ =	shalt  }
0x52: {  	_ =	shalt  }
0x53: {  	_ =	shalt  }
0x54: {  	_ =	shalt  }
0x55: {  	_ =	shalt  }
0x56: {  	_ =	shalt  }
0x57: {  	_ =	shalt  }
0x58: {  	_ =	shalt  }
0x59: {  	_ =	shalt  }
0x5a: {  	_ =	shalt  }
0x5b: {  	_ =	shalt  }
0x5c: {  	_ =	shalt  }
0x5d: {  	_ =	shalt  }
0x5e: {  	_ =	shalt  }
0x5f: {  	_ =	shalt  }
0x60: {  	_ =	shalt  }
0x61: {  	_ =	shalt  }
0x62: {  	_ =	shalt  }
0x63: {  	_ =	shalt  }
0x64: {  	_ =	shalt  }
0x65: {  	_ =	shalt  }
0x66: {  	_ =	shalt  }
0x67: {  	_ =	shalt  }
0x68: {  	_ =	shalt  }
0x69: {  	_ =	shalt  }
0x6a: {  	_ =	shalt  }
0x6b: {  	_ =	shalt  }
0x6c: {  	_ =	shalt  }
0x6d: {  	_ =	shalt  }
0x6e: {  	_ =	shalt  }
0x6f: {  	_ =	shalt  }
0x70: {  	_ =	shalt  }
0x71: {  	_ =	shalt  }
0x72: {  	_ =	shalt  }
0x73: {  	_ =	shalt  }
0x74: {  	_ =	shalt  }
0x75: {  	_ =	shalt  }
0x76: {  	_ =	shalt  }
0x77: {  	_ =	shalt  }
0x78: {  	_ =	shalt  }
0x79: {  	_ =	shalt  }
0x7a: {  	_ =	shalt  }
0x7b: {  	_ =	shalt  }
0x7c: {  	_ =	shalt  }
0x7d: {  	_ =	shalt  }
0x7e: {  	_ =	shalt  }
0x7f: {  	_ =	shalt  }
0x80: {  	_ =	shalt  }
0x81: {  	_ =	shalt  }
0x82: {  	_ =	shalt  }
0x83: {  	_ =	shalt  }
0x84: {  	_ =	shalt  }
0x85: {  	_ =	shalt  }
0x86: {  	_ =	shalt  }
0x87: {  	_ =	shalt  }
.Lfunc_end0:
.L_simem_size_0:
called_computation.3_lowered:
.L_overlay_start_0:
0x88: {  	s2 =	sld [smem:$0x3FD9]  }
0x89: {  	s3 =	sld [smem:$0x3FFE];
	_ =	sdelay $0x1  }
0x8a: {  	s1 =	srdreg.scid  }
0x8b: {  	s0 =	sand.u32 $0x1, s1  }
0x8c: {  	s16 =	sshll.u32 s0, $0xA;
	s2 =	sadd.s32 s3, s2  }
0x8d: {  	s2 =	sadd.s32 s2, s16  }
0x8e: {  	[smem:$0x3FB7] =	sst s2  }
0x8f: {  	_ = 	snop  }
0x90: {  	(tm) =	ssettm $0x1  }
0x91: {  	s17 =	sld [smem:$0x3FFB];
	_ =	sdelay $0x3  }
0x92: {  	_ =	strace s17  }
0x93: {  	s2 =	sld [smem:$0x3FFC];
	_ =	sdelay $0x3  }
0x94: {  	_ =	strace s2  }
0x95: {  	s2 =	sld [smem:$0x3FFD];
	_ =	sdelay $0x3  }
0x96: {  	_ =	strace s2  }
0x97: {  	_ =	strace $0x8FFFFFFF  }
0x98: {  	s18 =	sld [smem:$0x3FDB];
	_ =	sdelay $0x1  }
0x99: {  	s19 =	simm.s32 $_scs_section_size  }
0x9a: {  	s4 =	simm.s32 $_size__tile_overlayer_lowered;
	s5 =	simm.s32 $_tile_overlayer_lowered  }
0x9b: {  	s22 =	simm.s32 $0x1BFF;
	s21 =	sshll.u32 s5, $0x1;
	s2 =	sadd.s32 s19, s18  }
0x9c: {  	s6 =	simm.s32 $0x0;
	s20 =	sshll.u32 s4, $0x1;
	s4 =	sadd.s32 s21, s2  }
0x9d: {  	[timem:s6], [sflag:s22] =	dma.local [hbm:s4], s20  }
0x9e: {  	_ =	swait.ge [sflag:s22], s20  }
0x9f: {  	s3 =	ssub.s32 $0x0, s20;
	[sflag:s22] =	ssyncset.done $0x0  }
0xa0: {  	[sflag:s22] =	ssyncadd.s32 s3;
	_ =	sdelay $0x1  }
0xa1: {  	s23 =	simm.s32 $0x1B8B  }
0xa2: {  	_ =	swait.ge [sflag:s23], $0x1  }
0xa3: {  	[sflag:s23] =	ssyncset.done $0x0  }
0xa4: {  	s25 =	simm.s32 $0x1B8E;
	s24 =	sld [smem:$0x3FFE];
	[sflag:s23] =	ssyncadd.s32 $0xFFFFFFFF  }
0xa5: {  	s26 =	simm.s32 $execute0_lowered;
	[smem:$0x3FD2] =	sst s25  }
0xa6: {  	s4 =	sshll.u32 s26, $0x1;
	_ =	strace $0x80000067;
	[dreg:$0x1] =	wrdreg $0xFFFFFFFF  }
0xa7: {  	s28 =	simm.s32 $_size_execute0_lowered;
	s2 =	sadd.s32 s2, s4;
	[dreg:$0x0] =	wrdreg $0x0  }
0xa8: {  	s4 =	sshll.u32 s28, $0x1;
	[dreg:$0x2] =	wrdreg s2  }
0xa9: {  	[dreg:$0x3] =	wrdreg s4  }
0xaa: {  	[dreg:$0x4] =	wrdreg $0xC0  }
0xab: {  	_ =	task [dreg:s6], $0x5FFFF  }
0xac: {  	[dreg:$0x1] =	wrdreg $0xFFFFFFFF  }
0xad: {  	[dreg:$0x0] =	wrdreg $0x60  }
0xae: {  	[dreg:$0x2] =	wrdreg s24  }
0xaf: {  	[dreg:$0x3] =	wrdreg $0x0  }
0xb0: {  	[dreg:$0x4] =	wrdreg $0x19000  }
0xb1: {  	[dreg:$0x5] =	wrdreg $0x32000  }
0xb2: {  	[dreg:$0x6] =	wrdreg $0x4B000  }
0xb3: {  	[dreg:$0x7] =	wrdreg $0x9  }
0xb4: {  	_ =	task.clear_ibuf [dreg:s6], $0x8FFFF;
	_ =	strace $0x90000067  }
0xb5: {  	s29 =	simm.s32 $0x9;
	_ =	strace $0x8000006F  }
0xb6: {  	_ =	swait.ge [sflag:s29], $0x1  }
0xb7: {  	[sflag:s29] =	ssyncadd.s32 $0xFFFFFFFF  }
0xb8: {  	_ =	strace $0x9000006F  }
0xb9: {  	_ =	sfence  }
0xba: {  	s30 =	sld [smem:$0x0];
	_ =	sdelay $0x2  }
0xbb: {  	s31 =	sshll.u32 s1, $0xD;
	s1 =	sshrl.u32 s1, $0x2  }
0xbc: {  	s3 =	sand.u32 $0x4000, s31;
	s1 =	sadd.s32 s1, s30  }
0xbd: {  	s0 =	sor.u32 s3, s0;
	s1 =	sshll.u32 s1, $0x11  }
0xbe: {  	s0 =	sor.u32 s1, s0  }
0xbf: {  	s0 =	sadd.s32 $0x8F2B, s0  }
0xc0: {  	[sflag:s0] =	ssyncadd.remote.s32 $0x1  }
0xc1: {  	_ =	sfence.sel $0xFFFF  }
0xc2: {  	[dreg:$0x0] =	wrdreg $0xFFFFFFFF;
	(pc) =	sbr.abs _section_cstart, $3  }
0xc3: {  	[dreg:$0x1] =	wrdreg $0xFFFFFFFF  }
0xc4: {  	_ =	task.clear_ibuf [dreg:s6], $0x2FFFF;
	_ =	strace $0x9FFFFFFF  }
0xc5: {  	(tm) =	ssettm $0x7FFFFFFF  }
tec
execute0_lowered:
.L_overlay_start_1:
0x0: {  	(tag) =	ssettag $0x1  }
0x1: {  	s0 =	rddreg [dreg:$0x0]  }
0x2: {  	s1 =	rddreg [dreg:$0x1]  }
0x3: {  	s2 =	rddreg [dreg:$0x2]  }
0x4: {  	s4 =	rddreg [dreg:$0x3]  }
0x5: {  	s5 =	rddreg [dreg:$0x4]  }
0x6: {  	s3 =	srdreg.scid;
	s6 =	stileid.u32  }
0x7: {  	s7 =	simm.s32 $0x0;
	s3 =	sand.u32 $0x1, s3;
	s12 =	smul.u32 $0x1900, s6  }
0x8: {  	[smem:$0x7FF] =	sst s7;
	s9 =	smul.u32 $0x64000, s3;
	s10 =	sshll.u32 s3, $0x4  }
0x9: {  	_ =	strace $0x80000068;
	s3 =	ssub.s32 $0x2, s3;
	s10 =	sor.u32 s6, s10  }
0xa: {  	s24 =	sshrl.u32 s3, $0x1;
	s6 =	sadd.s32 s12, s1;
	s13 =	smul.u32 $0x190, s10  }
0xb: {  	s11 =	sadd.s32 s12, s5;
	s14 =	smul.u32 $0x6400, s10;
	[dreg:$0x7] =	wrdreg s6  }
0xc: {  	s15 =	smul.u32 $0x1900, s10;
	s10 =	sadd.s32 s12, s4;
	[dreg:$0xa] =	wrdreg s11  }
0xd: {  	s7 =	sadd.s32 $0x132400, s0;
	s3 =	ssub.s32 s3, s24;
	[dreg:$0x9] =	wrdreg s10  }
0xe: {  	s8 =	sadd.s32 $0x35200, s0;
	s31 =	smax.u32 s3, $0x1;
	[dreg:$0x6] =	wrdreg s13  }
0xf: {  	s9 =	sadd.s32 s12, s9;
	s25 =	sadd.s32 s7, s14;
	[dreg:$0x11] =	wrdreg s31  }
0x10: {  	s9 =	sshrl.u32 s9, $0x3;
	s26 =	sadd.s32 s8, s15;
	[dreg:$0xb] =	wrdreg s25  }
0x11: {  	s0 =	sadd.s32 s9, s0;
	s9 =	sadd.s32 s12, s2;
	[dreg:$0xc] =	wrdreg s26  }
0x12: {  	s28 =	sadd.s32 $0x3200, s0;
	[dreg:$0x8] =	wrdreg s9  }
0x13: {  	s20 =	simm.s32 $0x6400;
	s29 =	sadd.s32 $0x6400, s0;
	[dreg:$0xd] =	wrdreg s28  }
0x14: {  	s23 =	simm.s32 $0x80;
	s30 =	sadd.s32 $0x9600, s0;
	[dreg:$0xe] =	wrdreg s29  }
0x15: {  	s24 =	simm.s32 $0x5;
	s0 =	sadd.s32 $0xC800, s0;
	[dreg:$0xf] =	wrdreg s30  }
0x16: {  	v0 =	vimm.f32 $0.0e+00;
	s25 =	simm.s32 $0x1;
	s26 =	simm.s32 $0x0;
	[dreg:$0x10] =	wrdreg s0  }
.LBB2_1:
0x17: {  	s0 =	simm.s32 $0x40;
	s3 =	simm.s32 $0x0  }
.LBB2_2:
0x18: {  	p0 =	sne.s32 s0, $0x63C0;
	[tilespmem:s3+$0x6400] =	vst v0;
	s3 =	smov.u32 s0;
	s0 =	sadd.s32 $0x40, s0  }
.Ltmp0:
0x19: {  	(pc) =	sbr.rel @p0 .LBB2_2-.Ltmp0, $2  }
0x1a: {  	_ =	sdelay $0x2  }
0x1b: {  	s3 =	sshra.s32 s3, $0x2  }
0x1c: {  	[tilespmem:s3+$0x6400] =	vst v0;
	s0 =	simm.s32 $0x1  }
0x1d: {  	[spmem:s6] =	stream.linear.scatter [tilespmem:s20], [sflag:$0x1], $0x1900, $0x38;
	[tilespmem:$0x8200] =	vst v63  }
0x1e: {  	_ =	swait.ge [sflag:s0], $0x1900  }
0x1f: {  	[sflag:s0] =	ssyncset.done $0x0  }
0x20: {  	[sflag:s0] =	ssyncadd.s32 $0xFFFFE700  }
0x21: {  	[spmem:s9] =	stream.linear.scatter [tilespmem:s20], [sflag:$0x1], $0x1900, $0x38;
	[tilespmem:$0x8200] =	vst v63  }
0x22: {  	_ =	swait.ge [sflag:s0], $0x1900  }
0x23: {  	[sflag:s0] =	ssyncset.done $0x0  }
0x24: {  	[sflag:s0] =	ssyncadd.s32 $0xFFFFE700  }
0x25: {  	[spmem:s10] =	stream.linear.scatter [tilespmem:s20], [sflag:$0x1], $0x1900, $0x38;
	[tilespmem:$0x8200] =	vst v63  }
0x26: {  	_ =	swait.ge [sflag:s0], $0x1900  }
0x27: {  	[sflag:s0] =	ssyncset.done $0x0  }
0x28: {  	[sflag:s0] =	ssyncadd.s32 $0xFFFFE700  }
0x29: {  	[spmem:s11] =	stream.linear.scatter [tilespmem:s20], [sflag:$0x1], $0x1900, $0x38;
	[tilespmem:$0x8200] =	vst v63  }
0x2a: {  	_ =	swait.ge [sflag:s0], $0x1900  }
0x2b: {  	[sflag:s0] =	ssyncset.done $0x0  }
0x2c: {  	s12 =	simm.s32 $0x0;
	[sflag:s0] =	ssyncadd.s32 $0xFFFFE700  }
0x2d: {  	s21 =	simm.s32 $0x1;
	p0 =	por $0x0, $0x0;
	[bflag:$0x0] =	sbarrier.arrive $0xFFFF  }
0x2e: {  	s21 =	simm.s32 @p0 $0x0;
	p0 =	por $0x0, $0x0;
	_ =	strace $0x80000069  }
0x2f: {  	s15 =	simm.s32 $0x7D00;
	p2 =	seq.s32 @!p0 s21, $0x0;
	s14 =	rddreg [dreg:$0xb]  }
0x30: {  	[tilespmem:s15], [sflag:$0x1] =	stream.linear.gather [hbm4b:s14+s12], $0x200, $0x200038;
	[tilespmem:$0x8200] =	vst v63  }
0x31: {  	s17 =	simm.s32 $0x8100;
	p1 =	por p2, p0;
	s16 =	rddreg [dreg:$0xc]  }
0x32: {  	[tilespmem:s17], [sflag:$0x3] =	stream.linear.gather [hbm4b:s16+s12], $0x80, $0x200038;
	[tilespmem:$0x8200] =	vst v63  }
0x33: {  	s28 =	simm.s32 @!p1 $0x0;
	s15 =	sshll.u32 @!p1 s21, $0x7;
	_ =	strace $0x90000069  }
0x34: {  	s14 =	sand.u32 @!p1 $0x1, s0;
	s15 =	sand.u32 @!p1 $0x380, s15;
	s13 =	rddreg [dreg:$0x6]  }
0x35: {  	s16 =	sshll.u32 @!p1 s14, $0x9;
	s17 =	sadd.s32 @!p1 $0x1, s14;
	s13 =	sadd.s32 @!p1 s13, s21  }
0x36: {  	_ =	strace @!p1 $0x8000006A;
	s22 =	sshll.u32 @!p1 s13, $0x6;
	s13 =	sshll.u32 @!p1 s13, $0x7  }
0x37: {  	s16 =	sor.u32 @!p1 $0x7D00, s16;
	s22 =	sand.u32 @!p1 $0x1FFFFFC0, s22;
	s13 =	sand.u32 @!p1 $0xFFFFFC00, s13  }
0x38: {  	s22 =	sadd.s32 @!p1 s7, s22;
	s13 =	sor.u32 @!p1 s15, s13;
	s15 =	sshll.u32 @!p1 s14, $0x7  }
0x39: {  	[tilespmem:s16], [sflag:s17] =	stream.linear.gather @!p1 [hbm4b:s22+s28], $0x200, $0x200038;
	[tilespmem:$0x8200] =	vst v63  }
0x3a: {  	s14 =	sadd.s32 @!p1 $0x3, s14;
	s13 =	sshrl.u32 @!p1 s13, $0x3;
	_ =	strace @!p1 $0x9000006A  }
0x3b: {  	s15 =	sor.u32 @!p1 $0x8100, s15;
	s13 =	sadd.s32 @!p1 s8, s13;
	_ =	strace @!p1 $0x8000006B  }
0x3c: {  	[tilespmem:s15], [sflag:s14] =	stream.linear.gather @!p1 [hbm4b:s13+s28], $0x80, $0x200038;
	[tilespmem:$0x8200] =	vst v63  }
0x3d: {  	s3 =	sand.u32 $0x1, s12;
	_ =	strace @!p1 $0x9000006B  }
0x3e: {  	s18 =	sadd.s32 $0x1, s3;
	_ =	strace $0x8000006C  }
0x3f: {  	_ =	swait.ge [sflag:s18], $0x200  }
0x40: {  	[sflag:s18] =	ssyncset.done $0x0  }
0x41: {  	[sflag:s18] =	ssyncadd.s32 $0xFFFFFE00  }
0x42: {  	s19 =	simm.s32 $0x0;
	s30 =	simm.s32 $0x1;
	_ =	strace $0x9000006C  }
0x43: {  	s3 =	sadd.s32 $0x3, s3;
	p3 =	sne.s32 s21, $0x0;
	_ =	strace $0x8000006D  }
0x44: {  	p2 =	por !p2, p0;
	s22 =	simm.s32 $0x0;
	_ =	swait.ge [sflag:s3], $0x80  }
0x45: {  	s16 =	simm.s32 $0x18F;
	s13 =	sand.u32 $0x200, s19;
	[sflag:s3] =	ssyncset.done $0x0  }
0x46: {  	s14 =	sand.u32 $0x80, s22;
	s6 =	sor.u32 $0x7D00, s13;
	[sflag:s3] =	ssyncadd.s32 $0xFFFFFF80  }
0x47: {  	s9 =	sor.u32 $0x8100, s14;
	s10 =	sor.u32 $0x7D80, s13;
	_ =	strace $0x9000006D  }
0x48: {  	s11 =	sadd.s32 $0x7E00, s13;
	s3 =	simm.s32 @!p1 $0x2;
	_ =	strace $0x8000006E  }
0x49: {  	[spmem:s1] =	stream.indirect.scatter.add.f32 [tilespmem:s6], [sflag:$0x5], $0x1, s9, s23, $0x2000b8;
	[tilespmem:$0x8200] =	vst v63  }
0x4a: {  	s30 =	smov.u32 @p2 s3;
	s3 =	simm.s32 $0x0;
	_ =	swait.ge [sflag:s24], $0x80  }
0x4b: {  	s19 =	sadd.s32 $0x7E80, s13;
	s3 =	simm.s32 @p2 $0x1;
	[sflag:s24] =	ssyncset.done $0x0  }
0x4c: {  	s30 =	smov.u32 @p0 s0;
	s0 =	simm.s32 $0x1;
	[sflag:s24] =	ssyncadd.s32 $0xFFFFFF80  }
0x4d: {  	[spmem:s2] =	stream.indirect.scatter.add.f32 [tilespmem:s10], [sflag:$0x5], $0x1, s9, s23, $0x2000b8;
	[tilespmem:$0x8200] =	vst v63  }
0x4e: {  	s3 =	simm.s32 @p0 $0x0;
	p0 =	por p0, p3;
	_ =	swait.ge [sflag:s24], $0x80  }
0x4f: {  	s13 =	simm.s32 $0x18E;
	s0 =	simm.s32 @!p0 $0x0;
	[sflag:s24] =	ssyncset.done $0x0  }
0x50: {  	s31 =	sadd.s32 $0x1, s3;
	s14 =	sadd.s32 $0x0, s0;
	[sflag:s24] =	ssyncadd.s32 $0xFFFFFF80  }
0x51: {  	[spmem:s4] =	stream.indirect.scatter.add.f32 [tilespmem:s11], [sflag:$0x5], $0x1, s9, s23, $0x2000b8;
	[tilespmem:$0x8200] =	vst v63  }
0x52: {  	s3 =	sadd.s32 $0x1, s21;
	s15 =	sand.u32 $0x1, s14;
	_ =	swait.ge [sflag:s24], $0x80  }
0x53: {  	s12 =	sshll.u32 s14, $0x9;
	s18 =	sshll.u32 s14, $0x7;
	[sflag:s24] =	ssyncset.done $0x0  }
0x54: {  	s0 =	sand.u32 $0x1, s14;
	s22 =	smov.u32 s14;
	[sflag:s24] =	ssyncadd.s32 $0xFFFFFF80  }
0x55: {  	[spmem:s5] =	stream.indirect.scatter.add.f32 [tilespmem:s19], [sflag:$0x5], $0x1, s9, s23, $0x2000b8;
	[tilespmem:$0x8200] =	vst v63  }
0x56: {  	s28 =	sand.u32 $0x200, s12;
	s29 =	sand.u32 $0x80, s18;
	_ =	swait.ge [sflag:s24], $0x80  }
.LBB2_4:
0x57: {  	p0 =	seq.s32 s3, $0x190  }
0x58: {  	[sflag:s24] =	ssyncset.done $0x0;
	s3 =	simm.s32 @p0 $0x0;
	p0 =	seq.s32 s16, $0x1  }
0x59: {  	[sflag:s24] =	ssyncadd.s32 $0xFFFFFF80;
	p2 =	seq.s32 @!p0 s21, s3  }
0x5a: {  	p1 =	sne.s32 s21, s3;
	_ =	strace $0x9000006E;
	p3 =	por p2, p0  }
0x5b: {  	s16 =	rddreg [dreg:$0x6];
	_ =	strace @!p3 $0x8000006A;
	s21 =	sand.u32 @!p3 $0x1, s30  }
0x5c: {  	s19 =	sshll.u32 @!p3 s3, $0x7;
	s10 =	sand.u32 @!p3 $0x1, s31;
	s16 =	sadd.s32 @!p3 s16, s3  }
0x5d: {  	s12 =	simm.s32 @!p3 $0x0;
	s6 =	sshll.u32 @!p3 s21, $0x9;
	s21 =	sadd.s32 @!p3 $0x1, s21  }
0x5e: {  	s11 =	sshll.u32 @!p3 s16, $0x6;
	s16 =	sshll.u32 @!p3 s16, $0x7;
	s19 =	sand.u32 @!p3 $0x380, s19  }
0x5f: {  	s6 =	sor.u32 @!p3 $0x7D00, s6;
	s11 =	sand.u32 @!p3 $0x1FFFFFC0, s11;
	s16 =	sand.u32 @!p3 $0xFFFFFC00, s16  }
0x60: {  	s11 =	sadd.s32 @!p3 s7, s11;
	s16 =	sor.u32 @!p3 s19, s16;
	s19 =	sshll.u32 @!p3 s10, $0x7  }
0x61: {  	[tilespmem:s6], [sflag:s21] =	stream.linear.gather @!p3 [hbm4b:s11+s12], $0x200, $0x200038;
	[tilespmem:$0x8200] =	vst v63  }
0x62: {  	s10 =	sadd.s32 @!p3 $0x3, s10;
	s11 =	sshrl.u32 @!p3 s16, $0x3;
	_ =	strace @!p3 $0x9000006A  }
0x63: {  	s6 =	sor.u32 @!p3 $0x8100, s19;
	s11 =	sadd.s32 @!p3 s8, s11;
	_ =	strace @!p3 $0x8000006B  }
0x64: {  	[tilespmem:s6], [sflag:s10] =	stream.linear.gather @!p3 [hbm4b:s11+s12], $0x80, $0x200038;
	[tilespmem:$0x8200] =	vst v63  }
0x65: {  	_ =	strace @!p3 $0x9000006B  }
0x66: {  	s15 =	sadd.s32 $0x1, s15;
	_ =	strace $0x8000006C  }
0x67: {  	_ =	swait.ge [sflag:s15], $0x200  }
0x68: {  	[sflag:s15] =	ssyncset.done $0x0  }
0x69: {  	p2 =	por !p2, p0;
	s9 =	sadd.s32 @!p3 $0x1, s30;
	[sflag:s15] =	ssyncadd.s32 $0xFFFFFE00  }
0x6a: {  	s18 =	smov.u32 s30;
	s30 =	smov.u32 @p2 s9;
	_ =	strace $0x9000006C  }
0x6b: {  	s30 =	smov.u32 @p0 s18;
	s18 =	sadd.s32 $0x3, s0;
	_ =	strace $0x8000006D  }
0x6c: {  	s17 =	smov.u32 s13;
	_ =	swait.ge [sflag:s18], $0x80  }
0x6d: {  	s13 =	sadd.s32 $0xFFFFFFFF, s13;
	s0 =	simm.s32 $0x1;
	[sflag:s18] =	ssyncset.done $0x0  }
0x6e: {  	s16 =	smov.u32 s17;
	s17 =	sor.u32 $0x7D80, s28;
	[sflag:s18] =	ssyncadd.s32 $0xFFFFFF80  }
0x6f: {  	s6 =	simm.s32 $0x0;
	s11 =	sor.u32 $0x7D00, s28;
	_ =	strace $0x9000006D  }
0x70: {  	s12 =	sor.u32 $0x8100, s29;
	s6 =	simm.s32 @p2 $0x1;
	_ =	strace $0x8000006E  }
0x71: {  	[spmem:s1] =	stream.indirect.scatter.add.f32 [tilespmem:s11], [sflag:$0x5], $0x1, s12, s23, $0x2000b8;
	[tilespmem:$0x8200] =	vst v63  }
0x72: {  	s6 =	simm.s32 @p0 $0x0;
	p0 =	por p0, p1;
	_ =	swait.ge [sflag:s24], $0x80  }
0x73: {  	s31 =	sadd.s32 s31, s6;
	s0 =	simm.s32 @!p0 $0x0;
	[sflag:s24] =	ssyncset.done $0x0  }
0x74: {  	p0 =	sne.s32 s13, $0x0;
	s14 =	sadd.s32 s0, s14;
	[sflag:s24] =	ssyncadd.s32 $0xFFFFFF80  }
0x75: {  	[spmem:s2] =	stream.indirect.scatter.add.f32 [tilespmem:s17], [sflag:$0x5], $0x1, s12, s23, $0x2000b8;
	[tilespmem:$0x8200] =	vst v63  }
0x76: {  	s22 =	sadd.s32 s0, s22;
	s15 =	sand.u32 $0x1, s14;
	_ =	swait.ge [sflag:s24], $0x80  }
0x77: {  	s0 =	sand.u32 $0x1, s22;
	s19 =	sshll.u32 s14, $0x9;
	[sflag:s24] =	ssyncset.done $0x0  }
0x78: {  	s21 =	sshll.u32 s22, $0x7;
	s18 =	sadd.s32 $0x7E00, s28;
	[sflag:s24] =	ssyncadd.s32 $0xFFFFFF80  }
0x79: {  	[spmem:s4] =	stream.indirect.scatter.add.f32 [tilespmem:s18], [sflag:$0x5], $0x1, s12, s23, $0x2000b8;
	[tilespmem:$0x8200] =	vst v63  }
.Ltmp1:
0x7a: {  	s9 =	sand.u32 $0x200, s19;
	_ =	swait.ge [sflag:s24], $0x80;
	(pc) =	sbr.rel @p0 .LBB2_4-.Ltmp1, $4  }
0x7b: {  	s10 =	sand.u32 $0x80, s21;
	s21 =	smov.u32 s3;
	[sflag:s24] =	ssyncset.done $0x0  }
0x7c: {  	s19 =	sadd.s32 $0x7E80, s28;
	s3 =	sadd.s32 $0x1, s3;
	[sflag:s24] =	ssyncadd.s32 $0xFFFFFF80  }
0x7d: {  	[spmem:s5] =	stream.indirect.scatter.add.f32 [tilespmem:s19], [sflag:$0x5], $0x1, s12, s23, $0x2000b8;
	[tilespmem:$0x8200] =	vst v63  }
0x7e: {  	s29 =	smov.u32 s10;
	s28 =	smov.u32 s9;
	_ =	swait.ge [sflag:s24], $0x80  }
0x7f: {  	[sflag:s24] =	ssyncset.done $0x0;
	p0 =	seq.s32 s3, $0x190  }
0x80: {  	[sflag:s24] =	ssyncadd.s32 $0xFFFFFF80;
	s3 =	simm.s32 @p0 $0x0;
	p0 =	seq.s32 s16, $0x1  }
0x81: {  	_ =	strace $0x9000006E;
	p1 =	seq.s32 @!p0 s21, s3  }
0x82: {  	s6 =	rddreg [dreg:$0x6];
	p0 =	por p1, p0  }
0x83: {  	s9 =	sand.u32 @!p0 $0x1, s30;
	s6 =	sadd.s32 @!p0 s6, s3;
	_ =	strace @!p0 $0x8000006A  }
0x84: {  	s12 =	simm.s32 @!p0 $0x0;
	s3 =	sshll.u32 @!p0 s3, $0x7;
	s10 =	sshll.u32 @!p0 s9, $0x9  }
0x85: {  	s11 =	sshll.u32 @!p0 s6, $0x6;
	s9 =	sadd.s32 @!p0 $0x1, s9;
	s6 =	sshll.u32 @!p0 s6, $0x7  }
0x86: {  	s3 =	sand.u32 @!p0 $0x380, s3;
	s11 =	sand.u32 @!p0 $0x1FFFFFC0, s11;
	s6 =	sand.u32 @!p0 $0xFFFFFC00, s6  }
0x87: {  	s10 =	sor.u32 @!p0 $0x7D00, s10;
	s11 =	sadd.s32 @!p0 s7, s11;
	s3 =	sor.u32 @!p0 s3, s6  }
0x88: {  	[tilespmem:s10], [sflag:s9] =	stream.linear.gather @!p0 [hbm4b:s11+s12], $0x200, $0x200038;
	[tilespmem:$0x8200] =	vst v63  }
0x89: {  	s9 =	sand.u32 @!p0 $0x1, s31;
	s3 =	sshrl.u32 @!p0 s3, $0x3  }
0x8a: {  	s6 =	sshll.u32 @!p0 s9, $0x7;
	_ =	strace @!p0 $0x9000006A;
	s9 =	sadd.s32 @!p0 $0x3, s9  }
0x8b: {  	s3 =	sadd.s32 @!p0 s8, s3;
	s6 =	sor.u32 @!p0 $0x8100, s6;
	_ =	strace @!p0 $0x8000006B  }
0x8c: {  	[tilespmem:s6], [sflag:s9] =	stream.linear.gather @!p0 [hbm4b:s3+s12], $0x80, $0x200038;
	[tilespmem:$0x8200] =	vst v63  }
0x8d: {  	_ =	strace @!p0 $0x9000006B  }
0x8e: {  	s14 =	sadd.s32 $0x1, s15;
	_ =	strace $0x8000006C  }
0x8f: {  	_ =	swait.ge [sflag:s14], $0x200  }
0x90: {  	[sflag:s14] =	ssyncset.done $0x0  }
0x91: {  	[sflag:s14] =	ssyncadd.s32 $0xFFFFFE00  }
0x92: {  	_ =	strace $0x9000006C  }
0x93: {  	s0 =	sadd.s32 $0x3, s0;
	_ =	strace $0x8000006D  }
0x94: {  	_ =	swait.ge [sflag:s0], $0x80  }
0x95: {  	[sflag:s0] =	ssyncset.done $0x0  }
0x96: {  	[sflag:s0] =	ssyncadd.s32 $0xFFFFFF80  }
0x97: {  	_ =	strace $0x9000006D  }
0x98: {  	s15 =	sor.u32 $0x7D00, s28;
	s16 =	sor.u32 $0x8100, s29;
	_ =	strace $0x8000006E  }
0x99: {  	[spmem:s1] =	stream.indirect.scatter.add.f32 [tilespmem:s15], [sflag:$0x5], $0x1, s16, s23, $0x2000b8;
	[tilespmem:$0x8200] =	vst v63  }
0x9a: {  	_ =	swait.ge [sflag:s24], $0x80  }
0x9b: {  	[sflag:s24] =	ssyncset.done $0x0  }
0x9c: {  	s17 =	sor.u32 $0x7D80, s28;
	[sflag:s24] =	ssyncadd.s32 $0xFFFFFF80  }
0x9d: {  	[spmem:s2] =	stream.indirect.scatter.add.f32 [tilespmem:s17], [sflag:$0x5], $0x1, s16, s23, $0x2000b8;
	[tilespmem:$0x8200] =	vst v63  }
0x9e: {  	_ =	swait.ge [sflag:s24], $0x80  }
0x9f: {  	[sflag:s24] =	ssyncset.done $0x0  }
0xa0: {  	s18 =	sadd.s32 $0x7E00, s28;
	[sflag:s24] =	ssyncadd.s32 $0xFFFFFF80  }
0xa1: {  	[spmem:s4] =	stream.indirect.scatter.add.f32 [tilespmem:s18], [sflag:$0x5], $0x1, s16, s23, $0x2000b8;
	[tilespmem:$0x8200] =	vst v63  }
0xa2: {  	_ =	swait.ge [sflag:s24], $0x80  }
0xa3: {  	[sflag:s24] =	ssyncset.done $0x0  }
0xa4: {  	s19 =	sadd.s32 $0x7E80, s28;
	[sflag:s24] =	ssyncadd.s32 $0xFFFFFF80  }
0xa5: {  	[spmem:s5] =	stream.indirect.scatter.add.f32 [tilespmem:s19], [sflag:$0x5], $0x1, s16, s23, $0x2000b8;
	[tilespmem:$0x8200] =	vst v63  }
0xa6: {  	_ =	swait.ge [sflag:s24], $0x80  }
0xa7: {  	[sflag:s24] =	ssyncset.done $0x0  }
0xa8: {  	[sflag:s24] =	ssyncadd.s32 $0xFFFFFF80  }
0xa9: {  	_ =	strace $0x9000006E  }
0xaa: {  	[bflag:$0x0] =	sbarrier.arrive $0xFFFF  }
0xab: {  	s6 =	rddreg [dreg:$0x7]  }
0xac: {  	[tilespmem:s20], [sflag:$0x1] =	stream.linear.gather [spmem:s6], $0x1900, $0x38;
	[tilespmem:$0x8200] =	vst v63  }
0xad: {  	_ =	swait.ge [sflag:s25], $0x1900  }
0xae: {  	[sflag:s25] =	ssyncset.done $0x0  }
0xaf: {  	s21 =	simm.s32 $0x0;
	s22 =	rddreg [dreg:$0xd];
	[sflag:s25] =	ssyncadd.s32 $0xFFFFE700  }
0xb0: {  	[hbm4b:s22+s21] =	stream.linear.scatter [tilespmem:s20], [sflag:$0x1], $0x1900, $0x38;
	[tilespmem:$0x8200] =	vst v63  }
0xb1: {  	_ =	swait.ge [sflag:s25], $0x1900  }
0xb2: {  	[sflag:s25] =	ssyncset.done $0x0  }
0xb3: {  	s9 =	rddreg [dreg:$0x8];
	[sflag:s25] =	ssyncadd.s32 $0xFFFFE700  }
0xb4: {  	[tilespmem:s20], [sflag:$0x1] =	stream.linear.gather [spmem:s9], $0x1900, $0x38;
	[tilespmem:$0x8200] =	vst v63  }
0xb5: {  	_ =	swait.ge [sflag:s25], $0x1900  }
0xb6: {  	[sflag:s25] =	ssyncset.done $0x0  }
0xb7: {  	s28 =	rddreg [dreg:$0xe];
	[sflag:s25] =	ssyncadd.s32 $0xFFFFE700  }
0xb8: {  	[hbm4b:s28+s21] =	stream.linear.scatter [tilespmem:s20], [sflag:$0x1], $0x1900, $0x38;
	[tilespmem:$0x8200] =	vst v63  }
0xb9: {  	_ =	swait.ge [sflag:s25], $0x1900  }
0xba: {  	[sflag:s25] =	ssyncset.done $0x0  }
0xbb: {  	s10 =	rddreg [dreg:$0x9];
	[sflag:s25] =	ssyncadd.s32 $0xFFFFE700  }
0xbc: {  	[tilespmem:s20], [sflag:$0x1] =	stream.linear.gather [spmem:s10], $0x1900, $0x38;
	[tilespmem:$0x8200] =	vst v63  }
0xbd: {  	_ =	swait.ge [sflag:s25], $0x1900  }
0xbe: {  	[sflag:s25] =	ssyncset.done $0x0  }
0xbf: {  	s29 =	rddreg [dreg:$0xf];
	[sflag:s25] =	ssyncadd.s32 $0xFFFFE700  }
0xc0: {  	[hbm4b:s29+s21] =	stream.linear.scatter [tilespmem:s20], [sflag:$0x1], $0x1900, $0x38;
	[tilespmem:$0x8200] =	vst v63  }
0xc1: {  	_ =	swait.ge [sflag:s25], $0x1900  }
0xc2: {  	[sflag:s25] =	ssyncset.done $0x0  }
0xc3: {  	s11 =	rddreg [dreg:$0xa];
	[sflag:s25] =	ssyncadd.s32 $0xFFFFE700  }
0xc4: {  	[tilespmem:s20], [sflag:$0x1] =	stream.linear.gather [spmem:s11], $0x1900, $0x38;
	[tilespmem:$0x8200] =	vst v63  }
0xc5: {  	_ =	swait.ge [sflag:s25], $0x1900  }
0xc6: {  	[sflag:s25] =	ssyncset.done $0x0  }
0xc7: {  	s30 =	rddreg [dreg:$0x10];
	[sflag:s25] =	ssyncadd.s32 $0xFFFFE700  }
0xc8: {  	[hbm4b:s30+s21] =	stream.linear.scatter [tilespmem:s20], [sflag:$0x1], $0x1900, $0x38;
	[tilespmem:$0x8200] =	vst v63  }
0xc9: {  	_ =	swait.ge [sflag:s25], $0x1900  }
0xca: {  	s26 =	sadd.s32 $0x1, s26;
	s31 =	rddreg [dreg:$0x11]  }
0xcb: {  	p0 =	sne.s32 s26, s31  }
.Ltmp2:
0xcc: {  	_ = 	snop;
	(pc) =	sbr.rel @p0 .LBB2_1-.Ltmp2, $3  }
0xcd: {  	_ =	sdelay $0x1  }
0xce: {  	[sflag:s25] =	ssyncset.done $0x0  }
0xcf: {  	[sflag:s25] =	ssyncadd.s32 $0xFFFFE700  }
0xd0: {  	_ =	sfence.sel $0x180000  }
0xd1: {  	[bflag:$0x0] =	sbarrier.arrive $0xFFFF  }
0xd2: {  	_ =	strace $0x90000068  }
0xd3: {  	s0 =	stileid.u32;
	[bflag:$0x2] =	sbarrier.arrive $0xFFFF  }
0xd4: {  	p0 =	sne.s32 s0, $0x0;
	s0 =	rddreg [dreg:$0x5]  }
0xd5: {  	s0 =	sadd.s32 @!p0 $0x100000, s0  }
0xd6: {  	[sflag:s0] =	ssyncadd.tile.s32 @!p0 $0x1;
	_ =	shalt  }
.Lfunc_end2:
_tile_overlayer_lowered:
.L_overlay_start_2:
0xd7: {  	(tag) =	ssettag $0x2  }
0xd8: {  	s0 =	rddreg [dreg:$0x0];
	s2 =	stileid.u32  }
0xd9: {  	s1 =	rddreg [dreg:$0x1];
	p0 =	sne.s32 s2, $0x0  }
0xda: {  	s3 =	rddreg [dreg:$0x2];
	[bflag:$0x3] =	sbarrier.arrive $0xFFFF;
	s2 =	simm.s32 @!p0 $0x1C01  }
0xdb: {  	[timem:s3], [sflag:s2] =	dma.local @!p0 [hbm:s0], s1  }
0xdc: {  	s0 =	simm.s32 @!p0 $0x1  }
0xdd: {  	_ =	swait.ge @!p0 [sflag:s0], s1  }
0xde: {  	s1 =	ssub.s32 @!p0 $0x0, s1;
	[sflag:s0] =	ssyncset.done @!p0 $0x0  }
0xdf: {  	[sflag:s0] =	ssyncadd.s32 @!p0 s1  }
0xe0: {  	[bflag:$0x3] =	sbarrier.arrive $0xFFFF  }
0xe1: {  	_ =	shalt  }

</sc_bundles>
